<compile_context>
chip_gen: v7x
topology: tpu7x:2x2x1
jax: 0.10.2.dev20260603
libtpu: 0.0.44.dev20260713+nightly
codegen_flags: <defaults>
</compile_context>

<pallas_src>
import functools

import jax
import jax.numpy as jnp
from jax import lax
from jax.experimental import pallas as pl
from jax.experimental.pallas import tpu as pltpu
from jax.experimental.pallas import tpu_sc as plsc

N_NODES = 10000
N_PAD = 10240
E_TOT = 320000
D_FEAT = 128
HID = 128
ACT = 16
NC, NS = 2, 16
NW = NC * NS
CHUNK = 128
NCHT = E_TOT // CHUNK
NCHB = NCHT // NW
NEXTRA = NCHT - NCHB * NW
NPAIR = NCHB // 2 - 1
ROWS_PT = N_PAD // NS

_mesh = plsc.VectorSubcoreMesh(core_axis_name="c", subcore_axis_name="s")


@functools.partial(
    pl.kernel,
    out_type=jax.ShapeDtypeStruct((NC, N_PAD), jnp.float32),
    mesh=_mesh,
    scratch_types=[
        pltpu.VMEM((2, CHUNK), jnp.int32),
        pltpu.VMEM((2, CHUNK), jnp.int32),
        pltpu.VMEM((2, CHUNK), jnp.int32),
        pltpu.VMEM((2, CHUNK), jnp.int32),
        pltpu.VMEM((1, CHUNK), jnp.int32),
        pltpu.VMEM((CHUNK,), jnp.float32),
        pltpu.VMEM((ROWS_PT,), jnp.float32),
        pltpu.VMEM_SHARED((N_PAD,), jnp.float32),
        pltpu.SemaphoreType.DMA,
        pltpu.SemaphoreType.DMA,
        pltpu.SemaphoreType.DMA,
        pltpu.SemaphoreType.DMA,
    ],
)
def _deg_kernel(edge_hbm, deg_out, di0, di1, di2, di3, didx, ones_v,
                zero_v, deg_sh, sm0, sm1, sm2, sm3):
    c = lax.axis_index("c")
    s = lax.axis_index("s")
    wid = s * NC + c
    start = NCHB * wid + jnp.minimum(wid, NEXTRA)
    nch = NCHB + jnp.where(wid < NEXTRA, 1, 0)

    def esl(j, n):
        return edge_hbm.at[pl.ds(0, 2), pl.ds((start + j) * CHUNK, n)]

    def to_didx(eb):
        for l in range(CHUNK // 16):
            didx[0, pl.ds(l * 16, 16)] = eb[1, pl.ds(l * 16, 16)]

    for i in range(CHUNK // 16):
        ones_v[pl.ds(i * 16, 16)] = jnp.ones((16,), jnp.float32)
    for i in range(ROWS_PT // 16):
        zero_v[pl.ds(i * 16, 16)] = jnp.zeros((16,), jnp.float32)
    pltpu.sync_copy(zero_v, deg_sh.at[pl.ds(s * ROWS_PT, ROWS_PT)])
    plsc.subcore_barrier()

    bufs = (di0, di1, di2, di3)
    sems = (sm0, sm1, sm2, sm3)
    for k in range(4):
        pltpu.async_copy(esl(k, CHUNK), bufs[k], sems[k])

    def body(q, carry):
        for k in range(4):
            j = 4 * q + k
            pltpu.make_async_copy(esl(0, CHUNK), bufs[k], sems[k]).wait()
            to_didx(bufs[k])
            pltpu.sync_copy(ones_v, deg_sh.at[didx.at[0]], add=True)

            @pl.when(j + 4 < nch)
            def _():
                pltpu.async_copy(esl(j + 4, CHUNK), bufs[k], sems[k])
        return carry

    lax.fori_loop(0, NCHB // 4, body, 0)
    for k in range(2):
        pltpu.make_async_copy(esl(0, CHUNK), bufs[k], sems[k]).wait()
        to_didx(bufs[k])
        pltpu.sync_copy(ones_v, deg_sh.at[didx.at[0]], add=True)

    @pl.when(nch == NCHB + 1)
    def _():
        pltpu.make_async_copy(esl(0, CHUNK), bufs[2], sems[2]).wait()
        to_didx(bufs[2])
        pltpu.sync_copy(ones_v, deg_sh.at[didx.at[0]], add=True)

    plsc.subcore_barrier()
    pltpu.sync_copy(deg_sh.at[pl.ds(s * ROWS_PT, ROWS_PT)],
                    deg_out.at[c, pl.ds(s * ROWS_PT, ROWS_PT)])


@functools.partial(
    pl.kernel,
    out_type=[
        jax.ShapeDtypeStruct((N_PAD, HID), jnp.float32),
        jax.ShapeDtypeStruct((N_PAD, HID), jnp.float32),
    ],
    mesh=_mesh,
    scratch_types=[
        pltpu.VMEM((2, CHUNK), jnp.int32),
        pltpu.VMEM((2, CHUNK), jnp.int32),
        pltpu.VMEM((1, CHUNK), jnp.int32),
        pltpu.VMEM((1, CHUNK), jnp.int32),
        pltpu.VMEM((1, CHUNK), jnp.int32),
        pltpu.VMEM((1, CHUNK), jnp.int32),
        pltpu.VMEM((CHUNK, HID), jnp.float32),
        pltpu.VMEM((CHUNK, HID), jnp.float32),
        pltpu.VMEM_SHARED((N_PAD, HID), jnp.float32),
        pltpu.SemaphoreType.DMA,
        pltpu.SemaphoreType.DMA,
        pltpu.SemaphoreType.DMA,
        pltpu.SemaphoreType.DMA,
    ],
)
def _msg_kernel(xw_hbm, edge_hbm, acc0_out, acc1_out,
                ei0, ei1, sidx0, sidx1, didx0, didx1, buf0, buf1, acc_sh,
                sem0, sem1, semi0, semi1):
    c = lax.axis_index("c")
    s = lax.axis_index("s")
    wid = s * NC + c
    start = NCHB * wid + jnp.minimum(wid, NEXTRA)
    nch = NCHB + jnp.where(wid < NEXTRA, 1, 0)
    row0 = s * ROWS_PT

    def esl(j):
        return edge_hbm.at[pl.ds(0, 2), pl.ds((start + j) * CHUNK, CHUNK)]

    def unpack(eb, sb, db):
        for l in range(CHUNK // 16):
            sb[0, pl.ds(l * 16, 16)] = eb[0, pl.ds(l * 16, 16)]
            db[0, pl.ds(l * 16, 16)] = eb[1, pl.ds(l * 16, 16)]

    @pl.when(c == 0)
    def _():
        pltpu.sync_copy(xw_hbm.at[pl.ds(row0, ROWS_PT)],
                        acc_sh.at[pl.ds(row0, ROWS_PT)])

    @pl.when(c == 1)
    def _():
        def zb(i, carry):
            for l in range(HID // 16):
                buf0[i, pl.ds(l * 16, 16)] = jnp.zeros((16,), jnp.float32)
            return carry
        lax.fori_loop(0, CHUNK, zb, 0)

        def cp(i, carry):
            pltpu.sync_copy(buf0, acc_sh.at[pl.ds(row0 + i * CHUNK, CHUNK)])
            return carry
        lax.fori_loop(0, ROWS_PT // CHUNK, cp, 0)
    plsc.subcore_barrier()

    pltpu.async_copy(esl(0), ei0, semi0)
    pltpu.make_async_copy(esl(0), ei0, semi0).wait()
    unpack(ei0, sidx0, didx0)
    pltpu.async_copy(xw_hbm.at[sidx0.at[0]], buf0, sem0)
    pltpu.async_copy(esl(1), ei1, semi1)

    def pair(p, carry):
        j0 = 2 * p
        pltpu.async_copy(esl(j0 + 2), ei0, semi0)
        pltpu.make_async_copy(esl(0), ei1, semi1).wait()
        unpack(ei1, sidx1, didx1)
        pltpu.async_copy(xw_hbm.at[sidx1.at[0]], buf1, sem1)
        pltpu.make_async_copy(xw_hbm.at[sidx0.at[0]], buf0, sem0).wait()
        pltpu.sync_copy(buf0, acc_sh.at[didx0.at[0]], add=True)
        pltpu.async_copy(esl(j0 + 3), ei1, semi1)
        pltpu.make_async_copy(esl(0), ei0, semi0).wait()
        unpack(ei0, sidx0, didx0)
        pltpu.async_copy(xw_hbm.at[sidx0.at[0]], buf0, sem0)
        pltpu.make_async_copy(xw_hbm.at[sidx1.at[0]], buf1, sem1).wait()
        pltpu.sync_copy(buf1, acc_sh.at[didx1.at[0]], add=True)
        return carry

    lax.fori_loop(0, NPAIR, pair, 0)
    pltpu.make_async_copy(esl(0), ei1, semi1).wait()
    unpack(ei1, sidx1, didx1)
    pltpu.async_copy(xw_hbm.at[sidx1.at[0]], buf1, sem1)
    pltpu.make_async_copy(xw_hbm.at[sidx0.at[0]], buf0, sem0).wait()
    pltpu.sync_copy(buf0, acc_sh.at[didx0.at[0]], add=True)

    @pl.when(nch == NCHB + 1)
    def _():
        pltpu.async_copy(esl(NCHB), ei0, semi0)
    pltpu.make_async_copy(xw_hbm.at[sidx1.at[0]], buf1, sem1).wait()
    pltpu.sync_copy(buf1, acc_sh.at[didx1.at[0]], add=True)

    @pl.when(nch == NCHB + 1)
    def _():
        pltpu.make_async_copy(esl(0), ei0, semi0).wait()
        unpack(ei0, sidx0, didx0)
        pltpu.async_copy(xw_hbm.at[sidx0.at[0]], buf0, sem0)
        pltpu.make_async_copy(xw_hbm.at[sidx0.at[0]], buf0, sem0).wait()
        pltpu.sync_copy(buf0, acc_sh.at[didx0.at[0]], add=True)

    plsc.subcore_barrier()

    @pl.when(c == 0)
    def _():
        pltpu.sync_copy(acc_sh.at[pl.ds(row0, ROWS_PT)],
                        acc0_out.at[pl.ds(row0, ROWS_PT)])

    @pl.when(c == 1)
    def _():
        pltpu.sync_copy(acc_sh.at[pl.ds(row0, ROWS_PT)],
                        acc1_out.at[pl.ds(row0, ROWS_PT)])


_BLKB = 2048
_GRIDB = N_PAD // _BLKB
_BLKD = 1000
_GRIDD = N_NODES // _BLKD


def _mm_body(x_ref, w_ref, out_ref):
    out_ref[...] = jnp.dot(x_ref[...], w_ref[...],
                           preferred_element_type=jnp.float32)


def _run_mm(x_pad, w):
    return pl.pallas_call(
        _mm_body,
        grid=(_GRIDB,),
        in_specs=[
            pl.BlockSpec((_BLKB, D_FEAT), lambda i: (i, 0)),
            pl.BlockSpec((D_FEAT, HID), lambda i: (0, 0)),
        ],
        out_specs=pl.BlockSpec((_BLKB, HID), lambda i: (i, 0)),
        out_shape=jax.ShapeDtypeStruct((N_PAD, HID), jnp.float32),
    )(x_pad, w)


def _scale_body(xw_ref, deg_ref, out_ref, dinv_ref):
    deg = deg_ref[...]
    dinv = lax.rsqrt(deg[0, :] + deg[1, :] + 1.0)
    out_ref[...] = xw_ref[...] * dinv[:, None]
    dinv_ref[...] = dinv[:, None]


def _run_scale(xw_raw, deg_parts):
    return pl.pallas_call(
        _scale_body,
        grid=(_GRIDB,),
        in_specs=[
            pl.BlockSpec((_BLKB, HID), lambda i: (i, 0)),
            pl.BlockSpec((2, _BLKB), lambda i: (0, i)),
        ],
        out_specs=[
            pl.BlockSpec((_BLKB, HID), lambda i: (i, 0)),
            pl.BlockSpec((_BLKB, 1), lambda i: (i, 0)),
        ],
        out_shape=[
            jax.ShapeDtypeStruct((N_PAD, HID), jnp.float32),
            jax.ShapeDtypeStruct((N_PAD, 1), jnp.float32),
        ],
    )(xw_raw, deg_parts)


def _head_body(acc0_ref, acc1_ref, dinv_ref, h_ref, bgcn_ref,
               wiht_ref, whht_ref, bih_ref, bhh_ref, wfc2t_ref, bfc2_ref,
               q_ref, hout_ref):
    dinv = dinv_ref[...]
    x = jnp.maximum(
        (acc0_ref[...] + acc1_ref[...]) * dinv + bgcn_ref[...], 0.0)
    h = h_ref[...]
    gi = jnp.dot(x, wiht_ref[...], preferred_element_type=jnp.float32) \
        + bih_ref[...]
    gh = jnp.dot(h, whht_ref[...], preferred_element_type=jnp.float32) \
        + bhh_ref[...]
    r = jax.nn.sigmoid(gi[:, :HID] + gh[:, :HID])
    z = jax.nn.sigmoid(gi[:, HID:2 * HID] + gh[:, HID:2 * HID])
    n = jnp.tanh(gi[:, 2 * HID:] + r * gh[:, 2 * HID:])
    hn = (1.0 - z) * n + z * h
    hout_ref[...] = hn
    q_ref[...] = jnp.dot(hn, wfc2t_ref[...],
                         preferred_element_type=jnp.float32) + bfc2_ref[...]


def _run_head(acc0, acc1, dinv, h, bgcn, wiht, whht, bih, bhh,
              wfc2t, bfc2):
    return pl.pallas_call(
        _head_body,
        grid=(_GRIDD,),
        in_specs=[
            pl.BlockSpec((_BLKD, HID), lambda i: (i, 0)),
            pl.BlockSpec((_BLKD, HID), lambda i: (i, 0)),
            pl.BlockSpec((_BLKD, 1), lambda i: (i, 0)),
            pl.BlockSpec((_BLKD, HID), lambda i: (i, 0)),
            pl.BlockSpec((1, HID), lambda i: (0, 0)),
            pl.BlockSpec((HID, 3 * HID), lambda i: (0, 0)),
            pl.BlockSpec((HID, 3 * HID), lambda i: (0, 0)),
            pl.BlockSpec((1, 3 * HID), lambda i: (0, 0)),
            pl.BlockSpec((1, 3 * HID), lambda i: (0, 0)),
            pl.BlockSpec((HID, ACT), lambda i: (0, 0)),
            pl.BlockSpec((1, ACT), lambda i: (0, 0)),
        ],
        out_specs=[
            pl.BlockSpec((_BLKD, ACT), lambda i: (i, 0)),
            pl.BlockSpec((_BLKD, HID), lambda i: (i, 0)),
        ],
        out_shape=[
            jax.ShapeDtypeStruct((N_NODES, ACT), jnp.float32),
            jax.ShapeDtypeStruct((N_NODES, HID), jnp.float32),
        ],
    )(acc0, acc1, dinv, h, bgcn, wiht, whht, bih, bhh, wfc2t, bfc2)


def kernel(inputs, hidden_state, edge_index, W_gcn, b_gcn,
           W_ih, W_hh, b_ih, b_hh, W_fc2, b_fc2):
    deg_parts = _deg_kernel(edge_index)
    x_pad = jnp.pad(inputs, ((0, N_PAD - N_NODES), (0, 0)))
    xw_raw = _run_mm(x_pad, W_gcn)
    xw, dinv = _run_scale(xw_raw, deg_parts)

    acc0, acc1 = _msg_kernel(xw, edge_index)

    q, h_new = _run_head(
        acc0, acc1, dinv, hidden_state.reshape(N_NODES, HID),
        b_gcn.reshape(1, HID), W_ih.T, W_hh.T,
        b_ih.reshape(1, 3 * HID), b_hh.reshape(1, 3 * HID),
        W_fc2.T, b_fc2.reshape(1, ACT))
    return (q, h_new)

# --- scband reference (transcript-rebuilt; emitter-appended) ---
"""Pipeline reference for scband-gnnagent-31172872634844 (READ-ONLY COPY).

The authoritative reference and input builder live on the scoring server;
editing this copy changes nothing except your own understanding.
"""

import jax, jax.numpy as jnp
import numpy as np

N = 10000      # n_agents / n_nodes
E = 320000     # random edges (self-loops appended inside conv)
D = 128        # input_shape (d_feat)
H = 128        # hidden_dim
A = 16         # n_actions
N_PASSES = 1


def setup_inputs(seed: int = 0) -> dict:
    key = jax.random.key(seed)
    ks = jax.random.split(key, 12)
    inputs = jax.random.normal(ks[0], (N, D), dtype=jnp.float32)
    hidden_state = jax.random.normal(ks[1], (1, N, H), dtype=jnp.float32)
    edge_index = jax.random.randint(ks[2], (2, E), 0, N, dtype=jnp.int32)
    sD = 1.0 / np.sqrt(D)
    sH = 1.0 / np.sqrt(H)
    W_gcn = jax.random.normal(ks[3], (D, H), dtype=jnp.float32) * sD
    b_gcn = jax.random.normal(ks[4], (H,), dtype=jnp.float32) * 0.01
    W_ih = jax.random.normal(ks[5], (3 * H, H), dtype=jnp.float32) * sH
    W_hh = jax.random.normal(ks[6], (3 * H, H), dtype=jnp.float32) * sH
    b_ih = jax.random.normal(ks[7], (3 * H,), dtype=jnp.float32) * 0.01
    b_hh = jax.random.normal(ks[8], (3 * H,), dtype=jnp.float32) * 0.01
    W_fc2 = jax.random.normal(ks[9], (A, H), dtype=jnp.float32) * sH
    b_fc2 = jax.random.normal(ks[10], (A,), dtype=jnp.float32) * 0.01
    return {"inputs": inputs, "hidden_state": hidden_state, "edge_index": edge_index,
            "W_gcn": W_gcn, "b_gcn": b_gcn, "W_ih": W_ih, "W_hh": W_hh,
            "b_ih": b_ih, "b_hh": b_hh, "W_fc2": W_fc2, "b_fc2": b_fc2}


def _gcn_conv(x, edge_index, W, b):
    # GCNConv with add_self_loops=True and symmetric normalization
    loop = jnp.arange(N, dtype=edge_index.dtype)
    src = jnp.concatenate([edge_index[0], loop])
    dst = jnp.concatenate([edge_index[1], loop])
    deg = jnp.zeros((N,), dtype=x.dtype).at[dst].add(1.0)
    deg_inv_sqrt = jnp.where(deg > 0, deg ** -0.5, 0.0)
    norm = deg_inv_sqrt[src] * deg_inv_sqrt[dst]
    xw = x @ W
    msg = jnp.take(xw, src, axis=0) * norm[:, None]
    out = jnp.zeros((N, W.shape[1]), dtype=x.dtype).at[dst].add(msg)
    return out + b


def _gru_cell(x, h, W_ih, W_hh, b_ih, b_hh):
    gi = x @ W_ih.T + b_ih
    gh = h @ W_hh.T + b_hh
    i_r, i_z, i_n = jnp.split(gi, 3, axis=1)
    h_r, h_z, h_n = jnp.split(gh, 3, axis=1)
    r = jax.nn.sigmoid(i_r + h_r)
    z = jax.nn.sigmoid(i_z + h_z)
    n = jnp.tanh(i_n + r * h_n)
    return (1.0 - z) * n + z * h


def reference(inputs, hidden_state, edge_index, W_gcn, b_gcn, W_ih, W_hh, b_ih, b_hh, W_fc2, b_fc2):
    h_in = hidden_state.reshape(-1, H)
    x = inputs
    for _ in range(N_PASSES):
        x = jax.nn.relu(_gcn_conv(x, edge_index, W_gcn, b_gcn))
    h = _gru_cell(x, h_in, W_ih, W_hh, b_ih, b_hh)
    q = h @ W_fc2.T + b_fc2
    return (q, h)

if __name__ == "__main__":
    import jax
    _d = setup_inputs()
    print(jax.jit(kernel)(*tuple(_d.values())))

</pallas_src>

<mosaic_0001>
#map = affine_map<(d0, d1) -> (0, 0)>
module attributes {stable_mosaic.version = 14 : i64} {
  func.func @_msg_kernel(%arg0: i32, %arg1: i32, %arg2: memref<10240x128xf32, #tpu.memory_space<hbm>>, %arg3: memref<2x320000xi32, #tpu.memory_space<hbm>>, %arg4: memref<10240x128xf32, #tpu.memory_space<hbm>>, %arg5: memref<10240x128xf32, #tpu.memory_space<hbm>>, %arg6: memref<2x128xi32, #tpu.memory_space<vmem>>, %arg7: memref<2x128xi32, #tpu.memory_space<vmem>>, %arg8: memref<1x128xi32, #tpu.memory_space<vmem>>, %arg9: memref<1x128xi32, #tpu.memory_space<vmem>>, %arg10: memref<1x128xi32, #tpu.memory_space<vmem>>, %arg11: memref<1x128xi32, #tpu.memory_space<vmem>>, %arg12: memref<128x128xf32, #tpu.memory_space<vmem>>, %arg13: memref<128x128xf32, #tpu.memory_space<vmem>>, %arg14: memref<10240x128xf32, #tpu.memory_space<vmem_shared>>, %arg15: memref<!tpu.dma_semaphore, #tpu.memory_space<semaphore_mem>>, %arg16: memref<!tpu.dma_semaphore, #tpu.memory_space<semaphore_mem>>, %arg17: memref<!tpu.dma_semaphore, #tpu.memory_space<semaphore_mem>>, %arg18: memref<!tpu.dma_semaphore, #tpu.memory_space<semaphore_mem>>) attributes {dimension_semantics = [#tpu.dimension_semantics<core_parallel>, #tpu.dimension_semantics<subcore_parallel>], iteration_bounds = array<i64: 2, 16>, scalar_prefetch = 0 : i64, scratch_operands = 13 : i64, tpu.core_type = #tpu.core_type<sc_vector_subcore>, window_params = [{transform_indices = #map}, {transform_indices = #map}, {transform_indices = #map}, {transform_indices = #map}]} {
    %mul3A = arith.constant 2 : i32
    %mul3A_0 = arith.muli %arg1, %mul3A : i32
    %add3A = arith.addi %mul3A_0, %arg0 : i32
    %mul3A_1 = arith.constant 78 : i32
    %mul3A_2 = arith.muli %mul3A_1, %add3A : i32
    %min3A = arith.constant 4 : i32
    %min3A_3 = arith.minsi %add3A, %min3A : i32
    %add3A_4 = arith.addi %mul3A_2, %min3A_3 : i32
    %lt3A = arith.constant 4 : i32
    %lt3A_5 = arith.cmpi slt, %add3A, %lt3A : i32
    %jit3A = arith.constant 1 : i32
    %jit3A_6 = arith.constant 0 : i32
    %select_n3A = arith.select %lt3A_5, %jit3A, %jit3A_6 : i32
    %add3A_7 = arith.constant 78 : i32
    %add3A_8 = arith.addi %add3A_7, %select_n3A : i32
    %mul3A_9 = arith.constant 640 : i32
    %mul3A_10 = arith.muli %arg1, %mul3A_9 : i32
    %eq3A = arith.constant 0 : i32
    %eq3A_11 = arith.cmpi eq, %arg0, %eq3A : i32
    %convert_element_type3A = arith.extui %eq3A_11 : i1 to i32
    %cond3A = arith.constant 0 : i32
    %cond3A_12 = arith.cmpi ne, %convert_element_type3A, %cond3A : i32
    scf.if %cond3A_12 {
      "tpu.region"() ({
        %run_scoped3A_453 = tpu.sem_alloc : memref<!tpu.dma_semaphore, #tpu.memory_space<semaphore_mem>>
        %dma_start3A_454 = arith.constant 0 : i32
        %dma_start3A_455 = tpu.memref_slice %arg14[%mul3A_10, %dma_start3A_454] : memref<10240x128xf32, #tpu.memory_space<vmem_shared>> -> memref<640x128xf32, #tpu.memory_space<vmem_shared>>
        %dma_start3A_456 = arith.constant 0 : i32
        %dma_start3A_457 = tpu.memref_slice %arg2[%mul3A_10, %dma_start3A_456] : memref<10240x128xf32, #tpu.memory_space<hbm>> -> memref<640x128xf32, #tpu.memory_space<hbm>>
        tpu.enqueue_dma source(%dma_start3A_457 : memref<640x128xf32, #tpu.memory_space<hbm>>) target(%dma_start3A_455 : memref<640x128xf32, #tpu.memory_space<vmem_shared>>) target_semaphore(%run_scoped3A_453 : memref<!tpu.dma_semaphore, #tpu.memory_space<semaphore_mem>>)
        %dma_wait3A_458 = arith.constant 0 : i32
        %dma_wait3A_459 = tpu.memref_slice %arg14[%mul3A_10, %dma_wait3A_458] : memref<10240x128xf32, #tpu.memory_space<vmem_shared>> -> memref<640x128xf32, #tpu.memory_space<vmem_shared>>
        %dma_wait3A_460 = arith.constant 0 : i32
        %dma_wait3A_461 = tpu.memref_slice %arg2[%mul3A_10, %dma_wait3A_460] : memref<10240x128xf32, #tpu.memory_space<hbm>> -> memref<640x128xf32, #tpu.memory_space<hbm>>
        tpu.wait_dma2 semaphore(%run_scoped3A_453 : memref<!tpu.dma_semaphore, #tpu.memory_space<semaphore_mem>>) src(%dma_wait3A_461 : memref<640x128xf32, #tpu.memory_space<hbm>>) dst(%dma_wait3A_459 : memref<640x128xf32, #tpu.memory_space<vmem_shared>>)
        tpu.yield
      }) : () -> ()
    } else {
    }
    %eq3A_13 = arith.constant 1 : i32
    %eq3A_14 = arith.cmpi eq, %arg0, %eq3A_13 : i32
    %convert_element_type3A_15 = arith.extui %eq3A_14 : i1 to i32
    %cond3A_16 = arith.constant 0 : i32
    %cond3A_17 = arith.cmpi ne, %convert_element_type3A_15, %cond3A_16 : i32
    scf.if %cond3A_17 {
      %scan3A_453 = arith.constant 0 : i32
      %scan3A_454 = arith.constant 0 : i32
      %scan3A_455 = arith.constant 128 : i32
      %scan3A_456 = arith.addi %scan3A_454, %scan3A_455 : i32
      %scan3A_457 = arith.constant 1 : i32
      scf.for %scan3A_465 = %scan3A_454 to %scan3A_456 step %scan3A_457  : i32 {
        %broadcast_in_dim3A = arith.constant 0.000000e+00 : f32
        %broadcast_in_dim3A_466 = vector.broadcast %broadcast_in_dim3A : f32 to vector<16xf32>
        %swap3A_467 = arith.index_cast %scan3A_465 : i32 to index
        %swap3A_468 = arith.constant 0 : index
        %swap3A_469 = tpu.vector_load %arg12[%swap3A_467, %swap3A_468] {strides = array<i32>} : memref<128x128xf32, #tpu.memory_space<vmem>>, vector<1x16xf32>,
        %swap3A_470 = vector.shape_cast %swap3A_469 : vector<1x16xf32> to vector<16xf32>
        %swap3A_471 = vector.shape_cast %broadcast_in_dim3A_466 : vector<16xf32> to vector<1x16xf32>
        tpu.vector_store %arg12[%swap3A_467, %swap3A_468], %swap3A_471 {strides = array<i32>} : memref<128x128xf32, #tpu.memory_space<vmem>>, vector<1x16xf32>,
        %broadcast_in_dim3A_472 = arith.constant 0.000000e+00 : f32
        %broadcast_in_dim3A_473 = vector.broadcast %broadcast_in_dim3A_472 : f32 to vector<16xf32>
        %swap3A_474 = arith.index_cast %scan3A_465 : i32 to index
        %swap3A_475 = arith.constant 16 : index
        %swap3A_476 = tpu.vector_load %arg12[%swap3A_474, %swap3A_475] {strides = array<i32>} : memref<128x128xf32, #tpu.memory_space<vmem>>, vector<1x16xf32>,
        %swap3A_477 = vector.shape_cast %swap3A_476 : vector<1x16xf32> to vector<16xf32>
        %swap3A_478 = vector.shape_cast %broadcast_in_dim3A_473 : vector<16xf32> to vector<1x16xf32>
        tpu.vector_store %arg12[%swap3A_474, %swap3A_475], %swap3A_478 {strides = array<i32>} : memref<128x128xf32, #tpu.memory_space<vmem>>, vector<1x16xf32>,
        %broadcast_in_dim3A_479 = arith.constant 0.000000e+00 : f32
        %broadcast_in_dim3A_480 = vector.broadcast %broadcast_in_dim3A_479 : f32 to vector<16xf32>
        %swap3A_481 = arith.index_cast %scan3A_465 : i32 to index
        %swap3A_482 = arith.constant 32 : index
        %swap3A_483 = tpu.vector_load %arg12[%swap3A_481, %swap3A_482] {strides = array<i32>} : memref<128x128xf32, #tpu.memory_space<vmem>>, vector<1x16xf32>,
        %swap3A_484 = vector.shape_cast %swap3A_483 : vector<1x16xf32> to vector<16xf32>
        %swap3A_485 = vector.shape_cast %broadcast_in_dim3A_480 : vector<16xf32> to vector<1x16xf32>
        tpu.vector_store %arg12[%swap3A_481, %swap3A_482], %swap3A_485 {strides = array<i32>} : memref<128x128xf32, #tpu.memory_space<vmem>>, vector<1x16xf32>,
        %broadcast_in_dim3A_486 = arith.constant 0.000000e+00 : f32
        %broadcast_in_dim3A_487 = vector.broadcast %broadcast_in_dim3A_486 : f32 to vector<16xf32>
        %swap3A_488 = arith.index_cast %scan3A_465 : i32 to index
        %swap3A_489 = arith.constant 48 : index
        %swap3A_490 = tpu.vector_load %arg12[%swap3A_488, %swap3A_489] {strides = array<i32>} : memref<128x128xf32, #tpu.memory_space<vmem>>, vector<1x16xf32>,
        %swap3A_491 = vector.shape_cast %swap3A_490 : vector<1x16xf32> to vector<16xf32>
        %swap3A_492 = vector.shape_cast %broadcast_in_dim3A_487 : vector<16xf32> to vector<1x16xf32>
        tpu.vector_store %arg12[%swap3A_488, %swap3A_489], %swap3A_492 {strides = array<i32>} : memref<128x128xf32, #tpu.memory_space<vmem>>, vector<1x16xf32>,
        %broadcast_in_dim3A_493 = arith.constant 0.000000e+00 : f32
        %broadcast_in_dim3A_494 = vector.broadcast %broadcast_in_dim3A_493 : f32 to vector<16xf32>
        %swap3A_495 = arith.index_cast %scan3A_465 : i32 to index
        %swap3A_496 = arith.constant 64 : index
        %swap3A_497 = tpu.vector_load %arg12[%swap3A_495, %swap3A_496] {strides = array<i32>} : memref<128x128xf32, #tpu.memory_space<vmem>>, vector<1x16xf32>,
        %swap3A_498 = vector.shape_cast %swap3A_497 : vector<1x16xf32> to vector<16xf32>
        %swap3A_499 = vector.shape_cast %broadcast_in_dim3A_494 : vector<16xf32> to vector<1x16xf32>
        tpu.vector_store %arg12[%swap3A_495, %swap3A_496], %swap3A_499 {strides = array<i32>} : memref<128x128xf32, #tpu.memory_space<vmem>>, vector<1x16xf32>,
        %broadcast_in_dim3A_500 = arith.constant 0.000000e+00 : f32
        %broadcast_in_dim3A_501 = vector.broadcast %broadcast_in_dim3A_500 : f32 to vector<16xf32>
        %swap3A_502 = arith.index_cast %scan3A_465 : i32 to index
        %swap3A_503 = arith.constant 80 : index
        %swap3A_504 = tpu.vector_load %arg12[%swap3A_502, %swap3A_503] {strides = array<i32>} : memref<128x128xf32, #tpu.memory_space<vmem>>, vector<1x16xf32>,
        %swap3A_505 = vector.shape_cast %swap3A_504 : vector<1x16xf32> to vector<16xf32>
        %swap3A_506 = vector.shape_cast %broadcast_in_dim3A_501 : vector<16xf32> to vector<1x16xf32>
        tpu.vector_store %arg12[%swap3A_502, %swap3A_503], %swap3A_506 {strides = array<i32>} : memref<128x128xf32, #tpu.memory_space<vmem>>, vector<1x16xf32>,
        %broadcast_in_dim3A_507 = arith.constant 0.000000e+00 : f32
        %broadcast_in_dim3A_508 = vector.broadcast %broadcast_in_dim3A_507 : f32 to vector<16xf32>
        %swap3A_509 = arith.index_cast %scan3A_465 : i32 to index
        %swap3A_510 = arith.constant 96 : index
        %swap3A_511 = tpu.vector_load %arg12[%swap3A_509, %swap3A_510] {strides = array<i32>} : memref<128x128xf32, #tpu.memory_space<vmem>>, vector<1x16xf32>,
        %swap3A_512 = vector.shape_cast %swap3A_511 : vector<1x16xf32> to vector<16xf32>
        %swap3A_513 = vector.shape_cast %broadcast_in_dim3A_508 : vector<16xf32> to vector<1x16xf32>
        tpu.vector_store %arg12[%swap3A_509, %swap3A_510], %swap3A_513 {strides = array<i32>} : memref<128x128xf32, #tpu.memory_space<vmem>>, vector<1x16xf32>,
        %broadcast_in_dim3A_514 = arith.constant 0.000000e+00 : f32
        %broadcast_in_dim3A_515 = vector.broadcast %broadcast_in_dim3A_514 : f32 to vector<16xf32>
        %swap3A_516 = arith.index_cast %scan3A_465 : i32 to index
        %swap3A_517 = arith.constant 112 : index
        %swap3A_518 = tpu.vector_load %arg12[%swap3A_516, %swap3A_517] {strides = array<i32>} : memref<128x128xf32, #tpu.memory_space<vmem>>, vector<1x16xf32>,
        %swap3A_519 = vector.shape_cast %swap3A_518 : vector<1x16xf32> to vector<16xf32>
        %swap3A_520 = vector.shape_cast %broadcast_in_dim3A_515 : vector<16xf32> to vector<1x16xf32>
        tpu.vector_store %arg12[%swap3A_516, %swap3A_517], %swap3A_520 {strides = array<i32>} : memref<128x128xf32, #tpu.memory_space<vmem>>, vector<1x16xf32>,
      }
      %scan3A_458 = arith.constant 128 : i32
      %scan3A_459 = arith.constant 0 : i32
      %scan3A_460 = arith.constant 0 : i32
      %scan3A_461 = arith.constant 5 : i32
      %scan3A_462 = arith.addi %scan3A_460, %scan3A_461 : i32
      %scan3A_463 = arith.constant 1 : i32
      scf.for %scan3A_465 = %scan3A_460 to %scan3A_462 step %scan3A_463  : i32 {
        %mul3A_466 = arith.constant 128 : i32
        %mul3A_467 = arith.muli %scan3A_465, %mul3A_466 : i32
        %add3A_468 = arith.addi %mul3A_10, %mul3A_467 : i32
        "tpu.region"() ({
          %run_scoped3A_469 = tpu.sem_alloc : memref<!tpu.dma_semaphore, #tpu.memory_space<semaphore_mem>>
          %dma_start3A_470 = arith.constant 0 : i32
          %dma_start3A_471 = tpu.memref_slice %arg14[%add3A_468, %dma_start3A_470] : memref<10240x128xf32, #tpu.memory_space<vmem_shared>> -> memref<128x128xf32, #tpu.memory_space<vmem_shared>>
          %dma_start3A_472 = arith.constant 0 : i32
          %dma_start3A_473 = tpu.memref_slice %arg14[%add3A_468, %dma_start3A_472] : memref<10240x128xf32, #tpu.memory_space<vmem_shared>> -> memref<128x128xf32, #tpu.memory_space<vmem_shared>>
          tpu.enqueue_dma source(%arg12 : memref<128x128xf32, #tpu.memory_space<vmem>>) target(%dma_start3A_473 : memref<128x128xf32, #tpu.memory_space<vmem_shared>>) target_semaphore(%run_scoped3A_469 : memref<!tpu.dma_semaphore, #tpu.memory_space<semaphore_mem>>)
          %dma_wait3A_474 = arith.constant 0 : i32
          %dma_wait3A_475 = tpu.memref_slice %arg14[%add3A_468, %dma_wait3A_474] : memref<10240x128xf32, #tpu.memory_space<vmem_shared>> -> memref<128x128xf32, #tpu.memory_space<vmem_shared>>
          %dma_wait3A_476 = arith.constant 0 : i32
          %dma_wait3A_477 = tpu.memref_slice %arg14[%add3A_468, %dma_wait3A_476] : memref<10240x128xf32, #tpu.memory_space<vmem_shared>> -> memref<128x128xf32, #tpu.memory_space<vmem_shared>>
          tpu.wait_dma2 semaphore(%run_scoped3A_469 : memref<!tpu.dma_semaphore, #tpu.memory_space<semaphore_mem>>) src(%arg12 : memref<128x128xf32, #tpu.memory_space<vmem>>) dst(%dma_wait3A_477 : memref<128x128xf32, #tpu.memory_space<vmem_shared>>)
          tpu.yield
        }) : () -> ()
      }
      %scan3A_464 = arith.constant 5 : i32
    } else {
    }
    %barrier3A = arith.constant 0 : index
    tpu.barrier barrier_id(%barrier3A)
    %add3A_18 = arith.constant 0 : i32
    %add3A_19 = arith.addi %add3A_4, %add3A_18 : i32
    %mul3A_20 = arith.constant 128 : i32
    %mul3A_21 = arith.muli %add3A_19, %mul3A_20 : i32
    %dma_start3A = arith.constant 0 : i32
    %dma_start3A_22 = tpu.memref_slice %arg3[%dma_start3A, %mul3A_21] : memref<2x320000xi32, #tpu.memory_space<hbm>> -> memref<2x128xi32, #tpu.memory_space<hbm>>
    %dma_start3A_23 = arith.constant 0 : i32
    %dma_start3A_24 = tpu.memref_slice %arg3[%dma_start3A_23, %mul3A_21] : memref<2x320000xi32, #tpu.memory_space<hbm>> -> memref<2x128xi32, #tpu.memory_space<hbm>>
    tpu.enqueue_dma source(%dma_start3A_24 : memref<2x128xi32, #tpu.memory_space<hbm>>) target(%arg6 : memref<2x128xi32, #tpu.memory_space<vmem>>) target_semaphore(%arg17 : memref<!tpu.dma_semaphore, #tpu.memory_space<semaphore_mem>>)
    %add3A_25 = arith.constant 0 : i32
    %add3A_26 = arith.addi %add3A_4, %add3A_25 : i32
    %mul3A_27 = arith.constant 128 : i32
    %mul3A_28 = arith.muli %add3A_26, %mul3A_27 : i32
    %dma_wait3A = arith.constant 0 : i32
    %dma_wait3A_29 = tpu.memref_slice %arg3[%dma_wait3A, %mul3A_28] : memref<2x320000xi32, #tpu.memory_space<hbm>> -> memref<2x128xi32, #tpu.memory_space<hbm>>
    %dma_wait3A_30 = arith.constant 0 : i32
    %dma_wait3A_31 = tpu.memref_slice %arg3[%dma_wait3A_30, %mul3A_28] : memref<2x320000xi32, #tpu.memory_space<hbm>> -> memref<2x128xi32, #tpu.memory_space<hbm>>
    tpu.wait_dma2 semaphore(%arg17 : memref<!tpu.dma_semaphore, #tpu.memory_space<semaphore_mem>>) src(%dma_wait3A_31 : memref<2x128xi32, #tpu.memory_space<hbm>>) dst(%arg6 : memref<2x128xi32, #tpu.memory_space<vmem>>)
    %get3A = arith.constant 0 : i32
    %get3A_32 = arith.index_cast %get3A : i32 to index
    %get3A_33 = arith.constant 0 : index
    %get3A_34 = tpu.vector_load %arg6[%get3A_32, %get3A_33] {strides = array<i32>} : memref<2x128xi32, #tpu.memory_space<vmem>>, vector<1x16xi32>,
    %get3A_35 = vector.shape_cast %get3A_34 : vector<1x16xi32> to vector<16xi32>
    %swap3A = arith.constant 0 : i32
    %swap3A_36 = arith.index_cast %swap3A : i32 to index
    %swap3A_37 = arith.constant 0 : index
    %swap3A_38 = tpu.vector_load %arg8[%swap3A_36, %swap3A_37] {strides = array<i32>} : memref<1x128xi32, #tpu.memory_space<vmem>>, vector<1x16xi32>,
    %swap3A_39 = vector.shape_cast %swap3A_38 : vector<1x16xi32> to vector<16xi32>
    %swap3A_40 = vector.shape_cast %get3A_35 : vector<16xi32> to vector<1x16xi32>
    tpu.vector_store %arg8[%swap3A_36, %swap3A_37], %swap3A_40 {strides = array<i32>} : memref<1x128xi32, #tpu.memory_space<vmem>>, vector<1x16xi32>,
    %get3A_41 = arith.constant 1 : i32
    %get3A_42 = arith.index_cast %get3A_41 : i32 to index
    %get3A_43 = arith.constant 0 : index
    %get3A_44 = tpu.vector_load %arg6[%get3A_42, %get3A_43] {strides = array<i32>} : memref<2x128xi32, #tpu.memory_space<vmem>>, vector<1x16xi32>,
    %get3A_45 = vector.shape_cast %get3A_44 : vector<1x16xi32> to vector<16xi32>
    %swap3A_46 = arith.constant 0 : i32
    %swap3A_47 = arith.index_cast %swap3A_46 : i32 to index
    %swap3A_48 = arith.constant 0 : index
    %swap3A_49 = tpu.vector_load %arg10[%swap3A_47, %swap3A_48] {strides = array<i32>} : memref<1x128xi32, #tpu.memory_space<vmem>>, vector<1x16xi32>,
    %swap3A_50 = vector.shape_cast %swap3A_49 : vector<1x16xi32> to vector<16xi32>
    %swap3A_51 = vector.shape_cast %get3A_45 : vector<16xi32> to vector<1x16xi32>
    tpu.vector_store %arg10[%swap3A_47, %swap3A_48], %swap3A_51 {strides = array<i32>} : memref<1x128xi32, #tpu.memory_space<vmem>>, vector<1x16xi32>,
    %get3A_52 = arith.constant 0 : i32
    %get3A_53 = arith.index_cast %get3A_52 : i32 to index
    %get3A_54 = arith.constant 16 : index
    %get3A_55 = tpu.vector_load %arg6[%get3A_53, %get3A_54] {strides = array<i32>} : memref<2x128xi32, #tpu.memory_space<vmem>>, vector<1x16xi32>,
    %get3A_56 = vector.shape_cast %get3A_55 : vector<1x16xi32> to vector<16xi32>
    %swap3A_57 = arith.constant 0 : i32
    %swap3A_58 = arith.index_cast %swap3A_57 : i32 to index
    %swap3A_59 = arith.constant 16 : index
    %swap3A_60 = tpu.vector_load %arg8[%swap3A_58, %swap3A_59] {strides = array<i32>} : memref<1x128xi32, #tpu.memory_space<vmem>>, vector<1x16xi32>,
    %swap3A_61 = vector.shape_cast %swap3A_60 : vector<1x16xi32> to vector<16xi32>
    %swap3A_62 = vector.shape_cast %get3A_56 : vector<16xi32> to vector<1x16xi32>
    tpu.vector_store %arg8[%swap3A_58, %swap3A_59], %swap3A_62 {strides = array<i32>} : memref<1x128xi32, #tpu.memory_space<vmem>>, vector<1x16xi32>,
    %get3A_63 = arith.constant 1 : i32
    %get3A_64 = arith.index_cast %get3A_63 : i32 to index
    %get3A_65 = arith.constant 16 : index
    %get3A_66 = tpu.vector_load %arg6[%get3A_64, %get3A_65] {strides = array<i32>} : memref<2x128xi32, #tpu.memory_space<vmem>>, vector<1x16xi32>,
    %get3A_67 = vector.shape_cast %get3A_66 : vector<1x16xi32> to vector<16xi32>
    %swap3A_68 = arith.constant 0 : i32
    %swap3A_69 = arith.index_cast %swap3A_68 : i32 to index
    %swap3A_70 = arith.constant 16 : index
    %swap3A_71 = tpu.vector_load %arg10[%swap3A_69, %swap3A_70] {strides = array<i32>} : memref<1x128xi32, #tpu.memory_space<vmem>>, vector<1x16xi32>,
    %swap3A_72 = vector.shape_cast %swap3A_71 : vector<1x16xi32> to vector<16xi32>
    %swap3A_73 = vector.shape_cast %get3A_67 : vector<16xi32> to vector<1x16xi32>
    tpu.vector_store %arg10[%swap3A_69, %swap3A_70], %swap3A_73 {strides = array<i32>} : memref<1x128xi32, #tpu.memory_space<vmem>>, vector<1x16xi32>,
    %get3A_74 = arith.constant 0 : i32
    %get3A_75 = arith.index_cast %get3A_74 : i32 to index
    %get3A_76 = arith.constant 32 : index
    %get3A_77 = tpu.vector_load %arg6[%get3A_75, %get3A_76] {strides = array<i32>} : memref<2x128xi32, #tpu.memory_space<vmem>>, vector<1x16xi32>,
    %get3A_78 = vector.shape_cast %get3A_77 : vector<1x16xi32> to vector<16xi32>
    %swap3A_79 = arith.constant 0 : i32
    %swap3A_80 = arith.index_cast %swap3A_79 : i32 to index
    %swap3A_81 = arith.constant 32 : index
    %swap3A_82 = tpu.vector_load %arg8[%swap3A_80, %swap3A_81] {strides = array<i32>} : memref<1x128xi32, #tpu.memory_space<vmem>>, vector<1x16xi32>,
    %swap3A_83 = vector.shape_cast %swap3A_82 : vector<1x16xi32> to vector<16xi32>
    %swap3A_84 = vector.shape_cast %get3A_78 : vector<16xi32> to vector<1x16xi32>
    tpu.vector_store %arg8[%swap3A_80, %swap3A_81], %swap3A_84 {strides = array<i32>} : memref<1x128xi32, #tpu.memory_space<vmem>>, vector<1x16xi32>,
    %get3A_85 = arith.constant 1 : i32
    %get3A_86 = arith.index_cast %get3A_85 : i32 to index
    %get3A_87 = arith.constant 32 : index
    %get3A_88 = tpu.vector_load %arg6[%get3A_86, %get3A_87] {strides = array<i32>} : memref<2x128xi32, #tpu.memory_space<vmem>>, vector<1x16xi32>,
    %get3A_89 = vector.shape_cast %get3A_88 : vector<1x16xi32> to vector<16xi32>
    %swap3A_90 = arith.constant 0 : i32
    %swap3A_91 = arith.index_cast %swap3A_90 : i32 to index
    %swap3A_92 = arith.constant 32 : index
    %swap3A_93 = tpu.vector_load %arg10[%swap3A_91, %swap3A_92] {strides = array<i32>} : memref<1x128xi32, #tpu.memory_space<vmem>>, vector<1x16xi32>,
    %swap3A_94 = vector.shape_cast %swap3A_93 : vector<1x16xi32> to vector<16xi32>
    %swap3A_95 = vector.shape_cast %get3A_89 : vector<16xi32> to vector<1x16xi32>
    tpu.vector_store %arg10[%swap3A_91, %swap3A_92], %swap3A_95 {strides = array<i32>} : memref<1x128xi32, #tpu.memory_space<vmem>>, vector<1x16xi32>,
    %get3A_96 = arith.constant 0 : i32
    %get3A_97 = arith.index_cast %get3A_96 : i32 to index
    %get3A_98 = arith.constant 48 : index
    %get3A_99 = tpu.vector_load %arg6[%get3A_97, %get3A_98] {strides = array<i32>} : memref<2x128xi32, #tpu.memory_space<vmem>>, vector<1x16xi32>,
    %get3A_100 = vector.shape_cast %get3A_99 : vector<1x16xi32> to vector<16xi32>
    %swap3A_101 = arith.constant 0 : i32
    %swap3A_102 = arith.index_cast %swap3A_101 : i32 to index
    %swap3A_103 = arith.constant 48 : index
    %swap3A_104 = tpu.vector_load %arg8[%swap3A_102, %swap3A_103] {strides = array<i32>} : memref<1x128xi32, #tpu.memory_space<vmem>>, vector<1x16xi32>,
    %swap3A_105 = vector.shape_cast %swap3A_104 : vector<1x16xi32> to vector<16xi32>
    %swap3A_106 = vector.shape_cast %get3A_100 : vector<16xi32> to vector<1x16xi32>
    tpu.vector_store %arg8[%swap3A_102, %swap3A_103], %swap3A_106 {strides = array<i32>} : memref<1x128xi32, #tpu.memory_space<vmem>>, vector<1x16xi32>,
    %get3A_107 = arith.constant 1 : i32
    %get3A_108 = arith.index_cast %get3A_107 : i32 to index
    %get3A_109 = arith.constant 48 : index
    %get3A_110 = tpu.vector_load %arg6[%get3A_108, %get3A_109] {strides = array<i32>} : memref<2x128xi32, #tpu.memory_space<vmem>>, vector<1x16xi32>,
    %get3A_111 = vector.shape_cast %get3A_110 : vector<1x16xi32> to vector<16xi32>
    %swap3A_112 = arith.constant 0 : i32
    %swap3A_113 = arith.index_cast %swap3A_112 : i32 to index
    %swap3A_114 = arith.constant 48 : index
    %swap3A_115 = tpu.vector_load %arg10[%swap3A_113, %swap3A_114] {strides = array<i32>} : memref<1x128xi32, #tpu.memory_space<vmem>>, vector<1x16xi32>,
    %swap3A_116 = vector.shape_cast %swap3A_115 : vector<1x16xi32> to vector<16xi32>
    %swap3A_117 = vector.shape_cast %get3A_111 : vector<16xi32> to vector<1x16xi32>
    tpu.vector_store %arg10[%swap3A_113, %swap3A_114], %swap3A_117 {strides = array<i32>} : memref<1x128xi32, #tpu.memory_space<vmem>>, vector<1x16xi32>,
    %get3A_118 = arith.constant 0 : i32
    %get3A_119 = arith.index_cast %get3A_118 : i32 to index
    %get3A_120 = arith.constant 64 : index
    %get3A_121 = tpu.vector_load %arg6[%get3A_119, %get3A_120] {strides = array<i32>} : memref<2x128xi32, #tpu.memory_space<vmem>>, vector<1x16xi32>,
    %get3A_122 = vector.shape_cast %get3A_121 : vector<1x16xi32> to vector<16xi32>
    %swap3A_123 = arith.constant 0 : i32
    %swap3A_124 = arith.index_cast %swap3A_123 : i32 to index
    %swap3A_125 = arith.constant 64 : index
    %swap3A_126 = tpu.vector_load %arg8[%swap3A_124, %swap3A_125] {strides = array<i32>} : memref<1x128xi32, #tpu.memory_space<vmem>>, vector<1x16xi32>,
    %swap3A_127 = vector.shape_cast %swap3A_126 : vector<1x16xi32> to vector<16xi32>
    %swap3A_128 = vector.shape_cast %get3A_122 : vector<16xi32> to vector<1x16xi32>
    tpu.vector_store %arg8[%swap3A_124, %swap3A_125], %swap3A_128 {strides = array<i32>} : memref<1x128xi32, #tpu.memory_space<vmem>>, vector<1x16xi32>,
    %get3A_129 = arith.constant 1 : i32
    %get3A_130 = arith.index_cast %get3A_129 : i32 to index
    %get3A_131 = arith.constant 64 : index
    %get3A_132 = tpu.vector_load %arg6[%get3A_130, %get3A_131] {strides = array<i32>} : memref<2x128xi32, #tpu.memory_space<vmem>>, vector<1x16xi32>,
    %get3A_133 = vector.shape_cast %get3A_132 : vector<1x16xi32> to vector<16xi32>
    %swap3A_134 = arith.constant 0 : i32
    %swap3A_135 = arith.index_cast %swap3A_134 : i32 to index
    %swap3A_136 = arith.constant 64 : index
    %swap3A_137 = tpu.vector_load %arg10[%swap3A_135, %swap3A_136] {strides = array<i32>} : memref<1x128xi32, #tpu.memory_space<vmem>>, vector<1x16xi32>,
    %swap3A_138 = vector.shape_cast %swap3A_137 : vector<1x16xi32> to vector<16xi32>
    %swap3A_139 = vector.shape_cast %get3A_133 : vector<16xi32> to vector<1x16xi32>
    tpu.vector_store %arg10[%swap3A_135, %swap3A_136], %swap3A_139 {strides = array<i32>} : memref<1x128xi32, #tpu.memory_space<vmem>>, vector<1x16xi32>,
    %get3A_140 = arith.constant 0 : i32
    %get3A_141 = arith.index_cast %get3A_140 : i32 to index
    %get3A_142 = arith.constant 80 : index
    %get3A_143 = tpu.vector_load %arg6[%get3A_141, %get3A_142] {strides = array<i32>} : memref<2x128xi32, #tpu.memory_space<vmem>>, vector<1x16xi32>,
    %get3A_144 = vector.shape_cast %get3A_143 : vector<1x16xi32> to vector<16xi32>
    %swap3A_145 = arith.constant 0 : i32
    %swap3A_146 = arith.index_cast %swap3A_145 : i32 to index
    %swap3A_147 = arith.constant 80 : index
    %swap3A_148 = tpu.vector_load %arg8[%swap3A_146, %swap3A_147] {strides = array<i32>} : memref<1x128xi32, #tpu.memory_space<vmem>>, vector<1x16xi32>,
    %swap3A_149 = vector.shape_cast %swap3A_148 : vector<1x16xi32> to vector<16xi32>
    %swap3A_150 = vector.shape_cast %get3A_144 : vector<16xi32> to vector<1x16xi32>
    tpu.vector_store %arg8[%swap3A_146, %swap3A_147], %swap3A_150 {strides = array<i32>} : memref<1x128xi32, #tpu.memory_space<vmem>>, vector<1x16xi32>,
    %get3A_151 = arith.constant 1 : i32
    %get3A_152 = arith.index_cast %get3A_151 : i32 to index
    %get3A_153 = arith.constant 80 : index
    %get3A_154 = tpu.vector_load %arg6[%get3A_152, %get3A_153] {strides = array<i32>} : memref<2x128xi32, #tpu.memory_space<vmem>>, vector<1x16xi32>,
    %get3A_155 = vector.shape_cast %get3A_154 : vector<1x16xi32> to vector<16xi32>
    %swap3A_156 = arith.constant 0 : i32
    %swap3A_157 = arith.index_cast %swap3A_156 : i32 to index
    %swap3A_158 = arith.constant 80 : index
    %swap3A_159 = tpu.vector_load %arg10[%swap3A_157, %swap3A_158] {strides = array<i32>} : memref<1x128xi32, #tpu.memory_space<vmem>>, vector<1x16xi32>,
    %swap3A_160 = vector.shape_cast %swap3A_159 : vector<1x16xi32> to vector<16xi32>
    %swap3A_161 = vector.shape_cast %get3A_155 : vector<16xi32> to vector<1x16xi32>
    tpu.vector_store %arg10[%swap3A_157, %swap3A_158], %swap3A_161 {strides = array<i32>} : memref<1x128xi32, #tpu.memory_space<vmem>>, vector<1x16xi32>,
    %get3A_162 = arith.constant 0 : i32
    %get3A_163 = arith.index_cast %get3A_162 : i32 to index
    %get3A_164 = arith.constant 96 : index
    %get3A_165 = tpu.vector_load %arg6[%get3A_163, %get3A_164] {strides = array<i32>} : memref<2x128xi32, #tpu.memory_space<vmem>>, vector<1x16xi32>,
    %get3A_166 = vector.shape_cast %get3A_165 : vector<1x16xi32> to vector<16xi32>
    %swap3A_167 = arith.constant 0 : i32
    %swap3A_168 = arith.index_cast %swap3A_167 : i32 to index
    %swap3A_169 = arith.constant 96 : index
    %swap3A_170 = tpu.vector_load %arg8[%swap3A_168, %swap3A_169] {strides = array<i32>} : memref<1x128xi32, #tpu.memory_space<vmem>>, vector<1x16xi32>,
    %swap3A_171 = vector.shape_cast %swap3A_170 : vector<1x16xi32> to vector<16xi32>
    %swap3A_172 = vector.shape_cast %get3A_166 : vector<16xi32> to vector<1x16xi32>
    tpu.vector_store %arg8[%swap3A_168, %swap3A_169], %swap3A_172 {strides = array<i32>} : memref<1x128xi32, #tpu.memory_space<vmem>>, vector<1x16xi32>,
    %get3A_173 = arith.constant 1 : i32
    %get3A_174 = arith.index_cast %get3A_173 : i32 to index
    %get3A_175 = arith.constant 96 : index
    %get3A_176 = tpu.vector_load %arg6[%get3A_174, %get3A_175] {strides = array<i32>} : memref<2x128xi32, #tpu.memory_space<vmem>>, vector<1x16xi32>,
    %get3A_177 = vector.shape_cast %get3A_176 : vector<1x16xi32> to vector<16xi32>
    %swap3A_178 = arith.constant 0 : i32
    %swap3A_179 = arith.index_cast %swap3A_178 : i32 to index
    %swap3A_180 = arith.constant 96 : index
    %swap3A_181 = tpu.vector_load %arg10[%swap3A_179, %swap3A_180] {strides = array<i32>} : memref<1x128xi32, #tpu.memory_space<vmem>>, vector<1x16xi32>,
    %swap3A_182 = vector.shape_cast %swap3A_181 : vector<1x16xi32> to vector<16xi32>
    %swap3A_183 = vector.shape_cast %get3A_177 : vector<16xi32> to vector<1x16xi32>
    tpu.vector_store %arg10[%swap3A_179, %swap3A_180], %swap3A_183 {strides = array<i32>} : memref<1x128xi32, #tpu.memory_space<vmem>>, vector<1x16xi32>,
    %get3A_184 = arith.constant 0 : i32
    %get3A_185 = arith.index_cast %get3A_184 : i32 to index
    %get3A_186 = arith.constant 112 : index
    %get3A_187 = tpu.vector_load %arg6[%get3A_185, %get3A_186] {strides = array<i32>} : memref<2x128xi32, #tpu.memory_space<vmem>>, vector<1x16xi32>,
    %get3A_188 = vector.shape_cast %get3A_187 : vector<1x16xi32> to vector<16xi32>
    %swap3A_189 = arith.constant 0 : i32
    %swap3A_190 = arith.index_cast %swap3A_189 : i32 to index
    %swap3A_191 = arith.constant 112 : index
    %swap3A_192 = tpu.vector_load %arg8[%swap3A_190, %swap3A_191] {strides = array<i32>} : memref<1x128xi32, #tpu.memory_space<vmem>>, vector<1x16xi32>,
    %swap3A_193 = vector.shape_cast %swap3A_192 : vector<1x16xi32> to vector<16xi32>
    %swap3A_194 = vector.shape_cast %get3A_188 : vector<16xi32> to vector<1x16xi32>
    tpu.vector_store %arg8[%swap3A_190, %swap3A_191], %swap3A_194 {strides = array<i32>} : memref<1x128xi32, #tpu.memory_space<vmem>>, vector<1x16xi32>,
    %get3A_195 = arith.constant 1 : i32
    %get3A_196 = arith.index_cast %get3A_195 : i32 to index
    %get3A_197 = arith.constant 112 : index
    %get3A_198 = tpu.vector_load %arg6[%get3A_196, %get3A_197] {strides = array<i32>} : memref<2x128xi32, #tpu.memory_space<vmem>>, vector<1x16xi32>,
    %get3A_199 = vector.shape_cast %get3A_198 : vector<1x16xi32> to vector<16xi32>
    %swap3A_200 = arith.constant 0 : i32
    %swap3A_201 = arith.index_cast %swap3A_200 : i32 to index
    %swap3A_202 = arith.constant 112 : index
    %swap3A_203 = tpu.vector_load %arg10[%swap3A_201, %swap3A_202] {strides = array<i32>} : memref<1x128xi32, #tpu.memory_space<vmem>>, vector<1x16xi32>,
    %swap3A_204 = vector.shape_cast %swap3A_203 : vector<1x16xi32> to vector<16xi32>
    %swap3A_205 = vector.shape_cast %get3A_199 : vector<16xi32> to vector<1x16xi32>
    tpu.vector_store %arg10[%swap3A_201, %swap3A_202], %swap3A_205 {strides = array<i32>} : memref<1x128xi32, #tpu.memory_space<vmem>>, vector<1x16xi32>,
    %dma_start3A_206 = arith.constant 0 : i32
    %dma_start3A_207 = arith.constant 0 : i32
    %dma_start3A_208 = tpu.memref_slice %arg8[%dma_start3A_206, %dma_start3A_207] : memref<1x128xi32, #tpu.memory_space<vmem>> -> memref<1x128xi32, #tpu.memory_space<vmem>>
    %dma_start3A_209 = tpu.memref_squeeze %dma_start3A_208 : memref<1x128xi32, #tpu.memory_space<vmem>> -> memref<128xi32, #tpu.memory_space<vmem>>
    %dma_start3A_210 = arith.constant 0 : i32
    %dma_start3A_211 = arith.constant 0 : i32
    %dma_start3A_212 = tpu.memref_slice %arg2[%dma_start3A_210, %dma_start3A_211] : memref<10240x128xf32, #tpu.memory_space<hbm>> -> memref<10240x128xf32, #tpu.memory_space<hbm>>
    tpu.enqueue_indirect_dma source(%dma_start3A_212 : memref<10240x128xf32, #tpu.memory_space<hbm>>) target(%arg12 : memref<128x128xf32, #tpu.memory_space<vmem>>) offsets(%dma_start3A_209 : memref<128xi32, #tpu.memory_space<vmem>>) semaphore(%arg15 : memref<!tpu.dma_semaphore, #tpu.memory_space<semaphore_mem>>)
    %add3A_213 = arith.constant 1 : i32
    %add3A_214 = arith.addi %add3A_4, %add3A_213 : i32
    %mul3A_215 = arith.constant 128 : i32
    %mul3A_216 = arith.muli %add3A_214, %mul3A_215 : i32
    %dma_start3A_217 = arith.constant 0 : i32
    %dma_start3A_218 = tpu.memref_slice %arg3[%dma_start3A_217, %mul3A_216] : memref<2x320000xi32, #tpu.memory_space<hbm>> -> memref<2x128xi32, #tpu.memory_space<hbm>>
    %dma_start3A_219 = arith.constant 0 : i32
    %dma_start3A_220 = tpu.memref_slice %arg3[%dma_start3A_219, %mul3A_216] : memref<2x320000xi32, #tpu.memory_space<hbm>> -> memref<2x128xi32, #tpu.memory_space<hbm>>
    tpu.enqueue_dma source(%dma_start3A_220 : memref<2x128xi32, #tpu.memory_space<hbm>>) target(%arg7 : memref<2x128xi32, #tpu.memory_space<vmem>>) target_semaphore(%arg18 : memref<!tpu.dma_semaphore, #tpu.memory_space<semaphore_mem>>)
    %scan3A = arith.constant 0 : i32
    %scan3A_221 = arith.constant 0 : i32
    %scan3A_222 = arith.constant 38 : i32
    %scan3A_223 = arith.addi %scan3A_221, %scan3A_222 : i32
    %scan3A_224 = arith.constant 1 : i32
    scf.for %scan3A_453 = %scan3A_221 to %scan3A_223 step %scan3A_224  : i32 {
      %mul3A_454 = arith.constant 2 : i32
      %mul3A_455 = arith.muli %mul3A_454, %scan3A_453 : i32
      %add3A_456 = arith.constant 2 : i32
      %add3A_457 = arith.addi %mul3A_455, %add3A_456 : i32
      %add3A_458 = arith.addi %add3A_4, %add3A_457 : i32
      %mul3A_459 = arith.constant 128 : i32
      %mul3A_460 = arith.muli %add3A_458, %mul3A_459 : i32
      %dma_start3A_461 = arith.constant 0 : i32
      %dma_start3A_462 = tpu.memref_slice %arg3[%dma_start3A_461, %mul3A_460] : memref<2x320000xi32, #tpu.memory_space<hbm>> -> memref<2x128xi32, #tpu.memory_space<hbm>>
      %dma_start3A_463 = arith.constant 0 : i32
      %dma_start3A_464 = tpu.memref_slice %arg3[%dma_start3A_463, %mul3A_460] : memref<2x320000xi32, #tpu.memory_space<hbm>> -> memref<2x128xi32, #tpu.memory_space<hbm>>
      tpu.enqueue_dma source(%dma_start3A_464 : memref<2x128xi32, #tpu.memory_space<hbm>>) target(%arg6 : memref<2x128xi32, #tpu.memory_space<vmem>>) target_semaphore(%arg17 : memref<!tpu.dma_semaphore, #tpu.memory_space<semaphore_mem>>)
      %add3A_465 = arith.constant 0 : i32
      %add3A_466 = arith.addi %add3A_4, %add3A_465 : i32
      %mul3A_467 = arith.constant 128 : i32
      %mul3A_468 = arith.muli %add3A_466, %mul3A_467 : i32
      %dma_wait3A_469 = arith.constant 0 : i32
      %dma_wait3A_470 = tpu.memref_slice %arg3[%dma_wait3A_469, %mul3A_468] : memref<2x320000xi32, #tpu.memory_space<hbm>> -> memref<2x128xi32, #tpu.memory_space<hbm>>
      %dma_wait3A_471 = arith.constant 0 : i32
      %dma_wait3A_472 = tpu.memref_slice %arg3[%dma_wait3A_471, %mul3A_468] : memref<2x320000xi32, #tpu.memory_space<hbm>> -> memref<2x128xi32, #tpu.memory_space<hbm>>
      tpu.wait_dma2 semaphore(%arg18 : memref<!tpu.dma_semaphore, #tpu.memory_space<semaphore_mem>>) src(%dma_wait3A_472 : memref<2x128xi32, #tpu.memory_space<hbm>>) dst(%arg7 : memref<2x128xi32, #tpu.memory_space<vmem>>)
      %get3A_473 = arith.constant 0 : i32
      %get3A_474 = arith.index_cast %get3A_473 : i32 to index
      %get3A_475 = arith.constant 0 : index
      %get3A_476 = tpu.vector_load %arg7[%get3A_474, %get3A_475] {strides = array<i32>} : memref<2x128xi32, #tpu.memory_space<vmem>>, vector<1x16xi32>,
      %get3A_477 = vector.shape_cast %get3A_476 : vector<1x16xi32> to vector<16xi32>
      %swap3A_478 = arith.constant 0 : i32
      %swap3A_479 = arith.index_cast %swap3A_478 : i32 to index
      %swap3A_480 = arith.constant 0 : index
      %swap3A_481 = tpu.vector_load %arg9[%swap3A_479, %swap3A_480] {strides = array<i32>} : memref<1x128xi32, #tpu.memory_space<vmem>>, vector<1x16xi32>,
      %swap3A_482 = vector.shape_cast %swap3A_481 : vector<1x16xi32> to vector<16xi32>
      %swap3A_483 = vector.shape_cast %get3A_477 : vector<16xi32> to vector<1x16xi32>
      tpu.vector_store %arg9[%swap3A_479, %swap3A_480], %swap3A_483 {strides = array<i32>} : memref<1x128xi32, #tpu.memory_space<vmem>>, vector<1x16xi32>,
      %get3A_484 = arith.constant 1 : i32
      %get3A_485 = arith.index_cast %get3A_484 : i32 to index
      %get3A_486 = arith.constant 0 : index
      %get3A_487 = tpu.vector_load %arg7[%get3A_485, %get3A_486] {strides = array<i32>} : memref<2x128xi32, #tpu.memory_space<vmem>>, vector<1x16xi32>,
      %get3A_488 = vector.shape_cast %get3A_487 : vector<1x16xi32> to vector<16xi32>
      %swap3A_489 = arith.constant 0 : i32
      %swap3A_490 = arith.index_cast %swap3A_489 : i32 to index
      %swap3A_491 = arith.constant 0 : index
      %swap3A_492 = tpu.vector_load %arg11[%swap3A_490, %swap3A_491] {strides = array<i32>} : memref<1x128xi32, #tpu.memory_space<vmem>>, vector<1x16xi32>,
      %swap3A_493 = vector.shape_cast %swap3A_492 : vector<1x16xi32> to vector<16xi32>
      %swap3A_494 = vector.shape_cast %get3A_488 : vector<16xi32> to vector<1x16xi32>
      tpu.vector_store %arg11[%swap3A_490, %swap3A_491], %swap3A_494 {strides = array<i32>} : memref<1x128xi32, #tpu.memory_space<vmem>>, vector<1x16xi32>,
      %get3A_495 = arith.constant 0 : i32
      %get3A_496 = arith.index_cast %get3A_495 : i32 to index
      %get3A_497 = arith.constant 16 : index
      %get3A_498 = tpu.vector_load %arg7[%get3A_496, %get3A_497] {strides = array<i32>} : memref<2x128xi32, #tpu.memory_space<vmem>>, vector<1x16xi32>,
      %get3A_499 = vector.shape_cast %get3A_498 : vector<1x16xi32> to vector<16xi32>
      %swap3A_500 = arith.constant 0 : i32
      %swap3A_501 = arith.index_cast %swap3A_500 : i32 to index
      %swap3A_502 = arith.constant 16 : index
      %swap3A_503 = tpu.vector_load %arg9[%swap3A_501, %swap3A_502] {strides = array<i32>} : memref<1x128xi32, #tpu.memory_space<vmem>>, vector<1x16xi32>,
      %swap3A_504 = vector.shape_cast %swap3A_503 : vector<1x16xi32> to vector<16xi32>
      %swap3A_505 = vector.shape_cast %get3A_499 : vector<16xi32> to vector<1x16xi32>
      tpu.vector_store %arg9[%swap3A_501, %swap3A_502], %swap3A_505 {strides = array<i32>} : memref<1x128xi32, #tpu.memory_space<vmem>>, vector<1x16xi32>,
      %get3A_506 = arith.constant 1 : i32
      %get3A_507 = arith.index_cast %get3A_506 : i32 to index
      %get3A_508 = arith.constant 16 : index
      %get3A_509 = tpu.vector_load %arg7[%get3A_507, %get3A_508] {strides = array<i32>} : memref<2x128xi32, #tpu.memory_space<vmem>>, vector<1x16xi32>,
      %get3A_510 = vector.shape_cast %get3A_509 : vector<1x16xi32> to vector<16xi32>
      %swap3A_511 = arith.constant 0 : i32
      %swap3A_512 = arith.index_cast %swap3A_511 : i32 to index
      %swap3A_513 = arith.constant 16 : index
      %swap3A_514 = tpu.vector_load %arg11[%swap3A_512, %swap3A_513] {strides = array<i32>} : memref<1x128xi32, #tpu.memory_space<vmem>>, vector<1x16xi32>,
      %swap3A_515 = vector.shape_cast %swap3A_514 : vector<1x16xi32> to vector<16xi32>
      %swap3A_516 = vector.shape_cast %get3A_510 : vector<16xi32> to vector<1x16xi32>
      tpu.vector_store %arg11[%swap3A_512, %swap3A_513], %swap3A_516 {strides = array<i32>} : memref<1x128xi32, #tpu.memory_space<vmem>>, vector<1x16xi32>,
      %get3A_517 = arith.constant 0 : i32
      %get3A_518 = arith.index_cast %get3A_517 : i32 to index
      %get3A_519 = arith.constant 32 : index
      %get3A_520 = tpu.vector_load %arg7[%get3A_518, %get3A_519] {strides = array<i32>} : memref<2x128xi32, #tpu.memory_space<vmem>>, vector<1x16xi32>,
      %get3A_521 = vector.shape_cast %get3A_520 : vector<1x16xi32> to vector<16xi32>
      %swap3A_522 = arith.constant 0 : i32
      %swap3A_523 = arith.index_cast %swap3A_522 : i32 to index
      %swap3A_524 = arith.constant 32 : index
      %swap3A_525 = tpu.vector_load %arg9[%swap3A_523, %swap3A_524] {strides = array<i32>} : memref<1x128xi32, #tpu.memory_space<vmem>>, vector<1x16xi32>,
      %swap3A_526 = vector.shape_cast %swap3A_525 : vector<1x16xi32> to vector<16xi32>
      %swap3A_527 = vector.shape_cast %get3A_521 : vector<16xi32> to vector<1x16xi32>
      tpu.vector_store %arg9[%swap3A_523, %swap3A_524], %swap3A_527 {strides = array<i32>} : memref<1x128xi32, #tpu.memory_space<vmem>>, vector<1x16xi32>,
      %get3A_528 = arith.constant 1 : i32
      %get3A_529 = arith.index_cast %get3A_528 : i32 to index
      %get3A_530 = arith.constant 32 : index
      %get3A_531 = tpu.vector_load %arg7[%get3A_529, %get3A_530] {strides = array<i32>} : memref<2x128xi32, #tpu.memory_space<vmem>>, vector<1x16xi32>,
      %get3A_532 = vector.shape_cast %get3A_531 : vector<1x16xi32> to vector<16xi32>
      %swap3A_533 = arith.constant 0 : i32
      %swap3A_534 = arith.index_cast %swap3A_533 : i32 to index
      %swap3A_535 = arith.constant 32 : index
      %swap3A_536 = tpu.vector_load %arg11[%swap3A_534, %swap3A_535] {strides = array<i32>} : memref<1x128xi32, #tpu.memory_space<vmem>>, vector<1x16xi32>,
      %swap3A_537 = vector.shape_cast %swap3A_536 : vector<1x16xi32> to vector<16xi32>
      %swap3A_538 = vector.shape_cast %get3A_532 : vector<16xi32> to vector<1x16xi32>
      tpu.vector_store %arg11[%swap3A_534, %swap3A_535], %swap3A_538 {strides = array<i32>} : memref<1x128xi32, #tpu.memory_space<vmem>>, vector<1x16xi32>,
      %get3A_539 = arith.constant 0 : i32
      %get3A_540 = arith.index_cast %get3A_539 : i32 to index
      %get3A_541 = arith.constant 48 : index
      %get3A_542 = tpu.vector_load %arg7[%get3A_540, %get3A_541] {strides = array<i32>} : memref<2x128xi32, #tpu.memory_space<vmem>>, vector<1x16xi32>,
      %get3A_543 = vector.shape_cast %get3A_542 : vector<1x16xi32> to vector<16xi32>
      %swap3A_544 = arith.constant 0 : i32
      %swap3A_545 = arith.index_cast %swap3A_544 : i32 to index
      %swap3A_546 = arith.constant 48 : index
      %swap3A_547 = tpu.vector_load %arg9[%swap3A_545, %swap3A_546] {strides = array<i32>} : memref<1x128xi32, #tpu.memory_space<vmem>>, vector<1x16xi32>,
      %swap3A_548 = vector.shape_cast %swap3A_547 : vector<1x16xi32> to vector<16xi32>
      %swap3A_549 = vector.shape_cast %get3A_543 : vector<16xi32> to vector<1x16xi32>
      tpu.vector_store %arg9[%swap3A_545, %swap3A_546], %swap3A_549 {strides = array<i32>} : memref<1x128xi32, #tpu.memory_space<vmem>>, vector<1x16xi32>,
      %get3A_550 = arith.constant 1 : i32
      %get3A_551 = arith.index_cast %get3A_550 : i32 to index
      %get3A_552 = arith.constant 48 : index
      %get3A_553 = tpu.vector_load %arg7[%get3A_551, %get3A_552] {strides = array<i32>} : memref<2x128xi32, #tpu.memory_space<vmem>>, vector<1x16xi32>,
      %get3A_554 = vector.shape_cast %get3A_553 : vector<1x16xi32> to vector<16xi32>
      %swap3A_555 = arith.constant 0 : i32
      %swap3A_556 = arith.index_cast %swap3A_555 : i32 to index
      %swap3A_557 = arith.constant 48 : index
      %swap3A_558 = tpu.vector_load %arg11[%swap3A_556, %swap3A_557] {strides = array<i32>} : memref<1x128xi32, #tpu.memory_space<vmem>>, vector<1x16xi32>,
      %swap3A_559 = vector.shape_cast %swap3A_558 : vector<1x16xi32> to vector<16xi32>
      %swap3A_560 = vector.shape_cast %get3A_554 : vector<16xi32> to vector<1x16xi32>
      tpu.vector_store %arg11[%swap3A_556, %swap3A_557], %swap3A_560 {strides = array<i32>} : memref<1x128xi32, #tpu.memory_space<vmem>>, vector<1x16xi32>,
      %get3A_561 = arith.constant 0 : i32
      %get3A_562 = arith.index_cast %get3A_561 : i32 to index
      %get3A_563 = arith.constant 64 : index
      %get3A_564 = tpu.vector_load %arg7[%get3A_562, %get3A_563] {strides = array<i32>} : memref<2x128xi32, #tpu.memory_space<vmem>>, vector<1x16xi32>,
      %get3A_565 = vector.shape_cast %get3A_564 : vector<1x16xi32> to vector<16xi32>
      %swap3A_566 = arith.constant 0 : i32
      %swap3A_567 = arith.index_cast %swap3A_566 : i32 to index
      %swap3A_568 = arith.constant 64 : index
      %swap3A_569 = tpu.vector_load %arg9[%swap3A_567, %swap3A_568] {strides = array<i32>} : memref<1x128xi32, #tpu.memory_space<vmem>>, vector<1x16xi32>,
      %swap3A_570 = vector.shape_cast %swap3A_569 : vector<1x16xi32> to vector<16xi32>
      %swap3A_571 = vector.shape_cast %get3A_565 : vector<16xi32> to vector<1x16xi32>
      tpu.vector_store %arg9[%swap3A_567, %swap3A_568], %swap3A_571 {strides = array<i32>} : memref<1x128xi32, #tpu.memory_space<vmem>>, vector<1x16xi32>,
      %get3A_572 = arith.constant 1 : i32
      %get3A_573 = arith.index_cast %get3A_572 : i32 to index
      %get3A_574 = arith.constant 64 : index
      %get3A_575 = tpu.vector_load %arg7[%get3A_573, %get3A_574] {strides = array<i32>} : memref<2x128xi32, #tpu.memory_space<vmem>>, vector<1x16xi32>,
      %get3A_576 = vector.shape_cast %get3A_575 : vector<1x16xi32> to vector<16xi32>
      %swap3A_577 = arith.constant 0 : i32
      %swap3A_578 = arith.index_cast %swap3A_577 : i32 to index
      %swap3A_579 = arith.constant 64 : index
      %swap3A_580 = tpu.vector_load %arg11[%swap3A_578, %swap3A_579] {strides = array<i32>} : memref<1x128xi32, #tpu.memory_space<vmem>>, vector<1x16xi32>,
      %swap3A_581 = vector.shape_cast %swap3A_580 : vector<1x16xi32> to vector<16xi32>
      %swap3A_582 = vector.shape_cast %get3A_576 : vector<16xi32> to vector<1x16xi32>
      tpu.vector_store %arg11[%swap3A_578, %swap3A_579], %swap3A_582 {strides = array<i32>} : memref<1x128xi32, #tpu.memory_space<vmem>>, vector<1x16xi32>,
      %get3A_583 = arith.constant 0 : i32
      %get3A_584 = arith.index_cast %get3A_583 : i32 to index
      %get3A_585 = arith.constant 80 : index
      %get3A_586 = tpu.vector_load %arg7[%get3A_584, %get3A_585] {strides = array<i32>} : memref<2x128xi32, #tpu.memory_space<vmem>>, vector<1x16xi32>,
      %get3A_587 = vector.shape_cast %get3A_586 : vector<1x16xi32> to vector<16xi32>
      %swap3A_588 = arith.constant 0 : i32
      %swap3A_589 = arith.index_cast %swap3A_588 : i32 to index
      %swap3A_590 = arith.constant 80 : index
      %swap3A_591 = tpu.vector_load %arg9[%swap3A_589, %swap3A_590] {strides = array<i32>} : memref<1x128xi32, #tpu.memory_space<vmem>>, vector<1x16xi32>,
      %swap3A_592 = vector.shape_cast %swap3A_591 : vector<1x16xi32> to vector<16xi32>
      %swap3A_593 = vector.shape_cast %get3A_587 : vector<16xi32> to vector<1x16xi32>
      tpu.vector_store %arg9[%swap3A_589, %swap3A_590], %swap3A_593 {strides = array<i32>} : memref<1x128xi32, #tpu.memory_space<vmem>>, vector<1x16xi32>,
      %get3A_594 = arith.constant 1 : i32
      %get3A_595 = arith.index_cast %get3A_594 : i32 to index
      %get3A_596 = arith.constant 80 : index
      %get3A_597 = tpu.vector_load %arg7[%get3A_595, %get3A_596] {strides = array<i32>} : memref<2x128xi32, #tpu.memory_space<vmem>>, vector<1x16xi32>,
      %get3A_598 = vector.shape_cast %get3A_597 : vector<1x16xi32> to vector<16xi32>
      %swap3A_599 = arith.constant 0 : i32
      %swap3A_600 = arith.index_cast %swap3A_599 : i32 to index
      %swap3A_601 = arith.constant 80 : index
      %swap3A_602 = tpu.vector_load %arg11[%swap3A_600, %swap3A_601] {strides = array<i32>} : memref<1x128xi32, #tpu.memory_space<vmem>>, vector<1x16xi32>,
      %swap3A_603 = vector.shape_cast %swap3A_602 : vector<1x16xi32> to vector<16xi32>
      %swap3A_604 = vector.shape_cast %get3A_598 : vector<16xi32> to vector<1x16xi32>
      tpu.vector_store %arg11[%swap3A_600, %swap3A_601], %swap3A_604 {strides = array<i32>} : memref<1x128xi32, #tpu.memory_space<vmem>>, vector<1x16xi32>,
      %get3A_605 = arith.constant 0 : i32
      %get3A_606 = arith.index_cast %get3A_605 : i32 to index
      %get3A_607 = arith.constant 96 : index
      %get3A_608 = tpu.vector_load %arg7[%get3A_606, %get3A_607] {strides = array<i32>} : memref<2x128xi32, #tpu.memory_space<vmem>>, vector<1x16xi32>,
      %get3A_609 = vector.shape_cast %get3A_608 : vector<1x16xi32> to vector<16xi32>
      %swap3A_610 = arith.constant 0 : i32
      %swap3A_611 = arith.index_cast %swap3A_610 : i32 to index
      %swap3A_612 = arith.constant 96 : index
      %swap3A_613 = tpu.vector_load %arg9[%swap3A_611, %swap3A_612] {strides = array<i32>} : memref<1x128xi32, #tpu.memory_space<vmem>>, vector<1x16xi32>,
      %swap3A_614 = vector.shape_cast %swap3A_613 : vector<1x16xi32> to vector<16xi32>
      %swap3A_615 = vector.shape_cast %get3A_609 : vector<16xi32> to vector<1x16xi32>
      tpu.vector_store %arg9[%swap3A_611, %swap3A_612], %swap3A_615 {strides = array<i32>} : memref<1x128xi32, #tpu.memory_space<vmem>>, vector<1x16xi32>,
      %get3A_616 = arith.constant 1 : i32
      %get3A_617 = arith.index_cast %get3A_616 : i32 to index
      %get3A_618 = arith.constant 96 : index
      %get3A_619 = tpu.vector_load %arg7[%get3A_617, %get3A_618] {strides = array<i32>} : memref<2x128xi32, #tpu.memory_space<vmem>>, vector<1x16xi32>,
      %get3A_620 = vector.shape_cast %get3A_619 : vector<1x16xi32> to vector<16xi32>
      %swap3A_621 = arith.constant 0 : i32
      %swap3A_622 = arith.index_cast %swap3A_621 : i32 to index
      %swap3A_623 = arith.constant 96 : index
      %swap3A_624 = tpu.vector_load %arg11[%swap3A_622, %swap3A_623] {strides = array<i32>} : memref<1x128xi32, #tpu.memory_space<vmem>>, vector<1x16xi32>,
      %swap3A_625 = vector.shape_cast %swap3A_624 : vector<1x16xi32> to vector<16xi32>
      %swap3A_626 = vector.shape_cast %get3A_620 : vector<16xi32> to vector<1x16xi32>
      tpu.vector_store %arg11[%swap3A_622, %swap3A_623], %swap3A_626 {strides = array<i32>} : memref<1x128xi32, #tpu.memory_space<vmem>>, vector<1x16xi32>,
      %get3A_627 = arith.constant 0 : i32
      %get3A_628 = arith.index_cast %get3A_627 : i32 to index
      %get3A_629 = arith.constant 112 : index
      %get3A_630 = tpu.vector_load %arg7[%get3A_628, %get3A_629] {strides = array<i32>} : memref<2x128xi32, #tpu.memory_space<vmem>>, vector<1x16xi32>,
      %get3A_631 = vector.shape_cast %get3A_630 : vector<1x16xi32> to vector<16xi32>
      %swap3A_632 = arith.constant 0 : i32
      %swap3A_633 = arith.index_cast %swap3A_632 : i32 to index
      %swap3A_634 = arith.constant 112 : index
      %swap3A_635 = tpu.vector_load %arg9[%swap3A_633, %swap3A_634] {strides = array<i32>} : memref<1x128xi32, #tpu.memory_space<vmem>>, vector<1x16xi32>,
      %swap3A_636 = vector.shape_cast %swap3A_635 : vector<1x16xi32> to vector<16xi32>
      %swap3A_637 = vector.shape_cast %get3A_631 : vector<16xi32> to vector<1x16xi32>
      tpu.vector_store %arg9[%swap3A_633, %swap3A_634], %swap3A_637 {strides = array<i32>} : memref<1x128xi32, #tpu.memory_space<vmem>>, vector<1x16xi32>,
      %get3A_638 = arith.constant 1 : i32
      %get3A_639 = arith.index_cast %get3A_638 : i32 to index
      %get3A_640 = arith.constant 112 : index
      %get3A_641 = tpu.vector_load %arg7[%get3A_639, %get3A_640] {strides = array<i32>} : memref<2x128xi32, #tpu.memory_space<vmem>>, vector<1x16xi32>,
      %get3A_642 = vector.shape_cast %get3A_641 : vector<1x16xi32> to vector<16xi32>
      %swap3A_643 = arith.constant 0 : i32
      %swap3A_644 = arith.index_cast %swap3A_643 : i32 to index
      %swap3A_645 = arith.constant 112 : index
      %swap3A_646 = tpu.vector_load %arg11[%swap3A_644, %swap3A_645] {strides = array<i32>} : memref<1x128xi32, #tpu.memory_space<vmem>>, vector<1x16xi32>,
      %swap3A_647 = vector.shape_cast %swap3A_646 : vector<1x16xi32> to vector<16xi32>
      %swap3A_648 = vector.shape_cast %get3A_642 : vector<16xi32> to vector<1x16xi32>
      tpu.vector_store %arg11[%swap3A_644, %swap3A_645], %swap3A_648 {strides = array<i32>} : memref<1x128xi32, #tpu.memory_space<vmem>>, vector<1x16xi32>,
      %dma_start3A_649 = arith.constant 0 : i32
      %dma_start3A_650 = arith.constant 0 : i32
      %dma_start3A_651 = tpu.memref_slice %arg9[%dma_start3A_649, %dma_start3A_650] : memref<1x128xi32, #tpu.memory_space<vmem>> -> memref<1x128xi32, #tpu.memory_space<vmem>>
      %dma_start3A_652 = tpu.memref_squeeze %dma_start3A_651 : memref<1x128xi32, #tpu.memory_space<vmem>> -> memref<128xi32, #tpu.memory_space<vmem>>
      %dma_start3A_653 = arith.constant 0 : i32
      %dma_start3A_654 = arith.constant 0 : i32
      %dma_start3A_655 = tpu.memref_slice %arg2[%dma_start3A_653, %dma_start3A_654] : memref<10240x128xf32, #tpu.memory_space<hbm>> -> memref<10240x128xf32, #tpu.memory_space<hbm>>
      tpu.enqueue_indirect_dma source(%dma_start3A_655 : memref<10240x128xf32, #tpu.memory_space<hbm>>) target(%arg13 : memref<128x128xf32, #tpu.memory_space<vmem>>) offsets(%dma_start3A_652 : memref<128xi32, #tpu.memory_space<vmem>>) semaphore(%arg16 : memref<!tpu.dma_semaphore, #tpu.memory_space<semaphore_mem>>)
      %dma_wait3A_656 = arith.constant 0 : i32
      %dma_wait3A_657 = arith.constant 0 : i32
      %dma_wait3A_658 = tpu.memref_slice %arg8[%dma_wait3A_656, %dma_wait3A_657] : memref<1x128xi32, #tpu.memory_space<vmem>> -> memref<1x128xi32, #tpu.memory_space<vmem>>
      %dma_wait3A_659 = tpu.memref_squeeze %dma_wait3A_658 : memref<1x128xi32, #tpu.memory_space<vmem>> -> memref<128xi32, #tpu.memory_space<vmem>>
      %dma_wait3A_660 = arith.constant 0 : i32
      %dma_wait3A_661 = arith.constant 0 : i32
      %dma_wait3A_662 = tpu.memref_slice %arg2[%dma_wait3A_660, %dma_wait3A_661] : memref<10240x128xf32, #tpu.memory_space<hbm>> -> memref<10240x128xf32, #tpu.memory_space<hbm>>
      tpu.wait_indirect_dma semaphore(%arg15 : memref<!tpu.dma_semaphore, #tpu.memory_space<semaphore_mem>>) src(%dma_wait3A_662 : memref<10240x128xf32, #tpu.memory_space<hbm>>) dst(%arg12 : memref<128x128xf32, #tpu.memory_space<vmem>>)
      %run_scoped3A_663 = arith.constant 0 : i32
      "tpu.region"() ({
        %run_scoped3A_872 = tpu.sem_alloc : memref<!tpu.dma_semaphore, #tpu.memory_space<semaphore_mem>>
        %dma_start3A_873 = arith.constant 0 : i32
        %dma_start3A_874 = tpu.memref_slice %arg10[%run_scoped3A_663, %dma_start3A_873] : memref<1x128xi32, #tpu.memory_space<vmem>> -> memref<1x128xi32, #tpu.memory_space<vmem>>
        %dma_start3A_875 = tpu.memref_squeeze %dma_start3A_874 : memref<1x128xi32, #tpu.memory_space<vmem>> -> memref<128xi32, #tpu.memory_space<vmem>>
        %dma_start3A_876 = arith.constant 0 : i32
        %dma_start3A_877 = arith.constant 0 : i32
        %dma_start3A_878 = tpu.memref_slice %arg14[%dma_start3A_876, %dma_start3A_877] : memref<10240x128xf32, #tpu.memory_space<vmem_shared>> -> memref<10240x128xf32, #tpu.memory_space<vmem_shared>>
        tpu.enqueue_indirect_dma source(%arg12 : memref<128x128xf32, #tpu.memory_space<vmem>>) target(%dma_start3A_878 : memref<10240x128xf32, #tpu.memory_space<vmem_shared>>) offsets(%dma_start3A_875 : memref<128xi32, #tpu.memory_space<vmem>>) semaphore(%run_scoped3A_872 : memref<!tpu.dma_semaphore, #tpu.memory_space<semaphore_mem>>) {add = true}
        %dma_wait3A_879 = arith.constant 0 : i32
        %dma_wait3A_880 = tpu.memref_slice %arg10[%run_scoped3A_663, %dma_wait3A_879] : memref<1x128xi32, #tpu.memory_space<vmem>> -> memref<1x128xi32, #tpu.memory_space<vmem>>
        %dma_wait3A_881 = tpu.memref_squeeze %dma_wait3A_880 : memref<1x128xi32, #tpu.memory_space<vmem>> -> memref<128xi32, #tpu.memory_space<vmem>>
        %dma_wait3A_882 = arith.constant 0 : i32
        %dma_wait3A_883 = arith.constant 0 : i32
        %dma_wait3A_884 = tpu.memref_slice %arg14[%dma_wait3A_882, %dma_wait3A_883] : memref<10240x128xf32, #tpu.memory_space<vmem_shared>> -> memref<10240x128xf32, #tpu.memory_space<vmem_shared>>
        tpu.wait_indirect_dma semaphore(%run_scoped3A_872 : memref<!tpu.dma_semaphore, #tpu.memory_space<semaphore_mem>>) src(%arg12 : memref<128x128xf32, #tpu.memory_space<vmem>>) dst(%dma_wait3A_884 : memref<10240x128xf32, #tpu.memory_space<vmem_shared>>)
        tpu.yield
      }) : () -> ()
      %add3A_664 = arith.constant 3 : i32
      %add3A_665 = arith.addi %mul3A_455, %add3A_664 : i32
      %add3A_666 = arith.addi %add3A_4, %add3A_665 : i32
      %mul3A_667 = arith.constant 128 : i32
      %mul3A_668 = arith.muli %add3A_666, %mul3A_667 : i32
      %dma_start3A_669 = arith.constant 0 : i32
      %dma_start3A_670 = tpu.memref_slice %arg3[%dma_start3A_669, %mul3A_668] : memref<2x320000xi32, #tpu.memory_space<hbm>> -> memref<2x128xi32, #tpu.memory_space<hbm>>
      %dma_start3A_671 = arith.constant 0 : i32
      %dma_start3A_672 = tpu.memref_slice %arg3[%dma_start3A_671, %mul3A_668] : memref<2x320000xi32, #tpu.memory_space<hbm>> -> memref<2x128xi32, #tpu.memory_space<hbm>>
      tpu.enqueue_dma source(%dma_start3A_672 : memref<2x128xi32, #tpu.memory_space<hbm>>) target(%arg7 : memref<2x128xi32, #tpu.memory_space<vmem>>) target_semaphore(%arg18 : memref<!tpu.dma_semaphore, #tpu.memory_space<semaphore_mem>>)
      %add3A_673 = arith.constant 0 : i32
      %add3A_674 = arith.addi %add3A_4, %add3A_673 : i32
      %mul3A_675 = arith.constant 128 : i32
      %mul3A_676 = arith.muli %add3A_674, %mul3A_675 : i32
      %dma_wait3A_677 = arith.constant 0 : i32
      %dma_wait3A_678 = tpu.memref_slice %arg3[%dma_wait3A_677, %mul3A_676] : memref<2x320000xi32, #tpu.memory_space<hbm>> -> memref<2x128xi32, #tpu.memory_space<hbm>>
      %dma_wait3A_679 = arith.constant 0 : i32
      %dma_wait3A_680 = tpu.memref_slice %arg3[%dma_wait3A_679, %mul3A_676] : memref<2x320000xi32, #tpu.memory_space<hbm>> -> memref<2x128xi32, #tpu.memory_space<hbm>>
      tpu.wait_dma2 semaphore(%arg17 : memref<!tpu.dma_semaphore, #tpu.memory_space<semaphore_mem>>) src(%dma_wait3A_680 : memref<2x128xi32, #tpu.memory_space<hbm>>) dst(%arg6 : memref<2x128xi32, #tpu.memory_space<vmem>>)
      %get3A_681 = arith.constant 0 : i32
      %get3A_682 = arith.index_cast %get3A_681 : i32 to index
      %get3A_683 = arith.constant 0 : index
      %get3A_684 = tpu.vector_load %arg6[%get3A_682, %get3A_683] {strides = array<i32>} : memref<2x128xi32, #tpu.memory_space<vmem>>, vector<1x16xi32>,
      %get3A_685 = vector.shape_cast %get3A_684 : vector<1x16xi32> to vector<16xi32>
      %swap3A_686 = arith.constant 0 : i32
      %swap3A_687 = arith.index_cast %swap3A_686 : i32 to index
      %swap3A_688 = arith.constant 0 : index
      %swap3A_689 = tpu.vector_load %arg8[%swap3A_687, %swap3A_688] {strides = array<i32>} : memref<1x128xi32, #tpu.memory_space<vmem>>, vector<1x16xi32>,
      %swap3A_690 = vector.shape_cast %swap3A_689 : vector<1x16xi32> to vector<16xi32>
      %swap3A_691 = vector.shape_cast %get3A_685 : vector<16xi32> to vector<1x16xi32>
      tpu.vector_store %arg8[%swap3A_687, %swap3A_688], %swap3A_691 {strides = array<i32>} : memref<1x128xi32, #tpu.memory_space<vmem>>, vector<1x16xi32>,
      %get3A_692 = arith.constant 1 : i32
      %get3A_693 = arith.index_cast %get3A_692 : i32 to index
      %get3A_694 = arith.constant 0 : index
      %get3A_695 = tpu.vector_load %arg6[%get3A_693, %get3A_694] {strides = array<i32>} : memref<2x128xi32, #tpu.memory_space<vmem>>, vector<1x16xi32>,
      %get3A_696 = vector.shape_cast %get3A_695 : vector<1x16xi32> to vector<16xi32>
      %swap3A_697 = arith.constant 0 : i32
      %swap3A_698 = arith.index_cast %swap3A_697 : i32 to index
      %swap3A_699 = arith.constant 0 : index
      %swap3A_700 = tpu.vector_load %arg10[%swap3A_698, %swap3A_699] {strides = array<i32>} : memref<1x128xi32, #tpu.memory_space<vmem>>, vector<1x16xi32>,
      %swap3A_701 = vector.shape_cast %swap3A_700 : vector<1x16xi32> to vector<16xi32>
      %swap3A_702 = vector.shape_cast %get3A_696 : vector<16xi32> to vector<1x16xi32>
      tpu.vector_store %arg10[%swap3A_698, %swap3A_699], %swap3A_702 {strides = array<i32>} : memref<1x128xi32, #tpu.memory_space<vmem>>, vector<1x16xi32>,
      %get3A_703 = arith.constant 0 : i32
      %get3A_704 = arith.index_cast %get3A_703 : i32 to index
      %get3A_705 = arith.constant 16 : index
      %get3A_706 = tpu.vector_load %arg6[%get3A_704, %get3A_705] {strides = array<i32>} : memref<2x128xi32, #tpu.memory_space<vmem>>, vector<1x16xi32>,
      %get3A_707 = vector.shape_cast %get3A_706 : vector<1x16xi32> to vector<16xi32>
      %swap3A_708 = arith.constant 0 : i32
      %swap3A_709 = arith.index_cast %swap3A_708 : i32 to index
      %swap3A_710 = arith.constant 16 : index
      %swap3A_711 = tpu.vector_load %arg8[%swap3A_709, %swap3A_710] {strides = array<i32>} : memref<1x128xi32, #tpu.memory_space<vmem>>, vector<1x16xi32>,
      %swap3A_712 = vector.shape_cast %swap3A_711 : vector<1x16xi32> to vector<16xi32>
      %swap3A_713 = vector.shape_cast %get3A_707 : vector<16xi32> to vector<1x16xi32>
      tpu.vector_store %arg8[%swap3A_709, %swap3A_710], %swap3A_713 {strides = array<i32>} : memref<1x128xi32, #tpu.memory_space<vmem>>, vector<1x16xi32>,
      %get3A_714 = arith.constant 1 : i32
      %get3A_715 = arith.index_cast %get3A_714 : i32 to index
      %get3A_716 = arith.constant 16 : index
      %get3A_717 = tpu.vector_load %arg6[%get3A_715, %get3A_716] {strides = array<i32>} : memref<2x128xi32, #tpu.memory_space<vmem>>, vector<1x16xi32>,
      %get3A_718 = vector.shape_cast %get3A_717 : vector<1x16xi32> to vector<16xi32>
      %swap3A_719 = arith.constant 0 : i32
      %swap3A_720 = arith.index_cast %swap3A_719 : i32 to index
      %swap3A_721 = arith.constant 16 : index
      %swap3A_722 = tpu.vector_load %arg10[%swap3A_720, %swap3A_721] {strides = array<i32>} : memref<1x128xi32, #tpu.memory_space<vmem>>, vector<1x16xi32>,
      %swap3A_723 = vector.shape_cast %swap3A_722 : vector<1x16xi32> to vector<16xi32>
      %swap3A_724 = vector.shape_cast %get3A_718 : vector<16xi32> to vector<1x16xi32>
      tpu.vector_store %arg10[%swap3A_720, %swap3A_721], %swap3A_724 {strides = array<i32>} : memref<1x128xi32, #tpu.memory_space<vmem>>, vector<1x16xi32>,
      %get3A_725 = arith.constant 0 : i32
      %get3A_726 = arith.index_cast %get3A_725 : i32 to index
      %get3A_727 = arith.constant 32 : index
      %get3A_728 = tpu.vector_load %arg6[%get3A_726, %get3A_727] {strides = array<i32>} : memref<2x128xi32, #tpu.memory_space<vmem>>, vector<1x16xi32>,
      %get3A_729 = vector.shape_cast %get3A_728 : vector<1x16xi32> to vector<16xi32>
      %swap3A_730 = arith.constant 0 : i32
      %swap3A_731 = arith.index_cast %swap3A_730 : i32 to index
      %swap3A_732 = arith.constant 32 : index
      %swap3A_733 = tpu.vector_load %arg8[%swap3A_731, %swap3A_732] {strides = array<i32>} : memref<1x128xi32, #tpu.memory_space<vmem>>, vector<1x16xi32>,
      %swap3A_734 = vector.shape_cast %swap3A_733 : vector<1x16xi32> to vector<16xi32>
      %swap3A_735 = vector.shape_cast %get3A_729 : vector<16xi32> to vector<1x16xi32>
      tpu.vector_store %arg8[%swap3A_731, %swap3A_732], %swap3A_735 {strides = array<i32>} : memref<1x128xi32, #tpu.memory_space<vmem>>, vector<1x16xi32>,
      %get3A_736 = arith.constant 1 : i32
      %get3A_737 = arith.index_cast %get3A_736 : i32 to index
      %get3A_738 = arith.constant 32 : index
      %get3A_739 = tpu.vector_load %arg6[%get3A_737, %get3A_738] {strides = array<i32>} : memref<2x128xi32, #tpu.memory_space<vmem>>, vector<1x16xi32>,
      %get3A_740 = vector.shape_cast %get3A_739 : vector<1x16xi32> to vector<16xi32>
      %swap3A_741 = arith.constant 0 : i32
      %swap3A_742 = arith.index_cast %swap3A_741 : i32 to index
      %swap3A_743 = arith.constant 32 : index
      %swap3A_744 = tpu.vector_load %arg10[%swap3A_742, %swap3A_743] {strides = array<i32>} : memref<1x128xi32, #tpu.memory_space<vmem>>, vector<1x16xi32>,
      %swap3A_745 = vector.shape_cast %swap3A_744 : vector<1x16xi32> to vector<16xi32>
      %swap3A_746 = vector.shape_cast %get3A_740 : vector<16xi32> to vector<1x16xi32>
      tpu.vector_store %arg10[%swap3A_742, %swap3A_743], %swap3A_746 {strides = array<i32>} : memref<1x128xi32, #tpu.memory_space<vmem>>, vector<1x16xi32>,
      %get3A_747 = arith.constant 0 : i32
      %get3A_748 = arith.index_cast %get3A_747 : i32 to index
      %get3A_749 = arith.constant 48 : index
      %get3A_750 = tpu.vector_load %arg6[%get3A_748, %get3A_749] {strides = array<i32>} : memref<2x128xi32, #tpu.memory_space<vmem>>, vector<1x16xi32>,
      %get3A_751 = vector.shape_cast %get3A_750 : vector<1x16xi32> to vector<16xi32>
      %swap3A_752 = arith.constant 0 : i32
      %swap3A_753 = arith.index_cast %swap3A_752 : i32 to index
      %swap3A_754 = arith.constant 48 : index
      %swap3A_755 = tpu.vector_load %arg8[%swap3A_753, %swap3A_754] {strides = array<i32>} : memref<1x128xi32, #tpu.memory_space<vmem>>, vector<1x16xi32>,
      %swap3A_756 = vector.shape_cast %swap3A_755 : vector<1x16xi32> to vector<16xi32>
      %swap3A_757 = vector.shape_cast %get3A_751 : vector<16xi32> to vector<1x16xi32>
      tpu.vector_store %arg8[%swap3A_753, %swap3A_754], %swap3A_757 {strides = array<i32>} : memref<1x128xi32, #tpu.memory_space<vmem>>, vector<1x16xi32>,
      %get3A_758 = arith.constant 1 : i32
      %get3A_759 = arith.index_cast %get3A_758 : i32 to index
      %get3A_760 = arith.constant 48 : index
      %get3A_761 = tpu.vector_load %arg6[%get3A_759, %get3A_760] {strides = array<i32>} : memref<2x128xi32, #tpu.memory_space<vmem>>, vector<1x16xi32>,
      %get3A_762 = vector.shape_cast %get3A_761 : vector<1x16xi32> to vector<16xi32>
      %swap3A_763 = arith.constant 0 : i32
      %swap3A_764 = arith.index_cast %swap3A_763 : i32 to index
      %swap3A_765 = arith.constant 48 : index
      %swap3A_766 = tpu.vector_load %arg10[%swap3A_764, %swap3A_765] {strides = array<i32>} : memref<1x128xi32, #tpu.memory_space<vmem>>, vector<1x16xi32>,
      %swap3A_767 = vector.shape_cast %swap3A_766 : vector<1x16xi32> to vector<16xi32>
      %swap3A_768 = vector.shape_cast %get3A_762 : vector<16xi32> to vector<1x16xi32>
      tpu.vector_store %arg10[%swap3A_764, %swap3A_765], %swap3A_768 {strides = array<i32>} : memref<1x128xi32, #tpu.memory_space<vmem>>, vector<1x16xi32>,
      %get3A_769 = arith.constant 0 : i32
      %get3A_770 = arith.index_cast %get3A_769 : i32 to index
      %get3A_771 = arith.constant 64 : index
      %get3A_772 = tpu.vector_load %arg6[%get3A_770, %get3A_771] {strides = array<i32>} : memref<2x128xi32, #tpu.memory_space<vmem>>, vector<1x16xi32>,
      %get3A_773 = vector.shape_cast %get3A_772 : vector<1x16xi32> to vector<16xi32>
      %swap3A_774 = arith.constant 0 : i32
      %swap3A_775 = arith.index_cast %swap3A_774 : i32 to index
      %swap3A_776 = arith.constant 64 : index
      %swap3A_777 = tpu.vector_load %arg8[%swap3A_775, %swap3A_776] {strides = array<i32>} : memref<1x128xi32, #tpu.memory_space<vmem>>, vector<1x16xi32>,
      %swap3A_778 = vector.shape_cast %swap3A_777 : vector<1x16xi32> to vector<16xi32>
      %swap3A_779 = vector.shape_cast %get3A_773 : vector<16xi32> to vector<1x16xi32>
      tpu.vector_store %arg8[%swap3A_775, %swap3A_776], %swap3A_779 {strides = array<i32>} : memref<1x128xi32, #tpu.memory_space<vmem>>, vector<1x16xi32>,
      %get3A_780 = arith.constant 1 : i32
      %get3A_781 = arith.index_cast %get3A_780 : i32 to index
      %get3A_782 = arith.constant 64 : index
      %get3A_783 = tpu.vector_load %arg6[%get3A_781, %get3A_782] {strides = array<i32>} : memref<2x128xi32, #tpu.memory_space<vmem>>, vector<1x16xi32>,
      %get3A_784 = vector.shape_cast %get3A_783 : vector<1x16xi32> to vector<16xi32>
      %swap3A_785 = arith.constant 0 : i32
      %swap3A_786 = arith.index_cast %swap3A_785 : i32 to index
      %swap3A_787 = arith.constant 64 : index
      %swap3A_788 = tpu.vector_load %arg10[%swap3A_786, %swap3A_787] {strides = array<i32>} : memref<1x128xi32, #tpu.memory_space<vmem>>, vector<1x16xi32>,
      %swap3A_789 = vector.shape_cast %swap3A_788 : vector<1x16xi32> to vector<16xi32>
      %swap3A_790 = vector.shape_cast %get3A_784 : vector<16xi32> to vector<1x16xi32>
      tpu.vector_store %arg10[%swap3A_786, %swap3A_787], %swap3A_790 {strides = array<i32>} : memref<1x128xi32, #tpu.memory_space<vmem>>, vector<1x16xi32>,
      %get3A_791 = arith.constant 0 : i32
      %get3A_792 = arith.index_cast %get3A_791 : i32 to index
      %get3A_793 = arith.constant 80 : index
      %get3A_794 = tpu.vector_load %arg6[%get3A_792, %get3A_793] {strides = array<i32>} : memref<2x128xi32, #tpu.memory_space<vmem>>, vector<1x16xi32>,
      %get3A_795 = vector.shape_cast %get3A_794 : vector<1x16xi32> to vector<16xi32>
      %swap3A_796 = arith.constant 0 : i32
      %swap3A_797 = arith.index_cast %swap3A_796 : i32 to index
      %swap3A_798 = arith.constant 80 : index
      %swap3A_799 = tpu.vector_load %arg8[%swap3A_797, %swap3A_798] {strides = array<i32>} : memref<1x128xi32, #tpu.memory_space<vmem>>, vector<1x16xi32>,
      %swap3A_800 = vector.shape_cast %swap3A_799 : vector<1x16xi32> to vector<16xi32>
      %swap3A_801 = vector.shape_cast %get3A_795 : vector<16xi32> to vector<1x16xi32>
      tpu.vector_store %arg8[%swap3A_797, %swap3A_798], %swap3A_801 {strides = array<i32>} : memref<1x128xi32, #tpu.memory_space<vmem>>, vector<1x16xi32>,
      %get3A_802 = arith.constant 1 : i32
      %get3A_803 = arith.index_cast %get3A_802 : i32 to index
      %get3A_804 = arith.constant 80 : index
      %get3A_805 = tpu.vector_load %arg6[%get3A_803, %get3A_804] {strides = array<i32>} : memref<2x128xi32, #tpu.memory_space<vmem>>, vector<1x16xi32>,
      %get3A_806 = vector.shape_cast %get3A_805 : vector<1x16xi32> to vector<16xi32>
      %swap3A_807 = arith.constant 0 : i32
      %swap3A_808 = arith.index_cast %swap3A_807 : i32 to index
      %swap3A_809 = arith.constant 80 : index
      %swap3A_810 = tpu.vector_load %arg10[%swap3A_808, %swap3A_809] {strides = array<i32>} : memref<1x128xi32, #tpu.memory_space<vmem>>, vector<1x16xi32>,
      %swap3A_811 = vector.shape_cast %swap3A_810 : vector<1x16xi32> to vector<16xi32>
      %swap3A_812 = vector.shape_cast %get3A_806 : vector<16xi32> to vector<1x16xi32>
      tpu.vector_store %arg10[%swap3A_808, %swap3A_809], %swap3A_812 {strides = array<i32>} : memref<1x128xi32, #tpu.memory_space<vmem>>, vector<1x16xi32>,
      %get3A_813 = arith.constant 0 : i32
      %get3A_814 = arith.index_cast %get3A_813 : i32 to index
      %get3A_815 = arith.constant 96 : index
      %get3A_816 = tpu.vector_load %arg6[%get3A_814, %get3A_815] {strides = array<i32>} : memref<2x128xi32, #tpu.memory_space<vmem>>, vector<1x16xi32>,
      %get3A_817 = vector.shape_cast %get3A_816 : vector<1x16xi32> to vector<16xi32>
      %swap3A_818 = arith.constant 0 : i32
      %swap3A_819 = arith.index_cast %swap3A_818 : i32 to index
      %swap3A_820 = arith.constant 96 : index
      %swap3A_821 = tpu.vector_load %arg8[%swap3A_819, %swap3A_820] {strides = array<i32>} : memref<1x128xi32, #tpu.memory_space<vmem>>, vector<1x16xi32>,
      %swap3A_822 = vector.shape_cast %swap3A_821 : vector<1x16xi32> to vector<16xi32>
      %swap3A_823 = vector.shape_cast %get3A_817 : vector<16xi32> to vector<1x16xi32>
      tpu.vector_store %arg8[%swap3A_819, %swap3A_820], %swap3A_823 {strides = array<i32>} : memref<1x128xi32, #tpu.memory_space<vmem>>, vector<1x16xi32>,
      %get3A_824 = arith.constant 1 : i32
      %get3A_825 = arith.index_cast %get3A_824 : i32 to index
      %get3A_826 = arith.constant 96 : index
      %get3A_827 = tpu.vector_load %arg6[%get3A_825, %get3A_826] {strides = array<i32>} : memref<2x128xi32, #tpu.memory_space<vmem>>, vector<1x16xi32>,
      %get3A_828 = vector.shape_cast %get3A_827 : vector<1x16xi32> to vector<16xi32>
      %swap3A_829 = arith.constant 0 : i32
      %swap3A_830 = arith.index_cast %swap3A_829 : i32 to index
      %swap3A_831 = arith.constant 96 : index
      %swap3A_832 = tpu.vector_load %arg10[%swap3A_830, %swap3A_831] {strides = array<i32>} : memref<1x128xi32, #tpu.memory_space<vmem>>, vector<1x16xi32>,
      %swap3A_833 = vector.shape_cast %swap3A_832 : vector<1x16xi32> to vector<16xi32>
      %swap3A_834 = vector.shape_cast %get3A_828 : vector<16xi32> to vector<1x16xi32>
      tpu.vector_store %arg10[%swap3A_830, %swap3A_831], %swap3A_834 {strides = array<i32>} : memref<1x128xi32, #tpu.memory_space<vmem>>, vector<1x16xi32>,
      %get3A_835 = arith.constant 0 : i32
      %get3A_836 = arith.index_cast %get3A_835 : i32 to index
      %get3A_837 = arith.constant 112 : index
      %get3A_838 = tpu.vector_load %arg6[%get3A_836, %get3A_837] {strides = array<i32>} : memref<2x128xi32, #tpu.memory_space<vmem>>, vector<1x16xi32>,
      %get3A_839 = vector.shape_cast %get3A_838 : vector<1x16xi32> to vector<16xi32>
      %swap3A_840 = arith.constant 0 : i32
      %swap3A_841 = arith.index_cast %swap3A_840 : i32 to index
      %swap3A_842 = arith.constant 112 : index
      %swap3A_843 = tpu.vector_load %arg8[%swap3A_841, %swap3A_842] {strides = array<i32>} : memref<1x128xi32, #tpu.memory_space<vmem>>, vector<1x16xi32>,
      %swap3A_844 = vector.shape_cast %swap3A_843 : vector<1x16xi32> to vector<16xi32>
      %swap3A_845 = vector.shape_cast %get3A_839 : vector<16xi32> to vector<1x16xi32>
      tpu.vector_store %arg8[%swap3A_841, %swap3A_842], %swap3A_845 {strides = array<i32>} : memref<1x128xi32, #tpu.memory_space<vmem>>, vector<1x16xi32>,
      %get3A_846 = arith.constant 1 : i32
      %get3A_847 = arith.index_cast %get3A_846 : i32 to index
      %get3A_848 = arith.constant 112 : index
      %get3A_849 = tpu.vector_load %arg6[%get3A_847, %get3A_848] {strides = array<i32>} : memref<2x128xi32, #tpu.memory_space<vmem>>, vector<1x16xi32>,
      %get3A_850 = vector.shape_cast %get3A_849 : vector<1x16xi32> to vector<16xi32>
      %swap3A_851 = arith.constant 0 : i32
      %swap3A_852 = arith.index_cast %swap3A_851 : i32 to index
      %swap3A_853 = arith.constant 112 : index
      %swap3A_854 = tpu.vector_load %arg10[%swap3A_852, %swap3A_853] {strides = array<i32>} : memref<1x128xi32, #tpu.memory_space<vmem>>, vector<1x16xi32>,
      %swap3A_855 = vector.shape_cast %swap3A_854 : vector<1x16xi32> to vector<16xi32>
      %swap3A_856 = vector.shape_cast %get3A_850 : vector<16xi32> to vector<1x16xi32>
      tpu.vector_store %arg10[%swap3A_852, %swap3A_853], %swap3A_856 {strides = array<i32>} : memref<1x128xi32, #tpu.memory_space<vmem>>, vector<1x16xi32>,
      %dma_start3A_857 = arith.constant 0 : i32
      %dma_start3A_858 = arith.constant 0 : i32
      %dma_start3A_859 = tpu.memref_slice %arg8[%dma_start3A_857, %dma_start3A_858] : memref<1x128xi32, #tpu.memory_space<vmem>> -> memref<1x128xi32, #tpu.memory_space<vmem>>
      %dma_start3A_860 = tpu.memref_squeeze %dma_start3A_859 : memref<1x128xi32, #tpu.memory_space<vmem>> -> memref<128xi32, #tpu.memory_space<vmem>>
      %dma_start3A_861 = arith.constant 0 : i32
      %dma_start3A_862 = arith.constant 0 : i32
      %dma_start3A_863 = tpu.memref_slice %arg2[%dma_start3A_861, %dma_start3A_862] : memref<10240x128xf32, #tpu.memory_space<hbm>> -> memref<10240x128xf32, #tpu.memory_space<hbm>>
      tpu.enqueue_indirect_dma source(%dma_start3A_863 : memref<10240x128xf32, #tpu.memory_space<hbm>>) target(%arg12 : memref<128x128xf32, #tpu.memory_space<vmem>>) offsets(%dma_start3A_860 : memref<128xi32, #tpu.memory_space<vmem>>) semaphore(%arg15 : memref<!tpu.dma_semaphore, #tpu.memory_space<semaphore_mem>>)
      %dma_wait3A_864 = arith.constant 0 : i32
      %dma_wait3A_865 = arith.constant 0 : i32
      %dma_wait3A_866 = tpu.memref_slice %arg9[%dma_wait3A_864, %dma_wait3A_865] : memref<1x128xi32, #tpu.memory_space<vmem>> -> memref<1x128xi32, #tpu.memory_space<vmem>>
      %dma_wait3A_867 = tpu.memref_squeeze %dma_wait3A_866 : memref<1x128xi32, #tpu.memory_space<vmem>> -> memref<128xi32, #tpu.memory_space<vmem>>
      %dma_wait3A_868 = arith.constant 0 : i32
      %dma_wait3A_869 = arith.constant 0 : i32
      %dma_wait3A_870 = tpu.memref_slice %arg2[%dma_wait3A_868, %dma_wait3A_869] : memref<10240x128xf32, #tpu.memory_space<hbm>> -> memref<10240x128xf32, #tpu.memory_space<hbm>>
      tpu.wait_indirect_dma semaphore(%arg16 : memref<!tpu.dma_semaphore, #tpu.memory_space<semaphore_mem>>) src(%dma_wait3A_870 : memref<10240x128xf32, #tpu.memory_space<hbm>>) dst(%arg13 : memref<128x128xf32, #tpu.memory_space<vmem>>)
      %run_scoped3A_871 = arith.constant 0 : i32
      "tpu.region"() ({
        %run_scoped3A_872 = tpu.sem_alloc : memref<!tpu.dma_semaphore, #tpu.memory_space<semaphore_mem>>
        %dma_start3A_873 = arith.constant 0 : i32
        %dma_start3A_874 = tpu.memref_slice %arg11[%run_scoped3A_871, %dma_start3A_873] : memref<1x128xi32, #tpu.memory_space<vmem>> -> memref<1x128xi32, #tpu.memory_space<vmem>>
        %dma_start3A_875 = tpu.memref_squeeze %dma_start3A_874 : memref<1x128xi32, #tpu.memory_space<vmem>> -> memref<128xi32, #tpu.memory_space<vmem>>
        %dma_start3A_876 = arith.constant 0 : i32
        %dma_start3A_877 = arith.constant 0 : i32
        %dma_start3A_878 = tpu.memref_slice %arg14[%dma_start3A_876, %dma_start3A_877] : memref<10240x128xf32, #tpu.memory_space<vmem_shared>> -> memref<10240x128xf32, #tpu.memory_space<vmem_shared>>
        tpu.enqueue_indirect_dma source(%arg13 : memref<128x128xf32, #tpu.memory_space<vmem>>) target(%dma_start3A_878 : memref<10240x128xf32, #tpu.memory_space<vmem_shared>>) offsets(%dma_start3A_875 : memref<128xi32, #tpu.memory_space<vmem>>) semaphore(%run_scoped3A_872 : memref<!tpu.dma_semaphore, #tpu.memory_space<semaphore_mem>>) {add = true}
        %dma_wait3A_879 = arith.constant 0 : i32
        %dma_wait3A_880 = tpu.memref_slice %arg11[%run_scoped3A_871, %dma_wait3A_879] : memref<1x128xi32, #tpu.memory_space<vmem>> -> memref<1x128xi32, #tpu.memory_space<vmem>>
        %dma_wait3A_881 = tpu.memref_squeeze %dma_wait3A_880 : memref<1x128xi32, #tpu.memory_space<vmem>> -> memref<128xi32, #tpu.memory_space<vmem>>
        %dma_wait3A_882 = arith.constant 0 : i32
        %dma_wait3A_883 = arith.constant 0 : i32
        %dma_wait3A_884 = tpu.memref_slice %arg14[%dma_wait3A_882, %dma_wait3A_883] : memref<10240x128xf32, #tpu.memory_space<vmem_shared>> -> memref<10240x128xf32, #tpu.memory_space<vmem_shared>>
        tpu.wait_indirect_dma semaphore(%run_scoped3A_872 : memref<!tpu.dma_semaphore, #tpu.memory_space<semaphore_mem>>) src(%arg13 : memref<128x128xf32, #tpu.memory_space<vmem>>) dst(%dma_wait3A_884 : memref<10240x128xf32, #tpu.memory_space<vmem_shared>>)
        tpu.yield
      }) : () -> ()
    }
    %scan3A_225 = arith.constant 38 : i32
    %add3A_226 = arith.constant 0 : i32
    %add3A_227 = arith.addi %add3A_4, %add3A_226 : i32
    %mul3A_228 = arith.constant 128 : i32
    %mul3A_229 = arith.muli %add3A_227, %mul3A_228 : i32
    %dma_wait3A_230 = arith.constant 0 : i32
    %dma_wait3A_231 = tpu.memref_slice %arg3[%dma_wait3A_230, %mul3A_229] : memref<2x320000xi32, #tpu.memory_space<hbm>> -> memref<2x128xi32, #tpu.memory_space<hbm>>
    %dma_wait3A_232 = arith.constant 0 : i32
    %dma_wait3A_233 = tpu.memref_slice %arg3[%dma_wait3A_232, %mul3A_229] : memref<2x320000xi32, #tpu.memory_space<hbm>> -> memref<2x128xi32, #tpu.memory_space<hbm>>
    tpu.wait_dma2 semaphore(%arg18 : memref<!tpu.dma_semaphore, #tpu.memory_space<semaphore_mem>>) src(%dma_wait3A_233 : memref<2x128xi32, #tpu.memory_space<hbm>>) dst(%arg7 : memref<2x128xi32, #tpu.memory_space<vmem>>)
    %get3A_234 = arith.constant 0 : i32
    %get3A_235 = arith.index_cast %get3A_234 : i32 to index
    %get3A_236 = arith.constant 0 : index
    %get3A_237 = tpu.vector_load %arg7[%get3A_235, %get3A_236] {strides = array<i32>} : memref<2x128xi32, #tpu.memory_space<vmem>>, vector<1x16xi32>,
    %get3A_238 = vector.shape_cast %get3A_237 : vector<1x16xi32> to vector<16xi32>
    %swap3A_239 = arith.constant 0 : i32
    %swap3A_240 = arith.index_cast %swap3A_239 : i32 to index
    %swap3A_241 = arith.constant 0 : index
    %swap3A_242 = tpu.vector_load %arg9[%swap3A_240, %swap3A_241] {strides = array<i32>} : memref<1x128xi32, #tpu.memory_space<vmem>>, vector<1x16xi32>,
    %swap3A_243 = vector.shape_cast %swap3A_242 : vector<1x16xi32> to vector<16xi32>
    %swap3A_244 = vector.shape_cast %get3A_238 : vector<16xi32> to vector<1x16xi32>
    tpu.vector_store %arg9[%swap3A_240, %swap3A_241], %swap3A_244 {strides = array<i32>} : memref<1x128xi32, #tpu.memory_space<vmem>>, vector<1x16xi32>,
    %get3A_245 = arith.constant 1 : i32
    %get3A_246 = arith.index_cast %get3A_245 : i32 to index
    %get3A_247 = arith.constant 0 : index
    %get3A_248 = tpu.vector_load %arg7[%get3A_246, %get3A_247] {strides = array<i32>} : memref<2x128xi32, #tpu.memory_space<vmem>>, vector<1x16xi32>,
    %get3A_249 = vector.shape_cast %get3A_248 : vector<1x16xi32> to vector<16xi32>
    %swap3A_250 = arith.constant 0 : i32
    %swap3A_251 = arith.index_cast %swap3A_250 : i32 to index
    %swap3A_252 = arith.constant 0 : index
    %swap3A_253 = tpu.vector_load %arg11[%swap3A_251, %swap3A_252] {strides = array<i32>} : memref<1x128xi32, #tpu.memory_space<vmem>>, vector<1x16xi32>,
    %swap3A_254 = vector.shape_cast %swap3A_253 : vector<1x16xi32> to vector<16xi32>
    %swap3A_255 = vector.shape_cast %get3A_249 : vector<16xi32> to vector<1x16xi32>
    tpu.vector_store %arg11[%swap3A_251, %swap3A_252], %swap3A_255 {strides = array<i32>} : memref<1x128xi32, #tpu.memory_space<vmem>>, vector<1x16xi32>,
    %get3A_256 = arith.constant 0 : i32
    %get3A_257 = arith.index_cast %get3A_256 : i32 to index
    %get3A_258 = arith.constant 16 : index
    %get3A_259 = tpu.vector_load %arg7[%get3A_257, %get3A_258] {strides = array<i32>} : memref<2x128xi32, #tpu.memory_space<vmem>>, vector<1x16xi32>,
    %get3A_260 = vector.shape_cast %get3A_259 : vector<1x16xi32> to vector<16xi32>
    %swap3A_261 = arith.constant 0 : i32
    %swap3A_262 = arith.index_cast %swap3A_261 : i32 to index
    %swap3A_263 = arith.constant 16 : index
    %swap3A_264 = tpu.vector_load %arg9[%swap3A_262, %swap3A_263] {strides = array<i32>} : memref<1x128xi32, #tpu.memory_space<vmem>>, vector<1x16xi32>,
    %swap3A_265 = vector.shape_cast %swap3A_264 : vector<1x16xi32> to vector<16xi32>
    %swap3A_266 = vector.shape_cast %get3A_260 : vector<16xi32> to vector<1x16xi32>
    tpu.vector_store %arg9[%swap3A_262, %swap3A_263], %swap3A_266 {strides = array<i32>} : memref<1x128xi32, #tpu.memory_space<vmem>>, vector<1x16xi32>,
    %get3A_267 = arith.constant 1 : i32
    %get3A_268 = arith.index_cast %get3A_267 : i32 to index
    %get3A_269 = arith.constant 16 : index
    %get3A_270 = tpu.vector_load %arg7[%get3A_268, %get3A_269] {strides = array<i32>} : memref<2x128xi32, #tpu.memory_space<vmem>>, vector<1x16xi32>,
    %get3A_271 = vector.shape_cast %get3A_270 : vector<1x16xi32> to vector<16xi32>
    %swap3A_272 = arith.constant 0 : i32
    %swap3A_273 = arith.index_cast %swap3A_272 : i32 to index
    %swap3A_274 = arith.constant 16 : index
    %swap3A_275 = tpu.vector_load %arg11[%swap3A_273, %swap3A_274] {strides = array<i32>} : memref<1x128xi32, #tpu.memory_space<vmem>>, vector<1x16xi32>,
    %swap3A_276 = vector.shape_cast %swap3A_275 : vector<1x16xi32> to vector<16xi32>
    %swap3A_277 = vector.shape_cast %get3A_271 : vector<16xi32> to vector<1x16xi32>
    tpu.vector_store %arg11[%swap3A_273, %swap3A_274], %swap3A_277 {strides = array<i32>} : memref<1x128xi32, #tpu.memory_space<vmem>>, vector<1x16xi32>,
    %get3A_278 = arith.constant 0 : i32
    %get3A_279 = arith.index_cast %get3A_278 : i32 to index
    %get3A_280 = arith.constant 32 : index
    %get3A_281 = tpu.vector_load %arg7[%get3A_279, %get3A_280] {strides = array<i32>} : memref<2x128xi32, #tpu.memory_space<vmem>>, vector<1x16xi32>,
    %get3A_282 = vector.shape_cast %get3A_281 : vector<1x16xi32> to vector<16xi32>
    %swap3A_283 = arith.constant 0 : i32
    %swap3A_284 = arith.index_cast %swap3A_283 : i32 to index
    %swap3A_285 = arith.constant 32 : index
    %swap3A_286 = tpu.vector_load %arg9[%swap3A_284, %swap3A_285] {strides = array<i32>} : memref<1x128xi32, #tpu.memory_space<vmem>>, vector<1x16xi32>,
    %swap3A_287 = vector.shape_cast %swap3A_286 : vector<1x16xi32> to vector<16xi32>
    %swap3A_288 = vector.shape_cast %get3A_282 : vector<16xi32> to vector<1x16xi32>
    tpu.vector_store %arg9[%swap3A_284, %swap3A_285], %swap3A_288 {strides = array<i32>} : memref<1x128xi32, #tpu.memory_space<vmem>>, vector<1x16xi32>,
    %get3A_289 = arith.constant 1 : i32
    %get3A_290 = arith.index_cast %get3A_289 : i32 to index
    %get3A_291 = arith.constant 32 : index
    %get3A_292 = tpu.vector_load %arg7[%get3A_290, %get3A_291] {strides = array<i32>} : memref<2x128xi32, #tpu.memory_space<vmem>>, vector<1x16xi32>,
    %get3A_293 = vector.shape_cast %get3A_292 : vector<1x16xi32> to vector<16xi32>
    %swap3A_294 = arith.constant 0 : i32
    %swap3A_295 = arith.index_cast %swap3A_294 : i32 to index
    %swap3A_296 = arith.constant 32 : index
    %swap3A_297 = tpu.vector_load %arg11[%swap3A_295, %swap3A_296] {strides = array<i32>} : memref<1x128xi32, #tpu.memory_space<vmem>>, vector<1x16xi32>,
    %swap3A_298 = vector.shape_cast %swap3A_297 : vector<1x16xi32> to vector<16xi32>
    %swap3A_299 = vector.shape_cast %get3A_293 : vector<16xi32> to vector<1x16xi32>
    tpu.vector_store %arg11[%swap3A_295, %swap3A_296], %swap3A_299 {strides = array<i32>} : memref<1x128xi32, #tpu.memory_space<vmem>>, vector<1x16xi32>,
    %get3A_300 = arith.constant 0 : i32
    %get3A_301 = arith.index_cast %get3A_300 : i32 to index
    %get3A_302 = arith.constant 48 : index
    %get3A_303 = tpu.vector_load %arg7[%get3A_301, %get3A_302] {strides = array<i32>} : memref<2x128xi32, #tpu.memory_space<vmem>>, vector<1x16xi32>,
    %get3A_304 = vector.shape_cast %get3A_303 : vector<1x16xi32> to vector<16xi32>
    %swap3A_305 = arith.constant 0 : i32
    %swap3A_306 = arith.index_cast %swap3A_305 : i32 to index
    %swap3A_307 = arith.constant 48 : index
    %swap3A_308 = tpu.vector_load %arg9[%swap3A_306, %swap3A_307] {strides = array<i32>} : memref<1x128xi32, #tpu.memory_space<vmem>>, vector<1x16xi32>,
    %swap3A_309 = vector.shape_cast %swap3A_308 : vector<1x16xi32> to vector<16xi32>
    %swap3A_310 = vector.shape_cast %get3A_304 : vector<16xi32> to vector<1x16xi32>
    tpu.vector_store %arg9[%swap3A_306, %swap3A_307], %swap3A_310 {strides = array<i32>} : memref<1x128xi32, #tpu.memory_space<vmem>>, vector<1x16xi32>,
    %get3A_311 = arith.constant 1 : i32
    %get3A_312 = arith.index_cast %get3A_311 : i32 to index
    %get3A_313 = arith.constant 48 : index
    %get3A_314 = tpu.vector_load %arg7[%get3A_312, %get3A_313] {strides = array<i32>} : memref<2x128xi32, #tpu.memory_space<vmem>>, vector<1x16xi32>,
    %get3A_315 = vector.shape_cast %get3A_314 : vector<1x16xi32> to vector<16xi32>
    %swap3A_316 = arith.constant 0 : i32
    %swap3A_317 = arith.index_cast %swap3A_316 : i32 to index
    %swap3A_318 = arith.constant 48 : index
    %swap3A_319 = tpu.vector_load %arg11[%swap3A_317, %swap3A_318] {strides = array<i32>} : memref<1x128xi32, #tpu.memory_space<vmem>>, vector<1x16xi32>,
    %swap3A_320 = vector.shape_cast %swap3A_319 : vector<1x16xi32> to vector<16xi32>
    %swap3A_321 = vector.shape_cast %get3A_315 : vector<16xi32> to vector<1x16xi32>
    tpu.vector_store %arg11[%swap3A_317, %swap3A_318], %swap3A_321 {strides = array<i32>} : memref<1x128xi32, #tpu.memory_space<vmem>>, vector<1x16xi32>,
    %get3A_322 = arith.constant 0 : i32
    %get3A_323 = arith.index_cast %get3A_322 : i32 to index
    %get3A_324 = arith.constant 64 : index
    %get3A_325 = tpu.vector_load %arg7[%get3A_323, %get3A_324] {strides = array<i32>} : memref<2x128xi32, #tpu.memory_space<vmem>>, vector<1x16xi32>,
    %get3A_326 = vector.shape_cast %get3A_325 : vector<1x16xi32> to vector<16xi32>
    %swap3A_327 = arith.constant 0 : i32
    %swap3A_328 = arith.index_cast %swap3A_327 : i32 to index
    %swap3A_329 = arith.constant 64 : index
    %swap3A_330 = tpu.vector_load %arg9[%swap3A_328, %swap3A_329] {strides = array<i32>} : memref<1x128xi32, #tpu.memory_space<vmem>>, vector<1x16xi32>,
    %swap3A_331 = vector.shape_cast %swap3A_330 : vector<1x16xi32> to vector<16xi32>
    %swap3A_332 = vector.shape_cast %get3A_326 : vector<16xi32> to vector<1x16xi32>
    tpu.vector_store %arg9[%swap3A_328, %swap3A_329], %swap3A_332 {strides = array<i32>} : memref<1x128xi32, #tpu.memory_space<vmem>>, vector<1x16xi32>,
    %get3A_333 = arith.constant 1 : i32
    %get3A_334 = arith.index_cast %get3A_333 : i32 to index
    %get3A_335 = arith.constant 64 : index
    %get3A_336 = tpu.vector_load %arg7[%get3A_334, %get3A_335] {strides = array<i32>} : memref<2x128xi32, #tpu.memory_space<vmem>>, vector<1x16xi32>,
    %get3A_337 = vector.shape_cast %get3A_336 : vector<1x16xi32> to vector<16xi32>
    %swap3A_338 = arith.constant 0 : i32
    %swap3A_339 = arith.index_cast %swap3A_338 : i32 to index
    %swap3A_340 = arith.constant 64 : index
    %swap3A_341 = tpu.vector_load %arg11[%swap3A_339, %swap3A_340] {strides = array<i32>} : memref<1x128xi32, #tpu.memory_space<vmem>>, vector<1x16xi32>,
    %swap3A_342 = vector.shape_cast %swap3A_341 : vector<1x16xi32> to vector<16xi32>
    %swap3A_343 = vector.shape_cast %get3A_337 : vector<16xi32> to vector<1x16xi32>
    tpu.vector_store %arg11[%swap3A_339, %swap3A_340], %swap3A_343 {strides = array<i32>} : memref<1x128xi32, #tpu.memory_space<vmem>>, vector<1x16xi32>,
    %get3A_344 = arith.constant 0 : i32
    %get3A_345 = arith.index_cast %get3A_344 : i32 to index
    %get3A_346 = arith.constant 80 : index
    %get3A_347 = tpu.vector_load %arg7[%get3A_345, %get3A_346] {strides = array<i32>} : memref<2x128xi32, #tpu.memory_space<vmem>>, vector<1x16xi32>,
    %get3A_348 = vector.shape_cast %get3A_347 : vector<1x16xi32> to vector<16xi32>
    %swap3A_349 = arith.constant 0 : i32
    %swap3A_350 = arith.index_cast %swap3A_349 : i32 to index
    %swap3A_351 = arith.constant 80 : index
    %swap3A_352 = tpu.vector_load %arg9[%swap3A_350, %swap3A_351] {strides = array<i32>} : memref<1x128xi32, #tpu.memory_space<vmem>>, vector<1x16xi32>,
    %swap3A_353 = vector.shape_cast %swap3A_352 : vector<1x16xi32> to vector<16xi32>
    %swap3A_354 = vector.shape_cast %get3A_348 : vector<16xi32> to vector<1x16xi32>
    tpu.vector_store %arg9[%swap3A_350, %swap3A_351], %swap3A_354 {strides = array<i32>} : memref<1x128xi32, #tpu.memory_space<vmem>>, vector<1x16xi32>,
    %get3A_355 = arith.constant 1 : i32
    %get3A_356 = arith.index_cast %get3A_355 : i32 to index
    %get3A_357 = arith.constant 80 : index
    %get3A_358 = tpu.vector_load %arg7[%get3A_356, %get3A_357] {strides = array<i32>} : memref<2x128xi32, #tpu.memory_space<vmem>>, vector<1x16xi32>,
    %get3A_359 = vector.shape_cast %get3A_358 : vector<1x16xi32> to vector<16xi32>
    %swap3A_360 = arith.constant 0 : i32
    %swap3A_361 = arith.index_cast %swap3A_360 : i32 to index
    %swap3A_362 = arith.constant 80 : index
    %swap3A_363 = tpu.vector_load %arg11[%swap3A_361, %swap3A_362] {strides = array<i32>} : memref<1x128xi32, #tpu.memory_space<vmem>>, vector<1x16xi32>,
    %swap3A_364 = vector.shape_cast %swap3A_363 : vector<1x16xi32> to vector<16xi32>
    %swap3A_365 = vector.shape_cast %get3A_359 : vector<16xi32> to vector<1x16xi32>
    tpu.vector_store %arg11[%swap3A_361, %swap3A_362], %swap3A_365 {strides = array<i32>} : memref<1x128xi32, #tpu.memory_space<vmem>>, vector<1x16xi32>,
    %get3A_366 = arith.constant 0 : i32
    %get3A_367 = arith.index_cast %get3A_366 : i32 to index
    %get3A_368 = arith.constant 96 : index
    %get3A_369 = tpu.vector_load %arg7[%get3A_367, %get3A_368] {strides = array<i32>} : memref<2x128xi32, #tpu.memory_space<vmem>>, vector<1x16xi32>,
    %get3A_370 = vector.shape_cast %get3A_369 : vector<1x16xi32> to vector<16xi32>
    %swap3A_371 = arith.constant 0 : i32
    %swap3A_372 = arith.index_cast %swap3A_371 : i32 to index
    %swap3A_373 = arith.constant 96 : index
    %swap3A_374 = tpu.vector_load %arg9[%swap3A_372, %swap3A_373] {strides = array<i32>} : memref<1x128xi32, #tpu.memory_space<vmem>>, vector<1x16xi32>,
    %swap3A_375 = vector.shape_cast %swap3A_374 : vector<1x16xi32> to vector<16xi32>
    %swap3A_376 = vector.shape_cast %get3A_370 : vector<16xi32> to vector<1x16xi32>
    tpu.vector_store %arg9[%swap3A_372, %swap3A_373], %swap3A_376 {strides = array<i32>} : memref<1x128xi32, #tpu.memory_space<vmem>>, vector<1x16xi32>,
    %get3A_377 = arith.constant 1 : i32
    %get3A_378 = arith.index_cast %get3A_377 : i32 to index
    %get3A_379 = arith.constant 96 : index
    %get3A_380 = tpu.vector_load %arg7[%get3A_378, %get3A_379] {strides = array<i32>} : memref<2x128xi32, #tpu.memory_space<vmem>>, vector<1x16xi32>,
    %get3A_381 = vector.shape_cast %get3A_380 : vector<1x16xi32> to vector<16xi32>
    %swap3A_382 = arith.constant 0 : i32
    %swap3A_383 = arith.index_cast %swap3A_382 : i32 to index
    %swap3A_384 = arith.constant 96 : index
    %swap3A_385 = tpu.vector_load %arg11[%swap3A_383, %swap3A_384] {strides = array<i32>} : memref<1x128xi32, #tpu.memory_space<vmem>>, vector<1x16xi32>,
    %swap3A_386 = vector.shape_cast %swap3A_385 : vector<1x16xi32> to vector<16xi32>
    %swap3A_387 = vector.shape_cast %get3A_381 : vector<16xi32> to vector<1x16xi32>
    tpu.vector_store %arg11[%swap3A_383, %swap3A_384], %swap3A_387 {strides = array<i32>} : memref<1x128xi32, #tpu.memory_space<vmem>>, vector<1x16xi32>,
    %get3A_388 = arith.constant 0 : i32
    %get3A_389 = arith.index_cast %get3A_388 : i32 to index
    %get3A_390 = arith.constant 112 : index
    %get3A_391 = tpu.vector_load %arg7[%get3A_389, %get3A_390] {strides = array<i32>} : memref<2x128xi32, #tpu.memory_space<vmem>>, vector<1x16xi32>,
    %get3A_392 = vector.shape_cast %get3A_391 : vector<1x16xi32> to vector<16xi32>
    %swap3A_393 = arith.constant 0 : i32
    %swap3A_394 = arith.index_cast %swap3A_393 : i32 to index
    %swap3A_395 = arith.constant 112 : index
    %swap3A_396 = tpu.vector_load %arg9[%swap3A_394, %swap3A_395] {strides = array<i32>} : memref<1x128xi32, #tpu.memory_space<vmem>>, vector<1x16xi32>,
    %swap3A_397 = vector.shape_cast %swap3A_396 : vector<1x16xi32> to vector<16xi32>
    %swap3A_398 = vector.shape_cast %get3A_392 : vector<16xi32> to vector<1x16xi32>
    tpu.vector_store %arg9[%swap3A_394, %swap3A_395], %swap3A_398 {strides = array<i32>} : memref<1x128xi32, #tpu.memory_space<vmem>>, vector<1x16xi32>,
    %get3A_399 = arith.constant 1 : i32
    %get3A_400 = arith.index_cast %get3A_399 : i32 to index
    %get3A_401 = arith.constant 112 : index
    %get3A_402 = tpu.vector_load %arg7[%get3A_400, %get3A_401] {strides = array<i32>} : memref<2x128xi32, #tpu.memory_space<vmem>>, vector<1x16xi32>,
    %get3A_403 = vector.shape_cast %get3A_402 : vector<1x16xi32> to vector<16xi32>
    %swap3A_404 = arith.constant 0 : i32
    %swap3A_405 = arith.index_cast %swap3A_404 : i32 to index
    %swap3A_406 = arith.constant 112 : index
    %swap3A_407 = tpu.vector_load %arg11[%swap3A_405, %swap3A_406] {strides = array<i32>} : memref<1x128xi32, #tpu.memory_space<vmem>>, vector<1x16xi32>,
    %swap3A_408 = vector.shape_cast %swap3A_407 : vector<1x16xi32> to vector<16xi32>
    %swap3A_409 = vector.shape_cast %get3A_403 : vector<16xi32> to vector<1x16xi32>
    tpu.vector_store %arg11[%swap3A_405, %swap3A_406], %swap3A_409 {strides = array<i32>} : memref<1x128xi32, #tpu.memory_space<vmem>>, vector<1x16xi32>,
    %dma_start3A_410 = arith.constant 0 : i32
    %dma_start3A_411 = arith.constant 0 : i32
    %dma_start3A_412 = tpu.memref_slice %arg9[%dma_start3A_410, %dma_start3A_411] : memref<1x128xi32, #tpu.memory_space<vmem>> -> memref<1x128xi32, #tpu.memory_space<vmem>>
    %dma_start3A_413 = tpu.memref_squeeze %dma_start3A_412 : memref<1x128xi32, #tpu.memory_space<vmem>> -> memref<128xi32, #tpu.memory_space<vmem>>
    %dma_start3A_414 = arith.constant 0 : i32
    %dma_start3A_415 = arith.constant 0 : i32
    %dma_start3A_416 = tpu.memref_slice %arg2[%dma_start3A_414, %dma_start3A_415] : memref<10240x128xf32, #tpu.memory_space<hbm>> -> memref<10240x128xf32, #tpu.memory_space<hbm>>
    tpu.enqueue_indirect_dma source(%dma_start3A_416 : memref<10240x128xf32, #tpu.memory_space<hbm>>) target(%arg13 : memref<128x128xf32, #tpu.memory_space<vmem>>) offsets(%dma_start3A_413 : memref<128xi32, #tpu.memory_space<vmem>>) semaphore(%arg16 : memref<!tpu.dma_semaphore, #tpu.memory_space<semaphore_mem>>)
    %dma_wait3A_417 = arith.constant 0 : i32
    %dma_wait3A_418 = arith.constant 0 : i32
    %dma_wait3A_419 = tpu.memref_slice %arg8[%dma_wait3A_417, %dma_wait3A_418] : memref<1x128xi32, #tpu.memory_space<vmem>> -> memref<1x128xi32, #tpu.memory_space<vmem>>
    %dma_wait3A_420 = tpu.memref_squeeze %dma_wait3A_419 : memref<1x128xi32, #tpu.memory_space<vmem>> -> memref<128xi32, #tpu.memory_space<vmem>>
    %dma_wait3A_421 = arith.constant 0 : i32
    %dma_wait3A_422 = arith.constant 0 : i32
    %dma_wait3A_423 = tpu.memref_slice %arg2[%dma_wait3A_421, %dma_wait3A_422] : memref<10240x128xf32, #tpu.memory_space<hbm>> -> memref<10240x128xf32, #tpu.memory_space<hbm>>
    tpu.wait_indirect_dma semaphore(%arg15 : memref<!tpu.dma_semaphore, #tpu.memory_space<semaphore_mem>>) src(%dma_wait3A_423 : memref<10240x128xf32, #tpu.memory_space<hbm>>) dst(%arg12 : memref<128x128xf32, #tpu.memory_space<vmem>>)
    %run_scoped3A = arith.constant 0 : i32
    "tpu.region"() ({
      %run_scoped3A_453 = tpu.sem_alloc : memref<!tpu.dma_semaphore, #tpu.memory_space<semaphore_mem>>
      %dma_start3A_454 = arith.constant 0 : i32
      %dma_start3A_455 = tpu.memref_slice %arg10[%run_scoped3A, %dma_start3A_454] : memref<1x128xi32, #tpu.memory_space<vmem>> -> memref<1x128xi32, #tpu.memory_space<vmem>>
      %dma_start3A_456 = tpu.memref_squeeze %dma_start3A_455 : memref<1x128xi32, #tpu.memory_space<vmem>> -> memref<128xi32, #tpu.memory_space<vmem>>
      %dma_start3A_457 = arith.constant 0 : i32
      %dma_start3A_458 = arith.constant 0 : i32
      %dma_start3A_459 = tpu.memref_slice %arg14[%dma_start3A_457, %dma_start3A_458] : memref<10240x128xf32, #tpu.memory_space<vmem_shared>> -> memref<10240x128xf32, #tpu.memory_space<vmem_shared>>
      tpu.enqueue_indirect_dma source(%arg12 : memref<128x128xf32, #tpu.memory_space<vmem>>) target(%dma_start3A_459 : memref<10240x128xf32, #tpu.memory_space<vmem_shared>>) offsets(%dma_start3A_456 : memref<128xi32, #tpu.memory_space<vmem>>) semaphore(%run_scoped3A_453 : memref<!tpu.dma_semaphore, #tpu.memory_space<semaphore_mem>>) {add = true}
      %dma_wait3A_460 = arith.constant 0 : i32
      %dma_wait3A_461 = tpu.memref_slice %arg10[%run_scoped3A, %dma_wait3A_460] : memref<1x128xi32, #tpu.memory_space<vmem>> -> memref<1x128xi32, #tpu.memory_space<vmem>>
      %dma_wait3A_462 = tpu.memref_squeeze %dma_wait3A_461 : memref<1x128xi32, #tpu.memory_space<vmem>> -> memref<128xi32, #tpu.memory_space<vmem>>
      %dma_wait3A_463 = arith.constant 0 : i32
      %dma_wait3A_464 = arith.constant 0 : i32
      %dma_wait3A_465 = tpu.memref_slice %arg14[%dma_wait3A_463, %dma_wait3A_464] : memref<10240x128xf32, #tpu.memory_space<vmem_shared>> -> memref<10240x128xf32, #tpu.memory_space<vmem_shared>>
      tpu.wait_indirect_dma semaphore(%run_scoped3A_453 : memref<!tpu.dma_semaphore, #tpu.memory_space<semaphore_mem>>) src(%arg12 : memref<128x128xf32, #tpu.memory_space<vmem>>) dst(%dma_wait3A_465 : memref<10240x128xf32, #tpu.memory_space<vmem_shared>>)
      tpu.yield
    }) : () -> ()
    %eq3A_424 = arith.constant 79 : i32
    %eq3A_425 = arith.cmpi eq, %add3A_8, %eq3A_424 : i32
    %convert_element_type3A_426 = arith.extui %eq3A_425 : i1 to i32
    %cond3A_427 = arith.constant 0 : i32
    %cond3A_428 = arith.cmpi ne, %convert_element_type3A_426, %cond3A_427 : i32
    scf.if %cond3A_428 {
      %add3A_453 = arith.constant 78 : i32
      %add3A_454 = arith.addi %add3A_4, %add3A_453 : i32
      %mul3A_455 = arith.constant 128 : i32
      %mul3A_456 = arith.muli %add3A_454, %mul3A_455 : i32
      %dma_start3A_457 = arith.constant 0 : i32
      %dma_start3A_458 = tpu.memref_slice %arg3[%dma_start3A_457, %mul3A_456] : memref<2x320000xi32, #tpu.memory_space<hbm>> -> memref<2x128xi32, #tpu.memory_space<hbm>>
      %dma_start3A_459 = arith.constant 0 : i32
      %dma_start3A_460 = tpu.memref_slice %arg3[%dma_start3A_459, %mul3A_456] : memref<2x320000xi32, #tpu.memory_space<hbm>> -> memref<2x128xi32, #tpu.memory_space<hbm>>
      tpu.enqueue_dma source(%dma_start3A_460 : memref<2x128xi32, #tpu.memory_space<hbm>>) target(%arg6 : memref<2x128xi32, #tpu.memory_space<vmem>>) target_semaphore(%arg17 : memref<!tpu.dma_semaphore, #tpu.memory_space<semaphore_mem>>)
    } else {
    }
    %dma_wait3A_429 = arith.constant 0 : i32
    %dma_wait3A_430 = arith.constant 0 : i32
    %dma_wait3A_431 = tpu.memref_slice %arg9[%dma_wait3A_429, %dma_wait3A_430] : memref<1x128xi32, #tpu.memory_space<vmem>> -> memref<1x128xi32, #tpu.memory_space<vmem>>
    %dma_wait3A_432 = tpu.memref_squeeze %dma_wait3A_431 : memref<1x128xi32, #tpu.memory_space<vmem>> -> memref<128xi32, #tpu.memory_space<vmem>>
    %dma_wait3A_433 = arith.constant 0 : i32
    %dma_wait3A_434 = arith.constant 0 : i32
    %dma_wait3A_435 = tpu.memref_slice %arg2[%dma_wait3A_433, %dma_wait3A_434] : memref<10240x128xf32, #tpu.memory_space<hbm>> -> memref<10240x128xf32, #tpu.memory_space<hbm>>
    tpu.wait_indirect_dma semaphore(%arg16 : memref<!tpu.dma_semaphore, #tpu.memory_space<semaphore_mem>>) src(%dma_wait3A_435 : memref<10240x128xf32, #tpu.memory_space<hbm>>) dst(%arg13 : memref<128x128xf32, #tpu.memory_space<vmem>>)
    %run_scoped3A_436 = arith.constant 0 : i32
    "tpu.region"() ({
      %run_scoped3A_453 = tpu.sem_alloc : memref<!tpu.dma_semaphore, #tpu.memory_space<semaphore_mem>>
      %dma_start3A_454 = arith.constant 0 : i32
      %dma_start3A_455 = tpu.memref_slice %arg11[%run_scoped3A_436, %dma_start3A_454] : memref<1x128xi32, #tpu.memory_space<vmem>> -> memref<1x128xi32, #tpu.memory_space<vmem>>
      %dma_start3A_456 = tpu.memref_squeeze %dma_start3A_455 : memref<1x128xi32, #tpu.memory_space<vmem>> -> memref<128xi32, #tpu.memory_space<vmem>>
      %dma_start3A_457 = arith.constant 0 : i32
      %dma_start3A_458 = arith.constant 0 : i32
      %dma_start3A_459 = tpu.memref_slice %arg14[%dma_start3A_457, %dma_start3A_458] : memref<10240x128xf32, #tpu.memory_space<vmem_shared>> -> memref<10240x128xf32, #tpu.memory_space<vmem_shared>>
      tpu.enqueue_indirect_dma source(%arg13 : memref<128x128xf32, #tpu.memory_space<vmem>>) target(%dma_start3A_459 : memref<10240x128xf32, #tpu.memory_space<vmem_shared>>) offsets(%dma_start3A_456 : memref<128xi32, #tpu.memory_space<vmem>>) semaphore(%run_scoped3A_453 : memref<!tpu.dma_semaphore, #tpu.memory_space<semaphore_mem>>) {add = true}
      %dma_wait3A_460 = arith.constant 0 : i32
      %dma_wait3A_461 = tpu.memref_slice %arg11[%run_scoped3A_436, %dma_wait3A_460] : memref<1x128xi32, #tpu.memory_space<vmem>> -> memref<1x128xi32, #tpu.memory_space<vmem>>
      %dma_wait3A_462 = tpu.memref_squeeze %dma_wait3A_461 : memref<1x128xi32, #tpu.memory_space<vmem>> -> memref<128xi32, #tpu.memory_space<vmem>>
      %dma_wait3A_463 = arith.constant 0 : i32
      %dma_wait3A_464 = arith.constant 0 : i32
      %dma_wait3A_465 = tpu.memref_slice %arg14[%dma_wait3A_463, %dma_wait3A_464] : memref<10240x128xf32, #tpu.memory_space<vmem_shared>> -> memref<10240x128xf32, #tpu.memory_space<vmem_shared>>
      tpu.wait_indirect_dma semaphore(%run_scoped3A_453 : memref<!tpu.dma_semaphore, #tpu.memory_space<semaphore_mem>>) src(%arg13 : memref<128x128xf32, #tpu.memory_space<vmem>>) dst(%dma_wait3A_465 : memref<10240x128xf32, #tpu.memory_space<vmem_shared>>)
      tpu.yield
    }) : () -> ()
    %eq3A_437 = arith.constant 79 : i32
    %eq3A_438 = arith.cmpi eq, %add3A_8, %eq3A_437 : i32
    %convert_element_type3A_439 = arith.extui %eq3A_438 : i1 to i32
    %cond3A_440 = arith.constant 0 : i32
    %cond3A_441 = arith.cmpi ne, %convert_element_type3A_439, %cond3A_440 : i32
    scf.if %cond3A_441 {
      %add3A_453 = arith.constant 0 : i32
      %add3A_454 = arith.addi %add3A_4, %add3A_453 : i32
      %mul3A_455 = arith.constant 128 : i32
      %mul3A_456 = arith.muli %add3A_454, %mul3A_455 : i32
      %dma_wait3A_457 = arith.constant 0 : i32
      %dma_wait3A_458 = tpu.memref_slice %arg3[%dma_wait3A_457, %mul3A_456] : memref<2x320000xi32, #tpu.memory_space<hbm>> -> memref<2x128xi32, #tpu.memory_space<hbm>>
      %dma_wait3A_459 = arith.constant 0 : i32
      %dma_wait3A_460 = tpu.memref_slice %arg3[%dma_wait3A_459, %mul3A_456] : memref<2x320000xi32, #tpu.memory_space<hbm>> -> memref<2x128xi32, #tpu.memory_space<hbm>>
      tpu.wait_dma2 semaphore(%arg17 : memref<!tpu.dma_semaphore, #tpu.memory_space<semaphore_mem>>) src(%dma_wait3A_460 : memref<2x128xi32, #tpu.memory_space<hbm>>) dst(%arg6 : memref<2x128xi32, #tpu.memory_space<vmem>>)
      %get3A_461 = arith.constant 0 : i32
      %get3A_462 = arith.index_cast %get3A_461 : i32 to index
      %get3A_463 = arith.constant 0 : index
      %get3A_464 = tpu.vector_load %arg6[%get3A_462, %get3A_463] {strides = array<i32>} : memref<2x128xi32, #tpu.memory_space<vmem>>, vector<1x16xi32>,
      %get3A_465 = vector.shape_cast %get3A_464 : vector<1x16xi32> to vector<16xi32>
      %swap3A_466 = arith.constant 0 : i32
      %swap3A_467 = arith.index_cast %swap3A_466 : i32 to index
      %swap3A_468 = arith.constant 0 : index
      %swap3A_469 = tpu.vector_load %arg8[%swap3A_467, %swap3A_468] {strides = array<i32>} : memref<1x128xi32, #tpu.memory_space<vmem>>, vector<1x16xi32>,
      %swap3A_470 = vector.shape_cast %swap3A_469 : vector<1x16xi32> to vector<16xi32>
      %swap3A_471 = vector.shape_cast %get3A_465 : vector<16xi32> to vector<1x16xi32>
      tpu.vector_store %arg8[%swap3A_467, %swap3A_468], %swap3A_471 {strides = array<i32>} : memref<1x128xi32, #tpu.memory_space<vmem>>, vector<1x16xi32>,
      %get3A_472 = arith.constant 1 : i32
      %get3A_473 = arith.index_cast %get3A_472 : i32 to index
      %get3A_474 = arith.constant 0 : index
      %get3A_475 = tpu.vector_load %arg6[%get3A_473, %get3A_474] {strides = array<i32>} : memref<2x128xi32, #tpu.memory_space<vmem>>, vector<1x16xi32>,
      %get3A_476 = vector.shape_cast %get3A_475 : vector<1x16xi32> to vector<16xi32>
      %swap3A_477 = arith.constant 0 : i32
      %swap3A_478 = arith.index_cast %swap3A_477 : i32 to index
      %swap3A_479 = arith.constant 0 : index
      %swap3A_480 = tpu.vector_load %arg10[%swap3A_478, %swap3A_479] {strides = array<i32>} : memref<1x128xi32, #tpu.memory_space<vmem>>, vector<1x16xi32>,
      %swap3A_481 = vector.shape_cast %swap3A_480 : vector<1x16xi32> to vector<16xi32>
      %swap3A_482 = vector.shape_cast %get3A_476 : vector<16xi32> to vector<1x16xi32>
      tpu.vector_store %arg10[%swap3A_478, %swap3A_479], %swap3A_482 {strides = array<i32>} : memref<1x128xi32, #tpu.memory_space<vmem>>, vector<1x16xi32>,
      %get3A_483 = arith.constant 0 : i32
      %get3A_484 = arith.index_cast %get3A_483 : i32 to index
      %get3A_485 = arith.constant 16 : index
      %get3A_486 = tpu.vector_load %arg6[%get3A_484, %get3A_485] {strides = array<i32>} : memref<2x128xi32, #tpu.memory_space<vmem>>, vector<1x16xi32>,
      %get3A_487 = vector.shape_cast %get3A_486 : vector<1x16xi32> to vector<16xi32>
      %swap3A_488 = arith.constant 0 : i32
      %swap3A_489 = arith.index_cast %swap3A_488 : i32 to index
      %swap3A_490 = arith.constant 16 : index
      %swap3A_491 = tpu.vector_load %arg8[%swap3A_489, %swap3A_490] {strides = array<i32>} : memref<1x128xi32, #tpu.memory_space<vmem>>, vector<1x16xi32>,
      %swap3A_492 = vector.shape_cast %swap3A_491 : vector<1x16xi32> to vector<16xi32>
      %swap3A_493 = vector.shape_cast %get3A_487 : vector<16xi32> to vector<1x16xi32>
      tpu.vector_store %arg8[%swap3A_489, %swap3A_490], %swap3A_493 {strides = array<i32>} : memref<1x128xi32, #tpu.memory_space<vmem>>, vector<1x16xi32>,
      %get3A_494 = arith.constant 1 : i32
      %get3A_495 = arith.index_cast %get3A_494 : i32 to index
      %get3A_496 = arith.constant 16 : index
      %get3A_497 = tpu.vector_load %arg6[%get3A_495, %get3A_496] {strides = array<i32>} : memref<2x128xi32, #tpu.memory_space<vmem>>, vector<1x16xi32>,
      %get3A_498 = vector.shape_cast %get3A_497 : vector<1x16xi32> to vector<16xi32>
      %swap3A_499 = arith.constant 0 : i32
      %swap3A_500 = arith.index_cast %swap3A_499 : i32 to index
      %swap3A_501 = arith.constant 16 : index
      %swap3A_502 = tpu.vector_load %arg10[%swap3A_500, %swap3A_501] {strides = array<i32>} : memref<1x128xi32, #tpu.memory_space<vmem>>, vector<1x16xi32>,
      %swap3A_503 = vector.shape_cast %swap3A_502 : vector<1x16xi32> to vector<16xi32>
      %swap3A_504 = vector.shape_cast %get3A_498 : vector<16xi32> to vector<1x16xi32>
      tpu.vector_store %arg10[%swap3A_500, %swap3A_501], %swap3A_504 {strides = array<i32>} : memref<1x128xi32, #tpu.memory_space<vmem>>, vector<1x16xi32>,
      %get3A_505 = arith.constant 0 : i32
      %get3A_506 = arith.index_cast %get3A_505 : i32 to index
      %get3A_507 = arith.constant 32 : index
      %get3A_508 = tpu.vector_load %arg6[%get3A_506, %get3A_507] {strides = array<i32>} : memref<2x128xi32, #tpu.memory_space<vmem>>, vector<1x16xi32>,
      %get3A_509 = vector.shape_cast %get3A_508 : vector<1x16xi32> to vector<16xi32>
      %swap3A_510 = arith.constant 0 : i32
      %swap3A_511 = arith.index_cast %swap3A_510 : i32 to index
      %swap3A_512 = arith.constant 32 : index
      %swap3A_513 = tpu.vector_load %arg8[%swap3A_511, %swap3A_512] {strides = array<i32>} : memref<1x128xi32, #tpu.memory_space<vmem>>, vector<1x16xi32>,
      %swap3A_514 = vector.shape_cast %swap3A_513 : vector<1x16xi32> to vector<16xi32>
      %swap3A_515 = vector.shape_cast %get3A_509 : vector<16xi32> to vector<1x16xi32>
      tpu.vector_store %arg8[%swap3A_511, %swap3A_512], %swap3A_515 {strides = array<i32>} : memref<1x128xi32, #tpu.memory_space<vmem>>, vector<1x16xi32>,
      %get3A_516 = arith.constant 1 : i32
      %get3A_517 = arith.index_cast %get3A_516 : i32 to index
      %get3A_518 = arith.constant 32 : index
      %get3A_519 = tpu.vector_load %arg6[%get3A_517, %get3A_518] {strides = array<i32>} : memref<2x128xi32, #tpu.memory_space<vmem>>, vector<1x16xi32>,
      %get3A_520 = vector.shape_cast %get3A_519 : vector<1x16xi32> to vector<16xi32>
      %swap3A_521 = arith.constant 0 : i32
      %swap3A_522 = arith.index_cast %swap3A_521 : i32 to index
      %swap3A_523 = arith.constant 32 : index
      %swap3A_524 = tpu.vector_load %arg10[%swap3A_522, %swap3A_523] {strides = array<i32>} : memref<1x128xi32, #tpu.memory_space<vmem>>, vector<1x16xi32>,
      %swap3A_525 = vector.shape_cast %swap3A_524 : vector<1x16xi32> to vector<16xi32>
      %swap3A_526 = vector.shape_cast %get3A_520 : vector<16xi32> to vector<1x16xi32>
      tpu.vector_store %arg10[%swap3A_522, %swap3A_523], %swap3A_526 {strides = array<i32>} : memref<1x128xi32, #tpu.memory_space<vmem>>, vector<1x16xi32>,
      %get3A_527 = arith.constant 0 : i32
      %get3A_528 = arith.index_cast %get3A_527 : i32 to index
      %get3A_529 = arith.constant 48 : index
      %get3A_530 = tpu.vector_load %arg6[%get3A_528, %get3A_529] {strides = array<i32>} : memref<2x128xi32, #tpu.memory_space<vmem>>, vector<1x16xi32>,
      %get3A_531 = vector.shape_cast %get3A_530 : vector<1x16xi32> to vector<16xi32>
      %swap3A_532 = arith.constant 0 : i32
      %swap3A_533 = arith.index_cast %swap3A_532 : i32 to index
      %swap3A_534 = arith.constant 48 : index
      %swap3A_535 = tpu.vector_load %arg8[%swap3A_533, %swap3A_534] {strides = array<i32>} : memref<1x128xi32, #tpu.memory_space<vmem>>, vector<1x16xi32>,
      %swap3A_536 = vector.shape_cast %swap3A_535 : vector<1x16xi32> to vector<16xi32>
      %swap3A_537 = vector.shape_cast %get3A_531 : vector<16xi32> to vector<1x16xi32>
      tpu.vector_store %arg8[%swap3A_533, %swap3A_534], %swap3A_537 {strides = array<i32>} : memref<1x128xi32, #tpu.memory_space<vmem>>, vector<1x16xi32>,
      %get3A_538 = arith.constant 1 : i32
      %get3A_539 = arith.index_cast %get3A_538 : i32 to index
      %get3A_540 = arith.constant 48 : index
      %get3A_541 = tpu.vector_load %arg6[%get3A_539, %get3A_540] {strides = array<i32>} : memref<2x128xi32, #tpu.memory_space<vmem>>, vector<1x16xi32>,
      %get3A_542 = vector.shape_cast %get3A_541 : vector<1x16xi32> to vector<16xi32>
      %swap3A_543 = arith.constant 0 : i32
      %swap3A_544 = arith.index_cast %swap3A_543 : i32 to index
      %swap3A_545 = arith.constant 48 : index
      %swap3A_546 = tpu.vector_load %arg10[%swap3A_544, %swap3A_545] {strides = array<i32>} : memref<1x128xi32, #tpu.memory_space<vmem>>, vector<1x16xi32>,
      %swap3A_547 = vector.shape_cast %swap3A_546 : vector<1x16xi32> to vector<16xi32>
      %swap3A_548 = vector.shape_cast %get3A_542 : vector<16xi32> to vector<1x16xi32>
      tpu.vector_store %arg10[%swap3A_544, %swap3A_545], %swap3A_548 {strides = array<i32>} : memref<1x128xi32, #tpu.memory_space<vmem>>, vector<1x16xi32>,
      %get3A_549 = arith.constant 0 : i32
      %get3A_550 = arith.index_cast %get3A_549 : i32 to index
      %get3A_551 = arith.constant 64 : index
      %get3A_552 = tpu.vector_load %arg6[%get3A_550, %get3A_551] {strides = array<i32>} : memref<2x128xi32, #tpu.memory_space<vmem>>, vector<1x16xi32>,
      %get3A_553 = vector.shape_cast %get3A_552 : vector<1x16xi32> to vector<16xi32>
      %swap3A_554 = arith.constant 0 : i32
      %swap3A_555 = arith.index_cast %swap3A_554 : i32 to index
      %swap3A_556 = arith.constant 64 : index
      %swap3A_557 = tpu.vector_load %arg8[%swap3A_555, %swap3A_556] {strides = array<i32>} : memref<1x128xi32, #tpu.memory_space<vmem>>, vector<1x16xi32>,
      %swap3A_558 = vector.shape_cast %swap3A_557 : vector<1x16xi32> to vector<16xi32>
      %swap3A_559 = vector.shape_cast %get3A_553 : vector<16xi32> to vector<1x16xi32>
      tpu.vector_store %arg8[%swap3A_555, %swap3A_556], %swap3A_559 {strides = array<i32>} : memref<1x128xi32, #tpu.memory_space<vmem>>, vector<1x16xi32>,
      %get3A_560 = arith.constant 1 : i32
      %get3A_561 = arith.index_cast %get3A_560 : i32 to index
      %get3A_562 = arith.constant 64 : index
      %get3A_563 = tpu.vector_load %arg6[%get3A_561, %get3A_562] {strides = array<i32>} : memref<2x128xi32, #tpu.memory_space<vmem>>, vector<1x16xi32>,
      %get3A_564 = vector.shape_cast %get3A_563 : vector<1x16xi32> to vector<16xi32>
      %swap3A_565 = arith.constant 0 : i32
      %swap3A_566 = arith.index_cast %swap3A_565 : i32 to index
      %swap3A_567 = arith.constant 64 : index
      %swap3A_568 = tpu.vector_load %arg10[%swap3A_566, %swap3A_567] {strides = array<i32>} : memref<1x128xi32, #tpu.memory_space<vmem>>, vector<1x16xi32>,
      %swap3A_569 = vector.shape_cast %swap3A_568 : vector<1x16xi32> to vector<16xi32>
      %swap3A_570 = vector.shape_cast %get3A_564 : vector<16xi32> to vector<1x16xi32>
      tpu.vector_store %arg10[%swap3A_566, %swap3A_567], %swap3A_570 {strides = array<i32>} : memref<1x128xi32, #tpu.memory_space<vmem>>, vector<1x16xi32>,
      %get3A_571 = arith.constant 0 : i32
      %get3A_572 = arith.index_cast %get3A_571 : i32 to index
      %get3A_573 = arith.constant 80 : index
      %get3A_574 = tpu.vector_load %arg6[%get3A_572, %get3A_573] {strides = array<i32>} : memref<2x128xi32, #tpu.memory_space<vmem>>, vector<1x16xi32>,
      %get3A_575 = vector.shape_cast %get3A_574 : vector<1x16xi32> to vector<16xi32>
      %swap3A_576 = arith.constant 0 : i32
      %swap3A_577 = arith.index_cast %swap3A_576 : i32 to index
      %swap3A_578 = arith.constant 80 : index
      %swap3A_579 = tpu.vector_load %arg8[%swap3A_577, %swap3A_578] {strides = array<i32>} : memref<1x128xi32, #tpu.memory_space<vmem>>, vector<1x16xi32>,
      %swap3A_580 = vector.shape_cast %swap3A_579 : vector<1x16xi32> to vector<16xi32>
      %swap3A_581 = vector.shape_cast %get3A_575 : vector<16xi32> to vector<1x16xi32>
      tpu.vector_store %arg8[%swap3A_577, %swap3A_578], %swap3A_581 {strides = array<i32>} : memref<1x128xi32, #tpu.memory_space<vmem>>, vector<1x16xi32>,
      %get3A_582 = arith.constant 1 : i32
      %get3A_583 = arith.index_cast %get3A_582 : i32 to index
      %get3A_584 = arith.constant 80 : index
      %get3A_585 = tpu.vector_load %arg6[%get3A_583, %get3A_584] {strides = array<i32>} : memref<2x128xi32, #tpu.memory_space<vmem>>, vector<1x16xi32>,
      %get3A_586 = vector.shape_cast %get3A_585 : vector<1x16xi32> to vector<16xi32>
      %swap3A_587 = arith.constant 0 : i32
      %swap3A_588 = arith.index_cast %swap3A_587 : i32 to index
      %swap3A_589 = arith.constant 80 : index
      %swap3A_590 = tpu.vector_load %arg10[%swap3A_588, %swap3A_589] {strides = array<i32>} : memref<1x128xi32, #tpu.memory_space<vmem>>, vector<1x16xi32>,
      %swap3A_591 = vector.shape_cast %swap3A_590 : vector<1x16xi32> to vector<16xi32>
      %swap3A_592 = vector.shape_cast %get3A_586 : vector<16xi32> to vector<1x16xi32>
      tpu.vector_store %arg10[%swap3A_588, %swap3A_589], %swap3A_592 {strides = array<i32>} : memref<1x128xi32, #tpu.memory_space<vmem>>, vector<1x16xi32>,
      %get3A_593 = arith.constant 0 : i32
      %get3A_594 = arith.index_cast %get3A_593 : i32 to index
      %get3A_595 = arith.constant 96 : index
      %get3A_596 = tpu.vector_load %arg6[%get3A_594, %get3A_595] {strides = array<i32>} : memref<2x128xi32, #tpu.memory_space<vmem>>, vector<1x16xi32>,
      %get3A_597 = vector.shape_cast %get3A_596 : vector<1x16xi32> to vector<16xi32>
      %swap3A_598 = arith.constant 0 : i32
      %swap3A_599 = arith.index_cast %swap3A_598 : i32 to index
      %swap3A_600 = arith.constant 96 : index
      %swap3A_601 = tpu.vector_load %arg8[%swap3A_599, %swap3A_600] {strides = array<i32>} : memref<1x128xi32, #tpu.memory_space<vmem>>, vector<1x16xi32>,
      %swap3A_602 = vector.shape_cast %swap3A_601 : vector<1x16xi32> to vector<16xi32>
      %swap3A_603 = vector.shape_cast %get3A_597 : vector<16xi32> to vector<1x16xi32>
      tpu.vector_store %arg8[%swap3A_599, %swap3A_600], %swap3A_603 {strides = array<i32>} : memref<1x128xi32, #tpu.memory_space<vmem>>, vector<1x16xi32>,
      %get3A_604 = arith.constant 1 : i32
      %get3A_605 = arith.index_cast %get3A_604 : i32 to index
      %get3A_606 = arith.constant 96 : index
      %get3A_607 = tpu.vector_load %arg6[%get3A_605, %get3A_606] {strides = array<i32>} : memref<2x128xi32, #tpu.memory_space<vmem>>, vector<1x16xi32>,
      %get3A_608 = vector.shape_cast %get3A_607 : vector<1x16xi32> to vector<16xi32>
      %swap3A_609 = arith.constant 0 : i32
      %swap3A_610 = arith.index_cast %swap3A_609 : i32 to index
      %swap3A_611 = arith.constant 96 : index
      %swap3A_612 = tpu.vector_load %arg10[%swap3A_610, %swap3A_611] {strides = array<i32>} : memref<1x128xi32, #tpu.memory_space<vmem>>, vector<1x16xi32>,
      %swap3A_613 = vector.shape_cast %swap3A_612 : vector<1x16xi32> to vector<16xi32>
      %swap3A_614 = vector.shape_cast %get3A_608 : vector<16xi32> to vector<1x16xi32>
      tpu.vector_store %arg10[%swap3A_610, %swap3A_611], %swap3A_614 {strides = array<i32>} : memref<1x128xi32, #tpu.memory_space<vmem>>, vector<1x16xi32>,
      %get3A_615 = arith.constant 0 : i32
      %get3A_616 = arith.index_cast %get3A_615 : i32 to index
      %get3A_617 = arith.constant 112 : index
      %get3A_618 = tpu.vector_load %arg6[%get3A_616, %get3A_617] {strides = array<i32>} : memref<2x128xi32, #tpu.memory_space<vmem>>, vector<1x16xi32>,
      %get3A_619 = vector.shape_cast %get3A_618 : vector<1x16xi32> to vector<16xi32>
      %swap3A_620 = arith.constant 0 : i32
      %swap3A_621 = arith.index_cast %swap3A_620 : i32 to index
      %swap3A_622 = arith.constant 112 : index
      %swap3A_623 = tpu.vector_load %arg8[%swap3A_621, %swap3A_622] {strides = array<i32>} : memref<1x128xi32, #tpu.memory_space<vmem>>, vector<1x16xi32>,
      %swap3A_624 = vector.shape_cast %swap3A_623 : vector<1x16xi32> to vector<16xi32>
      %swap3A_625 = vector.shape_cast %get3A_619 : vector<16xi32> to vector<1x16xi32>
      tpu.vector_store %arg8[%swap3A_621, %swap3A_622], %swap3A_625 {strides = array<i32>} : memref<1x128xi32, #tpu.memory_space<vmem>>, vector<1x16xi32>,
      %get3A_626 = arith.constant 1 : i32
      %get3A_627 = arith.index_cast %get3A_626 : i32 to index
      %get3A_628 = arith.constant 112 : index
      %get3A_629 = tpu.vector_load %arg6[%get3A_627, %get3A_628] {strides = array<i32>} : memref<2x128xi32, #tpu.memory_space<vmem>>, vector<1x16xi32>,
      %get3A_630 = vector.shape_cast %get3A_629 : vector<1x16xi32> to vector<16xi32>
      %swap3A_631 = arith.constant 0 : i32
      %swap3A_632 = arith.index_cast %swap3A_631 : i32 to index
      %swap3A_633 = arith.constant 112 : index
      %swap3A_634 = tpu.vector_load %arg10[%swap3A_632, %swap3A_633] {strides = array<i32>} : memref<1x128xi32, #tpu.memory_space<vmem>>, vector<1x16xi32>,
      %swap3A_635 = vector.shape_cast %swap3A_634 : vector<1x16xi32> to vector<16xi32>
      %swap3A_636 = vector.shape_cast %get3A_630 : vector<16xi32> to vector<1x16xi32>
      tpu.vector_store %arg10[%swap3A_632, %swap3A_633], %swap3A_636 {strides = array<i32>} : memref<1x128xi32, #tpu.memory_space<vmem>>, vector<1x16xi32>,
      %dma_start3A_637 = arith.constant 0 : i32
      %dma_start3A_638 = arith.constant 0 : i32
      %dma_start3A_639 = tpu.memref_slice %arg8[%dma_start3A_637, %dma_start3A_638] : memref<1x128xi32, #tpu.memory_space<vmem>> -> memref<1x128xi32, #tpu.memory_space<vmem>>
      %dma_start3A_640 = tpu.memref_squeeze %dma_start3A_639 : memref<1x128xi32, #tpu.memory_space<vmem>> -> memref<128xi32, #tpu.memory_space<vmem>>
      %dma_start3A_641 = arith.constant 0 : i32
      %dma_start3A_642 = arith.constant 0 : i32
      %dma_start3A_643 = tpu.memref_slice %arg2[%dma_start3A_641, %dma_start3A_642] : memref<10240x128xf32, #tpu.memory_space<hbm>> -> memref<10240x128xf32, #tpu.memory_space<hbm>>
      tpu.enqueue_indirect_dma source(%dma_start3A_643 : memref<10240x128xf32, #tpu.memory_space<hbm>>) target(%arg12 : memref<128x128xf32, #tpu.memory_space<vmem>>) offsets(%dma_start3A_640 : memref<128xi32, #tpu.memory_space<vmem>>) semaphore(%arg15 : memref<!tpu.dma_semaphore, #tpu.memory_space<semaphore_mem>>)
      %dma_wait3A_644 = arith.constant 0 : i32
      %dma_wait3A_645 = arith.constant 0 : i32
      %dma_wait3A_646 = tpu.memref_slice %arg8[%dma_wait3A_644, %dma_wait3A_645] : memref<1x128xi32, #tpu.memory_space<vmem>> -> memref<1x128xi32, #tpu.memory_space<vmem>>
      %dma_wait3A_647 = tpu.memref_squeeze %dma_wait3A_646 : memref<1x128xi32, #tpu.memory_space<vmem>> -> memref<128xi32, #tpu.memory_space<vmem>>
      %dma_wait3A_648 = arith.constant 0 : i32
      %dma_wait3A_649 = arith.constant 0 : i32
      %dma_wait3A_650 = tpu.memref_slice %arg2[%dma_wait3A_648, %dma_wait3A_649] : memref<10240x128xf32, #tpu.memory_space<hbm>> -> memref<10240x128xf32, #tpu.memory_space<hbm>>
      tpu.wait_indirect_dma semaphore(%arg15 : memref<!tpu.dma_semaphore, #tpu.memory_space<semaphore_mem>>) src(%dma_wait3A_650 : memref<10240x128xf32, #tpu.memory_space<hbm>>) dst(%arg12 : memref<128x128xf32, #tpu.memory_space<vmem>>)
      %run_scoped3A_651 = arith.constant 0 : i32
      "tpu.region"() ({
        %run_scoped3A_652 = tpu.sem_alloc : memref<!tpu.dma_semaphore, #tpu.memory_space<semaphore_mem>>
        %dma_start3A_653 = arith.constant 0 : i32
        %dma_start3A_654 = tpu.memref_slice %arg10[%run_scoped3A_651, %dma_start3A_653] : memref<1x128xi32, #tpu.memory_space<vmem>> -> memref<1x128xi32, #tpu.memory_space<vmem>>
        %dma_start3A_655 = tpu.memref_squeeze %dma_start3A_654 : memref<1x128xi32, #tpu.memory_space<vmem>> -> memref<128xi32, #tpu.memory_space<vmem>>
        %dma_start3A_656 = arith.constant 0 : i32
        %dma_start3A_657 = arith.constant 0 : i32
        %dma_start3A_658 = tpu.memref_slice %arg14[%dma_start3A_656, %dma_start3A_657] : memref<10240x128xf32, #tpu.memory_space<vmem_shared>> -> memref<10240x128xf32, #tpu.memory_space<vmem_shared>>
        tpu.enqueue_indirect_dma source(%arg12 : memref<128x128xf32, #tpu.memory_space<vmem>>) target(%dma_start3A_658 : memref<10240x128xf32, #tpu.memory_space<vmem_shared>>) offsets(%dma_start3A_655 : memref<128xi32, #tpu.memory_space<vmem>>) semaphore(%run_scoped3A_652 : memref<!tpu.dma_semaphore, #tpu.memory_space<semaphore_mem>>) {add = true}
        %dma_wait3A_659 = arith.constant 0 : i32
        %dma_wait3A_660 = tpu.memref_slice %arg10[%run_scoped3A_651, %dma_wait3A_659] : memref<1x128xi32, #tpu.memory_space<vmem>> -> memref<1x128xi32, #tpu.memory_space<vmem>>
        %dma_wait3A_661 = tpu.memref_squeeze %dma_wait3A_660 : memref<1x128xi32, #tpu.memory_space<vmem>> -> memref<128xi32, #tpu.memory_space<vmem>>
        %dma_wait3A_662 = arith.constant 0 : i32
        %dma_wait3A_663 = arith.constant 0 : i32
        %dma_wait3A_664 = tpu.memref_slice %arg14[%dma_wait3A_662, %dma_wait3A_663] : memref<10240x128xf32, #tpu.memory_space<vmem_shared>> -> memref<10240x128xf32, #tpu.memory_space<vmem_shared>>
        tpu.wait_indirect_dma semaphore(%run_scoped3A_652 : memref<!tpu.dma_semaphore, #tpu.memory_space<semaphore_mem>>) src(%arg12 : memref<128x128xf32, #tpu.memory_space<vmem>>) dst(%dma_wait3A_664 : memref<10240x128xf32, #tpu.memory_space<vmem_shared>>)
        tpu.yield
      }) : () -> ()
    } else {
    }
    %barrier3A_442 = arith.constant 0 : index
    tpu.barrier barrier_id(%barrier3A_442)
    %eq3A_443 = arith.constant 0 : i32
    %eq3A_444 = arith.cmpi eq, %arg0, %eq3A_443 : i32
    %convert_element_type3A_445 = arith.extui %eq3A_444 : i1 to i32
    %cond3A_446 = arith.constant 0 : i32
    %cond3A_447 = arith.cmpi ne, %convert_element_type3A_445, %cond3A_446 : i32
    scf.if %cond3A_447 {
      "tpu.region"() ({
        %run_scoped3A_453 = tpu.sem_alloc : memref<!tpu.dma_semaphore, #tpu.memory_space<semaphore_mem>>
        %dma_start3A_454 = arith.constant 0 : i32
        %dma_start3A_455 = tpu.memref_slice %arg4[%mul3A_10, %dma_start3A_454] : memref<10240x128xf32, #tpu.memory_space<hbm>> -> memref<640x128xf32, #tpu.memory_space<hbm>>
        %dma_start3A_456 = arith.constant 0 : i32
        %dma_start3A_457 = tpu.memref_slice %arg14[%mul3A_10, %dma_start3A_456] : memref<10240x128xf32, #tpu.memory_space<vmem_shared>> -> memref<640x128xf32, #tpu.memory_space<vmem_shared>>
        tpu.enqueue_dma source(%dma_start3A_457 : memref<640x128xf32, #tpu.memory_space<vmem_shared>>) target(%dma_start3A_455 : memref<640x128xf32, #tpu.memory_space<hbm>>) target_semaphore(%run_scoped3A_453 : memref<!tpu.dma_semaphore, #tpu.memory_space<semaphore_mem>>)
        %dma_wait3A_458 = arith.constant 0 : i32
        %dma_wait3A_459 = tpu.memref_slice %arg4[%mul3A_10, %dma_wait3A_458] : memref<10240x128xf32, #tpu.memory_space<hbm>> -> memref<640x128xf32, #tpu.memory_space<hbm>>
        %dma_wait3A_460 = arith.constant 0 : i32
        %dma_wait3A_461 = tpu.memref_slice %arg14[%mul3A_10, %dma_wait3A_460] : memref<10240x128xf32, #tpu.memory_space<vmem_shared>> -> memref<640x128xf32, #tpu.memory_space<vmem_shared>>
        tpu.wait_dma2 semaphore(%run_scoped3A_453 : memref<!tpu.dma_semaphore, #tpu.memory_space<semaphore_mem>>) src(%dma_wait3A_461 : memref<640x128xf32, #tpu.memory_space<vmem_shared>>) dst(%dma_wait3A_459 : memref<640x128xf32, #tpu.memory_space<hbm>>)
        tpu.yield
      }) : () -> ()
    } else {
    }
    %eq3A_448 = arith.constant 1 : i32
    %eq3A_449 = arith.cmpi eq, %arg0, %eq3A_448 : i32
    %convert_element_type3A_450 = arith.extui %eq3A_449 : i1 to i32
    %cond3A_451 = arith.constant 0 : i32
    %cond3A_452 = arith.cmpi ne, %convert_element_type3A_450, %cond3A_451 : i32
    scf.if %cond3A_452 {
      "tpu.region"() ({
        %run_scoped3A_453 = tpu.sem_alloc : memref<!tpu.dma_semaphore, #tpu.memory_space<semaphore_mem>>
        %dma_start3A_454 = arith.constant 0 : i32
        %dma_start3A_455 = tpu.memref_slice %arg5[%mul3A_10, %dma_start3A_454] : memref<10240x128xf32, #tpu.memory_space<hbm>> -> memref<640x128xf32, #tpu.memory_space<hbm>>
        %dma_start3A_456 = arith.constant 0 : i32
        %dma_start3A_457 = tpu.memref_slice %arg14[%mul3A_10, %dma_start3A_456] : memref<10240x128xf32, #tpu.memory_space<vmem_shared>> -> memref<640x128xf32, #tpu.memory_space<vmem_shared>>
        tpu.enqueue_dma source(%dma_start3A_457 : memref<640x128xf32, #tpu.memory_space<vmem_shared>>) target(%dma_start3A_455 : memref<640x128xf32, #tpu.memory_space<hbm>>) target_semaphore(%run_scoped3A_453 : memref<!tpu.dma_semaphore, #tpu.memory_space<semaphore_mem>>)
        %dma_wait3A_458 = arith.constant 0 : i32
        %dma_wait3A_459 = tpu.memref_slice %arg5[%mul3A_10, %dma_wait3A_458] : memref<10240x128xf32, #tpu.memory_space<hbm>> -> memref<640x128xf32, #tpu.memory_space<hbm>>
        %dma_wait3A_460 = arith.constant 0 : i32
        %dma_wait3A_461 = tpu.memref_slice %arg14[%mul3A_10, %dma_wait3A_460] : memref<10240x128xf32, #tpu.memory_space<vmem_shared>> -> memref<640x128xf32, #tpu.memory_space<vmem_shared>>
        tpu.wait_dma2 semaphore(%run_scoped3A_453 : memref<!tpu.dma_semaphore, #tpu.memory_space<semaphore_mem>>) src(%dma_wait3A_461 : memref<640x128xf32, #tpu.memory_space<vmem_shared>>) dst(%dma_wait3A_459 : memref<640x128xf32, #tpu.memory_space<hbm>>)
        tpu.yield
      }) : () -> ()
    } else {
    }
    return
  }
}

#map = affine_map<(d0, d1) -> (0, 0)>
module attributes {stable_mosaic.version = 14 : i64} {
  func.func @_deg_kernel(%arg0: i32, %arg1: i32, %arg2: memref<2x320000xi32, #tpu.memory_space<hbm>>, %arg3: memref<2x10240xf32, #tpu.memory_space<hbm>>, %arg4: memref<2x128xi32, #tpu.memory_space<vmem>>, %arg5: memref<2x128xi32, #tpu.memory_space<vmem>>, %arg6: memref<2x128xi32, #tpu.memory_space<vmem>>, %arg7: memref<2x128xi32, #tpu.memory_space<vmem>>, %arg8: memref<1x128xi32, #tpu.memory_space<vmem>>, %arg9: memref<128xf32, #tpu.memory_space<vmem>>, %arg10: memref<640xf32, #tpu.memory_space<vmem>>, %arg11: memref<10240xf32, #tpu.memory_space<vmem_shared>>, %arg12: memref<!tpu.dma_semaphore, #tpu.memory_space<semaphore_mem>>, %arg13: memref<!tpu.dma_semaphore, #tpu.memory_space<semaphore_mem>>, %arg14: memref<!tpu.dma_semaphore, #tpu.memory_space<semaphore_mem>>, %arg15: memref<!tpu.dma_semaphore, #tpu.memory_space<semaphore_mem>>) attributes {dimension_semantics = [#tpu.dimension_semantics<core_parallel>, #tpu.dimension_semantics<subcore_parallel>], iteration_bounds = array<i64: 2, 16>, scalar_prefetch = 0 : i64, scratch_operands = 12 : i64, tpu.core_type = #tpu.core_type<sc_vector_subcore>, window_params = [{transform_indices = #map}, {transform_indices = #map}]} {
    %mul3A = arith.constant 2 : i32
    %mul3A_0 = arith.muli %arg1, %mul3A : i32
    %add3A = arith.addi %mul3A_0, %arg0 : i32
    %mul3A_1 = arith.constant 78 : i32
    %mul3A_2 = arith.muli %mul3A_1, %add3A : i32
    %min3A = arith.constant 4 : i32
    %min3A_3 = arith.minsi %add3A, %min3A : i32
    %add3A_4 = arith.addi %mul3A_2, %min3A_3 : i32
    %lt3A = arith.constant 4 : i32
    %lt3A_5 = arith.cmpi slt, %add3A, %lt3A : i32
    %jit3A = arith.constant 1 : i32
    %jit3A_6 = arith.constant 0 : i32
    %select_n3A = arith.select %lt3A_5, %jit3A, %jit3A_6 : i32
    %add3A_7 = arith.constant 78 : i32
    %add3A_8 = arith.addi %add3A_7, %select_n3A : i32
    %broadcast_in_dim3A = arith.constant 1.000000e+00 : f32
    %broadcast_in_dim3A_9 = vector.broadcast %broadcast_in_dim3A : f32 to vector<16xf32>
    %swap3A = arith.constant 0 : index
    %swap3A_10 = tpu.vector_load %arg9[%swap3A] {strides = array<i32>} : memref<128xf32, #tpu.memory_space<vmem>>, vector<16xf32>,
    %swap3A_11 = vector.shape_cast %swap3A_10 : vector<16xf32> to vector<16xf32>
    %swap3A_12 = vector.shape_cast %broadcast_in_dim3A_9 : vector<16xf32> to vector<16xf32>
    tpu.vector_store %arg9[%swap3A], %swap3A_12 {strides = array<i32>} : memref<128xf32, #tpu.memory_space<vmem>>, vector<16xf32>,
    %broadcast_in_dim3A_13 = arith.constant 1.000000e+00 : f32
    %broadcast_in_dim3A_14 = vector.broadcast %broadcast_in_dim3A_13 : f32 to vector<16xf32>
    %swap3A_15 = arith.constant 16 : index
    %swap3A_16 = tpu.vector_load %arg9[%swap3A_15] {strides = array<i32>} : memref<128xf32, #tpu.memory_space<vmem>>, vector<16xf32>,
    %swap3A_17 = vector.shape_cast %swap3A_16 : vector<16xf32> to vector<16xf32>
    %swap3A_18 = vector.shape_cast %broadcast_in_dim3A_14 : vector<16xf32> to vector<16xf32>
    tpu.vector_store %arg9[%swap3A_15], %swap3A_18 {strides = array<i32>} : memref<128xf32, #tpu.memory_space<vmem>>, vector<16xf32>,
    %broadcast_in_dim3A_19 = arith.constant 1.000000e+00 : f32
    %broadcast_in_dim3A_20 = vector.broadcast %broadcast_in_dim3A_19 : f32 to vector<16xf32>
    %swap3A_21 = arith.constant 32 : index
    %swap3A_22 = tpu.vector_load %arg9[%swap3A_21] {strides = array<i32>} : memref<128xf32, #tpu.memory_space<vmem>>, vector<16xf32>,
    %swap3A_23 = vector.shape_cast %swap3A_22 : vector<16xf32> to vector<16xf32>
    %swap3A_24 = vector.shape_cast %broadcast_in_dim3A_20 : vector<16xf32> to vector<16xf32>
    tpu.vector_store %arg9[%swap3A_21], %swap3A_24 {strides = array<i32>} : memref<128xf32, #tpu.memory_space<vmem>>, vector<16xf32>,
    %broadcast_in_dim3A_25 = arith.constant 1.000000e+00 : f32
    %broadcast_in_dim3A_26 = vector.broadcast %broadcast_in_dim3A_25 : f32 to vector<16xf32>
    %swap3A_27 = arith.constant 48 : index
    %swap3A_28 = tpu.vector_load %arg9[%swap3A_27] {strides = array<i32>} : memref<128xf32, #tpu.memory_space<vmem>>, vector<16xf32>,
    %swap3A_29 = vector.shape_cast %swap3A_28 : vector<16xf32> to vector<16xf32>
    %swap3A_30 = vector.shape_cast %broadcast_in_dim3A_26 : vector<16xf32> to vector<16xf32>
    tpu.vector_store %arg9[%swap3A_27], %swap3A_30 {strides = array<i32>} : memref<128xf32, #tpu.memory_space<vmem>>, vector<16xf32>,
    %broadcast_in_dim3A_31 = arith.constant 1.000000e+00 : f32
    %broadcast_in_dim3A_32 = vector.broadcast %broadcast_in_dim3A_31 : f32 to vector<16xf32>
    %swap3A_33 = arith.constant 64 : index
    %swap3A_34 = tpu.vector_load %arg9[%swap3A_33] {strides = array<i32>} : memref<128xf32, #tpu.memory_space<vmem>>, vector<16xf32>,
    %swap3A_35 = vector.shape_cast %swap3A_34 : vector<16xf32> to vector<16xf32>
    %swap3A_36 = vector.shape_cast %broadcast_in_dim3A_32 : vector<16xf32> to vector<16xf32>
    tpu.vector_store %arg9[%swap3A_33], %swap3A_36 {strides = array<i32>} : memref<128xf32, #tpu.memory_space<vmem>>, vector<16xf32>,
    %broadcast_in_dim3A_37 = arith.constant 1.000000e+00 : f32
    %broadcast_in_dim3A_38 = vector.broadcast %broadcast_in_dim3A_37 : f32 to vector<16xf32>
    %swap3A_39 = arith.constant 80 : index
    %swap3A_40 = tpu.vector_load %arg9[%swap3A_39] {strides = array<i32>} : memref<128xf32, #tpu.memory_space<vmem>>, vector<16xf32>,
    %swap3A_41 = vector.shape_cast %swap3A_40 : vector<16xf32> to vector<16xf32>
    %swap3A_42 = vector.shape_cast %broadcast_in_dim3A_38 : vector<16xf32> to vector<16xf32>
    tpu.vector_store %arg9[%swap3A_39], %swap3A_42 {strides = array<i32>} : memref<128xf32, #tpu.memory_space<vmem>>, vector<16xf32>,
    %broadcast_in_dim3A_43 = arith.constant 1.000000e+00 : f32
    %broadcast_in_dim3A_44 = vector.broadcast %broadcast_in_dim3A_43 : f32 to vector<16xf32>
    %swap3A_45 = arith.constant 96 : index
    %swap3A_46 = tpu.vector_load %arg9[%swap3A_45] {strides = array<i32>} : memref<128xf32, #tpu.memory_space<vmem>>, vector<16xf32>,
    %swap3A_47 = vector.shape_cast %swap3A_46 : vector<16xf32> to vector<16xf32>
    %swap3A_48 = vector.shape_cast %broadcast_in_dim3A_44 : vector<16xf32> to vector<16xf32>
    tpu.vector_store %arg9[%swap3A_45], %swap3A_48 {strides = array<i32>} : memref<128xf32, #tpu.memory_space<vmem>>, vector<16xf32>,
    %broadcast_in_dim3A_49 = arith.constant 1.000000e+00 : f32
    %broadcast_in_dim3A_50 = vector.broadcast %broadcast_in_dim3A_49 : f32 to vector<16xf32>
    %swap3A_51 = arith.constant 112 : index
    %swap3A_52 = tpu.vector_load %arg9[%swap3A_51] {strides = array<i32>} : memref<128xf32, #tpu.memory_space<vmem>>, vector<16xf32>,
    %swap3A_53 = vector.shape_cast %swap3A_52 : vector<16xf32> to vector<16xf32>
    %swap3A_54 = vector.shape_cast %broadcast_in_dim3A_50 : vector<16xf32> to vector<16xf32>
    tpu.vector_store %arg9[%swap3A_51], %swap3A_54 {strides = array<i32>} : memref<128xf32, #tpu.memory_space<vmem>>, vector<16xf32>,
    %broadcast_in_dim3A_55 = arith.constant 0.000000e+00 : f32
    %broadcast_in_dim3A_56 = vector.broadcast %broadcast_in_dim3A_55 : f32 to vector<16xf32>
    %swap3A_57 = arith.constant 0 : index
    %swap3A_58 = tpu.vector_load %arg10[%swap3A_57] {strides = array<i32>} : memref<640xf32, #tpu.memory_space<vmem>>, vector<16xf32>,
    %swap3A_59 = vector.shape_cast %swap3A_58 : vector<16xf32> to vector<16xf32>
    %swap3A_60 = vector.shape_cast %broadcast_in_dim3A_56 : vector<16xf32> to vector<16xf32>
    tpu.vector_store %arg10[%swap3A_57], %swap3A_60 {strides = array<i32>} : memref<640xf32, #tpu.memory_space<vmem>>, vector<16xf32>,
    %broadcast_in_dim3A_61 = arith.constant 0.000000e+00 : f32
    %broadcast_in_dim3A_62 = vector.broadcast %broadcast_in_dim3A_61 : f32 to vector<16xf32>
    %swap3A_63 = arith.constant 16 : index
    %swap3A_64 = tpu.vector_load %arg10[%swap3A_63] {strides = array<i32>} : memref<640xf32, #tpu.memory_space<vmem>>, vector<16xf32>,
    %swap3A_65 = vector.shape_cast %swap3A_64 : vector<16xf32> to vector<16xf32>
    %swap3A_66 = vector.shape_cast %broadcast_in_dim3A_62 : vector<16xf32> to vector<16xf32>
    tpu.vector_store %arg10[%swap3A_63], %swap3A_66 {strides = array<i32>} : memref<640xf32, #tpu.memory_space<vmem>>, vector<16xf32>,
    %broadcast_in_dim3A_67 = arith.constant 0.000000e+00 : f32
    %broadcast_in_dim3A_68 = vector.broadcast %broadcast_in_dim3A_67 : f32 to vector<16xf32>
    %swap3A_69 = arith.constant 32 : index
    %swap3A_70 = tpu.vector_load %arg10[%swap3A_69] {strides = array<i32>} : memref<640xf32, #tpu.memory_space<vmem>>, vector<16xf32>,
    %swap3A_71 = vector.shape_cast %swap3A_70 : vector<16xf32> to vector<16xf32>
    %swap3A_72 = vector.shape_cast %broadcast_in_dim3A_68 : vector<16xf32> to vector<16xf32>
    tpu.vector_store %arg10[%swap3A_69], %swap3A_72 {strides = array<i32>} : memref<640xf32, #tpu.memory_space<vmem>>, vector<16xf32>,
    %broadcast_in_dim3A_73 = arith.constant 0.000000e+00 : f32
    %broadcast_in_dim3A_74 = vector.broadcast %broadcast_in_dim3A_73 : f32 to vector<16xf32>
    %swap3A_75 = arith.constant 48 : index
    %swap3A_76 = tpu.vector_load %arg10[%swap3A_75] {strides = array<i32>} : memref<640xf32, #tpu.memory_space<vmem>>, vector<16xf32>,
    %swap3A_77 = vector.shape_cast %swap3A_76 : vector<16xf32> to vector<16xf32>
    %swap3A_78 = vector.shape_cast %broadcast_in_dim3A_74 : vector<16xf32> to vector<16xf32>
    tpu.vector_store %arg10[%swap3A_75], %swap3A_78 {strides = array<i32>} : memref<640xf32, #tpu.memory_space<vmem>>, vector<16xf32>,
    %broadcast_in_dim3A_79 = arith.constant 0.000000e+00 : f32
    %broadcast_in_dim3A_80 = vector.broadcast %broadcast_in_dim3A_79 : f32 to vector<16xf32>
    %swap3A_81 = arith.constant 64 : index
    %swap3A_82 = tpu.vector_load %arg10[%swap3A_81] {strides = array<i32>} : memref<640xf32, #tpu.memory_space<vmem>>, vector<16xf32>,
    %swap3A_83 = vector.shape_cast %swap3A_82 : vector<16xf32> to vector<16xf32>
    %swap3A_84 = vector.shape_cast %broadcast_in_dim3A_80 : vector<16xf32> to vector<16xf32>
    tpu.vector_store %arg10[%swap3A_81], %swap3A_84 {strides = array<i32>} : memref<640xf32, #tpu.memory_space<vmem>>, vector<16xf32>,
    %broadcast_in_dim3A_85 = arith.constant 0.000000e+00 : f32
    %broadcast_in_dim3A_86 = vector.broadcast %broadcast_in_dim3A_85 : f32 to vector<16xf32>
    %swap3A_87 = arith.constant 80 : index
    %swap3A_88 = tpu.vector_load %arg10[%swap3A_87] {strides = array<i32>} : memref<640xf32, #tpu.memory_space<vmem>>, vector<16xf32>,
    %swap3A_89 = vector.shape_cast %swap3A_88 : vector<16xf32> to vector<16xf32>
    %swap3A_90 = vector.shape_cast %broadcast_in_dim3A_86 : vector<16xf32> to vector<16xf32>
    tpu.vector_store %arg10[%swap3A_87], %swap3A_90 {strides = array<i32>} : memref<640xf32, #tpu.memory_space<vmem>>, vector<16xf32>,
    %broadcast_in_dim3A_91 = arith.constant 0.000000e+00 : f32
    %broadcast_in_dim3A_92 = vector.broadcast %broadcast_in_dim3A_91 : f32 to vector<16xf32>
    %swap3A_93 = arith.constant 96 : index
    %swap3A_94 = tpu.vector_load %arg10[%swap3A_93] {strides = array<i32>} : memref<640xf32, #tpu.memory_space<vmem>>, vector<16xf32>,
    %swap3A_95 = vector.shape_cast %swap3A_94 : vector<16xf32> to vector<16xf32>
    %swap3A_96 = vector.shape_cast %broadcast_in_dim3A_92 : vector<16xf32> to vector<16xf32>
    tpu.vector_store %arg10[%swap3A_93], %swap3A_96 {strides = array<i32>} : memref<640xf32, #tpu.memory_space<vmem>>, vector<16xf32>,
    %broadcast_in_dim3A_97 = arith.constant 0.000000e+00 : f32
    %broadcast_in_dim3A_98 = vector.broadcast %broadcast_in_dim3A_97 : f32 to vector<16xf32>
    %swap3A_99 = arith.constant 112 : index
    %swap3A_100 = tpu.vector_load %arg10[%swap3A_99] {strides = array<i32>} : memref<640xf32, #tpu.memory_space<vmem>>, vector<16xf32>,
    %swap3A_101 = vector.shape_cast %swap3A_100 : vector<16xf32> to vector<16xf32>
    %swap3A_102 = vector.shape_cast %broadcast_in_dim3A_98 : vector<16xf32> to vector<16xf32>
    tpu.vector_store %arg10[%swap3A_99], %swap3A_102 {strides = array<i32>} : memref<640xf32, #tpu.memory_space<vmem>>, vector<16xf32>,
    %broadcast_in_dim3A_103 = arith.constant 0.000000e+00 : f32
    %broadcast_in_dim3A_104 = vector.broadcast %broadcast_in_dim3A_103 : f32 to vector<16xf32>
    %swap3A_105 = arith.constant 128 : index
    %swap3A_106 = tpu.vector_load %arg10[%swap3A_105] {strides = array<i32>} : memref<640xf32, #tpu.memory_space<vmem>>, vector<16xf32>,
    %swap3A_107 = vector.shape_cast %swap3A_106 : vector<16xf32> to vector<16xf32>
    %swap3A_108 = vector.shape_cast %broadcast_in_dim3A_104 : vector<16xf32> to vector<16xf32>
    tpu.vector_store %arg10[%swap3A_105], %swap3A_108 {strides = array<i32>} : memref<640xf32, #tpu.memory_space<vmem>>, vector<16xf32>,
    %broadcast_in_dim3A_109 = arith.constant 0.000000e+00 : f32
    %broadcast_in_dim3A_110 = vector.broadcast %broadcast_in_dim3A_109 : f32 to vector<16xf32>
    %swap3A_111 = arith.constant 144 : index
    %swap3A_112 = tpu.vector_load %arg10[%swap3A_111] {strides = array<i32>} : memref<640xf32, #tpu.memory_space<vmem>>, vector<16xf32>,
    %swap3A_113 = vector.shape_cast %swap3A_112 : vector<16xf32> to vector<16xf32>
    %swap3A_114 = vector.shape_cast %broadcast_in_dim3A_110 : vector<16xf32> to vector<16xf32>
    tpu.vector_store %arg10[%swap3A_111], %swap3A_114 {strides = array<i32>} : memref<640xf32, #tpu.memory_space<vmem>>, vector<16xf32>,
    %broadcast_in_dim3A_115 = arith.constant 0.000000e+00 : f32
    %broadcast_in_dim3A_116 = vector.broadcast %broadcast_in_dim3A_115 : f32 to vector<16xf32>
    %swap3A_117 = arith.constant 160 : index
    %swap3A_118 = tpu.vector_load %arg10[%swap3A_117] {strides = array<i32>} : memref<640xf32, #tpu.memory_space<vmem>>, vector<16xf32>,
    %swap3A_119 = vector.shape_cast %swap3A_118 : vector<16xf32> to vector<16xf32>
    %swap3A_120 = vector.shape_cast %broadcast_in_dim3A_116 : vector<16xf32> to vector<16xf32>
    tpu.vector_store %arg10[%swap3A_117], %swap3A_120 {strides = array<i32>} : memref<640xf32, #tpu.memory_space<vmem>>, vector<16xf32>,
    %broadcast_in_dim3A_121 = arith.constant 0.000000e+00 : f32
    %broadcast_in_dim3A_122 = vector.broadcast %broadcast_in_dim3A_121 : f32 to vector<16xf32>
    %swap3A_123 = arith.constant 176 : index
    %swap3A_124 = tpu.vector_load %arg10[%swap3A_123] {strides = array<i32>} : memref<640xf32, #tpu.memory_space<vmem>>, vector<16xf32>,
    %swap3A_125 = vector.shape_cast %swap3A_124 : vector<16xf32> to vector<16xf32>
    %swap3A_126 = vector.shape_cast %broadcast_in_dim3A_122 : vector<16xf32> to vector<16xf32>
    tpu.vector_store %arg10[%swap3A_123], %swap3A_126 {strides = array<i32>} : memref<640xf32, #tpu.memory_space<vmem>>, vector<16xf32>,
    %broadcast_in_dim3A_127 = arith.constant 0.000000e+00 : f32
    %broadcast_in_dim3A_128 = vector.broadcast %broadcast_in_dim3A_127 : f32 to vector<16xf32>
    %swap3A_129 = arith.constant 192 : index
    %swap3A_130 = tpu.vector_load %arg10[%swap3A_129] {strides = array<i32>} : memref<640xf32, #tpu.memory_space<vmem>>, vector<16xf32>,
    %swap3A_131 = vector.shape_cast %swap3A_130 : vector<16xf32> to vector<16xf32>
    %swap3A_132 = vector.shape_cast %broadcast_in_dim3A_128 : vector<16xf32> to vector<16xf32>
    tpu.vector_store %arg10[%swap3A_129], %swap3A_132 {strides = array<i32>} : memref<640xf32, #tpu.memory_space<vmem>>, vector<16xf32>,
    %broadcast_in_dim3A_133 = arith.constant 0.000000e+00 : f32
    %broadcast_in_dim3A_134 = vector.broadcast %broadcast_in_dim3A_133 : f32 to vector<16xf32>
    %swap3A_135 = arith.constant 208 : index
    %swap3A_136 = tpu.vector_load %arg10[%swap3A_135] {strides = array<i32>} : memref<640xf32, #tpu.memory_space<vmem>>, vector<16xf32>,
    %swap3A_137 = vector.shape_cast %swap3A_136 : vector<16xf32> to vector<16xf32>
    %swap3A_138 = vector.shape_cast %broadcast_in_dim3A_134 : vector<16xf32> to vector<16xf32>
    tpu.vector_store %arg10[%swap3A_135], %swap3A_138 {strides = array<i32>} : memref<640xf32, #tpu.memory_space<vmem>>, vector<16xf32>,
    %broadcast_in_dim3A_139 = arith.constant 0.000000e+00 : f32
    %broadcast_in_dim3A_140 = vector.broadcast %broadcast_in_dim3A_139 : f32 to vector<16xf32>
    %swap3A_141 = arith.constant 224 : index
    %swap3A_142 = tpu.vector_load %arg10[%swap3A_141] {strides = array<i32>} : memref<640xf32, #tpu.memory_space<vmem>>, vector<16xf32>,
    %swap3A_143 = vector.shape_cast %swap3A_142 : vector<16xf32> to vector<16xf32>
    %swap3A_144 = vector.shape_cast %broadcast_in_dim3A_140 : vector<16xf32> to vector<16xf32>
    tpu.vector_store %arg10[%swap3A_141], %swap3A_144 {strides = array<i32>} : memref<640xf32, #tpu.memory_space<vmem>>, vector<16xf32>,
    %broadcast_in_dim3A_145 = arith.constant 0.000000e+00 : f32
    %broadcast_in_dim3A_146 = vector.broadcast %broadcast_in_dim3A_145 : f32 to vector<16xf32>
    %swap3A_147 = arith.constant 240 : index
    %swap3A_148 = tpu.vector_load %arg10[%swap3A_147] {strides = array<i32>} : memref<640xf32, #tpu.memory_space<vmem>>, vector<16xf32>,
    %swap3A_149 = vector.shape_cast %swap3A_148 : vector<16xf32> to vector<16xf32>
    %swap3A_150 = vector.shape_cast %broadcast_in_dim3A_146 : vector<16xf32> to vector<16xf32>
    tpu.vector_store %arg10[%swap3A_147], %swap3A_150 {strides = array<i32>} : memref<640xf32, #tpu.memory_space<vmem>>, vector<16xf32>,
    %broadcast_in_dim3A_151 = arith.constant 0.000000e+00 : f32
    %broadcast_in_dim3A_152 = vector.broadcast %broadcast_in_dim3A_151 : f32 to vector<16xf32>
    %swap3A_153 = arith.constant 256 : index
    %swap3A_154 = tpu.vector_load %arg10[%swap3A_153] {strides = array<i32>} : memref<640xf32, #tpu.memory_space<vmem>>, vector<16xf32>,
    %swap3A_155 = vector.shape_cast %swap3A_154 : vector<16xf32> to vector<16xf32>
    %swap3A_156 = vector.shape_cast %broadcast_in_dim3A_152 : vector<16xf32> to vector<16xf32>
    tpu.vector_store %arg10[%swap3A_153], %swap3A_156 {strides = array<i32>} : memref<640xf32, #tpu.memory_space<vmem>>, vector<16xf32>,
    %broadcast_in_dim3A_157 = arith.constant 0.000000e+00 : f32
    %broadcast_in_dim3A_158 = vector.broadcast %broadcast_in_dim3A_157 : f32 to vector<16xf32>
    %swap3A_159 = arith.constant 272 : index
    %swap3A_160 = tpu.vector_load %arg10[%swap3A_159] {strides = array<i32>} : memref<640xf32, #tpu.memory_space<vmem>>, vector<16xf32>,
    %swap3A_161 = vector.shape_cast %swap3A_160 : vector<16xf32> to vector<16xf32>
    %swap3A_162 = vector.shape_cast %broadcast_in_dim3A_158 : vector<16xf32> to vector<16xf32>
    tpu.vector_store %arg10[%swap3A_159], %swap3A_162 {strides = array<i32>} : memref<640xf32, #tpu.memory_space<vmem>>, vector<16xf32>,
    %broadcast_in_dim3A_163 = arith.constant 0.000000e+00 : f32
    %broadcast_in_dim3A_164 = vector.broadcast %broadcast_in_dim3A_163 : f32 to vector<16xf32>
    %swap3A_165 = arith.constant 288 : index
    %swap3A_166 = tpu.vector_load %arg10[%swap3A_165] {strides = array<i32>} : memref<640xf32, #tpu.memory_space<vmem>>, vector<16xf32>,
    %swap3A_167 = vector.shape_cast %swap3A_166 : vector<16xf32> to vector<16xf32>
    %swap3A_168 = vector.shape_cast %broadcast_in_dim3A_164 : vector<16xf32> to vector<16xf32>
    tpu.vector_store %arg10[%swap3A_165], %swap3A_168 {strides = array<i32>} : memref<640xf32, #tpu.memory_space<vmem>>, vector<16xf32>,
    %broadcast_in_dim3A_169 = arith.constant 0.000000e+00 : f32
    %broadcast_in_dim3A_170 = vector.broadcast %broadcast_in_dim3A_169 : f32 to vector<16xf32>
    %swap3A_171 = arith.constant 304 : index
    %swap3A_172 = tpu.vector_load %arg10[%swap3A_171] {strides = array<i32>} : memref<640xf32, #tpu.memory_space<vmem>>, vector<16xf32>,
    %swap3A_173 = vector.shape_cast %swap3A_172 : vector<16xf32> to vector<16xf32>
    %swap3A_174 = vector.shape_cast %broadcast_in_dim3A_170 : vector<16xf32> to vector<16xf32>
    tpu.vector_store %arg10[%swap3A_171], %swap3A_174 {strides = array<i32>} : memref<640xf32, #tpu.memory_space<vmem>>, vector<16xf32>,
    %broadcast_in_dim3A_175 = arith.constant 0.000000e+00 : f32
    %broadcast_in_dim3A_176 = vector.broadcast %broadcast_in_dim3A_175 : f32 to vector<16xf32>
    %swap3A_177 = arith.constant 320 : index
    %swap3A_178 = tpu.vector_load %arg10[%swap3A_177] {strides = array<i32>} : memref<640xf32, #tpu.memory_space<vmem>>, vector<16xf32>,
    %swap3A_179 = vector.shape_cast %swap3A_178 : vector<16xf32> to vector<16xf32>
    %swap3A_180 = vector.shape_cast %broadcast_in_dim3A_176 : vector<16xf32> to vector<16xf32>
    tpu.vector_store %arg10[%swap3A_177], %swap3A_180 {strides = array<i32>} : memref<640xf32, #tpu.memory_space<vmem>>, vector<16xf32>,
    %broadcast_in_dim3A_181 = arith.constant 0.000000e+00 : f32
    %broadcast_in_dim3A_182 = vector.broadcast %broadcast_in_dim3A_181 : f32 to vector<16xf32>
    %swap3A_183 = arith.constant 336 : index
    %swap3A_184 = tpu.vector_load %arg10[%swap3A_183] {strides = array<i32>} : memref<640xf32, #tpu.memory_space<vmem>>, vector<16xf32>,
    %swap3A_185 = vector.shape_cast %swap3A_184 : vector<16xf32> to vector<16xf32>
    %swap3A_186 = vector.shape_cast %broadcast_in_dim3A_182 : vector<16xf32> to vector<16xf32>
    tpu.vector_store %arg10[%swap3A_183], %swap3A_186 {strides = array<i32>} : memref<640xf32, #tpu.memory_space<vmem>>, vector<16xf32>,
    %broadcast_in_dim3A_187 = arith.constant 0.000000e+00 : f32
    %broadcast_in_dim3A_188 = vector.broadcast %broadcast_in_dim3A_187 : f32 to vector<16xf32>
    %swap3A_189 = arith.constant 352 : index
    %swap3A_190 = tpu.vector_load %arg10[%swap3A_189] {strides = array<i32>} : memref<640xf32, #tpu.memory_space<vmem>>, vector<16xf32>,
    %swap3A_191 = vector.shape_cast %swap3A_190 : vector<16xf32> to vector<16xf32>
    %swap3A_192 = vector.shape_cast %broadcast_in_dim3A_188 : vector<16xf32> to vector<16xf32>
    tpu.vector_store %arg10[%swap3A_189], %swap3A_192 {strides = array<i32>} : memref<640xf32, #tpu.memory_space<vmem>>, vector<16xf32>,
    %broadcast_in_dim3A_193 = arith.constant 0.000000e+00 : f32
    %broadcast_in_dim3A_194 = vector.broadcast %broadcast_in_dim3A_193 : f32 to vector<16xf32>
    %swap3A_195 = arith.constant 368 : index
    %swap3A_196 = tpu.vector_load %arg10[%swap3A_195] {strides = array<i32>} : memref<640xf32, #tpu.memory_space<vmem>>, vector<16xf32>,
    %swap3A_197 = vector.shape_cast %swap3A_196 : vector<16xf32> to vector<16xf32>
    %swap3A_198 = vector.shape_cast %broadcast_in_dim3A_194 : vector<16xf32> to vector<16xf32>
    tpu.vector_store %arg10[%swap3A_195], %swap3A_198 {strides = array<i32>} : memref<640xf32, #tpu.memory_space<vmem>>, vector<16xf32>,
    %broadcast_in_dim3A_199 = arith.constant 0.000000e+00 : f32
    %broadcast_in_dim3A_200 = vector.broadcast %broadcast_in_dim3A_199 : f32 to vector<16xf32>
    %swap3A_201 = arith.constant 384 : index
    %swap3A_202 = tpu.vector_load %arg10[%swap3A_201] {strides = array<i32>} : memref<640xf32, #tpu.memory_space<vmem>>, vector<16xf32>,
    %swap3A_203 = vector.shape_cast %swap3A_202 : vector<16xf32> to vector<16xf32>
    %swap3A_204 = vector.shape_cast %broadcast_in_dim3A_200 : vector<16xf32> to vector<16xf32>
    tpu.vector_store %arg10[%swap3A_201], %swap3A_204 {strides = array<i32>} : memref<640xf32, #tpu.memory_space<vmem>>, vector<16xf32>,
    %broadcast_in_dim3A_205 = arith.constant 0.000000e+00 : f32
    %broadcast_in_dim3A_206 = vector.broadcast %broadcast_in_dim3A_205 : f32 to vector<16xf32>
    %swap3A_207 = arith.constant 400 : index
    %swap3A_208 = tpu.vector_load %arg10[%swap3A_207] {strides = array<i32>} : memref<640xf32, #tpu.memory_space<vmem>>, vector<16xf32>,
    %swap3A_209 = vector.shape_cast %swap3A_208 : vector<16xf32> to vector<16xf32>
    %swap3A_210 = vector.shape_cast %broadcast_in_dim3A_206 : vector<16xf32> to vector<16xf32>
    tpu.vector_store %arg10[%swap3A_207], %swap3A_210 {strides = array<i32>} : memref<640xf32, #tpu.memory_space<vmem>>, vector<16xf32>,
    %broadcast_in_dim3A_211 = arith.constant 0.000000e+00 : f32
    %broadcast_in_dim3A_212 = vector.broadcast %broadcast_in_dim3A_211 : f32 to vector<16xf32>
    %swap3A_213 = arith.constant 416 : index
    %swap3A_214 = tpu.vector_load %arg10[%swap3A_213] {strides = array<i32>} : memref<640xf32, #tpu.memory_space<vmem>>, vector<16xf32>,
    %swap3A_215 = vector.shape_cast %swap3A_214 : vector<16xf32> to vector<16xf32>
    %swap3A_216 = vector.shape_cast %broadcast_in_dim3A_212 : vector<16xf32> to vector<16xf32>
    tpu.vector_store %arg10[%swap3A_213], %swap3A_216 {strides = array<i32>} : memref<640xf32, #tpu.memory_space<vmem>>, vector<16xf32>,
    %broadcast_in_dim3A_217 = arith.constant 0.000000e+00 : f32
    %broadcast_in_dim3A_218 = vector.broadcast %broadcast_in_dim3A_217 : f32 to vector<16xf32>
    %swap3A_219 = arith.constant 432 : index
    %swap3A_220 = tpu.vector_load %arg10[%swap3A_219] {strides = array<i32>} : memref<640xf32, #tpu.memory_space<vmem>>, vector<16xf32>,
    %swap3A_221 = vector.shape_cast %swap3A_220 : vector<16xf32> to vector<16xf32>
    %swap3A_222 = vector.shape_cast %broadcast_in_dim3A_218 : vector<16xf32> to vector<16xf32>
    tpu.vector_store %arg10[%swap3A_219], %swap3A_222 {strides = array<i32>} : memref<640xf32, #tpu.memory_space<vmem>>, vector<16xf32>,
    %broadcast_in_dim3A_223 = arith.constant 0.000000e+00 : f32
    %broadcast_in_dim3A_224 = vector.broadcast %broadcast_in_dim3A_223 : f32 to vector<16xf32>
    %swap3A_225 = arith.constant 448 : index
    %swap3A_226 = tpu.vector_load %arg10[%swap3A_225] {strides = array<i32>} : memref<640xf32, #tpu.memory_space<vmem>>, vector<16xf32>,
    %swap3A_227 = vector.shape_cast %swap3A_226 : vector<16xf32> to vector<16xf32>
    %swap3A_228 = vector.shape_cast %broadcast_in_dim3A_224 : vector<16xf32> to vector<16xf32>
    tpu.vector_store %arg10[%swap3A_225], %swap3A_228 {strides = array<i32>} : memref<640xf32, #tpu.memory_space<vmem>>, vector<16xf32>,
    %broadcast_in_dim3A_229 = arith.constant 0.000000e+00 : f32
    %broadcast_in_dim3A_230 = vector.broadcast %broadcast_in_dim3A_229 : f32 to vector<16xf32>
    %swap3A_231 = arith.constant 464 : index
    %swap3A_232 = tpu.vector_load %arg10[%swap3A_231] {strides = array<i32>} : memref<640xf32, #tpu.memory_space<vmem>>, vector<16xf32>,
    %swap3A_233 = vector.shape_cast %swap3A_232 : vector<16xf32> to vector<16xf32>
    %swap3A_234 = vector.shape_cast %broadcast_in_dim3A_230 : vector<16xf32> to vector<16xf32>
    tpu.vector_store %arg10[%swap3A_231], %swap3A_234 {strides = array<i32>} : memref<640xf32, #tpu.memory_space<vmem>>, vector<16xf32>,
    %broadcast_in_dim3A_235 = arith.constant 0.000000e+00 : f32
    %broadcast_in_dim3A_236 = vector.broadcast %broadcast_in_dim3A_235 : f32 to vector<16xf32>
    %swap3A_237 = arith.constant 480 : index
    %swap3A_238 = tpu.vector_load %arg10[%swap3A_237] {strides = array<i32>} : memref<640xf32, #tpu.memory_space<vmem>>, vector<16xf32>,
    %swap3A_239 = vector.shape_cast %swap3A_238 : vector<16xf32> to vector<16xf32>
    %swap3A_240 = vector.shape_cast %broadcast_in_dim3A_236 : vector<16xf32> to vector<16xf32>
    tpu.vector_store %arg10[%swap3A_237], %swap3A_240 {strides = array<i32>} : memref<640xf32, #tpu.memory_space<vmem>>, vector<16xf32>,
    %broadcast_in_dim3A_241 = arith.constant 0.000000e+00 : f32
    %broadcast_in_dim3A_242 = vector.broadcast %broadcast_in_dim3A_241 : f32 to vector<16xf32>
    %swap3A_243 = arith.constant 496 : index
    %swap3A_244 = tpu.vector_load %arg10[%swap3A_243] {strides = array<i32>} : memref<640xf32, #tpu.memory_space<vmem>>, vector<16xf32>,
    %swap3A_245 = vector.shape_cast %swap3A_244 : vector<16xf32> to vector<16xf32>
    %swap3A_246 = vector.shape_cast %broadcast_in_dim3A_242 : vector<16xf32> to vector<16xf32>
    tpu.vector_store %arg10[%swap3A_243], %swap3A_246 {strides = array<i32>} : memref<640xf32, #tpu.memory_space<vmem>>, vector<16xf32>,
    %broadcast_in_dim3A_247 = arith.constant 0.000000e+00 : f32
    %broadcast_in_dim3A_248 = vector.broadcast %broadcast_in_dim3A_247 : f32 to vector<16xf32>
    %swap3A_249 = arith.constant 512 : index
    %swap3A_250 = tpu.vector_load %arg10[%swap3A_249] {strides = array<i32>} : memref<640xf32, #tpu.memory_space<vmem>>, vector<16xf32>,
    %swap3A_251 = vector.shape_cast %swap3A_250 : vector<16xf32> to vector<16xf32>
    %swap3A_252 = vector.shape_cast %broadcast_in_dim3A_248 : vector<16xf32> to vector<16xf32>
    tpu.vector_store %arg10[%swap3A_249], %swap3A_252 {strides = array<i32>} : memref<640xf32, #tpu.memory_space<vmem>>, vector<16xf32>,
    %broadcast_in_dim3A_253 = arith.constant 0.000000e+00 : f32
    %broadcast_in_dim3A_254 = vector.broadcast %broadcast_in_dim3A_253 : f32 to vector<16xf32>
    %swap3A_255 = arith.constant 528 : index
    %swap3A_256 = tpu.vector_load %arg10[%swap3A_255] {strides = array<i32>} : memref<640xf32, #tpu.memory_space<vmem>>, vector<16xf32>,
    %swap3A_257 = vector.shape_cast %swap3A_256 : vector<16xf32> to vector<16xf32>
    %swap3A_258 = vector.shape_cast %broadcast_in_dim3A_254 : vector<16xf32> to vector<16xf32>
    tpu.vector_store %arg10[%swap3A_255], %swap3A_258 {strides = array<i32>} : memref<640xf32, #tpu.memory_space<vmem>>, vector<16xf32>,
    %broadcast_in_dim3A_259 = arith.constant 0.000000e+00 : f32
    %broadcast_in_dim3A_260 = vector.broadcast %broadcast_in_dim3A_259 : f32 to vector<16xf32>
    %swap3A_261 = arith.constant 544 : index
    %swap3A_262 = tpu.vector_load %arg10[%swap3A_261] {strides = array<i32>} : memref<640xf32, #tpu.memory_space<vmem>>, vector<16xf32>,
    %swap3A_263 = vector.shape_cast %swap3A_262 : vector<16xf32> to vector<16xf32>
    %swap3A_264 = vector.shape_cast %broadcast_in_dim3A_260 : vector<16xf32> to vector<16xf32>
    tpu.vector_store %arg10[%swap3A_261], %swap3A_264 {strides = array<i32>} : memref<640xf32, #tpu.memory_space<vmem>>, vector<16xf32>,
    %broadcast_in_dim3A_265 = arith.constant 0.000000e+00 : f32
    %broadcast_in_dim3A_266 = vector.broadcast %broadcast_in_dim3A_265 : f32 to vector<16xf32>
    %swap3A_267 = arith.constant 560 : index
    %swap3A_268 = tpu.vector_load %arg10[%swap3A_267] {strides = array<i32>} : memref<640xf32, #tpu.memory_space<vmem>>, vector<16xf32>,
    %swap3A_269 = vector.shape_cast %swap3A_268 : vector<16xf32> to vector<16xf32>
    %swap3A_270 = vector.shape_cast %broadcast_in_dim3A_266 : vector<16xf32> to vector<16xf32>
    tpu.vector_store %arg10[%swap3A_267], %swap3A_270 {strides = array<i32>} : memref<640xf32, #tpu.memory_space<vmem>>, vector<16xf32>,
    %broadcast_in_dim3A_271 = arith.constant 0.000000e+00 : f32
    %broadcast_in_dim3A_272 = vector.broadcast %broadcast_in_dim3A_271 : f32 to vector<16xf32>
    %swap3A_273 = arith.constant 576 : index
    %swap3A_274 = tpu.vector_load %arg10[%swap3A_273] {strides = array<i32>} : memref<640xf32, #tpu.memory_space<vmem>>, vector<16xf32>,
    %swap3A_275 = vector.shape_cast %swap3A_274 : vector<16xf32> to vector<16xf32>
    %swap3A_276 = vector.shape_cast %broadcast_in_dim3A_272 : vector<16xf32> to vector<16xf32>
    tpu.vector_store %arg10[%swap3A_273], %swap3A_276 {strides = array<i32>} : memref<640xf32, #tpu.memory_space<vmem>>, vector<16xf32>,
    %broadcast_in_dim3A_277 = arith.constant 0.000000e+00 : f32
    %broadcast_in_dim3A_278 = vector.broadcast %broadcast_in_dim3A_277 : f32 to vector<16xf32>
    %swap3A_279 = arith.constant 592 : index
    %swap3A_280 = tpu.vector_load %arg10[%swap3A_279] {strides = array<i32>} : memref<640xf32, #tpu.memory_space<vmem>>, vector<16xf32>,
    %swap3A_281 = vector.shape_cast %swap3A_280 : vector<16xf32> to vector<16xf32>
    %swap3A_282 = vector.shape_cast %broadcast_in_dim3A_278 : vector<16xf32> to vector<16xf32>
    tpu.vector_store %arg10[%swap3A_279], %swap3A_282 {strides = array<i32>} : memref<640xf32, #tpu.memory_space<vmem>>, vector<16xf32>,
    %broadcast_in_dim3A_283 = arith.constant 0.000000e+00 : f32
    %broadcast_in_dim3A_284 = vector.broadcast %broadcast_in_dim3A_283 : f32 to vector<16xf32>
    %swap3A_285 = arith.constant 608 : index
    %swap3A_286 = tpu.vector_load %arg10[%swap3A_285] {strides = array<i32>} : memref<640xf32, #tpu.memory_space<vmem>>, vector<16xf32>,
    %swap3A_287 = vector.shape_cast %swap3A_286 : vector<16xf32> to vector<16xf32>
    %swap3A_288 = vector.shape_cast %broadcast_in_dim3A_284 : vector<16xf32> to vector<16xf32>
    tpu.vector_store %arg10[%swap3A_285], %swap3A_288 {strides = array<i32>} : memref<640xf32, #tpu.memory_space<vmem>>, vector<16xf32>,
    %broadcast_in_dim3A_289 = arith.constant 0.000000e+00 : f32
    %broadcast_in_dim3A_290 = vector.broadcast %broadcast_in_dim3A_289 : f32 to vector<16xf32>
    %swap3A_291 = arith.constant 624 : index
    %swap3A_292 = tpu.vector_load %arg10[%swap3A_291] {strides = array<i32>} : memref<640xf32, #tpu.memory_space<vmem>>, vector<16xf32>,
    %swap3A_293 = vector.shape_cast %swap3A_292 : vector<16xf32> to vector<16xf32>
    %swap3A_294 = vector.shape_cast %broadcast_in_dim3A_290 : vector<16xf32> to vector<16xf32>
    tpu.vector_store %arg10[%swap3A_291], %swap3A_294 {strides = array<i32>} : memref<640xf32, #tpu.memory_space<vmem>>, vector<16xf32>,
    %mul3A_295 = arith.constant 640 : i32
    %mul3A_296 = arith.muli %arg1, %mul3A_295 : i32
    "tpu.region"() ({
      %run_scoped3A_531 = tpu.sem_alloc : memref<!tpu.dma_semaphore, #tpu.memory_space<semaphore_mem>>
      %dma_start3A_532 = tpu.memref_slice %arg11[%mul3A_296] : memref<10240xf32, #tpu.memory_space<vmem_shared>> -> memref<640xf32, #tpu.memory_space<vmem_shared>>
      %dma_start3A_533 = tpu.memref_slice %arg11[%mul3A_296] : memref<10240xf32, #tpu.memory_space<vmem_shared>> -> memref<640xf32, #tpu.memory_space<vmem_shared>>
      tpu.enqueue_dma source(%arg10 : memref<640xf32, #tpu.memory_space<vmem>>) target(%dma_start3A_533 : memref<640xf32, #tpu.memory_space<vmem_shared>>) target_semaphore(%run_scoped3A_531 : memref<!tpu.dma_semaphore, #tpu.memory_space<semaphore_mem>>)
      %dma_wait3A_534 = tpu.memref_slice %arg11[%mul3A_296] : memref<10240xf32, #tpu.memory_space<vmem_shared>> -> memref<640xf32, #tpu.memory_space<vmem_shared>>
      %dma_wait3A_535 = tpu.memref_slice %arg11[%mul3A_296] : memref<10240xf32, #tpu.memory_space<vmem_shared>> -> memref<640xf32, #tpu.memory_space<vmem_shared>>
      tpu.wait_dma2 semaphore(%run_scoped3A_531 : memref<!tpu.dma_semaphore, #tpu.memory_space<semaphore_mem>>) src(%arg10 : memref<640xf32, #tpu.memory_space<vmem>>) dst(%dma_wait3A_535 : memref<640xf32, #tpu.memory_space<vmem_shared>>)
      tpu.yield
    }) : () -> ()
    %barrier3A = arith.constant 0 : index
    tpu.barrier barrier_id(%barrier3A)
    %add3A_297 = arith.constant 0 : i32
    %add3A_298 = arith.addi %add3A_4, %add3A_297 : i32
    %mul3A_299 = arith.constant 128 : i32
    %mul3A_300 = arith.muli %add3A_298, %mul3A_299 : i32
    %dma_start3A = arith.constant 0 : i32
    %dma_start3A_301 = tpu.memref_slice %arg2[%dma_start3A, %mul3A_300] : memref<2x320000xi32, #tpu.memory_space<hbm>> -> memref<2x128xi32, #tpu.memory_space<hbm>>
    %dma_start3A_302 = arith.constant 0 : i32
    %dma_start3A_303 = tpu.memref_slice %arg2[%dma_start3A_302, %mul3A_300] : memref<2x320000xi32, #tpu.memory_space<hbm>> -> memref<2x128xi32, #tpu.memory_space<hbm>>
    tpu.enqueue_dma source(%dma_start3A_303 : memref<2x128xi32, #tpu.memory_space<hbm>>) target(%arg4 : memref<2x128xi32, #tpu.memory_space<vmem>>) target_semaphore(%arg12 : memref<!tpu.dma_semaphore, #tpu.memory_space<semaphore_mem>>)
    %add3A_304 = arith.constant 1 : i32
    %add3A_305 = arith.addi %add3A_4, %add3A_304 : i32
    %mul3A_306 = arith.constant 128 : i32
    %mul3A_307 = arith.muli %add3A_305, %mul3A_306 : i32
    %dma_start3A_308 = arith.constant 0 : i32
    %dma_start3A_309 = tpu.memref_slice %arg2[%dma_start3A_308, %mul3A_307] : memref<2x320000xi32, #tpu.memory_space<hbm>> -> memref<2x128xi32, #tpu.memory_space<hbm>>
    %dma_start3A_310 = arith.constant 0 : i32
    %dma_start3A_311 = tpu.memref_slice %arg2[%dma_start3A_310, %mul3A_307] : memref<2x320000xi32, #tpu.memory_space<hbm>> -> memref<2x128xi32, #tpu.memory_space<hbm>>
    tpu.enqueue_dma source(%dma_start3A_311 : memref<2x128xi32, #tpu.memory_space<hbm>>) target(%arg5 : memref<2x128xi32, #tpu.memory_space<vmem>>) target_semaphore(%arg13 : memref<!tpu.dma_semaphore, #tpu.memory_space<semaphore_mem>>)
    %add3A_312 = arith.constant 2 : i32
    %add3A_313 = arith.addi %add3A_4, %add3A_312 : i32
    %mul3A_314 = arith.constant 128 : i32
    %mul3A_315 = arith.muli %add3A_313, %mul3A_314 : i32
    %dma_start3A_316 = arith.constant 0 : i32
    %dma_start3A_317 = tpu.memref_slice %arg2[%dma_start3A_316, %mul3A_315] : memref<2x320000xi32, #tpu.memory_space<hbm>> -> memref<2x128xi32, #tpu.memory_space<hbm>>
    %dma_start3A_318 = arith.constant 0 : i32
    %dma_start3A_319 = tpu.memref_slice %arg2[%dma_start3A_318, %mul3A_315] : memref<2x320000xi32, #tpu.memory_space<hbm>> -> memref<2x128xi32, #tpu.memory_space<hbm>>
    tpu.enqueue_dma source(%dma_start3A_319 : memref<2x128xi32, #tpu.memory_space<hbm>>) target(%arg6 : memref<2x128xi32, #tpu.memory_space<vmem>>) target_semaphore(%arg14 : memref<!tpu.dma_semaphore, #tpu.memory_space<semaphore_mem>>)
    %add3A_320 = arith.constant 3 : i32
    %add3A_321 = arith.addi %add3A_4, %add3A_320 : i32
    %mul3A_322 = arith.constant 128 : i32
    %mul3A_323 = arith.muli %add3A_321, %mul3A_322 : i32
    %dma_start3A_324 = arith.constant 0 : i32
    %dma_start3A_325 = tpu.memref_slice %arg2[%dma_start3A_324, %mul3A_323] : memref<2x320000xi32, #tpu.memory_space<hbm>> -> memref<2x128xi32, #tpu.memory_space<hbm>>
    %dma_start3A_326 = arith.constant 0 : i32
    %dma_start3A_327 = tpu.memref_slice %arg2[%dma_start3A_326, %mul3A_323] : memref<2x320000xi32, #tpu.memory_space<hbm>> -> memref<2x128xi32, #tpu.memory_space<hbm>>
    tpu.enqueue_dma source(%dma_start3A_327 : memref<2x128xi32, #tpu.memory_space<hbm>>) target(%arg7 : memref<2x128xi32, #tpu.memory_space<vmem>>) target_semaphore(%arg15 : memref<!tpu.dma_semaphore, #tpu.memory_space<semaphore_mem>>)
    %scan3A = arith.constant 0 : i32
    %scan3A_328 = arith.constant 0 : i32
    %scan3A_329 = arith.constant 19 : i32
    %scan3A_330 = arith.addi %scan3A_328, %scan3A_329 : i32
    %scan3A_331 = arith.constant 1 : i32
    scf.for %scan3A_531 = %scan3A_328 to %scan3A_330 step %scan3A_331  : i32 {
      %mul3A_532 = arith.constant 4 : i32
      %mul3A_533 = arith.muli %mul3A_532, %scan3A_531 : i32
      %add3A_534 = arith.constant 0 : i32
      %add3A_535 = arith.addi %mul3A_533, %add3A_534 : i32
      %add3A_536 = arith.constant 0 : i32
      %add3A_537 = arith.addi %add3A_4, %add3A_536 : i32
      %mul3A_538 = arith.constant 128 : i32
      %mul3A_539 = arith.muli %add3A_537, %mul3A_538 : i32
      %dma_wait3A_540 = arith.constant 0 : i32
      %dma_wait3A_541 = tpu.memref_slice %arg2[%dma_wait3A_540, %mul3A_539] : memref<2x320000xi32, #tpu.memory_space<hbm>> -> memref<2x128xi32, #tpu.memory_space<hbm>>
      %dma_wait3A_542 = arith.constant 0 : i32
      %dma_wait3A_543 = tpu.memref_slice %arg2[%dma_wait3A_542, %mul3A_539] : memref<2x320000xi32, #tpu.memory_space<hbm>> -> memref<2x128xi32, #tpu.memory_space<hbm>>
      tpu.wait_dma2 semaphore(%arg12 : memref<!tpu.dma_semaphore, #tpu.memory_space<semaphore_mem>>) src(%dma_wait3A_543 : memref<2x128xi32, #tpu.memory_space<hbm>>) dst(%arg4 : memref<2x128xi32, #tpu.memory_space<vmem>>)
      %get3A_544 = arith.constant 1 : i32
      %get3A_545 = arith.index_cast %get3A_544 : i32 to index
      %get3A_546 = arith.constant 0 : index
      %get3A_547 = tpu.vector_load %arg4[%get3A_545, %get3A_546] {strides = array<i32>} : memref<2x128xi32, #tpu.memory_space<vmem>>, vector<1x16xi32>,
      %get3A_548 = vector.shape_cast %get3A_547 : vector<1x16xi32> to vector<16xi32>
      %swap3A_549 = arith.constant 0 : i32
      %swap3A_550 = arith.index_cast %swap3A_549 : i32 to index
      %swap3A_551 = arith.constant 0 : index
      %swap3A_552 = tpu.vector_load %arg8[%swap3A_550, %swap3A_551] {strides = array<i32>} : memref<1x128xi32, #tpu.memory_space<vmem>>, vector<1x16xi32>,
      %swap3A_553 = vector.shape_cast %swap3A_552 : vector<1x16xi32> to vector<16xi32>
      %swap3A_554 = vector.shape_cast %get3A_548 : vector<16xi32> to vector<1x16xi32>
      tpu.vector_store %arg8[%swap3A_550, %swap3A_551], %swap3A_554 {strides = array<i32>} : memref<1x128xi32, #tpu.memory_space<vmem>>, vector<1x16xi32>,
      %get3A_555 = arith.constant 1 : i32
      %get3A_556 = arith.index_cast %get3A_555 : i32 to index
      %get3A_557 = arith.constant 16 : index
      %get3A_558 = tpu.vector_load %arg4[%get3A_556, %get3A_557] {strides = array<i32>} : memref<2x128xi32, #tpu.memory_space<vmem>>, vector<1x16xi32>,
      %get3A_559 = vector.shape_cast %get3A_558 : vector<1x16xi32> to vector<16xi32>
      %swap3A_560 = arith.constant 0 : i32
      %swap3A_561 = arith.index_cast %swap3A_560 : i32 to index
      %swap3A_562 = arith.constant 16 : index
      %swap3A_563 = tpu.vector_load %arg8[%swap3A_561, %swap3A_562] {strides = array<i32>} : memref<1x128xi32, #tpu.memory_space<vmem>>, vector<1x16xi32>,
      %swap3A_564 = vector.shape_cast %swap3A_563 : vector<1x16xi32> to vector<16xi32>
      %swap3A_565 = vector.shape_cast %get3A_559 : vector<16xi32> to vector<1x16xi32>
      tpu.vector_store %arg8[%swap3A_561, %swap3A_562], %swap3A_565 {strides = array<i32>} : memref<1x128xi32, #tpu.memory_space<vmem>>, vector<1x16xi32>,
      %get3A_566 = arith.constant 1 : i32
      %get3A_567 = arith.index_cast %get3A_566 : i32 to index
      %get3A_568 = arith.constant 32 : index
      %get3A_569 = tpu.vector_load %arg4[%get3A_567, %get3A_568] {strides = array<i32>} : memref<2x128xi32, #tpu.memory_space<vmem>>, vector<1x16xi32>,
      %get3A_570 = vector.shape_cast %get3A_569 : vector<1x16xi32> to vector<16xi32>
      %swap3A_571 = arith.constant 0 : i32
      %swap3A_572 = arith.index_cast %swap3A_571 : i32 to index
      %swap3A_573 = arith.constant 32 : index
      %swap3A_574 = tpu.vector_load %arg8[%swap3A_572, %swap3A_573] {strides = array<i32>} : memref<1x128xi32, #tpu.memory_space<vmem>>, vector<1x16xi32>,
      %swap3A_575 = vector.shape_cast %swap3A_574 : vector<1x16xi32> to vector<16xi32>
      %swap3A_576 = vector.shape_cast %get3A_570 : vector<16xi32> to vector<1x16xi32>
      tpu.vector_store %arg8[%swap3A_572, %swap3A_573], %swap3A_576 {strides = array<i32>} : memref<1x128xi32, #tpu.memory_space<vmem>>, vector<1x16xi32>,
      %get3A_577 = arith.constant 1 : i32
      %get3A_578 = arith.index_cast %get3A_577 : i32 to index
      %get3A_579 = arith.constant 48 : index
      %get3A_580 = tpu.vector_load %arg4[%get3A_578, %get3A_579] {strides = array<i32>} : memref<2x128xi32, #tpu.memory_space<vmem>>, vector<1x16xi32>,
      %get3A_581 = vector.shape_cast %get3A_580 : vector<1x16xi32> to vector<16xi32>
      %swap3A_582 = arith.constant 0 : i32
      %swap3A_583 = arith.index_cast %swap3A_582 : i32 to index
      %swap3A_584 = arith.constant 48 : index
      %swap3A_585 = tpu.vector_load %arg8[%swap3A_583, %swap3A_584] {strides = array<i32>} : memref<1x128xi32, #tpu.memory_space<vmem>>, vector<1x16xi32>,
      %swap3A_586 = vector.shape_cast %swap3A_585 : vector<1x16xi32> to vector<16xi32>
      %swap3A_587 = vector.shape_cast %get3A_581 : vector<16xi32> to vector<1x16xi32>
      tpu.vector_store %arg8[%swap3A_583, %swap3A_584], %swap3A_587 {strides = array<i32>} : memref<1x128xi32, #tpu.memory_space<vmem>>, vector<1x16xi32>,
      %get3A_588 = arith.constant 1 : i32
      %get3A_589 = arith.index_cast %get3A_588 : i32 to index
      %get3A_590 = arith.constant 64 : index
      %get3A_591 = tpu.vector_load %arg4[%get3A_589, %get3A_590] {strides = array<i32>} : memref<2x128xi32, #tpu.memory_space<vmem>>, vector<1x16xi32>,
      %get3A_592 = vector.shape_cast %get3A_591 : vector<1x16xi32> to vector<16xi32>
      %swap3A_593 = arith.constant 0 : i32
      %swap3A_594 = arith.index_cast %swap3A_593 : i32 to index
      %swap3A_595 = arith.constant 64 : index
      %swap3A_596 = tpu.vector_load %arg8[%swap3A_594, %swap3A_595] {strides = array<i32>} : memref<1x128xi32, #tpu.memory_space<vmem>>, vector<1x16xi32>,
      %swap3A_597 = vector.shape_cast %swap3A_596 : vector<1x16xi32> to vector<16xi32>
      %swap3A_598 = vector.shape_cast %get3A_592 : vector<16xi32> to vector<1x16xi32>
      tpu.vector_store %arg8[%swap3A_594, %swap3A_595], %swap3A_598 {strides = array<i32>} : memref<1x128xi32, #tpu.memory_space<vmem>>, vector<1x16xi32>,
      %get3A_599 = arith.constant 1 : i32
      %get3A_600 = arith.index_cast %get3A_599 : i32 to index
      %get3A_601 = arith.constant 80 : index
      %get3A_602 = tpu.vector_load %arg4[%get3A_600, %get3A_601] {strides = array<i32>} : memref<2x128xi32, #tpu.memory_space<vmem>>, vector<1x16xi32>,
      %get3A_603 = vector.shape_cast %get3A_602 : vector<1x16xi32> to vector<16xi32>
      %swap3A_604 = arith.constant 0 : i32
      %swap3A_605 = arith.index_cast %swap3A_604 : i32 to index
      %swap3A_606 = arith.constant 80 : index
      %swap3A_607 = tpu.vector_load %arg8[%swap3A_605, %swap3A_606] {strides = array<i32>} : memref<1x128xi32, #tpu.memory_space<vmem>>, vector<1x16xi32>,
      %swap3A_608 = vector.shape_cast %swap3A_607 : vector<1x16xi32> to vector<16xi32>
      %swap3A_609 = vector.shape_cast %get3A_603 : vector<16xi32> to vector<1x16xi32>
      tpu.vector_store %arg8[%swap3A_605, %swap3A_606], %swap3A_609 {strides = array<i32>} : memref<1x128xi32, #tpu.memory_space<vmem>>, vector<1x16xi32>,
      %get3A_610 = arith.constant 1 : i32
      %get3A_611 = arith.index_cast %get3A_610 : i32 to index
      %get3A_612 = arith.constant 96 : index
      %get3A_613 = tpu.vector_load %arg4[%get3A_611, %get3A_612] {strides = array<i32>} : memref<2x128xi32, #tpu.memory_space<vmem>>, vector<1x16xi32>,
      %get3A_614 = vector.shape_cast %get3A_613 : vector<1x16xi32> to vector<16xi32>
      %swap3A_615 = arith.constant 0 : i32
      %swap3A_616 = arith.index_cast %swap3A_615 : i32 to index
      %swap3A_617 = arith.constant 96 : index
      %swap3A_618 = tpu.vector_load %arg8[%swap3A_616, %swap3A_617] {strides = array<i32>} : memref<1x128xi32, #tpu.memory_space<vmem>>, vector<1x16xi32>,
      %swap3A_619 = vector.shape_cast %swap3A_618 : vector<1x16xi32> to vector<16xi32>
      %swap3A_620 = vector.shape_cast %get3A_614 : vector<16xi32> to vector<1x16xi32>
      tpu.vector_store %arg8[%swap3A_616, %swap3A_617], %swap3A_620 {strides = array<i32>} : memref<1x128xi32, #tpu.memory_space<vmem>>, vector<1x16xi32>,
      %get3A_621 = arith.constant 1 : i32
      %get3A_622 = arith.index_cast %get3A_621 : i32 to index
      %get3A_623 = arith.constant 112 : index
      %get3A_624 = tpu.vector_load %arg4[%get3A_622, %get3A_623] {strides = array<i32>} : memref<2x128xi32, #tpu.memory_space<vmem>>, vector<1x16xi32>,
      %get3A_625 = vector.shape_cast %get3A_624 : vector<1x16xi32> to vector<16xi32>
      %swap3A_626 = arith.constant 0 : i32
      %swap3A_627 = arith.index_cast %swap3A_626 : i32 to index
      %swap3A_628 = arith.constant 112 : index
      %swap3A_629 = tpu.vector_load %arg8[%swap3A_627, %swap3A_628] {strides = array<i32>} : memref<1x128xi32, #tpu.memory_space<vmem>>, vector<1x16xi32>,
      %swap3A_630 = vector.shape_cast %swap3A_629 : vector<1x16xi32> to vector<16xi32>
      %swap3A_631 = vector.shape_cast %get3A_625 : vector<16xi32> to vector<1x16xi32>
      tpu.vector_store %arg8[%swap3A_627, %swap3A_628], %swap3A_631 {strides = array<i32>} : memref<1x128xi32, #tpu.memory_space<vmem>>, vector<1x16xi32>,
      %run_scoped3A_632 = arith.constant 0 : i32
      "tpu.region"() ({
        %run_scoped3A_960 = tpu.sem_alloc : memref<!tpu.dma_semaphore, #tpu.memory_space<semaphore_mem>>
        %dma_start3A_961 = arith.constant 0 : i32
        %dma_start3A_962 = tpu.memref_slice %arg8[%run_scoped3A_632, %dma_start3A_961] : memref<1x128xi32, #tpu.memory_space<vmem>> -> memref<1x128xi32, #tpu.memory_space<vmem>>
        %dma_start3A_963 = tpu.memref_squeeze %dma_start3A_962 : memref<1x128xi32, #tpu.memory_space<vmem>> -> memref<128xi32, #tpu.memory_space<vmem>>
        %dma_start3A_964 = arith.constant 0 : i32
        %dma_start3A_965 = tpu.memref_slice %arg11[%dma_start3A_964] : memref<10240xf32, #tpu.memory_space<vmem_shared>> -> memref<10240xf32, #tpu.memory_space<vmem_shared>>
        tpu.enqueue_indirect_dma source(%arg9 : memref<128xf32, #tpu.memory_space<vmem>>) target(%dma_start3A_965 : memref<10240xf32, #tpu.memory_space<vmem_shared>>) offsets(%dma_start3A_963 : memref<128xi32, #tpu.memory_space<vmem>>) semaphore(%run_scoped3A_960 : memref<!tpu.dma_semaphore, #tpu.memory_space<semaphore_mem>>) {add = true}
        %dma_wait3A_966 = arith.constant 0 : i32
        %dma_wait3A_967 = tpu.memref_slice %arg8[%run_scoped3A_632, %dma_wait3A_966] : memref<1x128xi32, #tpu.memory_space<vmem>> -> memref<1x128xi32, #tpu.memory_space<vmem>>
        %dma_wait3A_968 = tpu.memref_squeeze %dma_wait3A_967 : memref<1x128xi32, #tpu.memory_space<vmem>> -> memref<128xi32, #tpu.memory_space<vmem>>
        %dma_wait3A_969 = arith.constant 0 : i32
        %dma_wait3A_970 = tpu.memref_slice %arg11[%dma_wait3A_969] : memref<10240xf32, #tpu.memory_space<vmem_shared>> -> memref<10240xf32, #tpu.memory_space<vmem_shared>>
        tpu.wait_indirect_dma semaphore(%run_scoped3A_960 : memref<!tpu.dma_semaphore, #tpu.memory_space<semaphore_mem>>) src(%arg9 : memref<128xf32, #tpu.memory_space<vmem>>) dst(%dma_wait3A_970 : memref<10240xf32, #tpu.memory_space<vmem_shared>>)
        tpu.yield
      }) : () -> ()
      %add3A_633 = arith.constant 4 : i32
      %add3A_634 = arith.addi %add3A_535, %add3A_633 : i32
      %lt3A_635 = arith.cmpi slt, %add3A_634, %add3A_8 : i32
      %convert_element_type3A_636 = arith.extui %lt3A_635 : i1 to i32
      %cond3A_637 = arith.constant 0 : i32
      %cond3A_638 = arith.cmpi ne, %convert_element_type3A_636, %cond3A_637 : i32
      scf.if %cond3A_638 {
        %add3A_960 = arith.constant 4 : i32
        %add3A_961 = arith.addi %add3A_535, %add3A_960 : i32
        %add3A_962 = arith.addi %add3A_4, %add3A_961 : i32
        %mul3A_963 = arith.constant 128 : i32
        %mul3A_964 = arith.muli %add3A_962, %mul3A_963 : i32
        %dma_start3A_965 = arith.constant 0 : i32
        %dma_start3A_966 = tpu.memref_slice %arg2[%dma_start3A_965, %mul3A_964] : memref<2x320000xi32, #tpu.memory_space<hbm>> -> memref<2x128xi32, #tpu.memory_space<hbm>>
        %dma_start3A_967 = arith.constant 0 : i32
        %dma_start3A_968 = tpu.memref_slice %arg2[%dma_start3A_967, %mul3A_964] : memref<2x320000xi32, #tpu.memory_space<hbm>> -> memref<2x128xi32, #tpu.memory_space<hbm>>
        tpu.enqueue_dma source(%dma_start3A_968 : memref<2x128xi32, #tpu.memory_space<hbm>>) target(%arg4 : memref<2x128xi32, #tpu.memory_space<vmem>>) target_semaphore(%arg12 : memref<!tpu.dma_semaphore, #tpu.memory_space<semaphore_mem>>)
      } else {
      }
      %mul3A_639 = arith.constant 4 : i32
      %mul3A_640 = arith.muli %mul3A_639, %scan3A_531 : i32
      %add3A_641 = arith.constant 1 : i32
      %add3A_642 = arith.addi %mul3A_640, %add3A_641 : i32
      %add3A_643 = arith.constant 0 : i32
      %add3A_644 = arith.addi %add3A_4, %add3A_643 : i32
      %mul3A_645 = arith.constant 128 : i32
      %mul3A_646 = arith.muli %add3A_644, %mul3A_645 : i32
      %dma_wait3A_647 = arith.constant 0 : i32
      %dma_wait3A_648 = tpu.memref_slice %arg2[%dma_wait3A_647, %mul3A_646] : memref<2x320000xi32, #tpu.memory_space<hbm>> -> memref<2x128xi32, #tpu.memory_space<hbm>>
      %dma_wait3A_649 = arith.constant 0 : i32
      %dma_wait3A_650 = tpu.memref_slice %arg2[%dma_wait3A_649, %mul3A_646] : memref<2x320000xi32, #tpu.memory_space<hbm>> -> memref<2x128xi32, #tpu.memory_space<hbm>>
      tpu.wait_dma2 semaphore(%arg13 : memref<!tpu.dma_semaphore, #tpu.memory_space<semaphore_mem>>) src(%dma_wait3A_650 : memref<2x128xi32, #tpu.memory_space<hbm>>) dst(%arg5 : memref<2x128xi32, #tpu.memory_space<vmem>>)
      %get3A_651 = arith.constant 1 : i32
      %get3A_652 = arith.index_cast %get3A_651 : i32 to index
      %get3A_653 = arith.constant 0 : index
      %get3A_654 = tpu.vector_load %arg5[%get3A_652, %get3A_653] {strides = array<i32>} : memref<2x128xi32, #tpu.memory_space<vmem>>, vector<1x16xi32>,
      %get3A_655 = vector.shape_cast %get3A_654 : vector<1x16xi32> to vector<16xi32>
      %swap3A_656 = arith.constant 0 : i32
      %swap3A_657 = arith.index_cast %swap3A_656 : i32 to index
      %swap3A_658 = arith.constant 0 : index
      %swap3A_659 = tpu.vector_load %arg8[%swap3A_657, %swap3A_658] {strides = array<i32>} : memref<1x128xi32, #tpu.memory_space<vmem>>, vector<1x16xi32>,
      %swap3A_660 = vector.shape_cast %swap3A_659 : vector<1x16xi32> to vector<16xi32>
      %swap3A_661 = vector.shape_cast %get3A_655 : vector<16xi32> to vector<1x16xi32>
      tpu.vector_store %arg8[%swap3A_657, %swap3A_658], %swap3A_661 {strides = array<i32>} : memref<1x128xi32, #tpu.memory_space<vmem>>, vector<1x16xi32>,
      %get3A_662 = arith.constant 1 : i32
      %get3A_663 = arith.index_cast %get3A_662 : i32 to index
      %get3A_664 = arith.constant 16 : index
      %get3A_665 = tpu.vector_load %arg5[%get3A_663, %get3A_664] {strides = array<i32>} : memref<2x128xi32, #tpu.memory_space<vmem>>, vector<1x16xi32>,
      %get3A_666 = vector.shape_cast %get3A_665 : vector<1x16xi32> to vector<16xi32>
      %swap3A_667 = arith.constant 0 : i32
      %swap3A_668 = arith.index_cast %swap3A_667 : i32 to index
      %swap3A_669 = arith.constant 16 : index
      %swap3A_670 = tpu.vector_load %arg8[%swap3A_668, %swap3A_669] {strides = array<i32>} : memref<1x128xi32, #tpu.memory_space<vmem>>, vector<1x16xi32>,
      %swap3A_671 = vector.shape_cast %swap3A_670 : vector<1x16xi32> to vector<16xi32>
      %swap3A_672 = vector.shape_cast %get3A_666 : vector<16xi32> to vector<1x16xi32>
      tpu.vector_store %arg8[%swap3A_668, %swap3A_669], %swap3A_672 {strides = array<i32>} : memref<1x128xi32, #tpu.memory_space<vmem>>, vector<1x16xi32>,
      %get3A_673 = arith.constant 1 : i32
      %get3A_674 = arith.index_cast %get3A_673 : i32 to index
      %get3A_675 = arith.constant 32 : index
      %get3A_676 = tpu.vector_load %arg5[%get3A_674, %get3A_675] {strides = array<i32>} : memref<2x128xi32, #tpu.memory_space<vmem>>, vector<1x16xi32>,
      %get3A_677 = vector.shape_cast %get3A_676 : vector<1x16xi32> to vector<16xi32>
      %swap3A_678 = arith.constant 0 : i32
      %swap3A_679 = arith.index_cast %swap3A_678 : i32 to index
      %swap3A_680 = arith.constant 32 : index
      %swap3A_681 = tpu.vector_load %arg8[%swap3A_679, %swap3A_680] {strides = array<i32>} : memref<1x128xi32, #tpu.memory_space<vmem>>, vector<1x16xi32>,
      %swap3A_682 = vector.shape_cast %swap3A_681 : vector<1x16xi32> to vector<16xi32>
      %swap3A_683 = vector.shape_cast %get3A_677 : vector<16xi32> to vector<1x16xi32>
      tpu.vector_store %arg8[%swap3A_679, %swap3A_680], %swap3A_683 {strides = array<i32>} : memref<1x128xi32, #tpu.memory_space<vmem>>, vector<1x16xi32>,
      %get3A_684 = arith.constant 1 : i32
      %get3A_685 = arith.index_cast %get3A_684 : i32 to index
      %get3A_686 = arith.constant 48 : index
      %get3A_687 = tpu.vector_load %arg5[%get3A_685, %get3A_686] {strides = array<i32>} : memref<2x128xi32, #tpu.memory_space<vmem>>, vector<1x16xi32>,
      %get3A_688 = vector.shape_cast %get3A_687 : vector<1x16xi32> to vector<16xi32>
      %swap3A_689 = arith.constant 0 : i32
      %swap3A_690 = arith.index_cast %swap3A_689 : i32 to index
      %swap3A_691 = arith.constant 48 : index
      %swap3A_692 = tpu.vector_load %arg8[%swap3A_690, %swap3A_691] {strides = array<i32>} : memref<1x128xi32, #tpu.memory_space<vmem>>, vector<1x16xi32>,
      %swap3A_693 = vector.shape_cast %swap3A_692 : vector<1x16xi32> to vector<16xi32>
      %swap3A_694 = vector.shape_cast %get3A_688 : vector<16xi32> to vector<1x16xi32>
      tpu.vector_store %arg8[%swap3A_690, %swap3A_691], %swap3A_694 {strides = array<i32>} : memref<1x128xi32, #tpu.memory_space<vmem>>, vector<1x16xi32>,
      %get3A_695 = arith.constant 1 : i32
      %get3A_696 = arith.index_cast %get3A_695 : i32 to index
      %get3A_697 = arith.constant 64 : index
      %get3A_698 = tpu.vector_load %arg5[%get3A_696, %get3A_697] {strides = array<i32>} : memref<2x128xi32, #tpu.memory_space<vmem>>, vector<1x16xi32>,
      %get3A_699 = vector.shape_cast %get3A_698 : vector<1x16xi32> to vector<16xi32>
      %swap3A_700 = arith.constant 0 : i32
      %swap3A_701 = arith.index_cast %swap3A_700 : i32 to index
      %swap3A_702 = arith.constant 64 : index
      %swap3A_703 = tpu.vector_load %arg8[%swap3A_701, %swap3A_702] {strides = array<i32>} : memref<1x128xi32, #tpu.memory_space<vmem>>, vector<1x16xi32>,
      %swap3A_704 = vector.shape_cast %swap3A_703 : vector<1x16xi32> to vector<16xi32>
      %swap3A_705 = vector.shape_cast %get3A_699 : vector<16xi32> to vector<1x16xi32>
      tpu.vector_store %arg8[%swap3A_701, %swap3A_702], %swap3A_705 {strides = array<i32>} : memref<1x128xi32, #tpu.memory_space<vmem>>, vector<1x16xi32>,
      %get3A_706 = arith.constant 1 : i32
      %get3A_707 = arith.index_cast %get3A_706 : i32 to index
      %get3A_708 = arith.constant 80 : index
      %get3A_709 = tpu.vector_load %arg5[%get3A_707, %get3A_708] {strides = array<i32>} : memref<2x128xi32, #tpu.memory_space<vmem>>, vector<1x16xi32>,
      %get3A_710 = vector.shape_cast %get3A_709 : vector<1x16xi32> to vector<16xi32>
      %swap3A_711 = arith.constant 0 : i32
      %swap3A_712 = arith.index_cast %swap3A_711 : i32 to index
      %swap3A_713 = arith.constant 80 : index
      %swap3A_714 = tpu.vector_load %arg8[%swap3A_712, %swap3A_713] {strides = array<i32>} : memref<1x128xi32, #tpu.memory_space<vmem>>, vector<1x16xi32>,
      %swap3A_715 = vector.shape_cast %swap3A_714 : vector<1x16xi32> to vector<16xi32>
      %swap3A_716 = vector.shape_cast %get3A_710 : vector<16xi32> to vector<1x16xi32>
      tpu.vector_store %arg8[%swap3A_712, %swap3A_713], %swap3A_716 {strides = array<i32>} : memref<1x128xi32, #tpu.memory_space<vmem>>, vector<1x16xi32>,
      %get3A_717 = arith.constant 1 : i32
      %get3A_718 = arith.index_cast %get3A_717 : i32 to index
      %get3A_719 = arith.constant 96 : index
      %get3A_720 = tpu.vector_load %arg5[%get3A_718, %get3A_719] {strides = array<i32>} : memref<2x128xi32, #tpu.memory_space<vmem>>, vector<1x16xi32>,
      %get3A_721 = vector.shape_cast %get3A_720 : vector<1x16xi32> to vector<16xi32>
      %swap3A_722 = arith.constant 0 : i32
      %swap3A_723 = arith.index_cast %swap3A_722 : i32 to index
      %swap3A_724 = arith.constant 96 : index
      %swap3A_725 = tpu.vector_load %arg8[%swap3A_723, %swap3A_724] {strides = array<i32>} : memref<1x128xi32, #tpu.memory_space<vmem>>, vector<1x16xi32>,
      %swap3A_726 = vector.shape_cast %swap3A_725 : vector<1x16xi32> to vector<16xi32>
      %swap3A_727 = vector.shape_cast %get3A_721 : vector<16xi32> to vector<1x16xi32>
      tpu.vector_store %arg8[%swap3A_723, %swap3A_724], %swap3A_727 {strides = array<i32>} : memref<1x128xi32, #tpu.memory_space<vmem>>, vector<1x16xi32>,
      %get3A_728 = arith.constant 1 : i32
      %get3A_729 = arith.index_cast %get3A_728 : i32 to index
      %get3A_730 = arith.constant 112 : index
      %get3A_731 = tpu.vector_load %arg5[%get3A_729, %get3A_730] {strides = array<i32>} : memref<2x128xi32, #tpu.memory_space<vmem>>, vector<1x16xi32>,
      %get3A_732 = vector.shape_cast %get3A_731 : vector<1x16xi32> to vector<16xi32>
      %swap3A_733 = arith.constant 0 : i32
      %swap3A_734 = arith.index_cast %swap3A_733 : i32 to index
      %swap3A_735 = arith.constant 112 : index
      %swap3A_736 = tpu.vector_load %arg8[%swap3A_734, %swap3A_735] {strides = array<i32>} : memref<1x128xi32, #tpu.memory_space<vmem>>, vector<1x16xi32>,
      %swap3A_737 = vector.shape_cast %swap3A_736 : vector<1x16xi32> to vector<16xi32>
      %swap3A_738 = vector.shape_cast %get3A_732 : vector<16xi32> to vector<1x16xi32>
      tpu.vector_store %arg8[%swap3A_734, %swap3A_735], %swap3A_738 {strides = array<i32>} : memref<1x128xi32, #tpu.memory_space<vmem>>, vector<1x16xi32>,
      %run_scoped3A_739 = arith.constant 0 : i32
      "tpu.region"() ({
        %run_scoped3A_960 = tpu.sem_alloc : memref<!tpu.dma_semaphore, #tpu.memory_space<semaphore_mem>>
        %dma_start3A_961 = arith.constant 0 : i32
        %dma_start3A_962 = tpu.memref_slice %arg8[%run_scoped3A_739, %dma_start3A_961] : memref<1x128xi32, #tpu.memory_space<vmem>> -> memref<1x128xi32, #tpu.memory_space<vmem>>
        %dma_start3A_963 = tpu.memref_squeeze %dma_start3A_962 : memref<1x128xi32, #tpu.memory_space<vmem>> -> memref<128xi32, #tpu.memory_space<vmem>>
        %dma_start3A_964 = arith.constant 0 : i32
        %dma_start3A_965 = tpu.memref_slice %arg11[%dma_start3A_964] : memref<10240xf32, #tpu.memory_space<vmem_shared>> -> memref<10240xf32, #tpu.memory_space<vmem_shared>>
        tpu.enqueue_indirect_dma source(%arg9 : memref<128xf32, #tpu.memory_space<vmem>>) target(%dma_start3A_965 : memref<10240xf32, #tpu.memory_space<vmem_shared>>) offsets(%dma_start3A_963 : memref<128xi32, #tpu.memory_space<vmem>>) semaphore(%run_scoped3A_960 : memref<!tpu.dma_semaphore, #tpu.memory_space<semaphore_mem>>) {add = true}
        %dma_wait3A_966 = arith.constant 0 : i32
        %dma_wait3A_967 = tpu.memref_slice %arg8[%run_scoped3A_739, %dma_wait3A_966] : memref<1x128xi32, #tpu.memory_space<vmem>> -> memref<1x128xi32, #tpu.memory_space<vmem>>
        %dma_wait3A_968 = tpu.memref_squeeze %dma_wait3A_967 : memref<1x128xi32, #tpu.memory_space<vmem>> -> memref<128xi32, #tpu.memory_space<vmem>>
        %dma_wait3A_969 = arith.constant 0 : i32
        %dma_wait3A_970 = tpu.memref_slice %arg11[%dma_wait3A_969] : memref<10240xf32, #tpu.memory_space<vmem_shared>> -> memref<10240xf32, #tpu.memory_space<vmem_shared>>
        tpu.wait_indirect_dma semaphore(%run_scoped3A_960 : memref<!tpu.dma_semaphore, #tpu.memory_space<semaphore_mem>>) src(%arg9 : memref<128xf32, #tpu.memory_space<vmem>>) dst(%dma_wait3A_970 : memref<10240xf32, #tpu.memory_space<vmem_shared>>)
        tpu.yield
      }) : () -> ()
      %add3A_740 = arith.constant 4 : i32
      %add3A_741 = arith.addi %add3A_642, %add3A_740 : i32
      %lt3A_742 = arith.cmpi slt, %add3A_741, %add3A_8 : i32
      %convert_element_type3A_743 = arith.extui %lt3A_742 : i1 to i32
      %cond3A_744 = arith.constant 0 : i32
      %cond3A_745 = arith.cmpi ne, %convert_element_type3A_743, %cond3A_744 : i32
      scf.if %cond3A_745 {
        %add3A_960 = arith.constant 4 : i32
        %add3A_961 = arith.addi %add3A_642, %add3A_960 : i32
        %add3A_962 = arith.addi %add3A_4, %add3A_961 : i32
        %mul3A_963 = arith.constant 128 : i32
        %mul3A_964 = arith.muli %add3A_962, %mul3A_963 : i32
        %dma_start3A_965 = arith.constant 0 : i32
        %dma_start3A_966 = tpu.memref_slice %arg2[%dma_start3A_965, %mul3A_964] : memref<2x320000xi32, #tpu.memory_space<hbm>> -> memref<2x128xi32, #tpu.memory_space<hbm>>
        %dma_start3A_967 = arith.constant 0 : i32
        %dma_start3A_968 = tpu.memref_slice %arg2[%dma_start3A_967, %mul3A_964] : memref<2x320000xi32, #tpu.memory_space<hbm>> -> memref<2x128xi32, #tpu.memory_space<hbm>>
        tpu.enqueue_dma source(%dma_start3A_968 : memref<2x128xi32, #tpu.memory_space<hbm>>) target(%arg5 : memref<2x128xi32, #tpu.memory_space<vmem>>) target_semaphore(%arg13 : memref<!tpu.dma_semaphore, #tpu.memory_space<semaphore_mem>>)
      } else {
      }
      %mul3A_746 = arith.constant 4 : i32
      %mul3A_747 = arith.muli %mul3A_746, %scan3A_531 : i32
      %add3A_748 = arith.constant 2 : i32
      %add3A_749 = arith.addi %mul3A_747, %add3A_748 : i32
      %add3A_750 = arith.constant 0 : i32
      %add3A_751 = arith.addi %add3A_4, %add3A_750 : i32
      %mul3A_752 = arith.constant 128 : i32
      %mul3A_753 = arith.muli %add3A_751, %mul3A_752 : i32
      %dma_wait3A_754 = arith.constant 0 : i32
      %dma_wait3A_755 = tpu.memref_slice %arg2[%dma_wait3A_754, %mul3A_753] : memref<2x320000xi32, #tpu.memory_space<hbm>> -> memref<2x128xi32, #tpu.memory_space<hbm>>
      %dma_wait3A_756 = arith.constant 0 : i32
      %dma_wait3A_757 = tpu.memref_slice %arg2[%dma_wait3A_756, %mul3A_753] : memref<2x320000xi32, #tpu.memory_space<hbm>> -> memref<2x128xi32, #tpu.memory_space<hbm>>
      tpu.wait_dma2 semaphore(%arg14 : memref<!tpu.dma_semaphore, #tpu.memory_space<semaphore_mem>>) src(%dma_wait3A_757 : memref<2x128xi32, #tpu.memory_space<hbm>>) dst(%arg6 : memref<2x128xi32, #tpu.memory_space<vmem>>)
      %get3A_758 = arith.constant 1 : i32
      %get3A_759 = arith.index_cast %get3A_758 : i32 to index
      %get3A_760 = arith.constant 0 : index
      %get3A_761 = tpu.vector_load %arg6[%get3A_759, %get3A_760] {strides = array<i32>} : memref<2x128xi32, #tpu.memory_space<vmem>>, vector<1x16xi32>,
      %get3A_762 = vector.shape_cast %get3A_761 : vector<1x16xi32> to vector<16xi32>
      %swap3A_763 = arith.constant 0 : i32
      %swap3A_764 = arith.index_cast %swap3A_763 : i32 to index
      %swap3A_765 = arith.constant 0 : index
      %swap3A_766 = tpu.vector_load %arg8[%swap3A_764, %swap3A_765] {strides = array<i32>} : memref<1x128xi32, #tpu.memory_space<vmem>>, vector<1x16xi32>,
      %swap3A_767 = vector.shape_cast %swap3A_766 : vector<1x16xi32> to vector<16xi32>
      %swap3A_768 = vector.shape_cast %get3A_762 : vector<16xi32> to vector<1x16xi32>
      tpu.vector_store %arg8[%swap3A_764, %swap3A_765], %swap3A_768 {strides = array<i32>} : memref<1x128xi32, #tpu.memory_space<vmem>>, vector<1x16xi32>,
      %get3A_769 = arith.constant 1 : i32
      %get3A_770 = arith.index_cast %get3A_769 : i32 to index
      %get3A_771 = arith.constant 16 : index
      %get3A_772 = tpu.vector_load %arg6[%get3A_770, %get3A_771] {strides = array<i32>} : memref<2x128xi32, #tpu.memory_space<vmem>>, vector<1x16xi32>,
      %get3A_773 = vector.shape_cast %get3A_772 : vector<1x16xi32> to vector<16xi32>
      %swap3A_774 = arith.constant 0 : i32
      %swap3A_775 = arith.index_cast %swap3A_774 : i32 to index
      %swap3A_776 = arith.constant 16 : index
      %swap3A_777 = tpu.vector_load %arg8[%swap3A_775, %swap3A_776] {strides = array<i32>} : memref<1x128xi32, #tpu.memory_space<vmem>>, vector<1x16xi32>,
      %swap3A_778 = vector.shape_cast %swap3A_777 : vector<1x16xi32> to vector<16xi32>
      %swap3A_779 = vector.shape_cast %get3A_773 : vector<16xi32> to vector<1x16xi32>
      tpu.vector_store %arg8[%swap3A_775, %swap3A_776], %swap3A_779 {strides = array<i32>} : memref<1x128xi32, #tpu.memory_space<vmem>>, vector<1x16xi32>,
      %get3A_780 = arith.constant 1 : i32
      %get3A_781 = arith.index_cast %get3A_780 : i32 to index
      %get3A_782 = arith.constant 32 : index
      %get3A_783 = tpu.vector_load %arg6[%get3A_781, %get3A_782] {strides = array<i32>} : memref<2x128xi32, #tpu.memory_space<vmem>>, vector<1x16xi32>,
      %get3A_784 = vector.shape_cast %get3A_783 : vector<1x16xi32> to vector<16xi32>
      %swap3A_785 = arith.constant 0 : i32
      %swap3A_786 = arith.index_cast %swap3A_785 : i32 to index
      %swap3A_787 = arith.constant 32 : index
      %swap3A_788 = tpu.vector_load %arg8[%swap3A_786, %swap3A_787] {strides = array<i32>} : memref<1x128xi32, #tpu.memory_space<vmem>>, vector<1x16xi32>,
      %swap3A_789 = vector.shape_cast %swap3A_788 : vector<1x16xi32> to vector<16xi32>
      %swap3A_790 = vector.shape_cast %get3A_784 : vector<16xi32> to vector<1x16xi32>
      tpu.vector_store %arg8[%swap3A_786, %swap3A_787], %swap3A_790 {strides = array<i32>} : memref<1x128xi32, #tpu.memory_space<vmem>>, vector<1x16xi32>,
      %get3A_791 = arith.constant 1 : i32
      %get3A_792 = arith.index_cast %get3A_791 : i32 to index
      %get3A_793 = arith.constant 48 : index
      %get3A_794 = tpu.vector_load %arg6[%get3A_792, %get3A_793] {strides = array<i32>} : memref<2x128xi32, #tpu.memory_space<vmem>>, vector<1x16xi32>,
      %get3A_795 = vector.shape_cast %get3A_794 : vector<1x16xi32> to vector<16xi32>
      %swap3A_796 = arith.constant 0 : i32
      %swap3A_797 = arith.index_cast %swap3A_796 : i32 to index
      %swap3A_798 = arith.constant 48 : index
      %swap3A_799 = tpu.vector_load %arg8[%swap3A_797, %swap3A_798] {strides = array<i32>} : memref<1x128xi32, #tpu.memory_space<vmem>>, vector<1x16xi32>,
      %swap3A_800 = vector.shape_cast %swap3A_799 : vector<1x16xi32> to vector<16xi32>
      %swap3A_801 = vector.shape_cast %get3A_795 : vector<16xi32> to vector<1x16xi32>
      tpu.vector_store %arg8[%swap3A_797, %swap3A_798], %swap3A_801 {strides = array<i32>} : memref<1x128xi32, #tpu.memory_space<vmem>>, vector<1x16xi32>,
      %get3A_802 = arith.constant 1 : i32
      %get3A_803 = arith.index_cast %get3A_802 : i32 to index
      %get3A_804 = arith.constant 64 : index
      %get3A_805 = tpu.vector_load %arg6[%get3A_803, %get3A_804] {strides = array<i32>} : memref<2x128xi32, #tpu.memory_space<vmem>>, vector<1x16xi32>,
      %get3A_806 = vector.shape_cast %get3A_805 : vector<1x16xi32> to vector<16xi32>
      %swap3A_807 = arith.constant 0 : i32
      %swap3A_808 = arith.index_cast %swap3A_807 : i32 to index
      %swap3A_809 = arith.constant 64 : index
      %swap3A_810 = tpu.vector_load %arg8[%swap3A_808, %swap3A_809] {strides = array<i32>} : memref<1x128xi32, #tpu.memory_space<vmem>>, vector<1x16xi32>,
      %swap3A_811 = vector.shape_cast %swap3A_810 : vector<1x16xi32> to vector<16xi32>
      %swap3A_812 = vector.shape_cast %get3A_806 : vector<16xi32> to vector<1x16xi32>
      tpu.vector_store %arg8[%swap3A_808, %swap3A_809], %swap3A_812 {strides = array<i32>} : memref<1x128xi32, #tpu.memory_space<vmem>>, vector<1x16xi32>,
      %get3A_813 = arith.constant 1 : i32
      %get3A_814 = arith.index_cast %get3A_813 : i32 to index
      %get3A_815 = arith.constant 80 : index
      %get3A_816 = tpu.vector_load %arg6[%get3A_814, %get3A_815] {strides = array<i32>} : memref<2x128xi32, #tpu.memory_space<vmem>>, vector<1x16xi32>,
      %get3A_817 = vector.shape_cast %get3A_816 : vector<1x16xi32> to vector<16xi32>
      %swap3A_818 = arith.constant 0 : i32
      %swap3A_819 = arith.index_cast %swap3A_818 : i32 to index
      %swap3A_820 = arith.constant 80 : index
      %swap3A_821 = tpu.vector_load %arg8[%swap3A_819, %swap3A_820] {strides = array<i32>} : memref<1x128xi32, #tpu.memory_space<vmem>>, vector<1x16xi32>,
      %swap3A_822 = vector.shape_cast %swap3A_821 : vector<1x16xi32> to vector<16xi32>
      %swap3A_823 = vector.shape_cast %get3A_817 : vector<16xi32> to vector<1x16xi32>
      tpu.vector_store %arg8[%swap3A_819, %swap3A_820], %swap3A_823 {strides = array<i32>} : memref<1x128xi32, #tpu.memory_space<vmem>>, vector<1x16xi32>,
      %get3A_824 = arith.constant 1 : i32
      %get3A_825 = arith.index_cast %get3A_824 : i32 to index
      %get3A_826 = arith.constant 96 : index
      %get3A_827 = tpu.vector_load %arg6[%get3A_825, %get3A_826] {strides = array<i32>} : memref<2x128xi32, #tpu.memory_space<vmem>>, vector<1x16xi32>,
      %get3A_828 = vector.shape_cast %get3A_827 : vector<1x16xi32> to vector<16xi32>
      %swap3A_829 = arith.constant 0 : i32
      %swap3A_830 = arith.index_cast %swap3A_829 : i32 to index
      %swap3A_831 = arith.constant 96 : index
      %swap3A_832 = tpu.vector_load %arg8[%swap3A_830, %swap3A_831] {strides = array<i32>} : memref<1x128xi32, #tpu.memory_space<vmem>>, vector<1x16xi32>,
      %swap3A_833 = vector.shape_cast %swap3A_832 : vector<1x16xi32> to vector<16xi32>
      %swap3A_834 = vector.shape_cast %get3A_828 : vector<16xi32> to vector<1x16xi32>
      tpu.vector_store %arg8[%swap3A_830, %swap3A_831], %swap3A_834 {strides = array<i32>} : memref<1x128xi32, #tpu.memory_space<vmem>>, vector<1x16xi32>,
      %get3A_835 = arith.constant 1 : i32
      %get3A_836 = arith.index_cast %get3A_835 : i32 to index
      %get3A_837 = arith.constant 112 : index
      %get3A_838 = tpu.vector_load %arg6[%get3A_836, %get3A_837] {strides = array<i32>} : memref<2x128xi32, #tpu.memory_space<vmem>>, vector<1x16xi32>,
      %get3A_839 = vector.shape_cast %get3A_838 : vector<1x16xi32> to vector<16xi32>
      %swap3A_840 = arith.constant 0 : i32
      %swap3A_841 = arith.index_cast %swap3A_840 : i32 to index
      %swap3A_842 = arith.constant 112 : index
      %swap3A_843 = tpu.vector_load %arg8[%swap3A_841, %swap3A_842] {strides = array<i32>} : memref<1x128xi32, #tpu.memory_space<vmem>>, vector<1x16xi32>,
      %swap3A_844 = vector.shape_cast %swap3A_843 : vector<1x16xi32> to vector<16xi32>
      %swap3A_845 = vector.shape_cast %get3A_839 : vector<16xi32> to vector<1x16xi32>
      tpu.vector_store %arg8[%swap3A_841, %swap3A_842], %swap3A_845 {strides = array<i32>} : memref<1x128xi32, #tpu.memory_space<vmem>>, vector<1x16xi32>,
      %run_scoped3A_846 = arith.constant 0 : i32
      "tpu.region"() ({
        %run_scoped3A_960 = tpu.sem_alloc : memref<!tpu.dma_semaphore, #tpu.memory_space<semaphore_mem>>
        %dma_start3A_961 = arith.constant 0 : i32
        %dma_start3A_962 = tpu.memref_slice %arg8[%run_scoped3A_846, %dma_start3A_961] : memref<1x128xi32, #tpu.memory_space<vmem>> -> memref<1x128xi32, #tpu.memory_space<vmem>>
        %dma_start3A_963 = tpu.memref_squeeze %dma_start3A_962 : memref<1x128xi32, #tpu.memory_space<vmem>> -> memref<128xi32, #tpu.memory_space<vmem>>
        %dma_start3A_964 = arith.constant 0 : i32
        %dma_start3A_965 = tpu.memref_slice %arg11[%dma_start3A_964] : memref<10240xf32, #tpu.memory_space<vmem_shared>> -> memref<10240xf32, #tpu.memory_space<vmem_shared>>
        tpu.enqueue_indirect_dma source(%arg9 : memref<128xf32, #tpu.memory_space<vmem>>) target(%dma_start3A_965 : memref<10240xf32, #tpu.memory_space<vmem_shared>>) offsets(%dma_start3A_963 : memref<128xi32, #tpu.memory_space<vmem>>) semaphore(%run_scoped3A_960 : memref<!tpu.dma_semaphore, #tpu.memory_space<semaphore_mem>>) {add = true}
        %dma_wait3A_966 = arith.constant 0 : i32
        %dma_wait3A_967 = tpu.memref_slice %arg8[%run_scoped3A_846, %dma_wait3A_966] : memref<1x128xi32, #tpu.memory_space<vmem>> -> memref<1x128xi32, #tpu.memory_space<vmem>>
        %dma_wait3A_968 = tpu.memref_squeeze %dma_wait3A_967 : memref<1x128xi32, #tpu.memory_space<vmem>> -> memref<128xi32, #tpu.memory_space<vmem>>
        %dma_wait3A_969 = arith.constant 0 : i32
        %dma_wait3A_970 = tpu.memref_slice %arg11[%dma_wait3A_969] : memref<10240xf32, #tpu.memory_space<vmem_shared>> -> memref<10240xf32, #tpu.memory_space<vmem_shared>>
        tpu.wait_indirect_dma semaphore(%run_scoped3A_960 : memref<!tpu.dma_semaphore, #tpu.memory_space<semaphore_mem>>) src(%arg9 : memref<128xf32, #tpu.memory_space<vmem>>) dst(%dma_wait3A_970 : memref<10240xf32, #tpu.memory_space<vmem_shared>>)
        tpu.yield
      }) : () -> ()
      %add3A_847 = arith.constant 4 : i32
      %add3A_848 = arith.addi %add3A_749, %add3A_847 : i32
      %lt3A_849 = arith.cmpi slt, %add3A_848, %add3A_8 : i32
      %convert_element_type3A_850 = arith.extui %lt3A_849 : i1 to i32
      %cond3A_851 = arith.constant 0 : i32
      %cond3A_852 = arith.cmpi ne, %convert_element_type3A_850, %cond3A_851 : i32
      scf.if %cond3A_852 {
        %add3A_960 = arith.constant 4 : i32
        %add3A_961 = arith.addi %add3A_749, %add3A_960 : i32
        %add3A_962 = arith.addi %add3A_4, %add3A_961 : i32
        %mul3A_963 = arith.constant 128 : i32
        %mul3A_964 = arith.muli %add3A_962, %mul3A_963 : i32
        %dma_start3A_965 = arith.constant 0 : i32
        %dma_start3A_966 = tpu.memref_slice %arg2[%dma_start3A_965, %mul3A_964] : memref<2x320000xi32, #tpu.memory_space<hbm>> -> memref<2x128xi32, #tpu.memory_space<hbm>>
        %dma_start3A_967 = arith.constant 0 : i32
        %dma_start3A_968 = tpu.memref_slice %arg2[%dma_start3A_967, %mul3A_964] : memref<2x320000xi32, #tpu.memory_space<hbm>> -> memref<2x128xi32, #tpu.memory_space<hbm>>
        tpu.enqueue_dma source(%dma_start3A_968 : memref<2x128xi32, #tpu.memory_space<hbm>>) target(%arg6 : memref<2x128xi32, #tpu.memory_space<vmem>>) target_semaphore(%arg14 : memref<!tpu.dma_semaphore, #tpu.memory_space<semaphore_mem>>)
      } else {
      }
      %mul3A_853 = arith.constant 4 : i32
      %mul3A_854 = arith.muli %mul3A_853, %scan3A_531 : i32
      %add3A_855 = arith.constant 3 : i32
      %add3A_856 = arith.addi %mul3A_854, %add3A_855 : i32
      %add3A_857 = arith.constant 0 : i32
      %add3A_858 = arith.addi %add3A_4, %add3A_857 : i32
      %mul3A_859 = arith.constant 128 : i32
      %mul3A_860 = arith.muli %add3A_858, %mul3A_859 : i32
      %dma_wait3A_861 = arith.constant 0 : i32
      %dma_wait3A_862 = tpu.memref_slice %arg2[%dma_wait3A_861, %mul3A_860] : memref<2x320000xi32, #tpu.memory_space<hbm>> -> memref<2x128xi32, #tpu.memory_space<hbm>>
      %dma_wait3A_863 = arith.constant 0 : i32
      %dma_wait3A_864 = tpu.memref_slice %arg2[%dma_wait3A_863, %mul3A_860] : memref<2x320000xi32, #tpu.memory_space<hbm>> -> memref<2x128xi32, #tpu.memory_space<hbm>>
      tpu.wait_dma2 semaphore(%arg15 : memref<!tpu.dma_semaphore, #tpu.memory_space<semaphore_mem>>) src(%dma_wait3A_864 : memref<2x128xi32, #tpu.memory_space<hbm>>) dst(%arg7 : memref<2x128xi32, #tpu.memory_space<vmem>>)
      %get3A_865 = arith.constant 1 : i32
      %get3A_866 = arith.index_cast %get3A_865 : i32 to index
      %get3A_867 = arith.constant 0 : index
      %get3A_868 = tpu.vector_load %arg7[%get3A_866, %get3A_867] {strides = array<i32>} : memref<2x128xi32, #tpu.memory_space<vmem>>, vector<1x16xi32>,
      %get3A_869 = vector.shape_cast %get3A_868 : vector<1x16xi32> to vector<16xi32>
      %swap3A_870 = arith.constant 0 : i32
      %swap3A_871 = arith.index_cast %swap3A_870 : i32 to index
      %swap3A_872 = arith.constant 0 : index
      %swap3A_873 = tpu.vector_load %arg8[%swap3A_871, %swap3A_872] {strides = array<i32>} : memref<1x128xi32, #tpu.memory_space<vmem>>, vector<1x16xi32>,
      %swap3A_874 = vector.shape_cast %swap3A_873 : vector<1x16xi32> to vector<16xi32>
      %swap3A_875 = vector.shape_cast %get3A_869 : vector<16xi32> to vector<1x16xi32>
      tpu.vector_store %arg8[%swap3A_871, %swap3A_872], %swap3A_875 {strides = array<i32>} : memref<1x128xi32, #tpu.memory_space<vmem>>, vector<1x16xi32>,
      %get3A_876 = arith.constant 1 : i32
      %get3A_877 = arith.index_cast %get3A_876 : i32 to index
      %get3A_878 = arith.constant 16 : index
      %get3A_879 = tpu.vector_load %arg7[%get3A_877, %get3A_878] {strides = array<i32>} : memref<2x128xi32, #tpu.memory_space<vmem>>, vector<1x16xi32>,
      %get3A_880 = vector.shape_cast %get3A_879 : vector<1x16xi32> to vector<16xi32>
      %swap3A_881 = arith.constant 0 : i32
      %swap3A_882 = arith.index_cast %swap3A_881 : i32 to index
      %swap3A_883 = arith.constant 16 : index
      %swap3A_884 = tpu.vector_load %arg8[%swap3A_882, %swap3A_883] {strides = array<i32>} : memref<1x128xi32, #tpu.memory_space<vmem>>, vector<1x16xi32>,
      %swap3A_885 = vector.shape_cast %swap3A_884 : vector<1x16xi32> to vector<16xi32>
      %swap3A_886 = vector.shape_cast %get3A_880 : vector<16xi32> to vector<1x16xi32>
      tpu.vector_store %arg8[%swap3A_882, %swap3A_883], %swap3A_886 {strides = array<i32>} : memref<1x128xi32, #tpu.memory_space<vmem>>, vector<1x16xi32>,
      %get3A_887 = arith.constant 1 : i32
      %get3A_888 = arith.index_cast %get3A_887 : i32 to index
      %get3A_889 = arith.constant 32 : index
      %get3A_890 = tpu.vector_load %arg7[%get3A_888, %get3A_889] {strides = array<i32>} : memref<2x128xi32, #tpu.memory_space<vmem>>, vector<1x16xi32>,
      %get3A_891 = vector.shape_cast %get3A_890 : vector<1x16xi32> to vector<16xi32>
      %swap3A_892 = arith.constant 0 : i32
      %swap3A_893 = arith.index_cast %swap3A_892 : i32 to index
      %swap3A_894 = arith.constant 32 : index
      %swap3A_895 = tpu.vector_load %arg8[%swap3A_893, %swap3A_894] {strides = array<i32>} : memref<1x128xi32, #tpu.memory_space<vmem>>, vector<1x16xi32>,
      %swap3A_896 = vector.shape_cast %swap3A_895 : vector<1x16xi32> to vector<16xi32>
      %swap3A_897 = vector.shape_cast %get3A_891 : vector<16xi32> to vector<1x16xi32>
      tpu.vector_store %arg8[%swap3A_893, %swap3A_894], %swap3A_897 {strides = array<i32>} : memref<1x128xi32, #tpu.memory_space<vmem>>, vector<1x16xi32>,
      %get3A_898 = arith.constant 1 : i32
      %get3A_899 = arith.index_cast %get3A_898 : i32 to index
      %get3A_900 = arith.constant 48 : index
      %get3A_901 = tpu.vector_load %arg7[%get3A_899, %get3A_900] {strides = array<i32>} : memref<2x128xi32, #tpu.memory_space<vmem>>, vector<1x16xi32>,
      %get3A_902 = vector.shape_cast %get3A_901 : vector<1x16xi32> to vector<16xi32>
      %swap3A_903 = arith.constant 0 : i32
      %swap3A_904 = arith.index_cast %swap3A_903 : i32 to index
      %swap3A_905 = arith.constant 48 : index
      %swap3A_906 = tpu.vector_load %arg8[%swap3A_904, %swap3A_905] {strides = array<i32>} : memref<1x128xi32, #tpu.memory_space<vmem>>, vector<1x16xi32>,
      %swap3A_907 = vector.shape_cast %swap3A_906 : vector<1x16xi32> to vector<16xi32>
      %swap3A_908 = vector.shape_cast %get3A_902 : vector<16xi32> to vector<1x16xi32>
      tpu.vector_store %arg8[%swap3A_904, %swap3A_905], %swap3A_908 {strides = array<i32>} : memref<1x128xi32, #tpu.memory_space<vmem>>, vector<1x16xi32>,
      %get3A_909 = arith.constant 1 : i32
      %get3A_910 = arith.index_cast %get3A_909 : i32 to index
      %get3A_911 = arith.constant 64 : index
      %get3A_912 = tpu.vector_load %arg7[%get3A_910, %get3A_911] {strides = array<i32>} : memref<2x128xi32, #tpu.memory_space<vmem>>, vector<1x16xi32>,
      %get3A_913 = vector.shape_cast %get3A_912 : vector<1x16xi32> to vector<16xi32>
      %swap3A_914 = arith.constant 0 : i32
      %swap3A_915 = arith.index_cast %swap3A_914 : i32 to index
      %swap3A_916 = arith.constant 64 : index
      %swap3A_917 = tpu.vector_load %arg8[%swap3A_915, %swap3A_916] {strides = array<i32>} : memref<1x128xi32, #tpu.memory_space<vmem>>, vector<1x16xi32>,
      %swap3A_918 = vector.shape_cast %swap3A_917 : vector<1x16xi32> to vector<16xi32>
      %swap3A_919 = vector.shape_cast %get3A_913 : vector<16xi32> to vector<1x16xi32>
      tpu.vector_store %arg8[%swap3A_915, %swap3A_916], %swap3A_919 {strides = array<i32>} : memref<1x128xi32, #tpu.memory_space<vmem>>, vector<1x16xi32>,
      %get3A_920 = arith.constant 1 : i32
      %get3A_921 = arith.index_cast %get3A_920 : i32 to index
      %get3A_922 = arith.constant 80 : index
      %get3A_923 = tpu.vector_load %arg7[%get3A_921, %get3A_922] {strides = array<i32>} : memref<2x128xi32, #tpu.memory_space<vmem>>, vector<1x16xi32>,
      %get3A_924 = vector.shape_cast %get3A_923 : vector<1x16xi32> to vector<16xi32>
      %swap3A_925 = arith.constant 0 : i32
      %swap3A_926 = arith.index_cast %swap3A_925 : i32 to index
      %swap3A_927 = arith.constant 80 : index
      %swap3A_928 = tpu.vector_load %arg8[%swap3A_926, %swap3A_927] {strides = array<i32>} : memref<1x128xi32, #tpu.memory_space<vmem>>, vector<1x16xi32>,
      %swap3A_929 = vector.shape_cast %swap3A_928 : vector<1x16xi32> to vector<16xi32>
      %swap3A_930 = vector.shape_cast %get3A_924 : vector<16xi32> to vector<1x16xi32>
      tpu.vector_store %arg8[%swap3A_926, %swap3A_927], %swap3A_930 {strides = array<i32>} : memref<1x128xi32, #tpu.memory_space<vmem>>, vector<1x16xi32>,
      %get3A_931 = arith.constant 1 : i32
      %get3A_932 = arith.index_cast %get3A_931 : i32 to index
      %get3A_933 = arith.constant 96 : index
      %get3A_934 = tpu.vector_load %arg7[%get3A_932, %get3A_933] {strides = array<i32>} : memref<2x128xi32, #tpu.memory_space<vmem>>, vector<1x16xi32>,
      %get3A_935 = vector.shape_cast %get3A_934 : vector<1x16xi32> to vector<16xi32>
      %swap3A_936 = arith.constant 0 : i32
      %swap3A_937 = arith.index_cast %swap3A_936 : i32 to index
      %swap3A_938 = arith.constant 96 : index
      %swap3A_939 = tpu.vector_load %arg8[%swap3A_937, %swap3A_938] {strides = array<i32>} : memref<1x128xi32, #tpu.memory_space<vmem>>, vector<1x16xi32>,
      %swap3A_940 = vector.shape_cast %swap3A_939 : vector<1x16xi32> to vector<16xi32>
      %swap3A_941 = vector.shape_cast %get3A_935 : vector<16xi32> to vector<1x16xi32>
      tpu.vector_store %arg8[%swap3A_937, %swap3A_938], %swap3A_941 {strides = array<i32>} : memref<1x128xi32, #tpu.memory_space<vmem>>, vector<1x16xi32>,
      %get3A_942 = arith.constant 1 : i32
      %get3A_943 = arith.index_cast %get3A_942 : i32 to index
      %get3A_944 = arith.constant 112 : index
      %get3A_945 = tpu.vector_load %arg7[%get3A_943, %get3A_944] {strides = array<i32>} : memref<2x128xi32, #tpu.memory_space<vmem>>, vector<1x16xi32>,
      %get3A_946 = vector.shape_cast %get3A_945 : vector<1x16xi32> to vector<16xi32>
      %swap3A_947 = arith.constant 0 : i32
      %swap3A_948 = arith.index_cast %swap3A_947 : i32 to index
      %swap3A_949 = arith.constant 112 : index
      %swap3A_950 = tpu.vector_load %arg8[%swap3A_948, %swap3A_949] {strides = array<i32>} : memref<1x128xi32, #tpu.memory_space<vmem>>, vector<1x16xi32>,
      %swap3A_951 = vector.shape_cast %swap3A_950 : vector<1x16xi32> to vector<16xi32>
      %swap3A_952 = vector.shape_cast %get3A_946 : vector<16xi32> to vector<1x16xi32>
      tpu.vector_store %arg8[%swap3A_948, %swap3A_949], %swap3A_952 {strides = array<i32>} : memref<1x128xi32, #tpu.memory_space<vmem>>, vector<1x16xi32>,
      %run_scoped3A_953 = arith.constant 0 : i32
      "tpu.region"() ({
        %run_scoped3A_960 = tpu.sem_alloc : memref<!tpu.dma_semaphore, #tpu.memory_space<semaphore_mem>>
        %dma_start3A_961 = arith.constant 0 : i32
        %dma_start3A_962 = tpu.memref_slice %arg8[%run_scoped3A_953, %dma_start3A_961] : memref<1x128xi32, #tpu.memory_space<vmem>> -> memref<1x128xi32, #tpu.memory_space<vmem>>
        %dma_start3A_963 = tpu.memref_squeeze %dma_start3A_962 : memref<1x128xi32, #tpu.memory_space<vmem>> -> memref<128xi32, #tpu.memory_space<vmem>>
        %dma_start3A_964 = arith.constant 0 : i32
        %dma_start3A_965 = tpu.memref_slice %arg11[%dma_start3A_964] : memref<10240xf32, #tpu.memory_space<vmem_shared>> -> memref<10240xf32, #tpu.memory_space<vmem_shared>>
        tpu.enqueue_indirect_dma source(%arg9 : memref<128xf32, #tpu.memory_space<vmem>>) target(%dma_start3A_965 : memref<10240xf32, #tpu.memory_space<vmem_shared>>) offsets(%dma_start3A_963 : memref<128xi32, #tpu.memory_space<vmem>>) semaphore(%run_scoped3A_960 : memref<!tpu.dma_semaphore, #tpu.memory_space<semaphore_mem>>) {add = true}
        %dma_wait3A_966 = arith.constant 0 : i32
        %dma_wait3A_967 = tpu.memref_slice %arg8[%run_scoped3A_953, %dma_wait3A_966] : memref<1x128xi32, #tpu.memory_space<vmem>> -> memref<1x128xi32, #tpu.memory_space<vmem>>
        %dma_wait3A_968 = tpu.memref_squeeze %dma_wait3A_967 : memref<1x128xi32, #tpu.memory_space<vmem>> -> memref<128xi32, #tpu.memory_space<vmem>>
        %dma_wait3A_969 = arith.constant 0 : i32
        %dma_wait3A_970 = tpu.memref_slice %arg11[%dma_wait3A_969] : memref<10240xf32, #tpu.memory_space<vmem_shared>> -> memref<10240xf32, #tpu.memory_space<vmem_shared>>
        tpu.wait_indirect_dma semaphore(%run_scoped3A_960 : memref<!tpu.dma_semaphore, #tpu.memory_space<semaphore_mem>>) src(%arg9 : memref<128xf32, #tpu.memory_space<vmem>>) dst(%dma_wait3A_970 : memref<10240xf32, #tpu.memory_space<vmem_shared>>)
        tpu.yield
      }) : () -> ()
      %add3A_954 = arith.constant 4 : i32
      %add3A_955 = arith.addi %add3A_856, %add3A_954 : i32
      %lt3A_956 = arith.cmpi slt, %add3A_955, %add3A_8 : i32
      %convert_element_type3A_957 = arith.extui %lt3A_956 : i1 to i32
      %cond3A_958 = arith.constant 0 : i32
      %cond3A_959 = arith.cmpi ne, %convert_element_type3A_957, %cond3A_958 : i32
      scf.if %cond3A_959 {
        %add3A_960 = arith.constant 4 : i32
        %add3A_961 = arith.addi %add3A_856, %add3A_960 : i32
        %add3A_962 = arith.addi %add3A_4, %add3A_961 : i32
        %mul3A_963 = arith.constant 128 : i32
        %mul3A_964 = arith.muli %add3A_962, %mul3A_963 : i32
        %dma_start3A_965 = arith.constant 0 : i32
        %dma_start3A_966 = tpu.memref_slice %arg2[%dma_start3A_965, %mul3A_964] : memref<2x320000xi32, #tpu.memory_space<hbm>> -> memref<2x128xi32, #tpu.memory_space<hbm>>
        %dma_start3A_967 = arith.constant 0 : i32
        %dma_start3A_968 = tpu.memref_slice %arg2[%dma_start3A_967, %mul3A_964] : memref<2x320000xi32, #tpu.memory_space<hbm>> -> memref<2x128xi32, #tpu.memory_space<hbm>>
        tpu.enqueue_dma source(%dma_start3A_968 : memref<2x128xi32, #tpu.memory_space<hbm>>) target(%arg7 : memref<2x128xi32, #tpu.memory_space<vmem>>) target_semaphore(%arg15 : memref<!tpu.dma_semaphore, #tpu.memory_space<semaphore_mem>>)
      } else {
      }
    }
    %scan3A_332 = arith.constant 19 : i32
    %add3A_333 = arith.constant 0 : i32
    %add3A_334 = arith.addi %add3A_4, %add3A_333 : i32
    %mul3A_335 = arith.constant 128 : i32
    %mul3A_336 = arith.muli %add3A_334, %mul3A_335 : i32
    %dma_wait3A = arith.constant 0 : i32
    %dma_wait3A_337 = tpu.memref_slice %arg2[%dma_wait3A, %mul3A_336] : memref<2x320000xi32, #tpu.memory_space<hbm>> -> memref<2x128xi32, #tpu.memory_space<hbm>>
    %dma_wait3A_338 = arith.constant 0 : i32
    %dma_wait3A_339 = tpu.memref_slice %arg2[%dma_wait3A_338, %mul3A_336] : memref<2x320000xi32, #tpu.memory_space<hbm>> -> memref<2x128xi32, #tpu.memory_space<hbm>>
    tpu.wait_dma2 semaphore(%arg12 : memref<!tpu.dma_semaphore, #tpu.memory_space<semaphore_mem>>) src(%dma_wait3A_339 : memref<2x128xi32, #tpu.memory_space<hbm>>) dst(%arg4 : memref<2x128xi32, #tpu.memory_space<vmem>>)
    %get3A = arith.constant 1 : i32
    %get3A_340 = arith.index_cast %get3A : i32 to index
    %get3A_341 = arith.constant 0 : index
    %get3A_342 = tpu.vector_load %arg4[%get3A_340, %get3A_341] {strides = array<i32>} : memref<2x128xi32, #tpu.memory_space<vmem>>, vector<1x16xi32>,
    %get3A_343 = vector.shape_cast %get3A_342 : vector<1x16xi32> to vector<16xi32>
    %swap3A_344 = arith.constant 0 : i32
    %swap3A_345 = arith.index_cast %swap3A_344 : i32 to index
    %swap3A_346 = arith.constant 0 : index
    %swap3A_347 = tpu.vector_load %arg8[%swap3A_345, %swap3A_346] {strides = array<i32>} : memref<1x128xi32, #tpu.memory_space<vmem>>, vector<1x16xi32>,
    %swap3A_348 = vector.shape_cast %swap3A_347 : vector<1x16xi32> to vector<16xi32>
    %swap3A_349 = vector.shape_cast %get3A_343 : vector<16xi32> to vector<1x16xi32>
    tpu.vector_store %arg8[%swap3A_345, %swap3A_346], %swap3A_349 {strides = array<i32>} : memref<1x128xi32, #tpu.memory_space<vmem>>, vector<1x16xi32>,
    %get3A_350 = arith.constant 1 : i32
    %get3A_351 = arith.index_cast %get3A_350 : i32 to index
    %get3A_352 = arith.constant 16 : index
    %get3A_353 = tpu.vector_load %arg4[%get3A_351, %get3A_352] {strides = array<i32>} : memref<2x128xi32, #tpu.memory_space<vmem>>, vector<1x16xi32>,
    %get3A_354 = vector.shape_cast %get3A_353 : vector<1x16xi32> to vector<16xi32>
    %swap3A_355 = arith.constant 0 : i32
    %swap3A_356 = arith.index_cast %swap3A_355 : i32 to index
    %swap3A_357 = arith.constant 16 : index
    %swap3A_358 = tpu.vector_load %arg8[%swap3A_356, %swap3A_357] {strides = array<i32>} : memref<1x128xi32, #tpu.memory_space<vmem>>, vector<1x16xi32>,
    %swap3A_359 = vector.shape_cast %swap3A_358 : vector<1x16xi32> to vector<16xi32>
    %swap3A_360 = vector.shape_cast %get3A_354 : vector<16xi32> to vector<1x16xi32>
    tpu.vector_store %arg8[%swap3A_356, %swap3A_357], %swap3A_360 {strides = array<i32>} : memref<1x128xi32, #tpu.memory_space<vmem>>, vector<1x16xi32>,
    %get3A_361 = arith.constant 1 : i32
    %get3A_362 = arith.index_cast %get3A_361 : i32 to index
    %get3A_363 = arith.constant 32 : index
    %get3A_364 = tpu.vector_load %arg4[%get3A_362, %get3A_363] {strides = array<i32>} : memref<2x128xi32, #tpu.memory_space<vmem>>, vector<1x16xi32>,
    %get3A_365 = vector.shape_cast %get3A_364 : vector<1x16xi32> to vector<16xi32>
    %swap3A_366 = arith.constant 0 : i32
    %swap3A_367 = arith.index_cast %swap3A_366 : i32 to index
    %swap3A_368 = arith.constant 32 : index
    %swap3A_369 = tpu.vector_load %arg8[%swap3A_367, %swap3A_368] {strides = array<i32>} : memref<1x128xi32, #tpu.memory_space<vmem>>, vector<1x16xi32>,
    %swap3A_370 = vector.shape_cast %swap3A_369 : vector<1x16xi32> to vector<16xi32>
    %swap3A_371 = vector.shape_cast %get3A_365 : vector<16xi32> to vector<1x16xi32>
    tpu.vector_store %arg8[%swap3A_367, %swap3A_368], %swap3A_371 {strides = array<i32>} : memref<1x128xi32, #tpu.memory_space<vmem>>, vector<1x16xi32>,
    %get3A_372 = arith.constant 1 : i32
    %get3A_373 = arith.index_cast %get3A_372 : i32 to index
    %get3A_374 = arith.constant 48 : index
    %get3A_375 = tpu.vector_load %arg4[%get3A_373, %get3A_374] {strides = array<i32>} : memref<2x128xi32, #tpu.memory_space<vmem>>, vector<1x16xi32>,
    %get3A_376 = vector.shape_cast %get3A_375 : vector<1x16xi32> to vector<16xi32>
    %swap3A_377 = arith.constant 0 : i32
    %swap3A_378 = arith.index_cast %swap3A_377 : i32 to index
    %swap3A_379 = arith.constant 48 : index
    %swap3A_380 = tpu.vector_load %arg8[%swap3A_378, %swap3A_379] {strides = array<i32>} : memref<1x128xi32, #tpu.memory_space<vmem>>, vector<1x16xi32>,
    %swap3A_381 = vector.shape_cast %swap3A_380 : vector<1x16xi32> to vector<16xi32>
    %swap3A_382 = vector.shape_cast %get3A_376 : vector<16xi32> to vector<1x16xi32>
    tpu.vector_store %arg8[%swap3A_378, %swap3A_379], %swap3A_382 {strides = array<i32>} : memref<1x128xi32, #tpu.memory_space<vmem>>, vector<1x16xi32>,
    %get3A_383 = arith.constant 1 : i32
    %get3A_384 = arith.index_cast %get3A_383 : i32 to index
    %get3A_385 = arith.constant 64 : index
    %get3A_386 = tpu.vector_load %arg4[%get3A_384, %get3A_385] {strides = array<i32>} : memref<2x128xi32, #tpu.memory_space<vmem>>, vector<1x16xi32>,
    %get3A_387 = vector.shape_cast %get3A_386 : vector<1x16xi32> to vector<16xi32>
    %swap3A_388 = arith.constant 0 : i32
    %swap3A_389 = arith.index_cast %swap3A_388 : i32 to index
    %swap3A_390 = arith.constant 64 : index
    %swap3A_391 = tpu.vector_load %arg8[%swap3A_389, %swap3A_390] {strides = array<i32>} : memref<1x128xi32, #tpu.memory_space<vmem>>, vector<1x16xi32>,
    %swap3A_392 = vector.shape_cast %swap3A_391 : vector<1x16xi32> to vector<16xi32>
    %swap3A_393 = vector.shape_cast %get3A_387 : vector<16xi32> to vector<1x16xi32>
    tpu.vector_store %arg8[%swap3A_389, %swap3A_390], %swap3A_393 {strides = array<i32>} : memref<1x128xi32, #tpu.memory_space<vmem>>, vector<1x16xi32>,
    %get3A_394 = arith.constant 1 : i32
    %get3A_395 = arith.index_cast %get3A_394 : i32 to index
    %get3A_396 = arith.constant 80 : index
    %get3A_397 = tpu.vector_load %arg4[%get3A_395, %get3A_396] {strides = array<i32>} : memref<2x128xi32, #tpu.memory_space<vmem>>, vector<1x16xi32>,
    %get3A_398 = vector.shape_cast %get3A_397 : vector<1x16xi32> to vector<16xi32>
    %swap3A_399 = arith.constant 0 : i32
    %swap3A_400 = arith.index_cast %swap3A_399 : i32 to index
    %swap3A_401 = arith.constant 80 : index
    %swap3A_402 = tpu.vector_load %arg8[%swap3A_400, %swap3A_401] {strides = array<i32>} : memref<1x128xi32, #tpu.memory_space<vmem>>, vector<1x16xi32>,
    %swap3A_403 = vector.shape_cast %swap3A_402 : vector<1x16xi32> to vector<16xi32>
    %swap3A_404 = vector.shape_cast %get3A_398 : vector<16xi32> to vector<1x16xi32>
    tpu.vector_store %arg8[%swap3A_400, %swap3A_401], %swap3A_404 {strides = array<i32>} : memref<1x128xi32, #tpu.memory_space<vmem>>, vector<1x16xi32>,
    %get3A_405 = arith.constant 1 : i32
    %get3A_406 = arith.index_cast %get3A_405 : i32 to index
    %get3A_407 = arith.constant 96 : index
    %get3A_408 = tpu.vector_load %arg4[%get3A_406, %get3A_407] {strides = array<i32>} : memref<2x128xi32, #tpu.memory_space<vmem>>, vector<1x16xi32>,
    %get3A_409 = vector.shape_cast %get3A_408 : vector<1x16xi32> to vector<16xi32>
    %swap3A_410 = arith.constant 0 : i32
    %swap3A_411 = arith.index_cast %swap3A_410 : i32 to index
    %swap3A_412 = arith.constant 96 : index
    %swap3A_413 = tpu.vector_load %arg8[%swap3A_411, %swap3A_412] {strides = array<i32>} : memref<1x128xi32, #tpu.memory_space<vmem>>, vector<1x16xi32>,
    %swap3A_414 = vector.shape_cast %swap3A_413 : vector<1x16xi32> to vector<16xi32>
    %swap3A_415 = vector.shape_cast %get3A_409 : vector<16xi32> to vector<1x16xi32>
    tpu.vector_store %arg8[%swap3A_411, %swap3A_412], %swap3A_415 {strides = array<i32>} : memref<1x128xi32, #tpu.memory_space<vmem>>, vector<1x16xi32>,
    %get3A_416 = arith.constant 1 : i32
    %get3A_417 = arith.index_cast %get3A_416 : i32 to index
    %get3A_418 = arith.constant 112 : index
    %get3A_419 = tpu.vector_load %arg4[%get3A_417, %get3A_418] {strides = array<i32>} : memref<2x128xi32, #tpu.memory_space<vmem>>, vector<1x16xi32>,
    %get3A_420 = vector.shape_cast %get3A_419 : vector<1x16xi32> to vector<16xi32>
    %swap3A_421 = arith.constant 0 : i32
    %swap3A_422 = arith.index_cast %swap3A_421 : i32 to index
    %swap3A_423 = arith.constant 112 : index
    %swap3A_424 = tpu.vector_load %arg8[%swap3A_422, %swap3A_423] {strides = array<i32>} : memref<1x128xi32, #tpu.memory_space<vmem>>, vector<1x16xi32>,
    %swap3A_425 = vector.shape_cast %swap3A_424 : vector<1x16xi32> to vector<16xi32>
    %swap3A_426 = vector.shape_cast %get3A_420 : vector<16xi32> to vector<1x16xi32>
    tpu.vector_store %arg8[%swap3A_422, %swap3A_423], %swap3A_426 {strides = array<i32>} : memref<1x128xi32, #tpu.memory_space<vmem>>, vector<1x16xi32>,
    %run_scoped3A = arith.constant 0 : i32
    "tpu.region"() ({
      %run_scoped3A_531 = tpu.sem_alloc : memref<!tpu.dma_semaphore, #tpu.memory_space<semaphore_mem>>
      %dma_start3A_532 = arith.constant 0 : i32
      %dma_start3A_533 = tpu.memref_slice %arg8[%run_scoped3A, %dma_start3A_532] : memref<1x128xi32, #tpu.memory_space<vmem>> -> memref<1x128xi32, #tpu.memory_space<vmem>>
      %dma_start3A_534 = tpu.memref_squeeze %dma_start3A_533 : memref<1x128xi32, #tpu.memory_space<vmem>> -> memref<128xi32, #tpu.memory_space<vmem>>
      %dma_start3A_535 = arith.constant 0 : i32
      %dma_start3A_536 = tpu.memref_slice %arg11[%dma_start3A_535] : memref<10240xf32, #tpu.memory_space<vmem_shared>> -> memref<10240xf32, #tpu.memory_space<vmem_shared>>
      tpu.enqueue_indirect_dma source(%arg9 : memref<128xf32, #tpu.memory_space<vmem>>) target(%dma_start3A_536 : memref<10240xf32, #tpu.memory_space<vmem_shared>>) offsets(%dma_start3A_534 : memref<128xi32, #tpu.memory_space<vmem>>) semaphore(%run_scoped3A_531 : memref<!tpu.dma_semaphore, #tpu.memory_space<semaphore_mem>>) {add = true}
      %dma_wait3A_537 = arith.constant 0 : i32
      %dma_wait3A_538 = tpu.memref_slice %arg8[%run_scoped3A, %dma_wait3A_537] : memref<1x128xi32, #tpu.memory_space<vmem>> -> memref<1x128xi32, #tpu.memory_space<vmem>>
      %dma_wait3A_539 = tpu.memref_squeeze %dma_wait3A_538 : memref<1x128xi32, #tpu.memory_space<vmem>> -> memref<128xi32, #tpu.memory_space<vmem>>
      %dma_wait3A_540 = arith.constant 0 : i32
      %dma_wait3A_541 = tpu.memref_slice %arg11[%dma_wait3A_540] : memref<10240xf32, #tpu.memory_space<vmem_shared>> -> memref<10240xf32, #tpu.memory_space<vmem_shared>>
      tpu.wait_indirect_dma semaphore(%run_scoped3A_531 : memref<!tpu.dma_semaphore, #tpu.memory_space<semaphore_mem>>) src(%arg9 : memref<128xf32, #tpu.memory_space<vmem>>) dst(%dma_wait3A_541 : memref<10240xf32, #tpu.memory_space<vmem_shared>>)
      tpu.yield
    }) : () -> ()
    %add3A_427 = arith.constant 0 : i32
    %add3A_428 = arith.addi %add3A_4, %add3A_427 : i32
    %mul3A_429 = arith.constant 128 : i32
    %mul3A_430 = arith.muli %add3A_428, %mul3A_429 : i32
    %dma_wait3A_431 = arith.constant 0 : i32
    %dma_wait3A_432 = tpu.memref_slice %arg2[%dma_wait3A_431, %mul3A_430] : memref<2x320000xi32, #tpu.memory_space<hbm>> -> memref<2x128xi32, #tpu.memory_space<hbm>>
    %dma_wait3A_433 = arith.constant 0 : i32
    %dma_wait3A_434 = tpu.memref_slice %arg2[%dma_wait3A_433, %mul3A_430] : memref<2x320000xi32, #tpu.memory_space<hbm>> -> memref<2x128xi32, #tpu.memory_space<hbm>>
    tpu.wait_dma2 semaphore(%arg13 : memref<!tpu.dma_semaphore, #tpu.memory_space<semaphore_mem>>) src(%dma_wait3A_434 : memref<2x128xi32, #tpu.memory_space<hbm>>) dst(%arg5 : memref<2x128xi32, #tpu.memory_space<vmem>>)
    %get3A_435 = arith.constant 1 : i32
    %get3A_436 = arith.index_cast %get3A_435 : i32 to index
    %get3A_437 = arith.constant 0 : index
    %get3A_438 = tpu.vector_load %arg5[%get3A_436, %get3A_437] {strides = array<i32>} : memref<2x128xi32, #tpu.memory_space<vmem>>, vector<1x16xi32>,
    %get3A_439 = vector.shape_cast %get3A_438 : vector<1x16xi32> to vector<16xi32>
    %swap3A_440 = arith.constant 0 : i32
    %swap3A_441 = arith.index_cast %swap3A_440 : i32 to index
    %swap3A_442 = arith.constant 0 : index
    %swap3A_443 = tpu.vector_load %arg8[%swap3A_441, %swap3A_442] {strides = array<i32>} : memref<1x128xi32, #tpu.memory_space<vmem>>, vector<1x16xi32>,
    %swap3A_444 = vector.shape_cast %swap3A_443 : vector<1x16xi32> to vector<16xi32>
    %swap3A_445 = vector.shape_cast %get3A_439 : vector<16xi32> to vector<1x16xi32>
    tpu.vector_store %arg8[%swap3A_441, %swap3A_442], %swap3A_445 {strides = array<i32>} : memref<1x128xi32, #tpu.memory_space<vmem>>, vector<1x16xi32>,
    %get3A_446 = arith.constant 1 : i32
    %get3A_447 = arith.index_cast %get3A_446 : i32 to index
    %get3A_448 = arith.constant 16 : index
    %get3A_449 = tpu.vector_load %arg5[%get3A_447, %get3A_448] {strides = array<i32>} : memref<2x128xi32, #tpu.memory_space<vmem>>, vector<1x16xi32>,
    %get3A_450 = vector.shape_cast %get3A_449 : vector<1x16xi32> to vector<16xi32>
    %swap3A_451 = arith.constant 0 : i32
    %swap3A_452 = arith.index_cast %swap3A_451 : i32 to index
    %swap3A_453 = arith.constant 16 : index
    %swap3A_454 = tpu.vector_load %arg8[%swap3A_452, %swap3A_453] {strides = array<i32>} : memref<1x128xi32, #tpu.memory_space<vmem>>, vector<1x16xi32>,
    %swap3A_455 = vector.shape_cast %swap3A_454 : vector<1x16xi32> to vector<16xi32>
    %swap3A_456 = vector.shape_cast %get3A_450 : vector<16xi32> to vector<1x16xi32>
    tpu.vector_store %arg8[%swap3A_452, %swap3A_453], %swap3A_456 {strides = array<i32>} : memref<1x128xi32, #tpu.memory_space<vmem>>, vector<1x16xi32>,
    %get3A_457 = arith.constant 1 : i32
    %get3A_458 = arith.index_cast %get3A_457 : i32 to index
    %get3A_459 = arith.constant 32 : index
    %get3A_460 = tpu.vector_load %arg5[%get3A_458, %get3A_459] {strides = array<i32>} : memref<2x128xi32, #tpu.memory_space<vmem>>, vector<1x16xi32>,
    %get3A_461 = vector.shape_cast %get3A_460 : vector<1x16xi32> to vector<16xi32>
    %swap3A_462 = arith.constant 0 : i32
    %swap3A_463 = arith.index_cast %swap3A_462 : i32 to index
    %swap3A_464 = arith.constant 32 : index
    %swap3A_465 = tpu.vector_load %arg8[%swap3A_463, %swap3A_464] {strides = array<i32>} : memref<1x128xi32, #tpu.memory_space<vmem>>, vector<1x16xi32>,
    %swap3A_466 = vector.shape_cast %swap3A_465 : vector<1x16xi32> to vector<16xi32>
    %swap3A_467 = vector.shape_cast %get3A_461 : vector<16xi32> to vector<1x16xi32>
    tpu.vector_store %arg8[%swap3A_463, %swap3A_464], %swap3A_467 {strides = array<i32>} : memref<1x128xi32, #tpu.memory_space<vmem>>, vector<1x16xi32>,
    %get3A_468 = arith.constant 1 : i32
    %get3A_469 = arith.index_cast %get3A_468 : i32 to index
    %get3A_470 = arith.constant 48 : index
    %get3A_471 = tpu.vector_load %arg5[%get3A_469, %get3A_470] {strides = array<i32>} : memref<2x128xi32, #tpu.memory_space<vmem>>, vector<1x16xi32>,
    %get3A_472 = vector.shape_cast %get3A_471 : vector<1x16xi32> to vector<16xi32>
    %swap3A_473 = arith.constant 0 : i32
    %swap3A_474 = arith.index_cast %swap3A_473 : i32 to index
    %swap3A_475 = arith.constant 48 : index
    %swap3A_476 = tpu.vector_load %arg8[%swap3A_474, %swap3A_475] {strides = array<i32>} : memref<1x128xi32, #tpu.memory_space<vmem>>, vector<1x16xi32>,
    %swap3A_477 = vector.shape_cast %swap3A_476 : vector<1x16xi32> to vector<16xi32>
    %swap3A_478 = vector.shape_cast %get3A_472 : vector<16xi32> to vector<1x16xi32>
    tpu.vector_store %arg8[%swap3A_474, %swap3A_475], %swap3A_478 {strides = array<i32>} : memref<1x128xi32, #tpu.memory_space<vmem>>, vector<1x16xi32>,
    %get3A_479 = arith.constant 1 : i32
    %get3A_480 = arith.index_cast %get3A_479 : i32 to index
    %get3A_481 = arith.constant 64 : index
    %get3A_482 = tpu.vector_load %arg5[%get3A_480, %get3A_481] {strides = array<i32>} : memref<2x128xi32, #tpu.memory_space<vmem>>, vector<1x16xi32>,
    %get3A_483 = vector.shape_cast %get3A_482 : vector<1x16xi32> to vector<16xi32>
    %swap3A_484 = arith.constant 0 : i32
    %swap3A_485 = arith.index_cast %swap3A_484 : i32 to index
    %swap3A_486 = arith.constant 64 : index
    %swap3A_487 = tpu.vector_load %arg8[%swap3A_485, %swap3A_486] {strides = array<i32>} : memref<1x128xi32, #tpu.memory_space<vmem>>, vector<1x16xi32>,
    %swap3A_488 = vector.shape_cast %swap3A_487 : vector<1x16xi32> to vector<16xi32>
    %swap3A_489 = vector.shape_cast %get3A_483 : vector<16xi32> to vector<1x16xi32>
    tpu.vector_store %arg8[%swap3A_485, %swap3A_486], %swap3A_489 {strides = array<i32>} : memref<1x128xi32, #tpu.memory_space<vmem>>, vector<1x16xi32>,
    %get3A_490 = arith.constant 1 : i32
    %get3A_491 = arith.index_cast %get3A_490 : i32 to index
    %get3A_492 = arith.constant 80 : index
    %get3A_493 = tpu.vector_load %arg5[%get3A_491, %get3A_492] {strides = array<i32>} : memref<2x128xi32, #tpu.memory_space<vmem>>, vector<1x16xi32>,
    %get3A_494 = vector.shape_cast %get3A_493 : vector<1x16xi32> to vector<16xi32>
    %swap3A_495 = arith.constant 0 : i32
    %swap3A_496 = arith.index_cast %swap3A_495 : i32 to index
    %swap3A_497 = arith.constant 80 : index
    %swap3A_498 = tpu.vector_load %arg8[%swap3A_496, %swap3A_497] {strides = array<i32>} : memref<1x128xi32, #tpu.memory_space<vmem>>, vector<1x16xi32>,
    %swap3A_499 = vector.shape_cast %swap3A_498 : vector<1x16xi32> to vector<16xi32>
    %swap3A_500 = vector.shape_cast %get3A_494 : vector<16xi32> to vector<1x16xi32>
    tpu.vector_store %arg8[%swap3A_496, %swap3A_497], %swap3A_500 {strides = array<i32>} : memref<1x128xi32, #tpu.memory_space<vmem>>, vector<1x16xi32>,
    %get3A_501 = arith.constant 1 : i32
    %get3A_502 = arith.index_cast %get3A_501 : i32 to index
    %get3A_503 = arith.constant 96 : index
    %get3A_504 = tpu.vector_load %arg5[%get3A_502, %get3A_503] {strides = array<i32>} : memref<2x128xi32, #tpu.memory_space<vmem>>, vector<1x16xi32>,
    %get3A_505 = vector.shape_cast %get3A_504 : vector<1x16xi32> to vector<16xi32>
    %swap3A_506 = arith.constant 0 : i32
    %swap3A_507 = arith.index_cast %swap3A_506 : i32 to index
    %swap3A_508 = arith.constant 96 : index
    %swap3A_509 = tpu.vector_load %arg8[%swap3A_507, %swap3A_508] {strides = array<i32>} : memref<1x128xi32, #tpu.memory_space<vmem>>, vector<1x16xi32>,
    %swap3A_510 = vector.shape_cast %swap3A_509 : vector<1x16xi32> to vector<16xi32>
    %swap3A_511 = vector.shape_cast %get3A_505 : vector<16xi32> to vector<1x16xi32>
    tpu.vector_store %arg8[%swap3A_507, %swap3A_508], %swap3A_511 {strides = array<i32>} : memref<1x128xi32, #tpu.memory_space<vmem>>, vector<1x16xi32>,
    %get3A_512 = arith.constant 1 : i32
    %get3A_513 = arith.index_cast %get3A_512 : i32 to index
    %get3A_514 = arith.constant 112 : index
    %get3A_515 = tpu.vector_load %arg5[%get3A_513, %get3A_514] {strides = array<i32>} : memref<2x128xi32, #tpu.memory_space<vmem>>, vector<1x16xi32>,
    %get3A_516 = vector.shape_cast %get3A_515 : vector<1x16xi32> to vector<16xi32>
    %swap3A_517 = arith.constant 0 : i32
    %swap3A_518 = arith.index_cast %swap3A_517 : i32 to index
    %swap3A_519 = arith.constant 112 : index
    %swap3A_520 = tpu.vector_load %arg8[%swap3A_518, %swap3A_519] {strides = array<i32>} : memref<1x128xi32, #tpu.memory_space<vmem>>, vector<1x16xi32>,
    %swap3A_521 = vector.shape_cast %swap3A_520 : vector<1x16xi32> to vector<16xi32>
    %swap3A_522 = vector.shape_cast %get3A_516 : vector<16xi32> to vector<1x16xi32>
    tpu.vector_store %arg8[%swap3A_518, %swap3A_519], %swap3A_522 {strides = array<i32>} : memref<1x128xi32, #tpu.memory_space<vmem>>, vector<1x16xi32>,
    %run_scoped3A_523 = arith.constant 0 : i32
    "tpu.region"() ({
      %run_scoped3A_531 = tpu.sem_alloc : memref<!tpu.dma_semaphore, #tpu.memory_space<semaphore_mem>>
      %dma_start3A_532 = arith.constant 0 : i32
      %dma_start3A_533 = tpu.memref_slice %arg8[%run_scoped3A_523, %dma_start3A_532] : memref<1x128xi32, #tpu.memory_space<vmem>> -> memref<1x128xi32, #tpu.memory_space<vmem>>
      %dma_start3A_534 = tpu.memref_squeeze %dma_start3A_533 : memref<1x128xi32, #tpu.memory_space<vmem>> -> memref<128xi32, #tpu.memory_space<vmem>>
      %dma_start3A_535 = arith.constant 0 : i32
      %dma_start3A_536 = tpu.memref_slice %arg11[%dma_start3A_535] : memref<10240xf32, #tpu.memory_space<vmem_shared>> -> memref<10240xf32, #tpu.memory_space<vmem_shared>>
      tpu.enqueue_indirect_dma source(%arg9 : memref<128xf32, #tpu.memory_space<vmem>>) target(%dma_start3A_536 : memref<10240xf32, #tpu.memory_space<vmem_shared>>) offsets(%dma_start3A_534 : memref<128xi32, #tpu.memory_space<vmem>>) semaphore(%run_scoped3A_531 : memref<!tpu.dma_semaphore, #tpu.memory_space<semaphore_mem>>) {add = true}
      %dma_wait3A_537 = arith.constant 0 : i32
      %dma_wait3A_538 = tpu.memref_slice %arg8[%run_scoped3A_523, %dma_wait3A_537] : memref<1x128xi32, #tpu.memory_space<vmem>> -> memref<1x128xi32, #tpu.memory_space<vmem>>
      %dma_wait3A_539 = tpu.memref_squeeze %dma_wait3A_538 : memref<1x128xi32, #tpu.memory_space<vmem>> -> memref<128xi32, #tpu.memory_space<vmem>>
      %dma_wait3A_540 = arith.constant 0 : i32
      %dma_wait3A_541 = tpu.memref_slice %arg11[%dma_wait3A_540] : memref<10240xf32, #tpu.memory_space<vmem_shared>> -> memref<10240xf32, #tpu.memory_space<vmem_shared>>
      tpu.wait_indirect_dma semaphore(%run_scoped3A_531 : memref<!tpu.dma_semaphore, #tpu.memory_space<semaphore_mem>>) src(%arg9 : memref<128xf32, #tpu.memory_space<vmem>>) dst(%dma_wait3A_541 : memref<10240xf32, #tpu.memory_space<vmem_shared>>)
      tpu.yield
    }) : () -> ()
    %eq3A = arith.constant 79 : i32
    %eq3A_524 = arith.cmpi eq, %add3A_8, %eq3A : i32
    %convert_element_type3A = arith.extui %eq3A_524 : i1 to i32
    %cond3A = arith.constant 0 : i32
    %cond3A_525 = arith.cmpi ne, %convert_element_type3A, %cond3A : i32
    scf.if %cond3A_525 {
      %add3A_531 = arith.constant 0 : i32
      %add3A_532 = arith.addi %add3A_4, %add3A_531 : i32
      %mul3A_533 = arith.constant 128 : i32
      %mul3A_534 = arith.muli %add3A_532, %mul3A_533 : i32
      %dma_wait3A_535 = arith.constant 0 : i32
      %dma_wait3A_536 = tpu.memref_slice %arg2[%dma_wait3A_535, %mul3A_534] : memref<2x320000xi32, #tpu.memory_space<hbm>> -> memref<2x128xi32, #tpu.memory_space<hbm>>
      %dma_wait3A_537 = arith.constant 0 : i32
      %dma_wait3A_538 = tpu.memref_slice %arg2[%dma_wait3A_537, %mul3A_534] : memref<2x320000xi32, #tpu.memory_space<hbm>> -> memref<2x128xi32, #tpu.memory_space<hbm>>
      tpu.wait_dma2 semaphore(%arg14 : memref<!tpu.dma_semaphore, #tpu.memory_space<semaphore_mem>>) src(%dma_wait3A_538 : memref<2x128xi32, #tpu.memory_space<hbm>>) dst(%arg6 : memref<2x128xi32, #tpu.memory_space<vmem>>)
      %get3A_539 = arith.constant 1 : i32
      %get3A_540 = arith.index_cast %get3A_539 : i32 to index
      %get3A_541 = arith.constant 0 : index
      %get3A_542 = tpu.vector_load %arg6[%get3A_540, %get3A_541] {strides = array<i32>} : memref<2x128xi32, #tpu.memory_space<vmem>>, vector<1x16xi32>,
      %get3A_543 = vector.shape_cast %get3A_542 : vector<1x16xi32> to vector<16xi32>
      %swap3A_544 = arith.constant 0 : i32
      %swap3A_545 = arith.index_cast %swap3A_544 : i32 to index
      %swap3A_546 = arith.constant 0 : index
      %swap3A_547 = tpu.vector_load %arg8[%swap3A_545, %swap3A_546] {strides = array<i32>} : memref<1x128xi32, #tpu.memory_space<vmem>>, vector<1x16xi32>,
      %swap3A_548 = vector.shape_cast %swap3A_547 : vector<1x16xi32> to vector<16xi32>
      %swap3A_549 = vector.shape_cast %get3A_543 : vector<16xi32> to vector<1x16xi32>
      tpu.vector_store %arg8[%swap3A_545, %swap3A_546], %swap3A_549 {strides = array<i32>} : memref<1x128xi32, #tpu.memory_space<vmem>>, vector<1x16xi32>,
      %get3A_550 = arith.constant 1 : i32
      %get3A_551 = arith.index_cast %get3A_550 : i32 to index
      %get3A_552 = arith.constant 16 : index
      %get3A_553 = tpu.vector_load %arg6[%get3A_551, %get3A_552] {strides = array<i32>} : memref<2x128xi32, #tpu.memory_space<vmem>>, vector<1x16xi32>,
      %get3A_554 = vector.shape_cast %get3A_553 : vector<1x16xi32> to vector<16xi32>
      %swap3A_555 = arith.constant 0 : i32
      %swap3A_556 = arith.index_cast %swap3A_555 : i32 to index
      %swap3A_557 = arith.constant 16 : index
      %swap3A_558 = tpu.vector_load %arg8[%swap3A_556, %swap3A_557] {strides = array<i32>} : memref<1x128xi32, #tpu.memory_space<vmem>>, vector<1x16xi32>,
      %swap3A_559 = vector.shape_cast %swap3A_558 : vector<1x16xi32> to vector<16xi32>
      %swap3A_560 = vector.shape_cast %get3A_554 : vector<16xi32> to vector<1x16xi32>
      tpu.vector_store %arg8[%swap3A_556, %swap3A_557], %swap3A_560 {strides = array<i32>} : memref<1x128xi32, #tpu.memory_space<vmem>>, vector<1x16xi32>,
      %get3A_561 = arith.constant 1 : i32
      %get3A_562 = arith.index_cast %get3A_561 : i32 to index
      %get3A_563 = arith.constant 32 : index
      %get3A_564 = tpu.vector_load %arg6[%get3A_562, %get3A_563] {strides = array<i32>} : memref<2x128xi32, #tpu.memory_space<vmem>>, vector<1x16xi32>,
      %get3A_565 = vector.shape_cast %get3A_564 : vector<1x16xi32> to vector<16xi32>
      %swap3A_566 = arith.constant 0 : i32
      %swap3A_567 = arith.index_cast %swap3A_566 : i32 to index
      %swap3A_568 = arith.constant 32 : index
      %swap3A_569 = tpu.vector_load %arg8[%swap3A_567, %swap3A_568] {strides = array<i32>} : memref<1x128xi32, #tpu.memory_space<vmem>>, vector<1x16xi32>,
      %swap3A_570 = vector.shape_cast %swap3A_569 : vector<1x16xi32> to vector<16xi32>
      %swap3A_571 = vector.shape_cast %get3A_565 : vector<16xi32> to vector<1x16xi32>
      tpu.vector_store %arg8[%swap3A_567, %swap3A_568], %swap3A_571 {strides = array<i32>} : memref<1x128xi32, #tpu.memory_space<vmem>>, vector<1x16xi32>,
      %get3A_572 = arith.constant 1 : i32
      %get3A_573 = arith.index_cast %get3A_572 : i32 to index
      %get3A_574 = arith.constant 48 : index
      %get3A_575 = tpu.vector_load %arg6[%get3A_573, %get3A_574] {strides = array<i32>} : memref<2x128xi32, #tpu.memory_space<vmem>>, vector<1x16xi32>,
      %get3A_576 = vector.shape_cast %get3A_575 : vector<1x16xi32> to vector<16xi32>
      %swap3A_577 = arith.constant 0 : i32
      %swap3A_578 = arith.index_cast %swap3A_577 : i32 to index
      %swap3A_579 = arith.constant 48 : index
      %swap3A_580 = tpu.vector_load %arg8[%swap3A_578, %swap3A_579] {strides = array<i32>} : memref<1x128xi32, #tpu.memory_space<vmem>>, vector<1x16xi32>,
      %swap3A_581 = vector.shape_cast %swap3A_580 : vector<1x16xi32> to vector<16xi32>
      %swap3A_582 = vector.shape_cast %get3A_576 : vector<16xi32> to vector<1x16xi32>
      tpu.vector_store %arg8[%swap3A_578, %swap3A_579], %swap3A_582 {strides = array<i32>} : memref<1x128xi32, #tpu.memory_space<vmem>>, vector<1x16xi32>,
      %get3A_583 = arith.constant 1 : i32
      %get3A_584 = arith.index_cast %get3A_583 : i32 to index
      %get3A_585 = arith.constant 64 : index
      %get3A_586 = tpu.vector_load %arg6[%get3A_584, %get3A_585] {strides = array<i32>} : memref<2x128xi32, #tpu.memory_space<vmem>>, vector<1x16xi32>,
      %get3A_587 = vector.shape_cast %get3A_586 : vector<1x16xi32> to vector<16xi32>
      %swap3A_588 = arith.constant 0 : i32
      %swap3A_589 = arith.index_cast %swap3A_588 : i32 to index
      %swap3A_590 = arith.constant 64 : index
      %swap3A_591 = tpu.vector_load %arg8[%swap3A_589, %swap3A_590] {strides = array<i32>} : memref<1x128xi32, #tpu.memory_space<vmem>>, vector<1x16xi32>,
      %swap3A_592 = vector.shape_cast %swap3A_591 : vector<1x16xi32> to vector<16xi32>
      %swap3A_593 = vector.shape_cast %get3A_587 : vector<16xi32> to vector<1x16xi32>
      tpu.vector_store %arg8[%swap3A_589, %swap3A_590], %swap3A_593 {strides = array<i32>} : memref<1x128xi32, #tpu.memory_space<vmem>>, vector<1x16xi32>,
      %get3A_594 = arith.constant 1 : i32
      %get3A_595 = arith.index_cast %get3A_594 : i32 to index
      %get3A_596 = arith.constant 80 : index
      %get3A_597 = tpu.vector_load %arg6[%get3A_595, %get3A_596] {strides = array<i32>} : memref<2x128xi32, #tpu.memory_space<vmem>>, vector<1x16xi32>,
      %get3A_598 = vector.shape_cast %get3A_597 : vector<1x16xi32> to vector<16xi32>
      %swap3A_599 = arith.constant 0 : i32
      %swap3A_600 = arith.index_cast %swap3A_599 : i32 to index
      %swap3A_601 = arith.constant 80 : index
      %swap3A_602 = tpu.vector_load %arg8[%swap3A_600, %swap3A_601] {strides = array<i32>} : memref<1x128xi32, #tpu.memory_space<vmem>>, vector<1x16xi32>,
      %swap3A_603 = vector.shape_cast %swap3A_602 : vector<1x16xi32> to vector<16xi32>
      %swap3A_604 = vector.shape_cast %get3A_598 : vector<16xi32> to vector<1x16xi32>
      tpu.vector_store %arg8[%swap3A_600, %swap3A_601], %swap3A_604 {strides = array<i32>} : memref<1x128xi32, #tpu.memory_space<vmem>>, vector<1x16xi32>,
      %get3A_605 = arith.constant 1 : i32
      %get3A_606 = arith.index_cast %get3A_605 : i32 to index
      %get3A_607 = arith.constant 96 : index
      %get3A_608 = tpu.vector_load %arg6[%get3A_606, %get3A_607] {strides = array<i32>} : memref<2x128xi32, #tpu.memory_space<vmem>>, vector<1x16xi32>,
      %get3A_609 = vector.shape_cast %get3A_608 : vector<1x16xi32> to vector<16xi32>
      %swap3A_610 = arith.constant 0 : i32
      %swap3A_611 = arith.index_cast %swap3A_610 : i32 to index
      %swap3A_612 = arith.constant 96 : index
      %swap3A_613 = tpu.vector_load %arg8[%swap3A_611, %swap3A_612] {strides = array<i32>} : memref<1x128xi32, #tpu.memory_space<vmem>>, vector<1x16xi32>,
      %swap3A_614 = vector.shape_cast %swap3A_613 : vector<1x16xi32> to vector<16xi32>
      %swap3A_615 = vector.shape_cast %get3A_609 : vector<16xi32> to vector<1x16xi32>
      tpu.vector_store %arg8[%swap3A_611, %swap3A_612], %swap3A_615 {strides = array<i32>} : memref<1x128xi32, #tpu.memory_space<vmem>>, vector<1x16xi32>,
      %get3A_616 = arith.constant 1 : i32
      %get3A_617 = arith.index_cast %get3A_616 : i32 to index
      %get3A_618 = arith.constant 112 : index
      %get3A_619 = tpu.vector_load %arg6[%get3A_617, %get3A_618] {strides = array<i32>} : memref<2x128xi32, #tpu.memory_space<vmem>>, vector<1x16xi32>,
      %get3A_620 = vector.shape_cast %get3A_619 : vector<1x16xi32> to vector<16xi32>
      %swap3A_621 = arith.constant 0 : i32
      %swap3A_622 = arith.index_cast %swap3A_621 : i32 to index
      %swap3A_623 = arith.constant 112 : index
      %swap3A_624 = tpu.vector_load %arg8[%swap3A_622, %swap3A_623] {strides = array<i32>} : memref<1x128xi32, #tpu.memory_space<vmem>>, vector<1x16xi32>,
      %swap3A_625 = vector.shape_cast %swap3A_624 : vector<1x16xi32> to vector<16xi32>
      %swap3A_626 = vector.shape_cast %get3A_620 : vector<16xi32> to vector<1x16xi32>
      tpu.vector_store %arg8[%swap3A_622, %swap3A_623], %swap3A_626 {strides = array<i32>} : memref<1x128xi32, #tpu.memory_space<vmem>>, vector<1x16xi32>,
      %run_scoped3A_627 = arith.constant 0 : i32
      "tpu.region"() ({
        %run_scoped3A_628 = tpu.sem_alloc : memref<!tpu.dma_semaphore, #tpu.memory_space<semaphore_mem>>
        %dma_start3A_629 = arith.constant 0 : i32
        %dma_start3A_630 = tpu.memref_slice %arg8[%run_scoped3A_627, %dma_start3A_629] : memref<1x128xi32, #tpu.memory_space<vmem>> -> memref<1x128xi32, #tpu.memory_space<vmem>>
        %dma_start3A_631 = tpu.memref_squeeze %dma_start3A_630 : memref<1x128xi32, #tpu.memory_space<vmem>> -> memref<128xi32, #tpu.memory_space<vmem>>
        %dma_start3A_632 = arith.constant 0 : i32
        %dma_start3A_633 = tpu.memref_slice %arg11[%dma_start3A_632] : memref<10240xf32, #tpu.memory_space<vmem_shared>> -> memref<10240xf32, #tpu.memory_space<vmem_shared>>
        tpu.enqueue_indirect_dma source(%arg9 : memref<128xf32, #tpu.memory_space<vmem>>) target(%dma_start3A_633 : memref<10240xf32, #tpu.memory_space<vmem_shared>>) offsets(%dma_start3A_631 : memref<128xi32, #tpu.memory_space<vmem>>) semaphore(%run_scoped3A_628 : memref<!tpu.dma_semaphore, #tpu.memory_space<semaphore_mem>>) {add = true}
        %dma_wait3A_634 = arith.constant 0 : i32
        %dma_wait3A_635 = tpu.memref_slice %arg8[%run_scoped3A_627, %dma_wait3A_634] : memref<1x128xi32, #tpu.memory_space<vmem>> -> memref<1x128xi32, #tpu.memory_space<vmem>>
        %dma_wait3A_636 = tpu.memref_squeeze %dma_wait3A_635 : memref<1x128xi32, #tpu.memory_space<vmem>> -> memref<128xi32, #tpu.memory_space<vmem>>
        %dma_wait3A_637 = arith.constant 0 : i32
        %dma_wait3A_638 = tpu.memref_slice %arg11[%dma_wait3A_637] : memref<10240xf32, #tpu.memory_space<vmem_shared>> -> memref<10240xf32, #tpu.memory_space<vmem_shared>>
        tpu.wait_indirect_dma semaphore(%run_scoped3A_628 : memref<!tpu.dma_semaphore, #tpu.memory_space<semaphore_mem>>) src(%arg9 : memref<128xf32, #tpu.memory_space<vmem>>) dst(%dma_wait3A_638 : memref<10240xf32, #tpu.memory_space<vmem_shared>>)
        tpu.yield
      }) : () -> ()
    } else {
    }
    %barrier3A_526 = arith.constant 0 : index
    tpu.barrier barrier_id(%barrier3A_526)
    %mul3A_527 = arith.constant 640 : i32
    %mul3A_528 = arith.muli %arg1, %mul3A_527 : i32
    %mul3A_529 = arith.constant 640 : i32
    %mul3A_530 = arith.muli %arg1, %mul3A_529 : i32
    "tpu.region"() ({
      %run_scoped3A_531 = tpu.sem_alloc : memref<!tpu.dma_semaphore, #tpu.memory_space<semaphore_mem>>
      %dma_start3A_532 = tpu.memref_slice %arg3[%arg0, %mul3A_530] : memref<2x10240xf32, #tpu.memory_space<hbm>> -> memref<1x640xf32, #tpu.memory_space<hbm>>
      %dma_start3A_533 = tpu.memref_squeeze %dma_start3A_532 : memref<1x640xf32, #tpu.memory_space<hbm>> -> memref<640xf32, #tpu.memory_space<hbm>>
      %dma_start3A_534 = tpu.memref_slice %arg11[%mul3A_528] : memref<10240xf32, #tpu.memory_space<vmem_shared>> -> memref<640xf32, #tpu.memory_space<vmem_shared>>
      tpu.enqueue_dma source(%dma_start3A_534 : memref<640xf32, #tpu.memory_space<vmem_shared>>) target(%dma_start3A_533 : memref<640xf32, #tpu.memory_space<hbm>>) target_semaphore(%run_scoped3A_531 : memref<!tpu.dma_semaphore, #tpu.memory_space<semaphore_mem>>)
      %dma_wait3A_535 = tpu.memref_slice %arg3[%arg0, %mul3A_530] : memref<2x10240xf32, #tpu.memory_space<hbm>> -> memref<1x640xf32, #tpu.memory_space<hbm>>
      %dma_wait3A_536 = tpu.memref_squeeze %dma_wait3A_535 : memref<1x640xf32, #tpu.memory_space<hbm>> -> memref<640xf32, #tpu.memory_space<hbm>>
      %dma_wait3A_537 = tpu.memref_slice %arg11[%mul3A_528] : memref<10240xf32, #tpu.memory_space<vmem_shared>> -> memref<640xf32, #tpu.memory_space<vmem_shared>>
      tpu.wait_dma2 semaphore(%run_scoped3A_531 : memref<!tpu.dma_semaphore, #tpu.memory_space<semaphore_mem>>) src(%dma_wait3A_537 : memref<640xf32, #tpu.memory_space<vmem_shared>>) dst(%dma_wait3A_536 : memref<640xf32, #tpu.memory_space<hbm>>)
      tpu.yield
    }) : () -> ()
    return
  }
}

module attributes {stable_mosaic.version = 14 : i64} {
  func.func @_mm_body(%arg0: i32, %arg1: memref<2048x128xf32, #tpu.memory_space<vmem>>, %arg2: memref<128x128xf32, #tpu.memory_space<vmem>>, %arg3: memref<2048x128xf32, #tpu.memory_space<vmem>>) attributes {dimension_semantics = [#tpu.dimension_semantics<arbitrary>], iteration_bounds = array<i64: 5>, scalar_prefetch = 0 : i64, scratch_operands = 0 : i64, tpu.core_type = #tpu.core_type<tc>, window_params = [{transform_indices = @transform_0, window_bounds = array<i64: 2048, 128>}, {pipeline_mode = #tpu.pipeline_mode<synchronous>, transform_indices = @transform_1, window_bounds = array<i64: 128, 128>}, {transform_indices = @transform_2, window_bounds = array<i64: 2048, 128>}]} {
    %get3A = arith.constant 0 : index
    %get3A_0 = arith.constant 0 : index
    %get3A_1 = vector.load %arg1[%get3A, %get3A_0] : memref<2048x128xf32, #tpu.memory_space<vmem>>, vector<2048x128xf32>
    %get3A_2 = arith.constant 0 : index
    %get3A_3 = arith.constant 0 : index
    %get3A_4 = vector.load %arg2[%get3A_2, %get3A_3] : memref<128x128xf32, #tpu.memory_space<vmem>>, vector<128x128xf32>
    %dot_general3A = arith.constant dense<0.000000e+00> : vector<2048x128xf32>
    %dot_general3A_5 = tpu.matmul %get3A_1, %get3A_4, %dot_general3A {dimension_numbers = #tpu.dot_dimension_numbers<[1], [0], [0], [1], [0, 0, 1, 1], [], []>, transpose_lhs_hint = false} : vector<2048x128xf32>, vector<128x128xf32>, vector<2048x128xf32> -> vector<2048x128xf32>
    %swap3A = arith.constant 0 : index
    %swap3A_6 = arith.constant 0 : index
    %swap3A_7 = vector.load %arg3[%swap3A, %swap3A_6] : memref<2048x128xf32, #tpu.memory_space<vmem>>, vector<2048x128xf32>
    tpu.vector_store %arg3[%swap3A, %swap3A_6], %dot_general3A_5 {strides = array<i32>} : memref<2048x128xf32, #tpu.memory_space<vmem>>, vector<2048x128xf32>,
    return
  }
  func.func @transform_0(%arg0: i32) -> (i32, i32) {
    %c0_i32 = arith.constant 0 : i32
    %c0_i32_0 = arith.constant 0 : i32
    return %arg0, %c0_i32 : i32, i32
  }
  func.func @transform_1(%arg0: i32) -> (i32, i32) {
    %c0_i32 = arith.constant 0 : i32
    %c0_i32_0 = arith.constant 0 : i32
    %c0_i32_1 = arith.constant 0 : i32
    return %c0_i32, %c0_i32_0 : i32, i32
  }
  func.func @transform_2(%arg0: i32) -> (i32, i32) {
    %c0_i32 = arith.constant 0 : i32
    %c0_i32_0 = arith.constant 0 : i32
    return %arg0, %c0_i32 : i32, i32
  }
}

module attributes {stable_mosaic.version = 14 : i64} {
  func.func @_scale_body(%arg0: i32, %arg1: memref<2048x128xf32, #tpu.memory_space<vmem>>, %arg2: memref<2x2048xf32, #tpu.memory_space<vmem>>, %arg3: memref<2048x128xf32, #tpu.memory_space<vmem>>, %arg4: memref<2048x1xf32, #tpu.memory_space<vmem>>) attributes {dimension_semantics = [#tpu.dimension_semantics<arbitrary>], iteration_bounds = array<i64: 5>, scalar_prefetch = 0 : i64, scratch_operands = 0 : i64, tpu.core_type = #tpu.core_type<tc>, window_params = [{transform_indices = @transform_0, window_bounds = array<i64: 2048, 128>}, {transform_indices = @transform_1, window_bounds = array<i64: 2, 2048>}, {transform_indices = @transform_2, window_bounds = array<i64: 2048, 128>}, {transform_indices = @transform_3, window_bounds = array<i64: 2048, 1>}]} {
    %get3A = arith.constant 0 : index
    %get3A_0 = arith.constant 0 : index
    %get3A_1 = vector.load %arg2[%get3A, %get3A_0] : memref<2x2048xf32, #tpu.memory_space<vmem>>, vector<2x2048xf32>
    %slice3A = vector.extract_strided_slice %get3A_1 {offsets = [0, 0], sizes = [1, 2048], strides = [1, 1]} : vector<2x2048xf32> to vector<1x2048xf32>
    %squeeze3A = vector.shape_cast %slice3A : vector<1x2048xf32> to vector<2048xf32>
    %slice3A_2 = vector.extract_strided_slice %get3A_1 {offsets = [1, 0], sizes = [1, 2048], strides = [1, 1]} : vector<2x2048xf32> to vector<1x2048xf32>
    %squeeze3A_3 = vector.shape_cast %slice3A_2 : vector<1x2048xf32> to vector<2048xf32>
    %add3A = arith.addf %squeeze3A, %squeeze3A_3 : vector<2048xf32>
    %add3A_4 = arith.constant 1.000000e+00 : f32
    %add3A_5 = vector.broadcast %add3A_4 : f32 to vector<2048xf32>
    %add3A_6 = arith.addf %add3A, %add3A_5 : vector<2048xf32>
    %rsqrt3A = math.rsqrt %add3A_6 : vector<2048xf32>
    %get3A_7 = arith.constant 0 : index
    %get3A_8 = arith.constant 0 : index
    %get3A_9 = vector.load %arg1[%get3A_7, %get3A_8] : memref<2048x128xf32, #tpu.memory_space<vmem>>, vector<2048x128xf32>
    %broadcast_in_dim3A = vector.shape_cast %rsqrt3A : vector<2048xf32> to vector<2048x1xf32>
    %mul3A = vector.broadcast %broadcast_in_dim3A : vector<2048x1xf32> to vector<2048x128xf32>
    %mul3A_10 = arith.mulf %get3A_9, %mul3A : vector<2048x128xf32>
    %swap3A = arith.constant 0 : index
    %swap3A_11 = arith.constant 0 : index
    %swap3A_12 = vector.load %arg3[%swap3A, %swap3A_11] : memref<2048x128xf32, #tpu.memory_space<vmem>>, vector<2048x128xf32>
    tpu.vector_store %arg3[%swap3A, %swap3A_11], %mul3A_10 {strides = array<i32>} : memref<2048x128xf32, #tpu.memory_space<vmem>>, vector<2048x128xf32>,
    %broadcast_in_dim3A_13 = vector.shape_cast %rsqrt3A : vector<2048xf32> to vector<2048x1xf32>
    %swap3A_14 = arith.constant 0 : index
    %swap3A_15 = arith.constant 0 : index
    %swap3A_16 = vector.load %arg4[%swap3A_14, %swap3A_15] : memref<2048x1xf32, #tpu.memory_space<vmem>>, vector<2048x1xf32>
    tpu.vector_store %arg4[%swap3A_14, %swap3A_15], %broadcast_in_dim3A_13 {strides = array<i32>} : memref<2048x1xf32, #tpu.memory_space<vmem>>, vector<2048x1xf32>,
    return
  }
  func.func @transform_0(%arg0: i32) -> (i32, i32) {
    %c0_i32 = arith.constant 0 : i32
    %c0_i32_0 = arith.constant 0 : i32
    return %arg0, %c0_i32 : i32, i32
  }
  func.func @transform_1(%arg0: i32) -> (i32, i32) {
    %c0_i32 = arith.constant 0 : i32
    %c0_i32_0 = arith.constant 0 : i32
    return %c0_i32, %arg0 : i32, i32
  }
  func.func @transform_2(%arg0: i32) -> (i32, i32) {
    %c0_i32 = arith.constant 0 : i32
    %c0_i32_0 = arith.constant 0 : i32
    return %arg0, %c0_i32 : i32, i32
  }
  func.func @transform_3(%arg0: i32) -> (i32, i32) {
    %c0_i32 = arith.constant 0 : i32
    %c0_i32_0 = arith.constant 0 : i32
    return %arg0, %c0_i32 : i32, i32
  }
}

module attributes {stable_mosaic.version = 14 : i64} {
  func.func @_head_body(%arg0: i32, %arg1: memref<1000x128xf32, #tpu.memory_space<vmem>>, %arg2: memref<1000x128xf32, #tpu.memory_space<vmem>>, %arg3: memref<1000x1xf32, #tpu.memory_space<vmem>>, %arg4: memref<1000x128xf32, #tpu.memory_space<vmem>>, %arg5: memref<1x128xf32, #tpu.memory_space<vmem>>, %arg6: memref<128x384xf32, #tpu.memory_space<vmem>>, %arg7: memref<128x384xf32, #tpu.memory_space<vmem>>, %arg8: memref<1x384xf32, #tpu.memory_space<vmem>>, %arg9: memref<1x384xf32, #tpu.memory_space<vmem>>, %arg10: memref<128x16xf32, #tpu.memory_space<vmem>>, %arg11: memref<1x16xf32, #tpu.memory_space<vmem>>, %arg12: memref<1000x16xf32, #tpu.memory_space<vmem>>, %arg13: memref<1000x128xf32, #tpu.memory_space<vmem>>) attributes {dimension_semantics = [#tpu.dimension_semantics<arbitrary>], iteration_bounds = array<i64: 10>, scalar_prefetch = 0 : i64, scratch_operands = 0 : i64, tpu.core_type = #tpu.core_type<tc>, window_params = [{transform_indices = @transform_0, window_bounds = array<i64: 1000, 128>}, {transform_indices = @transform_1, window_bounds = array<i64: 1000, 128>}, {transform_indices = @transform_2, window_bounds = array<i64: 1000, 1>}, {transform_indices = @transform_3, window_bounds = array<i64: 1000, 128>}, {pipeline_mode = #tpu.pipeline_mode<synchronous>, transform_indices = @transform_4, window_bounds = array<i64: 1, 128>}, {pipeline_mode = #tpu.pipeline_mode<synchronous>, transform_indices = @transform_5, window_bounds = array<i64: 128, 384>}, {pipeline_mode = #tpu.pipeline_mode<synchronous>, transform_indices = @transform_6, window_bounds = array<i64: 128, 384>}, {pipeline_mode = #tpu.pipeline_mode<synchronous>, transform_indices = @transform_7, window_bounds = array<i64: 1, 384>}, {pipeline_mode = #tpu.pipeline_mode<synchronous>, transform_indices = @transform_8, window_bounds = array<i64: 1, 384>}, {pipeline_mode = #tpu.pipeline_mode<synchronous>, transform_indices = @transform_9, window_bounds = array<i64: 128, 16>}, {pipeline_mode = #tpu.pipeline_mode<synchronous>, transform_indices = @transform_10, window_bounds = array<i64: 1, 16>}, {transform_indices = @transform_11, window_bounds = array<i64: 1000, 16>}, {transform_indices = @transform_12, window_bounds = array<i64: 1000, 128>}]} {
    %get3A = arith.constant 0 : index
    %get3A_0 = arith.constant 0 : index
    %get3A_1 = vector.load %arg3[%get3A, %get3A_0] : memref<1000x1xf32, #tpu.memory_space<vmem>>, vector<1000x1xf32>
    %get3A_2 = arith.constant 0 : index
    %get3A_3 = arith.constant 0 : index
    %get3A_4 = vector.load %arg1[%get3A_2, %get3A_3] : memref<1000x128xf32, #tpu.memory_space<vmem>>, vector<1000x128xf32>
    %get3A_5 = arith.constant 0 : index
    %get3A_6 = arith.constant 0 : index
    %get3A_7 = vector.load %arg2[%get3A_5, %get3A_6] : memref<1000x128xf32, #tpu.memory_space<vmem>>, vector<1000x128xf32>
    %add3A = arith.addf %get3A_4, %get3A_7 : vector<1000x128xf32>
    %mul3A = vector.broadcast %get3A_1 : vector<1000x1xf32> to vector<1000x128xf32>
    %mul3A_8 = arith.mulf %add3A, %mul3A : vector<1000x128xf32>
    %get3A_9 = arith.constant 0 : index
    %get3A_10 = arith.constant 0 : index
    %get3A_11 = vector.load %arg5[%get3A_9, %get3A_10] : memref<1x128xf32, #tpu.memory_space<vmem>>, vector<1x128xf32>
    %add3A_12 = vector.broadcast %get3A_11 : vector<1x128xf32> to vector<1000x128xf32>
    %add3A_13 = arith.addf %mul3A_8, %add3A_12 : vector<1000x128xf32>
    %max3A = arith.constant 0.000000e+00 : f32
    %max3A_14 = vector.broadcast %max3A : f32 to vector<1000x128xf32>
    %max3A_15 = arith.maximumf %add3A_13, %max3A_14 : vector<1000x128xf32>
    %get3A_16 = arith.constant 0 : index
    %get3A_17 = arith.constant 0 : index
    %get3A_18 = vector.load %arg4[%get3A_16, %get3A_17] : memref<1000x128xf32, #tpu.memory_space<vmem>>, vector<1000x128xf32>
    %get3A_19 = arith.constant 0 : index
    %get3A_20 = arith.constant 0 : index
    %get3A_21 = vector.load %arg6[%get3A_19, %get3A_20] : memref<128x384xf32, #tpu.memory_space<vmem>>, vector<128x384xf32>
    %dot_general3A = arith.constant dense<0.000000e+00> : vector<1000x384xf32>
    %dot_general3A_22 = tpu.matmul %max3A_15, %get3A_21, %dot_general3A {dimension_numbers = #tpu.dot_dimension_numbers<[1], [0], [0], [1], [0, 0, 1, 1], [], []>, transpose_lhs_hint = false} : vector<1000x128xf32>, vector<128x384xf32>, vector<1000x384xf32> -> vector<1000x384xf32>
    %get3A_23 = arith.constant 0 : index
    %get3A_24 = arith.constant 0 : index
    %get3A_25 = vector.load %arg8[%get3A_23, %get3A_24] : memref<1x384xf32, #tpu.memory_space<vmem>>, vector<1x384xf32>
    %add3A_26 = vector.broadcast %get3A_25 : vector<1x384xf32> to vector<1000x384xf32>
    %add3A_27 = arith.addf %dot_general3A_22, %add3A_26 : vector<1000x384xf32>
    %get3A_28 = arith.constant 0 : index
    %get3A_29 = arith.constant 0 : index
    %get3A_30 = vector.load %arg7[%get3A_28, %get3A_29] : memref<128x384xf32, #tpu.memory_space<vmem>>, vector<128x384xf32>
    %dot_general3A_31 = arith.constant dense<0.000000e+00> : vector<1000x384xf32>
    %dot_general3A_32 = tpu.matmul %get3A_18, %get3A_30, %dot_general3A_31 {dimension_numbers = #tpu.dot_dimension_numbers<[1], [0], [0], [1], [0, 0, 1, 1], [], []>, transpose_lhs_hint = false} : vector<1000x128xf32>, vector<128x384xf32>, vector<1000x384xf32> -> vector<1000x384xf32>
    %get3A_33 = arith.constant 0 : index
    %get3A_34 = arith.constant 0 : index
    %get3A_35 = vector.load %arg9[%get3A_33, %get3A_34] : memref<1x384xf32, #tpu.memory_space<vmem>>, vector<1x384xf32>
    %add3A_36 = vector.broadcast %get3A_35 : vector<1x384xf32> to vector<1000x384xf32>
    %add3A_37 = arith.addf %dot_general3A_32, %add3A_36 : vector<1000x384xf32>
    %slice3A = vector.extract_strided_slice %add3A_27 {offsets = [0, 0], sizes = [1000, 128], strides = [1, 1]} : vector<1000x384xf32> to vector<1000x128xf32>
    %slice3A_38 = vector.extract_strided_slice %add3A_37 {offsets = [0, 0], sizes = [1000, 128], strides = [1, 1]} : vector<1000x384xf32> to vector<1000x128xf32>
    %add3A_39 = arith.addf %slice3A, %slice3A_38 : vector<1000x128xf32>
    %logistic3A = arith.negf %add3A_39 : vector<1000x128xf32>
    %logistic3A_40 = math.exp %logistic3A : vector<1000x128xf32>
    %logistic3A_41 = arith.constant 1.000000e+00 : f32
    %logistic3A_42 = vector.broadcast %logistic3A_41 : f32 to vector<1000x128xf32>
    %logistic3A_43 = arith.addf %logistic3A_42, %logistic3A_40 : vector<1000x128xf32>
    %logistic3A_44 = arith.divf %logistic3A_42, %logistic3A_43 : vector<1000x128xf32>
    %slice3A_45 = vector.extract_strided_slice %add3A_27 {offsets = [0, 128], sizes = [1000, 128], strides = [1, 1]} : vector<1000x384xf32> to vector<1000x128xf32>
    %slice3A_46 = vector.extract_strided_slice %add3A_37 {offsets = [0, 128], sizes = [1000, 128], strides = [1, 1]} : vector<1000x384xf32> to vector<1000x128xf32>
    %add3A_47 = arith.addf %slice3A_45, %slice3A_46 : vector<1000x128xf32>
    %logistic3A_48 = arith.negf %add3A_47 : vector<1000x128xf32>
    %logistic3A_49 = math.exp %logistic3A_48 : vector<1000x128xf32>
    %logistic3A_50 = arith.constant 1.000000e+00 : f32
    %logistic3A_51 = vector.broadcast %logistic3A_50 : f32 to vector<1000x128xf32>
    %logistic3A_52 = arith.addf %logistic3A_51, %logistic3A_49 : vector<1000x128xf32>
    %logistic3A_53 = arith.divf %logistic3A_51, %logistic3A_52 : vector<1000x128xf32>
    %slice3A_54 = vector.extract_strided_slice %add3A_27 {offsets = [0, 256], sizes = [1000, 128], strides = [1, 1]} : vector<1000x384xf32> to vector<1000x128xf32>
    %slice3A_55 = vector.extract_strided_slice %add3A_37 {offsets = [0, 256], sizes = [1000, 128], strides = [1, 1]} : vector<1000x384xf32> to vector<1000x128xf32>
    %mul3A_56 = arith.mulf %logistic3A_44, %slice3A_55 : vector<1000x128xf32>
    %add3A_57 = arith.addf %slice3A_54, %mul3A_56 : vector<1000x128xf32>
    %tanh3A = math.tanh %add3A_57 : vector<1000x128xf32>
    %sub3A = arith.constant 1.000000e+00 : f32
    %sub3A_58 = vector.broadcast %sub3A : f32 to vector<1000x128xf32>
    %sub3A_59 = arith.subf %sub3A_58, %logistic3A_53 : vector<1000x128xf32>
    %mul3A_60 = arith.mulf %sub3A_59, %tanh3A : vector<1000x128xf32>
    %mul3A_61 = arith.mulf %logistic3A_53, %get3A_18 : vector<1000x128xf32>
    %add3A_62 = arith.addf %mul3A_60, %mul3A_61 : vector<1000x128xf32>
    %swap3A = arith.constant 0 : index
    %swap3A_63 = arith.constant 0 : index
    %swap3A_64 = vector.load %arg13[%swap3A, %swap3A_63] : memref<1000x128xf32, #tpu.memory_space<vmem>>, vector<1000x128xf32>
    tpu.vector_store %arg13[%swap3A, %swap3A_63], %add3A_62 {strides = array<i32>} : memref<1000x128xf32, #tpu.memory_space<vmem>>, vector<1000x128xf32>,
    %get3A_65 = arith.constant 0 : index
    %get3A_66 = arith.constant 0 : index
    %get3A_67 = vector.load %arg10[%get3A_65, %get3A_66] : memref<128x16xf32, #tpu.memory_space<vmem>>, vector<128x16xf32>
    %dot_general3A_68 = arith.constant dense<0.000000e+00> : vector<1000x16xf32>
    %dot_general3A_69 = tpu.matmul %add3A_62, %get3A_67, %dot_general3A_68 {dimension_numbers = #tpu.dot_dimension_numbers<[1], [0], [0], [1], [0, 0, 1, 1], [], []>, transpose_lhs_hint = false} : vector<1000x128xf32>, vector<128x16xf32>, vector<1000x16xf32> -> vector<1000x16xf32>
    %get3A_70 = arith.constant 0 : index
    %get3A_71 = arith.constant 0 : index
    %get3A_72 = vector.load %arg11[%get3A_70, %get3A_71] : memref<1x16xf32, #tpu.memory_space<vmem>>, vector<1x16xf32>
    %add3A_73 = vector.broadcast %get3A_72 : vector<1x16xf32> to vector<1000x16xf32>
    %add3A_74 = arith.addf %dot_general3A_69, %add3A_73 : vector<1000x16xf32>
    %swap3A_75 = arith.constant 0 : index
    %swap3A_76 = arith.constant 0 : index
    %swap3A_77 = vector.load %arg12[%swap3A_75, %swap3A_76] : memref<1000x16xf32, #tpu.memory_space<vmem>>, vector<1000x16xf32>
    tpu.vector_store %arg12[%swap3A_75, %swap3A_76], %add3A_74 {strides = array<i32>} : memref<1000x16xf32, #tpu.memory_space<vmem>>, vector<1000x16xf32>,
    return
  }
  func.func @transform_0(%arg0: i32) -> (i32, i32) {
    %c0_i32 = arith.constant 0 : i32
    %c0_i32_0 = arith.constant 0 : i32
    return %arg0, %c0_i32 : i32, i32
  }
  func.func @transform_1(%arg0: i32) -> (i32, i32) {
    %c0_i32 = arith.constant 0 : i32
    %c0_i32_0 = arith.constant 0 : i32
    return %arg0, %c0_i32 : i32, i32
  }
  func.func @transform_2(%arg0: i32) -> (i32, i32) {
    %c0_i32 = arith.constant 0 : i32
    %c0_i32_0 = arith.constant 0 : i32
    return %arg0, %c0_i32 : i32, i32
  }
  func.func @transform_3(%arg0: i32) -> (i32, i32) {
    %c0_i32 = arith.constant 0 : i32
    %c0_i32_0 = arith.constant 0 : i32
    return %arg0, %c0_i32 : i32, i32
  }
  func.func @transform_4(%arg0: i32) -> (i32, i32) {
    %c0_i32 = arith.constant 0 : i32
    %c0_i32_0 = arith.constant 0 : i32
    %c0_i32_1 = arith.constant 0 : i32
    return %c0_i32, %c0_i32_0 : i32, i32
  }
  func.func @transform_5(%arg0: i32) -> (i32, i32) {
    %c0_i32 = arith.constant 0 : i32
    %c0_i32_0 = arith.constant 0 : i32
    %c0_i32_1 = arith.constant 0 : i32
    return %c0_i32, %c0_i32_0 : i32, i32
  }
  func.func @transform_6(%arg0: i32) -> (i32, i32) {
    %c0_i32 = arith.constant 0 : i32
    %c0_i32_0 = arith.constant 0 : i32
    %c0_i32_1 = arith.constant 0 : i32
    return %c0_i32, %c0_i32_0 : i32, i32
  }
  func.func @transform_7(%arg0: i32) -> (i32, i32) {
    %c0_i32 = arith.constant 0 : i32
    %c0_i32_0 = arith.constant 0 : i32
    %c0_i32_1 = arith.constant 0 : i32
    return %c0_i32, %c0_i32_0 : i32, i32
  }
  func.func @transform_8(%arg0: i32) -> (i32, i32) {
    %c0_i32 = arith.constant 0 : i32
    %c0_i32_0 = arith.constant 0 : i32
    %c0_i32_1 = arith.constant 0 : i32
    return %c0_i32, %c0_i32_0 : i32, i32
  }
  func.func @transform_9(%arg0: i32) -> (i32, i32) {
    %c0_i32 = arith.constant 0 : i32
    %c0_i32_0 = arith.constant 0 : i32
    %c0_i32_1 = arith.constant 0 : i32
    return %c0_i32, %c0_i32_0 : i32, i32
  }
  func.func @transform_10(%arg0: i32) -> (i32, i32) {
    %c0_i32 = arith.constant 0 : i32
    %c0_i32_0 = arith.constant 0 : i32
    %c0_i32_1 = arith.constant 0 : i32
    return %c0_i32, %c0_i32_0 : i32, i32
  }
  func.func @transform_11(%arg0: i32) -> (i32, i32) {
    %c0_i32 = arith.constant 0 : i32
    %c0_i32_0 = arith.constant 0 : i32
    return %arg0, %c0_i32 : i32, i32
  }
  func.func @transform_12(%arg0: i32) -> (i32, i32) {
    %c0_i32 = arith.constant 0 : i32
    %c0_i32_0 = arith.constant 0 : i32
    return %arg0, %c0_i32 : i32, i32
  }
}

</mosaic_0001>

<sc_bundles>
// kernel: kernel.10.cloned.1.call-start
scs
__scs_entry_jumppad:
0x0: {  	(pc) =	sbr.rel $0x88, $3  }
0x1: {  	(tag) =	ssettag $0x0;
	lr =	simm.s32 $0x1  }
0x2: {  	[smem:$0x3F96] =	sst lr;
	_ =	strace $0xD0000000  }
0x3: {  	_ = 	snop  }
0x4: {  	_ = 	snop  }
0x5: {  	_ = 	snop  }
0x6: {  	_ = 	snop  }
0x7: {  	_ = 	snop  }
__scs_overlays_trampoline_lowered:
0x8: {  	[smem:$0x3FA5] =	sst s0  }
0x9: {  	[smem:$0x3FA6] =	sst s1  }
0xa: {  	[smem:$0x3FA7] =	sst s2  }
0xb: {  	[smem:$0x3FA8] =	sst s3  }
0xc: {  	[smem:$0x3FA9] =	sst s4  }
0xd: {  	[smem:$0x3FAA] =	sst s5  }
0xe: {  	[smem:$0x3FAB] =	sst s6  }
0xf: {  	[smem:$0x3FAC] =	sst s7  }
0x10: {  	[smem:$0x3FAD] =	sst s8  }
0x11: {  	[smem:$0x3FAE] =	sst s9;
	s0 =	simm.s32 @!p0 $0x0  }
0x12: {  	s1 =	sld [smem:$0x3F94];
	s0 =	simm.s32 @p0 $0x1  }
0x13: {  	[smem:$0x3FAF] =	sst s0;
	s0 =	simm.s32 @!p1 $0x0  }
0x14: {  	s2 =	sld [smem:$0x3F93];
	s0 =	simm.s32 @p1 $0x1  }
0x15: {  	[smem:$0x3FB0] =	sst s0;
	s0 =	simm.s32 @!p2 $0x0  }
0x16: {  	s3 =	sld [smem:$0x3FDB];
	s0 =	simm.s32 @p2 $0x1  }
0x17: {  	s4 =	simm.s32 $0x1BF5;
	[smem:$0x3FB2] =	sst s0  }
0x18: {  	s0 =	sld [smem:$0x3F95];
	_ =	swait.ge [sflag:s4], $0x0  }
0x19: {  	s7 =	sld [smem:$0x3F96]  }
0x1a: {  	s8 =	sadd.s32 $0xFFFFE003, lr  }
0x1b: {  	s9 =	sadd.s32 $0xFFFFFEF7, lr;
	s5 =	simm.s32 $0xFFFFFFFF;
	p2 =	slt.u32 s8, $0xFFFFF086  }
0x1c: {  	p1 =	slt.u32 s9, $0xF7A;
	s5 =	simm.s32 @!p2 $0x0  }
0x1d: {  	s5 =	simm.s32 @p1 $0x1;
	p0 =	seq.s32 s7, s2  }
0x1e: {  	s7 =	smul.u32 @!p0 $0xF7A, s2;
	p2 =	seq.s32 @!p0 s5, $0x0  }
0x1f: {  	s9 =	smul.u32 $0xF7A, s1;
	s8 =	simm.s32 @!p0 $0x1BF5;
	p2 =	por !p2, p0  }
0x20: {  	[sflag:s8] =	ssyncset.s32 @!p0 $0xFFFFF086;
	s6 =	sadd.s32 @!p0 s3, s7;
	s7 =	simm.s32 @!p0 $0x108  }
0x21: {  	s3 =	sadd.s32 s3, s9;
	s6 =	sadd.s32 @!p0 $0x88, s6;
	s7 =	simm.s32 @p2 $0x1082  }
0x22: {  	[simem:s7], [sflag:s8] =	dma.local @!p0 [hbm:s6], $0xF7A  }
0x23: {  	s9 =	sor.u32 $0xD0000000, s2;
	s6 =	simm.s32 $0x108;
	_ =	swait.ge @!p0 [sflag:s8], $0x0  }
0x24: {  	s3 =	sadd.s32 $0x88, s3;
	s6 =	simm.s32 @!p1 $0x1082;
	[sflag:s4] =	ssyncset.s32 $0xFFFFF086  }
0x25: {  	[simem:s6], [sflag:s4] =	dma.local [hbm:s3], $0xF7A  }
0x26: {  	[smem:$0x3F96] =	sst s1;
	(tag) =	ssettag s2;
	_ =	strace s9  }
0x27: {  	s1 =	sld [smem:$0x3FA6]  }
0x28: {  	s2 =	sld [smem:$0x3FA7]  }
0x29: {  	s4 =	sld [smem:$0x3FA9]  }
0x2a: {  	p0 =	seq.s32 s5, $0x0;
	s5 =	sld [smem:$0x3FAA]  }
0x2b: {  	s6 =	sld [smem:$0x3FAB]  }
0x2c: {  	s7 =	sld [smem:$0x3FAC]  }
0x2d: {  	s3 =	simm.s32 $0x108;
	s8 =	sld [smem:$0x3FAD]  }
0x2e: {  	s3 =	simm.s32 @!p0 $0x1082;
	s9 =	sld [smem:$0x3FAE]  }
0x2f: {  	lr =	sadd.s32 s0, s3;
	s0 =	sld [smem:$0x3FA5]  }
0x30: {  	s3 =	sld [smem:$0x3FA8]  }
0x31: {  	[smem:$0x3FB1] =	sst s10  }
0x32: {  	s10 =	sld [smem:$0x3FAF];
	_ =	sdelay $0x3  }
0x33: {  	p0 =	seq.s32 s10, $0x1;
	s10 =	sld [smem:$0x3FB1];
	_ =	sdelay $0x3  }
0x34: {  	[smem:$0x3FB1] =	sst s10  }
0x35: {  	s10 =	sld [smem:$0x3FB0];
	_ =	sdelay $0x3  }
0x36: {  	p1 =	seq.s32 s10, $0x1;
	s10 =	sld [smem:$0x3FB1];
	_ =	sdelay $0x3  }
0x37: {  	[smem:$0x3FB1] =	sst s10  }
0x38: {  	s10 =	sld [smem:$0x3FB2]  }
0x39: {  	_ = 	snop;
	(pc) =	sbr.ind lr, $3  }
0x3a: {  	_ = 	snop  }
0x3b: {  	_ = 	snop  }
0x3c: {  	p2 =	seq.s32 s10, $0x1;
	s10 =	sld [smem:$0x3FB1]  }
0x3d: {  	_ =	shalt  }
0x3e: {  	_ =	shalt  }
0x3f: {  	_ =	shalt  }
0x40: {  	_ =	shalt  }
0x41: {  	_ =	shalt  }
0x42: {  	_ =	shalt  }
0x43: {  	_ =	shalt  }
0x44: {  	_ =	shalt  }
0x45: {  	_ =	shalt  }
0x46: {  	_ =	shalt  }
0x47: {  	_ =	shalt  }
0x48: {  	_ =	shalt  }
0x49: {  	_ =	shalt  }
0x4a: {  	_ =	shalt  }
0x4b: {  	_ =	shalt  }
0x4c: {  	_ =	shalt  }
0x4d: {  	_ =	shalt  }
0x4e: {  	_ =	shalt  }
0x4f: {  	_ =	shalt  }
0x50: {  	_ =	shalt  }
0x51: {  	_ =	shalt  }
0x52: {  	_ =	shalt  }
0x53: {  	_ =	shalt  }
0x54: {  	_ =	shalt  }
0x55: {  	_ =	shalt  }
0x56: {  	_ =	shalt  }
0x57: {  	_ =	shalt  }
0x58: {  	_ =	shalt  }
0x59: {  	_ =	shalt  }
0x5a: {  	_ =	shalt  }
0x5b: {  	_ =	shalt  }
0x5c: {  	_ =	shalt  }
0x5d: {  	_ =	shalt  }
0x5e: {  	_ =	shalt  }
0x5f: {  	_ =	shalt  }
0x60: {  	_ =	shalt  }
0x61: {  	_ =	shalt  }
0x62: {  	_ =	shalt  }
0x63: {  	_ =	shalt  }
0x64: {  	_ =	shalt  }
0x65: {  	_ =	shalt  }
0x66: {  	_ =	shalt  }
0x67: {  	_ =	shalt  }
0x68: {  	_ =	shalt  }
0x69: {  	_ =	shalt  }
0x6a: {  	_ =	shalt  }
0x6b: {  	_ =	shalt  }
0x6c: {  	_ =	shalt  }
0x6d: {  	_ =	shalt  }
0x6e: {  	_ =	shalt  }
0x6f: {  	_ =	shalt  }
0x70: {  	_ =	shalt  }
0x71: {  	_ =	shalt  }
0x72: {  	_ =	shalt  }
0x73: {  	_ =	shalt  }
0x74: {  	_ =	shalt  }
0x75: {  	_ =	shalt  }
0x76: {  	_ =	shalt  }
0x77: {  	_ =	shalt  }
0x78: {  	_ =	shalt  }
0x79: {  	_ =	shalt  }
0x7a: {  	_ =	shalt  }
0x7b: {  	_ =	shalt  }
0x7c: {  	_ =	shalt  }
0x7d: {  	_ =	shalt  }
0x7e: {  	_ =	shalt  }
0x7f: {  	_ =	shalt  }
0x80: {  	_ =	shalt  }
0x81: {  	_ =	shalt  }
0x82: {  	_ =	shalt  }
0x83: {  	_ =	shalt  }
0x84: {  	_ =	shalt  }
0x85: {  	_ =	shalt  }
0x86: {  	_ =	shalt  }
0x87: {  	_ =	shalt  }
.Lfunc_end0:
.L_simem_size_0:
called_computation.1_lowered:
.L_overlay_start_0:
0x88: {  	s2 =	sld [smem:$0x3FD9]  }
0x89: {  	s3 =	sld [smem:$0x3FFE];
	_ =	sdelay $0x1  }
0x8a: {  	s1 =	srdreg.scid  }
0x8b: {  	s0 =	sand.u32 $0x1, s1  }
0x8c: {  	s17 =	sshll.u32 s0, $0xA;
	s2 =	sadd.s32 s3, s2  }
0x8d: {  	s2 =	sadd.s32 s2, s17  }
0x8e: {  	[smem:$0x3FBD] =	sst s2  }
0x8f: {  	_ = 	snop  }
0x90: {  	s2 =	sld [smem:$0x3FC7];
	(tm) =	ssettm $0x1  }
0x91: {  	s18 =	sld [smem:$0x3FFB];
	_ =	sdelay $0x3  }
0x92: {  	_ =	strace s18  }
0x93: {  	s3 =	sld [smem:$0x3FFC];
	_ =	sdelay $0x3  }
0x94: {  	_ =	strace s3  }
0x95: {  	s3 =	sld [smem:$0x3FFD];
	_ =	sdelay $0x3  }
0x96: {  	_ =	strace s3  }
0x97: {  	_ =	strace $0x8FFFFFFF  }
0x98: {  	s19 =	sld [smem:$0x3FDB];
	_ =	sdelay $0x1  }
0x99: {  	s4 =	simm.s32 $_scs_section_size  }
0x9a: {  	s5 =	simm.s32 $_size__tile_overlayer_lowered;
	s6 =	simm.s32 $_tile_overlayer_lowered  }
0x9b: {  	s22 =	simm.s32 $0x1BFF;
	s21 =	sshll.u32 s6, $0x1;
	s3 =	sadd.s32 s4, s19  }
0x9c: {  	s7 =	simm.s32 $0x0;
	s20 =	sshll.u32 s5, $0x1;
	s5 =	sadd.s32 s21, s3  }
0x9d: {  	[timem:s7], [sflag:s22] =	dma.local [hbm:s5], s20  }
0x9e: {  	_ =	swait.ge [sflag:s22], s20  }
0x9f: {  	s4 =	ssub.s32 $0x0, s20;
	[sflag:s22] =	ssyncset.done $0x0  }
0xa0: {  	[sflag:s22] =	ssyncadd.s32 s4;
	_ =	sdelay $0x1  }
0xa1: {  	s23 =	simm.s32 $0x1B8B  }
0xa2: {  	_ =	swait.ge [sflag:s23], $0x1  }
0xa3: {  	[sflag:s23] =	ssyncset.done $0x0  }
0xa4: {  	s25 =	simm.s32 $0x1B8E;
	s24 =	sld [smem:$0x3FFE];
	[sflag:s23] =	ssyncadd.s32 $0xFFFFFFFF  }
0xa5: {  	s26 =	simm.s32 $execute0_lowered;
	[smem:$0x3FD2] =	sst s25  }
0xa6: {  	s5 =	sshll.u32 s26, $0x1;
	_ =	strace $0x80000049;
	[dreg:$0x1] =	wrdreg $0xFFFFFFFF  }
0xa7: {  	s28 =	simm.s32 $_size_execute0_lowered;
	s3 =	sadd.s32 s3, s5;
	[dreg:$0x0] =	wrdreg $0x0  }
0xa8: {  	s5 =	sshll.u32 s28, $0x1;
	[dreg:$0x2] =	wrdreg s3  }
0xa9: {  	[dreg:$0x3] =	wrdreg s5  }
0xaa: {  	[dreg:$0x4] =	wrdreg $0xC0  }
0xab: {  	_ =	task [dreg:s7], $0x5FFFF  }
0xac: {  	[dreg:$0x1] =	wrdreg $0xFFFFFFFF  }
0xad: {  	[dreg:$0x0] =	wrdreg $0x60  }
0xae: {  	[dreg:$0x2] =	wrdreg s24  }
0xaf: {  	[dreg:$0x3] =	wrdreg s2  }
0xb0: {  	[dreg:$0x4] =	wrdreg $0x84000  }
0xb1: {  	[dreg:$0x5] =	wrdreg $0x9  }
0xb2: {  	_ =	task.clear_ibuf [dreg:s7], $0x6FFFF;
	_ =	strace $0x90000049  }
0xb3: {  	s29 =	simm.s32 $0x9;
	_ =	strace $0x8000004B  }
0xb4: {  	_ =	swait.ge [sflag:s29], $0x1  }
0xb5: {  	[sflag:s29] =	ssyncadd.s32 $0xFFFFFFFF  }
0xb6: {  	_ =	strace $0x9000004B  }
0xb7: {  	_ =	sfence  }
0xb8: {  	s30 =	sld [smem:$0x0];
	_ =	sdelay $0x2  }
0xb9: {  	s31 =	sshll.u32 s1, $0xD;
	s1 =	sshrl.u32 s1, $0x2  }
0xba: {  	s3 =	sand.u32 $0x4000, s31;
	s1 =	sadd.s32 s1, s30  }
0xbb: {  	s0 =	sor.u32 s3, s0;
	s1 =	sshll.u32 s1, $0x11  }
0xbc: {  	s0 =	sor.u32 s1, s0  }
0xbd: {  	s0 =	sadd.s32 $0x8F2B, s0  }
0xbe: {  	[sflag:s0] =	ssyncadd.remote.s32 $0x1  }
0xbf: {  	_ =	sfence.sel $0xFFFF  }
0xc0: {  	[dreg:$0x0] =	wrdreg $0xFFFFFFFF;
	(pc) =	sbr.abs _section_cstart, $3  }
0xc1: {  	[dreg:$0x1] =	wrdreg $0xFFFFFFFF  }
0xc2: {  	_ =	task.clear_ibuf [dreg:s7], $0x2FFFF;
	_ =	strace $0x9FFFFFFF  }
0xc3: {  	(tm) =	ssettm $0x7FFFFFFF  }
tec
execute0_lowered:
.L_overlay_start_1:
0x0: {  	(tag) =	ssettag $0x1  }
0x1: {  	s0 =	rddreg [dreg:$0x0]  }
0x2: {  	s1 =	rddreg [dreg:$0x1]  }
0x3: {  	s2 =	rddreg [dreg:$0x2]  }
0x4: {  	s4 =	srdreg.scid;
	s26 =	stileid.u32  }
0x5: {  	s3 =	simm.s32 $0x0;
	s28 =	simm.s32 $0x280;
	s29 =	simm.s32 $0x4400  }
0x6: {  	s30 =	simm.s32 $0x1;
	s31 =	simm.s32 $0x300;
	s9 =	smul.u32 $0x50000, s26  }
0x7: {  	s6 =	sand.u32 $0x1, s4;
	s19 =	sshll.u32 s26, $0x1;
	s12 =	smul.u32 $0x2800, s26  }
0x8: {  	[smem:$0x7FF] =	sst s3;
	s13 =	smul.u32 $0x9C, s26;
	s25 =	sshll.u32 s26, $0x6  }
0x9: {  	p1 =	sgt.u32 s26, $0x1;
	s26 =	simm.s32 $0x4;
	s4 =	sor.u32 s6, s19  }
0xa: {  	_ =	strace $0x8000004A;
	s5 =	ssub.s32 $0x2, s6;
	p0 =	seq.s32 s6, $0x0  }
0xb: {  	s14 =	smul.u32 $0x4E, s6;
	s18 =	sor.u32 $0x1C05, s25;
	s25 =	simm.s32 $0x100  }
0xc: {  	s7 =	smul.u32 $0x4E, s4;
	s8 =	sshrl.u32 s5, $0x1;
	s11 =	smin.u32 s4, $0x4  }
0xd: {  	s4 =	sadd.s32 $0x3400, s0;
	s20 =	sshrl.u32 s9, $0x2;
	s10 =	ssub.s32 s5, s8  }
0xe: {  	s5 =	sadd.s32 s20, s2;
	s21 =	sadd.s32 s4, s12;
	s13 =	sadd.s32 s14, s13  }
0xf: {  	s20 =	simm.s32 $0x5;
	s7 =	sadd.s32 s11, s7;
	[dreg:$0x4] =	wrdreg s21  }
0x10: {  	s10 =	smax.u32 s10, $0x1;
	s15 =	sadd.s32 $0x4000, s5;
	s22 =	sadd.s32 $0x8000, s5  }
0x11: {  	s11 =	sadd.s32 s11, s13;
	s23 =	sadd.s32 $0xC000, s5;
	s14 =	sadd.s32 $0x10000, s5  }
0x12: {  	s19 =	sshrl.u32 s5, $0x3;
	s21 =	simm.s32 $0x3;
	[dreg:$0x5] =	wrdreg s15  }
0x13: {  	s7 =	sshll.u32 s7, $0x5;
	s15 =	simm.s32 $0x53400;
	[dreg:$0x6] =	wrdreg s22  }
0x14: {  	[dreg:$0x7] =	wrdreg s23;
	s11 =	sshll.u32 s11, $0x5;
	s22 =	simm.s32 $0x80  }
0x15: {  	s23 =	simm.s32 $0x200;
	s7 =	sadd.s32 s1, s7;
	s15 =	simm.s32 @!p0 $0x7B400  }
0x16: {  	s24 =	sadd.s32 s11, s1;
	p0 =	sne.s32 s6, $0x0;
	s1 =	simm.s32 $0x380  }
0x17: {  	s6 =	simm.s32 $0x0;
	s8 =	sadd.s32 $0x20, s7;
	s9 =	sadd.s32 $0x9C0, s7  }
0x18: {  	s0 =	sadd.s32 s15, s0;
	s16 =	sadd.s32 $0x60, s24;
	s17 =	sadd.s32 $0x40, s24  }
0x19: {  	v0 =	vimm.f32 $0.0e+00;
	s24 =	simm.s32 $0x400;
	s15 =	sadd.s32 s0, s12;
	s0 =	simm.s32 $0x2  }
.LBB2_1:
.Ltmp0:
0x1a: {  	(pc) =	sbr.rel @p0 .LBB2_3-.Ltmp0, $1  }
0x1b: {  	_ =	sdelay $0x3  }
.Ltmp1:
0x1c: {  	s11 =	rddreg [dreg:$0x4];
	(pc) =	sbr.rel .LBB2_6-.Ltmp1, $4  }
0x1d: {  	[spmem:s19], [sflag:s18] =	dma.local [hbm:s11], $0x2800  }
0x1e: {  	_ =	swait.ge [sflag:s20], $0x2800  }
0x1f: {  	[sflag:s20] =	ssyncset.done $0x0  }
0x20: {  	[sflag:s20] =	ssyncadd.s32 $0xFFFFD800  }
.LBB2_3:
0x21: {  	s11 =	sshra.s32 s3, $0x2;
	s12 =	sadd.s32 $0x200, s3  }
.LBB2_4:
0x22: {  	p2 =	seq.s32 s12, $0xFE00;
	[tilespmem:s11+$0x470] =	vst v0  }
0x23: {  	[tilespmem:s11+$0x400] =	vst v0  }
0x24: {  	[tilespmem:s11+$0x410] =	vst v0  }
.Ltmp2:
0x25: {  	[tilespmem:s11+$0x420] =	vst v0;
	(pc) =	sbr.rel @!p2 .LBB2_4-.Ltmp2, $4  }
0x26: {  	[tilespmem:s11+$0x430] =	vst v0  }
0x27: {  	[tilespmem:s11+$0x440] =	vst v0  }
0x28: {  	[tilespmem:s11+$0x450] =	vst v0  }
0x29: {  	[tilespmem:s11+$0x460] =	vst v0;
	s11 =	sshra.s32 s12, $0x2;
	s12 =	sadd.s32 $0x200, s12  }
0x2a: {  	[tilespmem:s11+$0x470] =	vst v0  }
0x2b: {  	[tilespmem:s11+$0x400] =	vst v0  }
0x2c: {  	[tilespmem:s11+$0x410] =	vst v0  }
0x2d: {  	[tilespmem:s11+$0x420] =	vst v0  }
0x2e: {  	[tilespmem:s11+$0x430] =	vst v0  }
0x2f: {  	[tilespmem:s11+$0x440] =	vst v0  }
0x30: {  	[tilespmem:s11+$0x450] =	vst v0  }
0x31: {  	[tilespmem:s11+$0x460] =	vst v0  }
0x32: {  	[spmem:s5] =	stream.linear.scatter [tilespmem:s24], [sflag:$0x5], $0x4000, $0x38;
	[tilespmem:$0x1C400] =	vst v63  }
0x33: {  	_ =	swait.ge [sflag:s20], $0x4000  }
0x34: {  	[sflag:s20] =	ssyncset.done $0x0  }
0x35: {  	s13 =	rddreg [dreg:$0x5];
	[sflag:s20] =	ssyncadd.s32 $0xFFFFC000  }
0x36: {  	[spmem:s13] =	stream.linear.scatter [tilespmem:s24], [sflag:$0x5], $0x4000, $0x38;
	[tilespmem:$0x1C400] =	vst v63  }
0x37: {  	_ =	swait.ge [sflag:s20], $0x4000  }
0x38: {  	[sflag:s20] =	ssyncset.done $0x0  }
0x39: {  	s12 =	rddreg [dreg:$0x6];
	[sflag:s20] =	ssyncadd.s32 $0xFFFFC000  }
0x3a: {  	[spmem:s12] =	stream.linear.scatter [tilespmem:s24], [sflag:$0x5], $0x4000, $0x38;
	[tilespmem:$0x1C400] =	vst v63  }
0x3b: {  	_ =	swait.ge [sflag:s20], $0x4000  }
0x3c: {  	[sflag:s20] =	ssyncset.done $0x0  }
0x3d: {  	s13 =	rddreg [dreg:$0x7];
	[sflag:s20] =	ssyncadd.s32 $0xFFFFC000  }
0x3e: {  	[spmem:s13] =	stream.linear.scatter [tilespmem:s24], [sflag:$0x5], $0x4000, $0x38;
	[tilespmem:$0x1C400] =	vst v63  }
0x3f: {  	_ =	swait.ge [sflag:s20], $0x4000  }
0x40: {  	[sflag:s20] =	ssyncset.done $0x0  }
0x41: {  	[sflag:s20] =	ssyncadd.s32 $0xFFFFC000  }
0x42: {  	[spmem:s14] =	stream.linear.scatter [tilespmem:s24], [sflag:$0x5], $0x4000, $0x38;
	[tilespmem:$0x1C400] =	vst v63  }
0x43: {  	_ =	swait.ge [sflag:s20], $0x4000  }
0x44: {  	[sflag:s20] =	ssyncset.done $0x0  }
0x45: {  	[sflag:s20] =	ssyncadd.s32 $0xFFFFC000  }
.LBB2_6:
0x46: {  	[bflag:$0x0] =	sbarrier.arrive $0xFFFF;
	s11 =	simm.s32 $0x0  }
0x47: {  	[tilespmem:s11], [sflag:$0x3] =	stream.linear.gather [hbm4b:s7+s11], $0x100, $0x38;
	[tilespmem:$0x1C400] =	vst v63  }
0x48: {  	_ =	swait.ge [sflag:s21], $0x100  }
0x49: {  	[sflag:s21] =	ssyncset.done $0x0  }
0x4a: {  	[sflag:s21] =	ssyncadd.s32 $0xFFFFFF00  }
0x4b: {  	v1 =	vld [tilespmem:$0x0]  }
0x4c: {  	v2 =	vld [tilespmem:$0x80]  }
0x4d: {  	v3 =	vld [tilespmem:$0x10]  }
0x4e: {  	v4 =	vld [tilespmem:$0x90]  }
0x4f: {  	v5 =	vld [tilespmem:$0x20]  }
0x50: {  	[tilespmem:$0x200] =	vst v1;
	v1 =	vld [tilespmem:$0xA0]  }
0x51: {  	v60 =	vld [tilespmem:$0x40];
	[tilespmem:$0x300] =	vst v2  }
0x52: {  	v61 =	vld [tilespmem:$0xC0];
	[tilespmem:$0x210] =	vst v3  }
0x53: {  	v2 =	vld [tilespmem:$0x30];
	[tilespmem:$0x310] =	vst v4  }
0x54: {  	v3 =	vld [tilespmem:$0xB0];
	[tilespmem:$0x220] =	vst v5  }
0x55: {  	[tilespmem:$0x320] =	vst v1;
	v1 =	vld [tilespmem:$0x50]  }
0x56: {  	v62 =	vld [tilespmem:$0xE0];
	[tilespmem:$0x240] =	vst v60  }
0x57: {  	v63 =	vld [tilespmem:$0x70];
	[tilespmem:$0x340] =	vst v61  }
0x58: {  	[tilespmem:$0x230] =	vst v2;
	v2 =	vld [tilespmem:$0xD0]  }
0x59: {  	[tilespmem:$0x330] =	vst v3;
	v3 =	vld [tilespmem:$0x60]  }
0x5a: {  	[tilespmem:$0x250] =	vst v1;
	v1 =	vld [tilespmem:$0xF0]  }
0x5b: {  	[tilespmem:$0x360] =	vst v62  }
0x5c: {  	[tilespmem:$0x270] =	vst v63  }
0x5d: {  	[tilespmem:$0x350] =	vst v2  }
0x5e: {  	[tilespmem:$0x260] =	vst v3  }
0x5f: {  	[tilespmem:$0x370] =	vst v1  }
0x60: {  	[tilespmem:s24], [sflag:$0x1] =	stream.indirect.gather [hbm4b:s4+s22], $0x80, s23, s22, $0xb8;
	[tilespmem:$0x1C400] =	vst v63  }
0x61: {  	_ = 	snop  }
0x62: {  	[tilespmem:s25], [sflag:$0x4] =	stream.linear.gather [hbm4b:s8+s11], $0x100, $0x38;
	[tilespmem:$0x1C400] =	vst v63  }
.LBB2_7:
0x63: {  	s12 =	sadd.s32 s11, s17  }
0x64: {  	[tilespmem:s3], [sflag:$0x3] =	stream.linear.gather [hbm4b:s12+s3], $0x100, $0x38;
	[tilespmem:$0x1C400] =	vst v63  }
0x65: {  	_ =	swait.ge [sflag:s26], $0x100  }
0x66: {  	[sflag:s26] =	ssyncset.done $0x0  }
0x67: {  	[sflag:s26] =	ssyncadd.s32 $0xFFFFFF00  }
0x68: {  	v1 =	vld [tilespmem:$0x100]  }
0x69: {  	v2 =	vld [tilespmem:$0x180]  }
0x6a: {  	v3 =	vld [tilespmem:$0x110]  }
0x6b: {  	v4 =	vld [tilespmem:$0x190]  }
0x6c: {  	v5 =	vld [tilespmem:$0x120]  }
0x6d: {  	[tilespmem:$0x280] =	vst v1;
	v1 =	vld [tilespmem:$0x1A0]  }
0x6e: {  	v54 =	vld [tilespmem:$0x140];
	[tilespmem:$0x380] =	vst v2  }
0x6f: {  	v55 =	vld [tilespmem:$0x1C0];
	[tilespmem:$0x290] =	vst v3  }
0x70: {  	v2 =	vld [tilespmem:$0x130];
	[tilespmem:$0x390] =	vst v4  }
0x71: {  	v3 =	vld [tilespmem:$0x1B0];
	[tilespmem:$0x2A0] =	vst v5  }
0x72: {  	[tilespmem:$0x3A0] =	vst v1;
	v1 =	vld [tilespmem:$0x150]  }
0x73: {  	v56 =	vld [tilespmem:$0x1E0];
	[tilespmem:$0x2C0] =	vst v54  }
0x74: {  	v57 =	vld [tilespmem:$0x170];
	[tilespmem:$0x3C0] =	vst v55  }
0x75: {  	[tilespmem:$0x2B0] =	vst v2;
	v2 =	vld [tilespmem:$0x1D0]  }
0x76: {  	[tilespmem:$0x3B0] =	vst v3;
	v3 =	vld [tilespmem:$0x160]  }
0x77: {  	[tilespmem:$0x2D0] =	vst v1;
	v1 =	vld [tilespmem:$0x1F0]  }
0x78: {  	[tilespmem:$0x3E0] =	vst v56  }
0x79: {  	[tilespmem:$0x2F0] =	vst v57  }
0x7a: {  	[tilespmem:$0x3D0] =	vst v2  }
0x7b: {  	[tilespmem:$0x2E0] =	vst v3  }
0x7c: {  	[tilespmem:$0x3F0] =	vst v1  }
0x7d: {  	[tilespmem:s29], [sflag:$0x2] =	stream.indirect.gather [hbm4b:s4+s22], $0x80, s28, s22, $0xb8;
	[tilespmem:$0x1C400] =	vst v63  }
0x7e: {  	_ =	swait.ge [sflag:s30], $0x4000  }
0x7f: {  	[sflag:s30] =	ssyncset.done $0x0  }
0x80: {  	[sflag:s30] =	ssyncadd.s32 $0xFFFFC000  }
0x81: {  	[spmem:s2] =	stream.indirect.scatter.add.f32 [tilespmem:s24], [sflag:$0x5], $0x80, s31, s22, $0xb8;
	[tilespmem:$0x1C400] =	vst v63  }
0x82: {  	_ =	swait.ge [sflag:s20], $0x4000  }
0x83: {  	[sflag:s20] =	ssyncset.done $0x0  }
0x84: {  	s13 =	sadd.s32 s11, s16;
	[sflag:s20] =	ssyncadd.s32 $0xFFFFC000  }
0x85: {  	[tilespmem:s25], [sflag:$0x4] =	stream.linear.gather [hbm4b:s13+s3], $0x100, $0x38;
	[tilespmem:$0x1C400] =	vst v63  }
0x86: {  	_ =	swait.ge [sflag:s21], $0x100  }
0x87: {  	[sflag:s21] =	ssyncset.done $0x0  }
0x88: {  	[sflag:s21] =	ssyncadd.s32 $0xFFFFFF00  }
0x89: {  	v1 =	vld [tilespmem:$0x0]  }
0x8a: {  	v2 =	vld [tilespmem:$0x80]  }
0x8b: {  	v3 =	vld [tilespmem:$0x10]  }
0x8c: {  	v58 =	vld [tilespmem:$0x90]  }
0x8d: {  	v59 =	vld [tilespmem:$0x20]  }
0x8e: {  	[tilespmem:$0x200] =	vst v1;
	v1 =	vld [tilespmem:$0xA0]  }
0x8f: {  	v60 =	vld [tilespmem:$0x40];
	[tilespmem:$0x300] =	vst v2  }
0x90: {  	v61 =	vld [tilespmem:$0xC0];
	[tilespmem:$0x210] =	vst v3  }
0x91: {  	v2 =	vld [tilespmem:$0x30];
	[tilespmem:$0x310] =	vst v58  }
0x92: {  	v3 =	vld [tilespmem:$0xB0];
	[tilespmem:$0x220] =	vst v59  }
0x93: {  	[tilespmem:$0x320] =	vst v1;
	v1 =	vld [tilespmem:$0x50]  }
0x94: {  	v62 =	vld [tilespmem:$0xE0];
	[tilespmem:$0x240] =	vst v60  }
0x95: {  	v63 =	vld [tilespmem:$0x70];
	[tilespmem:$0x340] =	vst v61  }
0x96: {  	[tilespmem:$0x230] =	vst v2;
	v2 =	vld [tilespmem:$0xD0]  }
0x97: {  	[tilespmem:$0x330] =	vst v3;
	v3 =	vld [tilespmem:$0x60]  }
0x98: {  	[tilespmem:$0x250] =	vst v1;
	v1 =	vld [tilespmem:$0xF0]  }
0x99: {  	[tilespmem:$0x360] =	vst v62  }
0x9a: {  	[tilespmem:$0x270] =	vst v63  }
0x9b: {  	[tilespmem:$0x350] =	vst v2  }
0x9c: {  	[tilespmem:$0x260] =	vst v3  }
0x9d: {  	[tilespmem:$0x370] =	vst v1  }
0x9e: {  	[tilespmem:s24], [sflag:$0x1] =	stream.indirect.gather [hbm4b:s4+s22], $0x80, s23, s22, $0xb8;
	[tilespmem:$0x1C400] =	vst v63  }
0x9f: {  	_ =	swait.ge [sflag:s0], $0x4000  }
0xa0: {  	p2 =	sne.s32 s11, $0x940;
	[sflag:s0] =	ssyncset.done $0x0  }
.Ltmp3:
0xa1: {  	[sflag:s0] =	ssyncadd.s32 $0xFFFFC000;
	(pc) =	sbr.rel @p2 .LBB2_7-.Ltmp3, $4  }
0xa2: {  	[spmem:s2] =	stream.indirect.scatter.add.f32 [tilespmem:s29], [sflag:$0x5], $0x80, s1, s22, $0xb8;
	[tilespmem:$0x1C400] =	vst v63  }
0xa3: {  	_ =	swait.ge [sflag:s20], $0x4000  }
0xa4: {  	[sflag:s20] =	ssyncset.done $0x0  }
0xa5: {  	s11 =	sadd.s32 $0x40, s11;
	[sflag:s20] =	ssyncadd.s32 $0xFFFFC000  }
0xa6: {  	_ =	swait.ge [sflag:s26], $0x100  }
0xa7: {  	[sflag:s26] =	ssyncset.done $0x0  }
0xa8: {  	[sflag:s26] =	ssyncadd.s32 $0xFFFFFF00  }
0xa9: {  	v1 =	vld [tilespmem:$0x100]  }
0xaa: {  	v2 =	vld [tilespmem:$0x180]  }
0xab: {  	v3 =	vld [tilespmem:$0x110]  }
0xac: {  	v4 =	vld [tilespmem:$0x190]  }
0xad: {  	v5 =	vld [tilespmem:$0x120]  }
0xae: {  	[tilespmem:$0x280] =	vst v1;
	v1 =	vld [tilespmem:$0x1A0]  }
0xaf: {  	v60 =	vld [tilespmem:$0x140];
	[tilespmem:$0x380] =	vst v2  }
0xb0: {  	v61 =	vld [tilespmem:$0x1C0];
	[tilespmem:$0x290] =	vst v3  }
0xb1: {  	v2 =	vld [tilespmem:$0x130];
	[tilespmem:$0x390] =	vst v4  }
0xb2: {  	v3 =	vld [tilespmem:$0x1B0];
	[tilespmem:$0x2A0] =	vst v5  }
0xb3: {  	[tilespmem:$0x3A0] =	vst v1;
	v1 =	vld [tilespmem:$0x150]  }
0xb4: {  	v62 =	vld [tilespmem:$0x1E0];
	[tilespmem:$0x2C0] =	vst v60  }
0xb5: {  	v63 =	vld [tilespmem:$0x170];
	[tilespmem:$0x3C0] =	vst v61  }
0xb6: {  	[tilespmem:$0x2B0] =	vst v2;
	v2 =	vld [tilespmem:$0x1D0]  }
0xb7: {  	[tilespmem:$0x3B0] =	vst v3;
	v3 =	vld [tilespmem:$0x160]  }
0xb8: {  	[tilespmem:$0x2D0] =	vst v1;
	v1 =	vld [tilespmem:$0x1F0]  }
0xb9: {  	[tilespmem:$0x3E0] =	vst v62  }
0xba: {  	[tilespmem:$0x2F0] =	vst v63  }
0xbb: {  	[tilespmem:$0x3D0] =	vst v2  }
0xbc: {  	[tilespmem:$0x2E0] =	vst v3  }
0xbd: {  	[tilespmem:$0x3F0] =	vst v1  }
0xbe: {  	[tilespmem:s29], [sflag:$0x2] =	stream.indirect.gather [hbm4b:s4+s22], $0x80, s28, s22, $0xb8;
	[tilespmem:$0x1C400] =	vst v63  }
0xbf: {  	_ =	swait.ge [sflag:s30], $0x4000  }
0xc0: {  	[sflag:s30] =	ssyncset.done $0x0  }
0xc1: {  	[sflag:s30] =	ssyncadd.s32 $0xFFFFC000  }
0xc2: {  	[spmem:s2] =	stream.indirect.scatter.add.f32 [tilespmem:s24], [sflag:$0x5], $0x80, s31, s22, $0xb8;
	[tilespmem:$0x1C400] =	vst v63  }
0xc3: {  	_ =	swait.ge [sflag:s20], $0x4000  }
0xc4: {  	[sflag:s20] =	ssyncset.done $0x0  }
0xc5: {  	s11 =	simm.s32 @p1 $0x2;
	[sflag:s20] =	ssyncadd.s32 $0xFFFFC000  }
0xc6: {  	_ =	swait.ge @p1 [sflag:s11], $0x4000  }
0xc7: {  	s12 =	simm.s32 @p1 $0x380;
	[sflag:s11] =	ssyncset.done @p1 $0x0  }
0xc8: {  	s13 =	simm.s32 @p1 $0x4400;
	[sflag:s11] =	ssyncadd.s32 @p1 $0xFFFFC000;
	s11 =	simm.s32 @p1 $0x80  }
0xc9: {  	[spmem:s2] =	stream.indirect.scatter.add.f32 @p1 [tilespmem:s13], [sflag:$0x5], $0x80, s12, s11, $0xb8;
	[tilespmem:$0x1C400] =	vst v63  }
0xca: {  	s11 =	simm.s32 @!p1 $0x0  }
0xcb: {  	[tilespmem:s11], [sflag:$0x3] =	stream.linear.gather @!p1 [hbm4b:s9+s11], $0x100, $0x38;
	[tilespmem:$0x1C400] =	vst v63  }
0xcc: {  	s11 =	simm.s32 @!p1 $0x2  }
0xcd: {  	_ =	swait.ge @!p1 [sflag:s11], $0x4000  }
0xce: {  	s12 =	simm.s32 @!p1 $0x380;
	[sflag:s11] =	ssyncset.done @!p1 $0x0  }
0xcf: {  	s13 =	simm.s32 @!p1 $0x4400;
	[sflag:s11] =	ssyncadd.s32 @!p1 $0xFFFFC000;
	s11 =	simm.s32 @!p1 $0x80  }
0xd0: {  	[spmem:s2] =	stream.indirect.scatter.add.f32 @!p1 [tilespmem:s13], [sflag:$0x5], $0x80, s12, s11, $0xb8;
	[tilespmem:$0x1C400] =	vst v63  }
0xd1: {  	s12 =	simm.s32 @!p1 $0x5  }
0xd2: {  	_ =	swait.ge @!p1 [sflag:s12], $0x4000  }
0xd3: {  	[sflag:s12] =	ssyncset.done @!p1 $0x0  }
0xd4: {  	[sflag:s12] =	ssyncadd.s32 @!p1 $0xFFFFC000;
	s12 =	simm.s32 @!p1 $0x3  }
0xd5: {  	_ =	swait.ge @!p1 [sflag:s12], $0x100  }
0xd6: {  	[sflag:s12] =	ssyncset.done @!p1 $0x0  }
0xd7: {  	[sflag:s12] =	ssyncadd.s32 @!p1 $0xFFFFFF00  }
0xd8: {  	v1 =	vld @!p1 [tilespmem:$0x0]  }
0xd9: {  	v2 =	vld @!p1 [tilespmem:$0x80]  }
0xda: {  	v3 =	vld @!p1 [tilespmem:$0x10]  }
0xdb: {  	v4 =	vld @!p1 [tilespmem:$0x90]  }
0xdc: {  	v5 =	vld @!p1 [tilespmem:$0x20]  }
0xdd: {  	[tilespmem:$0x200] =	vst @!p1 v1;
	v1 =	vld @!p1 [tilespmem:$0xA0]  }
0xde: {  	[tilespmem:$0x300] =	vst @!p1 v2;
	v2 =	vld @!p1 [tilespmem:$0x30]  }
0xdf: {  	[tilespmem:$0x210] =	vst @!p1 v3;
	v3 =	vld @!p1 [tilespmem:$0xB0]  }
0xe0: {  	[tilespmem:$0x310] =	vst @!p1 v4;
	v4 =	vld @!p1 [tilespmem:$0x40]  }
0xe1: {  	[tilespmem:$0x220] =	vst @!p1 v5;
	v5 =	vld @!p1 [tilespmem:$0xC0]  }
0xe2: {  	[tilespmem:$0x320] =	vst @!p1 v1;
	v1 =	vld @!p1 [tilespmem:$0x50]  }
0xe3: {  	[tilespmem:$0x230] =	vst @!p1 v2;
	v2 =	vld @!p1 [tilespmem:$0xD0]  }
0xe4: {  	[tilespmem:$0x330] =	vst @!p1 v3;
	v3 =	vld @!p1 [tilespmem:$0x60]  }
0xe5: {  	[tilespmem:$0x240] =	vst @!p1 v4;
	v4 =	vld @!p1 [tilespmem:$0xE0]  }
0xe6: {  	[tilespmem:$0x340] =	vst @!p1 v5;
	v5 =	vld @!p1 [tilespmem:$0x70]  }
0xe7: {  	[tilespmem:$0x250] =	vst @!p1 v1;
	v1 =	vld @!p1 [tilespmem:$0xF0]  }
0xe8: {  	[tilespmem:$0x350] =	vst @!p1 v2  }
0xe9: {  	[tilespmem:$0x260] =	vst @!p1 v3  }
0xea: {  	[tilespmem:$0x360] =	vst @!p1 v4  }
0xeb: {  	[tilespmem:$0x270] =	vst @!p1 v5  }
0xec: {  	s13 =	simm.s32 @!p1 $0x400;
	s12 =	simm.s32 @!p1 $0x200;
	[tilespmem:$0x370] =	vst @!p1 v1  }
0xed: {  	[tilespmem:s13], [sflag:$0x1] =	stream.indirect.gather @!p1 [hbm4b:s4+s11], $0x80, s12, s11, $0xb8;
	[tilespmem:$0x1C400] =	vst v63  }
0xee: {  	s12 =	simm.s32 @!p1 $0x1  }
0xef: {  	_ =	swait.ge @!p1 [sflag:s12], $0x4000  }
0xf0: {  	[sflag:s12] =	ssyncset.done @!p1 $0x0  }
0xf1: {  	[sflag:s12] =	ssyncadd.s32 @!p1 $0xFFFFC000;
	s12 =	simm.s32 @!p1 $0x300  }
0xf2: {  	[spmem:s2] =	stream.indirect.scatter.add.f32 @!p1 [tilespmem:s13], [sflag:$0x5], $0x80, s12, s11, $0xb8;
	[tilespmem:$0x1C400] =	vst v63  }
0xf3: {  	_ =	swait.ge [sflag:s20], $0x4000  }
0xf4: {  	s6 =	sadd.s32 $0x1, s6;
	[sflag:s20] =	ssyncset.done $0x0  }
0xf5: {  	p2 =	sne.s32 s6, s10;
	[sflag:s20] =	ssyncadd.s32 $0xFFFFC000  }
.Ltmp4:
0xf6: {  	[bflag:$0x0] =	sbarrier.arrive $0xFFFF;
	(pc) =	sbr.rel @p2 .LBB2_1-.Ltmp4, $4  }
0xf7: {  	[hbm:s15], [sflag:s18] =	dma.local [spmem:s19], $0x2800  }
0xf8: {  	_ =	swait.ge [sflag:s20], $0x2800  }
0xf9: {  	[sflag:s20] =	ssyncset.done $0x0  }
0xfa: {  	[sflag:s20] =	ssyncadd.s32 $0xFFFFD800  }
0xfb: {  	_ =	sfence.sel $0x180000  }
0xfc: {  	[bflag:$0x0] =	sbarrier.arrive $0xFFFF  }
0xfd: {  	_ =	strace $0x9000004A  }
0xfe: {  	s0 =	stileid.u32;
	[bflag:$0x2] =	sbarrier.arrive $0xFFFF  }
0xff: {  	p0 =	sne.s32 s0, $0x0;
	s0 =	rddreg [dreg:$0x3]  }
0x100: {  	s0 =	sadd.s32 @!p0 $0x100000, s0  }
0x101: {  	[sflag:s0] =	ssyncadd.tile.s32 @!p0 $0x1;
	_ =	shalt  }
.Lfunc_end2:
_tile_overlayer_lowered:
.L_overlay_start_2:
0x102: {  	(tag) =	ssettag $0x2  }
0x103: {  	s0 =	rddreg [dreg:$0x0];
	s2 =	stileid.u32  }
0x104: {  	s1 =	rddreg [dreg:$0x1];
	p0 =	sne.s32 s2, $0x0  }
0x105: {  	s3 =	rddreg [dreg:$0x2];
	[bflag:$0x3] =	sbarrier.arrive $0xFFFF;
	s2 =	simm.s32 @!p0 $0x1C05  }
0x106: {  	[timem:s3], [sflag:s2] =	dma.local @!p0 [hbm:s0], s1  }
0x107: {  	s0 =	simm.s32 @!p0 $0x5  }
0x108: {  	_ =	swait.ge @!p0 [sflag:s0], s1  }
0x109: {  	s1 =	ssub.s32 @!p0 $0x0, s1;
	[sflag:s0] =	ssyncset.done @!p0 $0x0  }
0x10a: {  	[sflag:s0] =	ssyncadd.s32 @!p0 s1  }
0x10b: {  	[bflag:$0x3] =	sbarrier.arrive $0xFFFF  }
0x10c: {  	_ =	shalt  }

// kernel: kernel.7.cloned.1.call-start
scs
__scs_entry_jumppad:
0x0: {  	(pc) =	sbr.rel $0x88, $3  }
0x1: {  	(tag) =	ssettag $0x0;
	lr =	simm.s32 $0x1  }
0x2: {  	[smem:$0x3F96] =	sst lr;
	_ =	strace $0xD0000000  }
0x3: {  	_ = 	snop  }
0x4: {  	_ = 	snop  }
0x5: {  	_ = 	snop  }
0x6: {  	_ = 	snop  }
0x7: {  	_ = 	snop  }
__scs_overlays_trampoline_lowered:
0x8: {  	[smem:$0x3FA5] =	sst s0  }
0x9: {  	[smem:$0x3FA6] =	sst s1  }
0xa: {  	[smem:$0x3FA7] =	sst s2  }
0xb: {  	[smem:$0x3FA8] =	sst s3  }
0xc: {  	[smem:$0x3FA9] =	sst s4  }
0xd: {  	[smem:$0x3FAA] =	sst s5  }
0xe: {  	[smem:$0x3FAB] =	sst s6  }
0xf: {  	[smem:$0x3FAC] =	sst s7  }
0x10: {  	[smem:$0x3FAD] =	sst s8  }
0x11: {  	[smem:$0x3FAE] =	sst s9;
	s0 =	simm.s32 @!p0 $0x0  }
0x12: {  	s1 =	sld [smem:$0x3F94];
	s0 =	simm.s32 @p0 $0x1  }
0x13: {  	[smem:$0x3FAF] =	sst s0;
	s0 =	simm.s32 @!p1 $0x0  }
0x14: {  	s2 =	sld [smem:$0x3F93];
	s0 =	simm.s32 @p1 $0x1  }
0x15: {  	[smem:$0x3FB0] =	sst s0;
	s0 =	simm.s32 @!p2 $0x0  }
0x16: {  	s3 =	sld [smem:$0x3FDB];
	s0 =	simm.s32 @p2 $0x1  }
0x17: {  	s4 =	simm.s32 $0x1BF5;
	[smem:$0x3FB2] =	sst s0  }
0x18: {  	s0 =	sld [smem:$0x3F95];
	_ =	swait.ge [sflag:s4], $0x0  }
0x19: {  	s7 =	sld [smem:$0x3F96]  }
0x1a: {  	s8 =	sadd.s32 $0xFFFFE003, lr  }
0x1b: {  	s9 =	sadd.s32 $0xFFFFFEF7, lr;
	s5 =	simm.s32 $0xFFFFFFFF;
	p2 =	slt.u32 s8, $0xFFFFF086  }
0x1c: {  	p1 =	slt.u32 s9, $0xF7A;
	s5 =	simm.s32 @!p2 $0x0  }
0x1d: {  	s5 =	simm.s32 @p1 $0x1;
	p0 =	seq.s32 s7, s2  }
0x1e: {  	s7 =	smul.u32 @!p0 $0xF7A, s2;
	p2 =	seq.s32 @!p0 s5, $0x0  }
0x1f: {  	s9 =	smul.u32 $0xF7A, s1;
	s8 =	simm.s32 @!p0 $0x1BF5;
	p2 =	por !p2, p0  }
0x20: {  	[sflag:s8] =	ssyncset.s32 @!p0 $0xFFFFF086;
	s6 =	sadd.s32 @!p0 s3, s7;
	s7 =	simm.s32 @!p0 $0x108  }
0x21: {  	s3 =	sadd.s32 s3, s9;
	s6 =	sadd.s32 @!p0 $0x88, s6;
	s7 =	simm.s32 @p2 $0x1082  }
0x22: {  	[simem:s7], [sflag:s8] =	dma.local @!p0 [hbm:s6], $0xF7A  }
0x23: {  	s9 =	sor.u32 $0xD0000000, s2;
	s6 =	simm.s32 $0x108;
	_ =	swait.ge @!p0 [sflag:s8], $0x0  }
0x24: {  	s3 =	sadd.s32 $0x88, s3;
	s6 =	simm.s32 @!p1 $0x1082;
	[sflag:s4] =	ssyncset.s32 $0xFFFFF086  }
0x25: {  	[simem:s6], [sflag:s4] =	dma.local [hbm:s3], $0xF7A  }
0x26: {  	[smem:$0x3F96] =	sst s1;
	(tag) =	ssettag s2;
	_ =	strace s9  }
0x27: {  	s1 =	sld [smem:$0x3FA6]  }
0x28: {  	s2 =	sld [smem:$0x3FA7]  }
0x29: {  	s4 =	sld [smem:$0x3FA9]  }
0x2a: {  	p0 =	seq.s32 s5, $0x0;
	s5 =	sld [smem:$0x3FAA]  }
0x2b: {  	s6 =	sld [smem:$0x3FAB]  }
0x2c: {  	s7 =	sld [smem:$0x3FAC]  }
0x2d: {  	s3 =	simm.s32 $0x108;
	s8 =	sld [smem:$0x3FAD]  }
0x2e: {  	s3 =	simm.s32 @!p0 $0x1082;
	s9 =	sld [smem:$0x3FAE]  }
0x2f: {  	lr =	sadd.s32 s0, s3;
	s0 =	sld [smem:$0x3FA5]  }
0x30: {  	s3 =	sld [smem:$0x3FA8]  }
0x31: {  	[smem:$0x3FB1] =	sst s10  }
0x32: {  	s10 =	sld [smem:$0x3FAF];
	_ =	sdelay $0x3  }
0x33: {  	p0 =	seq.s32 s10, $0x1;
	s10 =	sld [smem:$0x3FB1];
	_ =	sdelay $0x3  }
0x34: {  	[smem:$0x3FB1] =	sst s10  }
0x35: {  	s10 =	sld [smem:$0x3FB0];
	_ =	sdelay $0x3  }
0x36: {  	p1 =	seq.s32 s10, $0x1;
	s10 =	sld [smem:$0x3FB1];
	_ =	sdelay $0x3  }
0x37: {  	[smem:$0x3FB1] =	sst s10  }
0x38: {  	s10 =	sld [smem:$0x3FB2]  }
0x39: {  	_ = 	snop;
	(pc) =	sbr.ind lr, $3  }
0x3a: {  	_ = 	snop  }
0x3b: {  	_ = 	snop  }
0x3c: {  	p2 =	seq.s32 s10, $0x1;
	s10 =	sld [smem:$0x3FB1]  }
0x3d: {  	_ =	shalt  }
0x3e: {  	_ =	shalt  }
0x3f: {  	_ =	shalt  }
0x40: {  	_ =	shalt  }
0x41: {  	_ =	shalt  }
0x42: {  	_ =	shalt  }
0x43: {  	_ =	shalt  }
0x44: {  	_ =	shalt  }
0x45: {  	_ =	shalt  }
0x46: {  	_ =	shalt  }
0x47: {  	_ =	shalt  }
0x48: {  	_ =	shalt  }
0x49: {  	_ =	shalt  }
0x4a: {  	_ =	shalt  }
0x4b: {  	_ =	shalt  }
0x4c: {  	_ =	shalt  }
0x4d: {  	_ =	shalt  }
0x4e: {  	_ =	shalt  }
0x4f: {  	_ =	shalt  }
0x50: {  	_ =	shalt  }
0x51: {  	_ =	shalt  }
0x52: {  	_ =	shalt  }
0x53: {  	_ =	shalt  }
0x54: {  	_ =	shalt  }
0x55: {  	_ =	shalt  }
0x56: {  	_ =	shalt  }
0x57: {  	_ =	shalt  }
0x58: {  	_ =	shalt  }
0x59: {  	_ =	shalt  }
0x5a: {  	_ =	shalt  }
0x5b: {  	_ =	shalt  }
0x5c: {  	_ =	shalt  }
0x5d: {  	_ =	shalt  }
0x5e: {  	_ =	shalt  }
0x5f: {  	_ =	shalt  }
0x60: {  	_ =	shalt  }
0x61: {  	_ =	shalt  }
0x62: {  	_ =	shalt  }
0x63: {  	_ =	shalt  }
0x64: {  	_ =	shalt  }
0x65: {  	_ =	shalt  }
0x66: {  	_ =	shalt  }
0x67: {  	_ =	shalt  }
0x68: {  	_ =	shalt  }
0x69: {  	_ =	shalt  }
0x6a: {  	_ =	shalt  }
0x6b: {  	_ =	shalt  }
0x6c: {  	_ =	shalt  }
0x6d: {  	_ =	shalt  }
0x6e: {  	_ =	shalt  }
0x6f: {  	_ =	shalt  }
0x70: {  	_ =	shalt  }
0x71: {  	_ =	shalt  }
0x72: {  	_ =	shalt  }
0x73: {  	_ =	shalt  }
0x74: {  	_ =	shalt  }
0x75: {  	_ =	shalt  }
0x76: {  	_ =	shalt  }
0x77: {  	_ =	shalt  }
0x78: {  	_ =	shalt  }
0x79: {  	_ =	shalt  }
0x7a: {  	_ =	shalt  }
0x7b: {  	_ =	shalt  }
0x7c: {  	_ =	shalt  }
0x7d: {  	_ =	shalt  }
0x7e: {  	_ =	shalt  }
0x7f: {  	_ =	shalt  }
0x80: {  	_ =	shalt  }
0x81: {  	_ =	shalt  }
0x82: {  	_ =	shalt  }
0x83: {  	_ =	shalt  }
0x84: {  	_ =	shalt  }
0x85: {  	_ =	shalt  }
0x86: {  	_ =	shalt  }
0x87: {  	_ =	shalt  }
.Lfunc_end0:
.L_simem_size_0:
called_computation_lowered:
.L_overlay_start_0:
0x88: {  	s2 =	sld [smem:$0x3FD9]  }
0x89: {  	s3 =	sld [smem:$0x3FFE];
	_ =	sdelay $0x1  }
0x8a: {  	s1 =	srdreg.scid  }
0x8b: {  	s0 =	sand.u32 $0x1, s1  }
0x8c: {  	s15 =	sshll.u32 s0, $0xA;
	s2 =	sadd.s32 s3, s2  }
0x8d: {  	s2 =	sadd.s32 s2, s15  }
0x8e: {  	[smem:$0x3FBD] =	sst s2  }
0x8f: {  	_ = 	snop  }
0x90: {  	s2 =	sld [smem:$0x3FD0];
	_ =	sdelay $0x2  }
0x91: {  	s4 =	simm.s32 $0xA;
	s5 =	simm.s32 $0x10;
	s16 =	sld [smem:$0x3FC7]  }
0x92: {  	[smem:s5], [sflag:s4] =	dma.local [hbm:s2], $0x1  }
0x93: {  	_ =	swait.eq [sflag:s4], $0x1  }
0x94: {  	[sflag:s4] =	ssyncset.done $0x0  }
0x95: {  	[sflag:s4] =	ssyncadd.s32 $0xFFFFFFFF  }
0x96: {  	s17 =	sld [smem:$0x10];
	(tm) =	ssettm $0x1  }
0x97: {  	s18 =	sld [smem:$0x3FFB];
	_ =	sdelay $0x3  }
0x98: {  	_ =	strace s18  }
0x99: {  	s4 =	sld [smem:$0x3FFC];
	_ =	sdelay $0x3  }
0x9a: {  	_ =	strace s4  }
0x9b: {  	s4 =	sld [smem:$0x3FFD];
	_ =	sdelay $0x3  }
0x9c: {  	_ =	strace s4  }
0x9d: {  	_ =	strace $0x8FFFFFFF  }
0x9e: {  	s19 =	sld [smem:$0x3FDB];
	_ =	sdelay $0x1  }
0x9f: {  	s20 =	simm.s32 $_scs_section_size  }
0xa0: {  	s6 =	simm.s32 $_size__tile_overlayer_lowered;
	s7 =	simm.s32 $_tile_overlayer_lowered  }
0xa1: {  	s23 =	simm.s32 $0x1BFF;
	s22 =	sshll.u32 s7, $0x1;
	s4 =	sadd.s32 s20, s19  }
0xa2: {  	s8 =	simm.s32 $0x0;
	s21 =	sshll.u32 s6, $0x1;
	s6 =	sadd.s32 s22, s4  }
0xa3: {  	[timem:s8], [sflag:s23] =	dma.local [hbm:s6], s21  }
0xa4: {  	_ =	swait.ge [sflag:s23], s21  }
0xa5: {  	s5 =	ssub.s32 $0x0, s21;
	[sflag:s23] =	ssyncset.done $0x0  }
0xa6: {  	[sflag:s23] =	ssyncadd.s32 s5;
	_ =	sdelay $0x1  }
0xa7: {  	s24 =	simm.s32 $0x1B8B  }
0xa8: {  	_ =	swait.ge [sflag:s24], $0x1  }
0xa9: {  	[sflag:s24] =	ssyncset.done $0x0  }
0xaa: {  	s25 =	simm.s32 $0x1B8E;
	[sflag:s24] =	ssyncadd.s32 $0xFFFFFFFF  }
0xab: {  	s26 =	simm.s32 $execute0_lowered;
	[smem:$0x3FD2] =	sst s25  }
0xac: {  	s5 =	sshll.u32 s26, $0x1;
	_ =	strace $0x80000046;
	[dreg:$0x1] =	wrdreg $0xFFFFFFFF  }
0xad: {  	s28 =	simm.s32 $_size_execute0_lowered;
	s4 =	sadd.s32 s4, s5;
	[dreg:$0x0] =	wrdreg $0x0  }
0xae: {  	s5 =	sshll.u32 s28, $0x1;
	[dreg:$0x2] =	wrdreg s4  }
0xaf: {  	[dreg:$0x3] =	wrdreg s5  }
0xb0: {  	[dreg:$0x4] =	wrdreg $0xC0  }
0xb1: {  	_ =	task [dreg:s8], $0x5FFFF  }
0xb2: {  	[dreg:$0x1] =	wrdreg $0xFFFFFFFF  }
0xb3: {  	[dreg:$0x0] =	wrdreg $0x60  }
0xb4: {  	[dreg:$0x2] =	wrdreg s16  }
0xb5: {  	[dreg:$0x3] =	wrdreg s17  }
0xb6: {  	[dreg:$0x4] =	wrdreg $0x7800  }
0xb7: {  	[dreg:$0x5] =	wrdreg $0x9  }
0xb8: {  	_ =	task.clear_ibuf [dreg:s8], $0x6FFFF;
	_ =	strace $0x90000046  }
0xb9: {  	s29 =	simm.s32 $0x9;
	_ =	strace $0x80000048  }
0xba: {  	_ =	swait.ge [sflag:s29], $0x1  }
0xbb: {  	[sflag:s29] =	ssyncadd.s32 $0xFFFFFFFF  }
0xbc: {  	_ =	strace $0x90000048  }
0xbd: {  	_ =	sfence  }
0xbe: {  	s30 =	sld [smem:$0x0];
	_ =	sdelay $0x2  }
0xbf: {  	s31 =	sshll.u32 s1, $0xD;
	s1 =	sshrl.u32 s1, $0x2  }
0xc0: {  	s3 =	sand.u32 $0x4000, s31;
	s1 =	sadd.s32 s1, s30  }
0xc1: {  	s0 =	sor.u32 s3, s0;
	s1 =	sshll.u32 s1, $0x11  }
0xc2: {  	s0 =	sor.u32 s1, s0  }
0xc3: {  	s0 =	sadd.s32 $0x8F2B, s0  }
0xc4: {  	[sflag:s0] =	ssyncadd.remote.s32 $0x1  }
0xc5: {  	_ =	sfence.sel $0xFFFF  }
0xc6: {  	[dreg:$0x0] =	wrdreg $0xFFFFFFFF;
	(pc) =	sbr.abs _section_cstart, $3  }
0xc7: {  	[dreg:$0x1] =	wrdreg $0xFFFFFFFF  }
0xc8: {  	_ =	task.clear_ibuf [dreg:s8], $0x2FFFF;
	_ =	strace $0x9FFFFFFF  }
0xc9: {  	(tm) =	ssettm $0x7FFFFFFF  }
tec
execute0_lowered:
.L_overlay_start_1:
0x0: {  	(tag) =	ssettag $0x1  }
0x1: {  	s1 =	rddreg [dreg:$0x0]  }
0x2: {  	s10 =	rddreg [dreg:$0x1];
	s3 =	srdreg.scid  }
0x3: {  	s0 =	stileid.u32;
	s2 =	rddreg [dreg:$0x2];
	s17 =	simm.s32 $0x5  }
0x4: {  	s18 =	simm.s32 $0x100;
	s21 =	simm.s32 $0x1;
	s22 =	simm.s32 $0x80  }
0x5: {  	s28 =	simm.s32 $0x4;
	s31 =	simm.s32 $0x0;
	s23 =	smul.u32 $0xA00, s0  }
0x6: {  	s7 =	sand.u32 $0x1, s3;
	s4 =	sshll.u32 s0, $0x1;
	s24 =	smul.u32 $0x9C, s0  }
0x7: {  	s3 =	simm.s32 $0x0;
	p0 =	slt.u32 s0, $0x2;
	s13 =	smul.u32 $0x500, s0  }
0x8: {  	s4 =	sor.u32 s7, s4;
	[smem:$0x7FF] =	sst s3;
	s12 =	smul.u32 $0x4E, s7  }
0x9: {  	s5 =	ssub.s32 $0x2, s7;
	s14 =	sshll.u32 s7, $0x7;
	s6 =	smul.u32 $0x4E, s4  }
0xa: {  	_ =	strace $0x80000047;
	s8 =	sshrl.u32 s5, $0x1;
	s9 =	smin.u32 s4, $0x4  }
0xb: {  	s4 =	simm.s32 $0x4F;
	s26 =	sor.u32 s14, s13;
	s11 =	ssub.s32 s5, s8  }
0xc: {  	s4 =	simm.s32 @!p0 $0x4E;
	s5 =	sshrl.u32 s23, $0x2;
	s8 =	sadd.s32 s12, s24  }
0xd: {  	s12 =	sshrl.u32 s26, $0x3;
	s23 =	simm.s32 $0x400;
	s24 =	simm.s32 $0x480  }
0xe: {  	p0 =	sgt.u32 s0, $0x1;
	s26 =	simm.s32 $0x3;
	s6 =	sadd.s32 s9, s6  }
0xf: {  	s5 =	sadd.s32 s5, s2;
	s9 =	sadd.s32 s9, s8;
	s6 =	sshll.u32 s6, $0x5  }
0x10: {  	s10 =	sadd.s32 s10, s12;
	s30 =	sshll.u32 s9, $0x5;
	s6 =	sadd.s32 s1, s6  }
0x11: {  	s11 =	smax.u32 s11, $0x1;
	s1 =	sadd.s32 s30, s1;
	s25 =	sadd.s32 $0x20, s6  }
0x12: {  	s29 =	sadd.s32 $0x40, s6;
	s9 =	sadd.s32 $0x60, s6;
	s12 =	sadd.s32 $0xA0, s1  }
0x13: {  	s13 =	sadd.s32 $0x80, s1;
	s14 =	sadd.s32 $0xC0, s1;
	[dreg:$0x4] =	wrdreg s25  }
0x14: {  	v0 =	vimm.f32 $1.000000000e+00;
	v1 =	vimm.f32 $0.0e+00;
	s15 =	sadd.s32 $0xE0, s1;
	[dreg:$0x5] =	wrdreg s29;
	s25 =	simm.s32 $0x2  }
.LBB2_1:
0x15: {  	[tilespmem:$0x480] =	vst v0  }
0x16: {  	[tilespmem:$0x490] =	vst v0  }
0x17: {  	[tilespmem:$0x4A0] =	vst v0  }
0x18: {  	[tilespmem:$0x4B0] =	vst v0  }
0x19: {  	[tilespmem:$0x4C0] =	vst v0  }
0x1a: {  	[tilespmem:$0x4D0] =	vst v0  }
0x1b: {  	[tilespmem:$0x4E0] =	vst v0  }
0x1c: {  	[tilespmem:$0x4F0] =	vst v0  }
0x1d: {  	[tilespmem:$0x500] =	vst v1  }
0x1e: {  	[tilespmem:$0x510] =	vst v1  }
0x1f: {  	[tilespmem:$0x520] =	vst v1  }
0x20: {  	[tilespmem:$0x530] =	vst v1  }
0x21: {  	[tilespmem:$0x540] =	vst v1  }
0x22: {  	[tilespmem:$0x550] =	vst v1  }
0x23: {  	[tilespmem:$0x560] =	vst v1  }
0x24: {  	[tilespmem:$0x570] =	vst v1  }
0x25: {  	[tilespmem:$0x580] =	vst v1  }
0x26: {  	[tilespmem:$0x590] =	vst v1  }
0x27: {  	[tilespmem:$0x5A0] =	vst v1  }
0x28: {  	[tilespmem:$0x5B0] =	vst v1  }
0x29: {  	[tilespmem:$0x5C0] =	vst v1  }
0x2a: {  	[tilespmem:$0x5D0] =	vst v1  }
0x2b: {  	[tilespmem:$0x5E0] =	vst v1  }
0x2c: {  	[tilespmem:$0x5F0] =	vst v1  }
0x2d: {  	[tilespmem:$0x600] =	vst v1  }
0x2e: {  	[tilespmem:$0x610] =	vst v1  }
0x2f: {  	[tilespmem:$0x620] =	vst v1  }
0x30: {  	[tilespmem:$0x630] =	vst v1  }
0x31: {  	[tilespmem:$0x640] =	vst v1  }
0x32: {  	[tilespmem:$0x650] =	vst v1  }
0x33: {  	[tilespmem:$0x660] =	vst v1  }
0x34: {  	[tilespmem:$0x670] =	vst v1  }
0x35: {  	[tilespmem:$0x680] =	vst v1  }
0x36: {  	[tilespmem:$0x690] =	vst v1  }
0x37: {  	[tilespmem:$0x6A0] =	vst v1  }
0x38: {  	[tilespmem:$0x6B0] =	vst v1  }
0x39: {  	[tilespmem:$0x6C0] =	vst v1  }
0x3a: {  	[tilespmem:$0x6D0] =	vst v1  }
0x3b: {  	[tilespmem:$0x6E0] =	vst v1  }
0x3c: {  	[tilespmem:$0x6F0] =	vst v1  }
0x3d: {  	[tilespmem:$0x700] =	vst v1  }
0x3e: {  	[tilespmem:$0x710] =	vst v1  }
0x3f: {  	[tilespmem:$0x720] =	vst v1  }
0x40: {  	[tilespmem:$0x730] =	vst v1  }
0x41: {  	[tilespmem:$0x740] =	vst v1  }
0x42: {  	[tilespmem:$0x750] =	vst v1  }
0x43: {  	[tilespmem:$0x760] =	vst v1  }
0x44: {  	[tilespmem:$0x770] =	vst v1;
	s0 =	simm.s32 $0x500  }
0x45: {  	[spmem:s5] =	stream.linear.scatter [tilespmem:s0], [sflag:$0x5], $0x280, $0x38;
	[tilespmem:$0xA00] =	vst v63  }
0x46: {  	_ =	swait.ge [sflag:s17], $0x280  }
0x47: {  	[sflag:s17] =	ssyncset.done $0x0  }
0x48: {  	[sflag:s17] =	ssyncadd.s32 $0xFFFFFD80  }
0x49: {  	[bflag:$0x0] =	sbarrier.arrive $0xFFFF  }
0x4a: {  	[tilespmem:s3], [sflag:$0x1] =	stream.linear.gather [hbm4b:s6+s3], $0x100, $0x38;
	[tilespmem:$0xA00] =	vst v63  }
0x4b: {  	s8 =	rddreg [dreg:$0x4]  }
0x4c: {  	[tilespmem:s18], [sflag:$0x2] =	stream.linear.gather [hbm4b:s8+s3], $0x100, $0x38;
	[tilespmem:$0xA00] =	vst v63  }
0x4d: {  	s1 =	simm.s32 $0x200;
	s16 =	rddreg [dreg:$0x5]  }
0x4e: {  	[tilespmem:s1], [sflag:$0x3] =	stream.linear.gather [hbm4b:s16+s3], $0x100, $0x38;
	[tilespmem:$0xA00] =	vst v63  }
0x4f: {  	s19 =	simm.s32 $0x300  }
0x50: {  	[tilespmem:s19], [sflag:$0x4] =	stream.linear.gather [hbm4b:s9+s3], $0x100, $0x38;
	[tilespmem:$0xA00] =	vst v63  }
0x51: {  	_ =	swait.ge [sflag:s21], $0x100  }
0x52: {  	[sflag:s21] =	ssyncset.done $0x0  }
0x53: {  	[sflag:s21] =	ssyncadd.s32 $0xFFFFFF00  }
0x54: {  	v2 =	vld [tilespmem:$0xF0]  }
0x55: {  	v3 =	vld [tilespmem:$0xE0]  }
0x56: {  	v4 =	vld [tilespmem:$0xD0]  }
0x57: {  	v5 =	vld [tilespmem:$0xC0]  }
0x58: {  	v6 =	vld [tilespmem:$0xB0]  }
0x59: {  	v7 =	vld [tilespmem:$0x80];
	[tilespmem:$0x470] =	vst v2  }
0x5a: {  	v2 =	vld [tilespmem:$0xA0];
	[tilespmem:$0x460] =	vst v3  }
0x5b: {  	v3 =	vld [tilespmem:$0x90];
	[tilespmem:$0x450] =	vst v4  }
0x5c: {  	[tilespmem:$0x440] =	vst v5  }
0x5d: {  	[tilespmem:$0x430] =	vst v6  }
0x5e: {  	[tilespmem:$0x400] =	vst v7  }
0x5f: {  	[tilespmem:$0x420] =	vst v2  }
0x60: {  	[tilespmem:$0x410] =	vst v3  }
0x61: {  	[spmem:s2] =	stream.indirect.scatter.add.f32 [tilespmem:s24], [sflag:$0x5], $0x1, s23, s22, $0xb8;
	[tilespmem:$0xA00] =	vst v63  }
0x62: {  	_ =	swait.ge [sflag:s17], $0x80  }
0x63: {  	[sflag:s17] =	ssyncset.done $0x0  }
0x64: {  	s20 =	sadd.s32 $0x0, s13;
	[sflag:s17] =	ssyncadd.s32 $0xFFFFFF80  }
0x65: {  	[tilespmem:s3], [sflag:$0x1] =	stream.linear.gather [hbm4b:s20+s3], $0x100, $0x38;
	[tilespmem:$0xA00] =	vst v63  }
0x66: {  	_ =	swait.ge [sflag:s25], $0x100  }
0x67: {  	[sflag:s25] =	ssyncset.done $0x0  }
0x68: {  	[sflag:s25] =	ssyncadd.s32 $0xFFFFFF00  }
0x69: {  	v2 =	vld [tilespmem:$0x1E0]  }
0x6a: {  	v3 =	vld [tilespmem:$0x1F0]  }
0x6b: {  	v4 =	vld [tilespmem:$0x1C0]  }
0x6c: {  	v5 =	vld [tilespmem:$0x190]  }
0x6d: {  	v6 =	vld [tilespmem:$0x1A0]  }
0x6e: {  	v7 =	vld [tilespmem:$0x1B0];
	[tilespmem:$0x460] =	vst v2  }
0x6f: {  	v2 =	vld [tilespmem:$0x1D0];
	[tilespmem:$0x470] =	vst v3  }
0x70: {  	v3 =	vld [tilespmem:$0x180];
	[tilespmem:$0x440] =	vst v4  }
0x71: {  	[tilespmem:$0x410] =	vst v5  }
0x72: {  	[tilespmem:$0x420] =	vst v6  }
0x73: {  	[tilespmem:$0x430] =	vst v7  }
0x74: {  	[tilespmem:$0x450] =	vst v2  }
0x75: {  	[tilespmem:$0x400] =	vst v3  }
0x76: {  	[spmem:s2] =	stream.indirect.scatter.add.f32 [tilespmem:s24], [sflag:$0x5], $0x1, s23, s22, $0xb8;
	[tilespmem:$0xA00] =	vst v63  }
0x77: {  	_ =	swait.ge [sflag:s17], $0x80  }
0x78: {  	[sflag:s17] =	ssyncset.done $0x0  }
0x79: {  	s30 =	sadd.s32 $0x0, s12;
	[sflag:s17] =	ssyncadd.s32 $0xFFFFFF80  }
0x7a: {  	[tilespmem:s18], [sflag:$0x2] =	stream.linear.gather [hbm4b:s30+s3], $0x100, $0x38;
	[tilespmem:$0xA00] =	vst v63  }
0x7b: {  	_ =	swait.ge [sflag:s26], $0x100  }
0x7c: {  	[sflag:s26] =	ssyncset.done $0x0  }
0x7d: {  	[sflag:s26] =	ssyncadd.s32 $0xFFFFFF00  }
0x7e: {  	v5 =	vld [tilespmem:$0x280]  }
0x7f: {  	v3 =	vld [tilespmem:$0x290]  }
0x80: {  	s29 =	simm.s32 $0x80;
	s16 =	simm.s32 $0x0;
	v4 =	vld [tilespmem:$0x2A0]  }
0x81: {  	s1 =	simm.s32 $0x7;
	s19 =	simm.s32 $0x6;
	s20 =	simm.s32 $0x7;
	v2 =	vld [tilespmem:$0x2B0]  }
.LBB2_2:
0x82: {  	v6 =	vld [tilespmem:$0x2C0];
	s20 =	sadd.s32 $0x4, s20;
	s30 =	smov.u32 s29;
	s29 =	sadd.s32 $0x80, s29  }
0x83: {  	s0 =	sadd.s32 $0xFFFFFFFF, s20;
	p1 =	sne.s32 s29, $0x980;
	[tilespmem:$0x400] =	vst v5;
	v5 =	vld [tilespmem:$0x2D0]  }
0x84: {  	[tilespmem:$0x410] =	vst v3;
	v3 =	vld [tilespmem:$0x2E0]  }
0x85: {  	[tilespmem:$0x420] =	vst v4;
	v4 =	vld [tilespmem:$0x2F0]  }
0x86: {  	[tilespmem:$0x430] =	vst v2  }
0x87: {  	[tilespmem:$0x440] =	vst v6  }
0x88: {  	[tilespmem:$0x450] =	vst v5  }
0x89: {  	[tilespmem:$0x460] =	vst v3  }
0x8a: {  	[tilespmem:$0x470] =	vst v4  }
0x8b: {  	[spmem:s2] =	stream.indirect.scatter.add.f32 [tilespmem:s24], [sflag:$0x5], $0x1, s23, s22, $0xb8;
	[tilespmem:$0xA00] =	vst v63  }
0x8c: {  	p2 =	sge.u32 s19, s4;
	s19 =	smov.u32 s0;
	_ =	swait.ge [sflag:s17], $0x80  }
0x8d: {  	s7 =	simm.s32 @!p2 $0x0;
	s0 =	sadd.s32 @!p2 s16, s14;
	[sflag:s17] =	ssyncset.done $0x0  }
0x8e: {  	s8 =	simm.s32 @!p2 $0x200;
	[sflag:s17] =	ssyncadd.s32 $0xFFFFFF80  }
0x8f: {  	[tilespmem:s8], [sflag:$0x3] =	stream.linear.gather @!p2 [hbm4b:s0+s7], $0x100, $0x38;
	[tilespmem:$0xA00] =	vst v63  }
0x90: {  	_ =	swait.ge [sflag:s28], $0x100  }
0x91: {  	[sflag:s28] =	ssyncset.done $0x0  }
0x92: {  	[sflag:s28] =	ssyncadd.s32 $0xFFFFFF00  }
0x93: {  	v2 =	vld [tilespmem:$0x380]  }
0x94: {  	v3 =	vld [tilespmem:$0x390]  }
0x95: {  	v4 =	vld [tilespmem:$0x3A0]  }
0x96: {  	v5 =	vld [tilespmem:$0x3C0]  }
0x97: {  	v6 =	vld [tilespmem:$0x3D0]  }
0x98: {  	[tilespmem:$0x400] =	vst v2;
	v2 =	vld [tilespmem:$0x3E0]  }
0x99: {  	[tilespmem:$0x410] =	vst v3;
	v3 =	vld [tilespmem:$0x3B0]  }
0x9a: {  	[tilespmem:$0x420] =	vst v4  }
0x9b: {  	[tilespmem:$0x440] =	vst v5;
	v4 =	vld [tilespmem:$0x3F0]  }
0x9c: {  	[tilespmem:$0x450] =	vst v6  }
0x9d: {  	[tilespmem:$0x460] =	vst v2  }
0x9e: {  	[tilespmem:$0x430] =	vst v3;
	_ =	sdelay $0x1  }
0x9f: {  	[tilespmem:$0x470] =	vst v4  }
0xa0: {  	[spmem:s2] =	stream.indirect.scatter.add.f32 [tilespmem:s24], [sflag:$0x5], $0x1, s23, s22, $0xb8;
	[tilespmem:$0xA00] =	vst v63  }
0xa1: {  	p2 =	sge.u32 s1, s4;
	s1 =	smov.u32 s20;
	_ =	swait.ge [sflag:s17], $0x80  }
0xa2: {  	s0 =	sadd.s32 @!p2 s16, s15;
	s7 =	simm.s32 @!p2 $0x0;
	[sflag:s17] =	ssyncset.done $0x0  }
0xa3: {  	s8 =	simm.s32 @!p2 $0x300;
	s16 =	smov.u32 s30;
	[sflag:s17] =	ssyncadd.s32 $0xFFFFFF80  }
0xa4: {  	[tilespmem:s8], [sflag:$0x4] =	stream.linear.gather @!p2 [hbm4b:s0+s7], $0x100, $0x38;
	[tilespmem:$0xA00] =	vst v63  }
0xa5: {  	_ =	swait.ge [sflag:s21], $0x100  }
0xa6: {  	[sflag:s21] =	ssyncset.done $0x0  }
0xa7: {  	[sflag:s21] =	ssyncadd.s32 $0xFFFFFF00  }
0xa8: {  	v2 =	vld [tilespmem:$0xF0]  }
0xa9: {  	v3 =	vld [tilespmem:$0xE0]  }
0xaa: {  	v4 =	vld [tilespmem:$0xD0]  }
0xab: {  	v5 =	vld [tilespmem:$0xC0]  }
0xac: {  	v6 =	vld [tilespmem:$0xB0]  }
0xad: {  	v7 =	vld [tilespmem:$0x80];
	[tilespmem:$0x470] =	vst v2  }
0xae: {  	v2 =	vld [tilespmem:$0xA0];
	[tilespmem:$0x460] =	vst v3  }
0xaf: {  	v3 =	vld [tilespmem:$0x90];
	[tilespmem:$0x450] =	vst v4  }
0xb0: {  	[tilespmem:$0x440] =	vst v5  }
0xb1: {  	[tilespmem:$0x430] =	vst v6  }
0xb2: {  	[tilespmem:$0x400] =	vst v7  }
0xb3: {  	[tilespmem:$0x420] =	vst v2  }
0xb4: {  	[tilespmem:$0x410] =	vst v3  }
0xb5: {  	[spmem:s2] =	stream.indirect.scatter.add.f32 [tilespmem:s24], [sflag:$0x5], $0x1, s23, s22, $0xb8;
	[tilespmem:$0xA00] =	vst v63  }
0xb6: {  	_ =	swait.ge [sflag:s17], $0x80  }
0xb7: {  	s0 =	sadd.s32 s16, s13;
	[sflag:s17] =	ssyncset.done $0x0  }
0xb8: {  	[sflag:s17] =	ssyncadd.s32 $0xFFFFFF80  }
0xb9: {  	[tilespmem:s3], [sflag:$0x1] =	stream.linear.gather [hbm4b:s0+s3], $0x100, $0x38;
	[tilespmem:$0xA00] =	vst v63  }
0xba: {  	_ =	swait.ge [sflag:s25], $0x100  }
0xbb: {  	[sflag:s25] =	ssyncset.done $0x0  }
0xbc: {  	[sflag:s25] =	ssyncadd.s32 $0xFFFFFF00  }
0xbd: {  	v2 =	vld [tilespmem:$0x1E0]  }
0xbe: {  	v3 =	vld [tilespmem:$0x1F0]  }
0xbf: {  	v4 =	vld [tilespmem:$0x1C0]  }
0xc0: {  	v5 =	vld [tilespmem:$0x190]  }
0xc1: {  	v6 =	vld [tilespmem:$0x1A0]  }
0xc2: {  	v7 =	vld [tilespmem:$0x1B0];
	[tilespmem:$0x460] =	vst v2  }
0xc3: {  	v2 =	vld [tilespmem:$0x1D0];
	[tilespmem:$0x470] =	vst v3  }
0xc4: {  	v3 =	vld [tilespmem:$0x180];
	[tilespmem:$0x440] =	vst v4  }
0xc5: {  	[tilespmem:$0x410] =	vst v5  }
0xc6: {  	[tilespmem:$0x420] =	vst v6  }
0xc7: {  	[tilespmem:$0x430] =	vst v7  }
0xc8: {  	[tilespmem:$0x450] =	vst v2  }
0xc9: {  	[tilespmem:$0x400] =	vst v3  }
0xca: {  	[spmem:s2] =	stream.indirect.scatter.add.f32 [tilespmem:s24], [sflag:$0x5], $0x1, s23, s22, $0xb8;
	[tilespmem:$0xA00] =	vst v63  }
0xcb: {  	_ =	swait.ge [sflag:s17], $0x80  }
0xcc: {  	s0 =	sadd.s32 s16, s12;
	[sflag:s17] =	ssyncset.done $0x0  }
0xcd: {  	[sflag:s17] =	ssyncadd.s32 $0xFFFFFF80  }
0xce: {  	[tilespmem:s18], [sflag:$0x2] =	stream.linear.gather [hbm4b:s0+s3], $0x100, $0x38;
	[tilespmem:$0xA00] =	vst v63  }
0xcf: {  	_ =	swait.ge [sflag:s26], $0x100  }
0xd0: {  	[sflag:s26] =	ssyncset.done $0x0  }
.Ltmp0:
0xd1: {  	[sflag:s26] =	ssyncadd.s32 $0xFFFFFF00;
	(pc) =	sbr.rel @p1 .LBB2_2-.Ltmp0, $4  }
0xd2: {  	v5 =	vld [tilespmem:$0x280]  }
0xd3: {  	v3 =	vld [tilespmem:$0x290]  }
0xd4: {  	v4 =	vld [tilespmem:$0x2A0]  }
0xd5: {  	v2 =	vld [tilespmem:$0x2B0]  }
0xd6: {  	v6 =	vld [tilespmem:$0x2C0]  }
0xd7: {  	v50 =	vld [tilespmem:$0x2D0];
	[tilespmem:$0x400] =	vst v5  }
0xd8: {  	v51 =	vld [tilespmem:$0x2F0];
	[tilespmem:$0x410] =	vst v3  }
0xd9: {  	v3 =	vld [tilespmem:$0x2E0];
	[tilespmem:$0x420] =	vst v4  }
0xda: {  	[tilespmem:$0x430] =	vst v2  }
0xdb: {  	[tilespmem:$0x440] =	vst v6  }
0xdc: {  	[tilespmem:$0x450] =	vst v50  }
0xdd: {  	[tilespmem:$0x470] =	vst v51  }
0xde: {  	[tilespmem:$0x460] =	vst v3  }
0xdf: {  	[spmem:s2] =	stream.indirect.scatter.add.f32 [tilespmem:s24], [sflag:$0x5], $0x1, s23, s22, $0xb8;
	[tilespmem:$0xA00] =	vst v63  }
0xe0: {  	p1 =	sge.u32 s19, s4;
	_ =	swait.ge [sflag:s17], $0x80  }
0xe1: {  	s0 =	sadd.s32 @!p1 s16, s14;
	[sflag:s17] =	ssyncset.done $0x0  }
0xe2: {  	s7 =	simm.s32 @!p1 $0x0;
	s8 =	simm.s32 @!p1 $0x200;
	[sflag:s17] =	ssyncadd.s32 $0xFFFFFF80  }
0xe3: {  	[tilespmem:s8], [sflag:$0x3] =	stream.linear.gather @!p1 [hbm4b:s0+s7], $0x100, $0x38;
	[tilespmem:$0xA00] =	vst v63  }
0xe4: {  	_ =	swait.ge [sflag:s28], $0x100  }
0xe5: {  	[sflag:s28] =	ssyncset.done $0x0  }
0xe6: {  	[sflag:s28] =	ssyncadd.s32 $0xFFFFFF00  }
0xe7: {  	v2 =	vld [tilespmem:$0x380]  }
0xe8: {  	v3 =	vld [tilespmem:$0x390]  }
0xe9: {  	v52 =	vld [tilespmem:$0x3A0]  }
0xea: {  	v53 =	vld [tilespmem:$0x3C0]  }
0xeb: {  	v54 =	vld [tilespmem:$0x3D0]  }
0xec: {  	v55 =	vld [tilespmem:$0x3F0];
	[tilespmem:$0x400] =	vst v2  }
0xed: {  	v2 =	vld [tilespmem:$0x3E0];
	[tilespmem:$0x410] =	vst v3  }
0xee: {  	v3 =	vld [tilespmem:$0x3B0];
	[tilespmem:$0x420] =	vst v52  }
0xef: {  	[tilespmem:$0x440] =	vst v53  }
0xf0: {  	[tilespmem:$0x450] =	vst v54  }
0xf1: {  	[tilespmem:$0x470] =	vst v55  }
0xf2: {  	[tilespmem:$0x460] =	vst v2  }
0xf3: {  	[tilespmem:$0x430] =	vst v3  }
0xf4: {  	[spmem:s2] =	stream.indirect.scatter.add.f32 [tilespmem:s24], [sflag:$0x5], $0x1, s23, s22, $0xb8;
	[tilespmem:$0xA00] =	vst v63  }
0xf5: {  	p1 =	sge.u32 s1, s4;
	_ =	swait.ge [sflag:s17], $0x80  }
0xf6: {  	s0 =	sadd.s32 @!p1 s16, s15;
	[sflag:s17] =	ssyncset.done $0x0  }
0xf7: {  	s1 =	simm.s32 @!p1 $0x0;
	s7 =	simm.s32 @!p1 $0x300;
	[sflag:s17] =	ssyncadd.s32 $0xFFFFFF80  }
0xf8: {  	[tilespmem:s7], [sflag:$0x4] =	stream.linear.gather @!p1 [hbm4b:s0+s1], $0x100, $0x38;
	[tilespmem:$0xA00] =	vst v63  }
0xf9: {  	_ =	swait.ge [sflag:s21], $0x100  }
0xfa: {  	[sflag:s21] =	ssyncset.done $0x0  }
0xfb: {  	[sflag:s21] =	ssyncadd.s32 $0xFFFFFF00  }
0xfc: {  	v2 =	vld [tilespmem:$0x80]  }
0xfd: {  	v3 =	vld [tilespmem:$0x90]  }
0xfe: {  	v56 =	vld [tilespmem:$0xA0]  }
0xff: {  	v57 =	vld [tilespmem:$0xB0]  }
0x100: {  	v58 =	vld [tilespmem:$0xC0]  }
0x101: {  	v59 =	vld [tilespmem:$0xF0];
	[tilespmem:$0x400] =	vst v2  }
0x102: {  	v2 =	vld [tilespmem:$0xD0];
	[tilespmem:$0x410] =	vst v3  }
0x103: {  	v3 =	vld [tilespmem:$0xE0];
	[tilespmem:$0x420] =	vst v56  }
0x104: {  	[tilespmem:$0x430] =	vst v57  }
0x105: {  	[tilespmem:$0x440] =	vst v58  }
0x106: {  	[tilespmem:$0x470] =	vst v59  }
0x107: {  	[tilespmem:$0x450] =	vst v2  }
0x108: {  	[tilespmem:$0x460] =	vst v3  }
0x109: {  	[spmem:s2] =	stream.indirect.scatter.add.f32 [tilespmem:s24], [sflag:$0x5], $0x1, s23, s22, $0xb8;
	[tilespmem:$0xA00] =	vst v63  }
0x10a: {  	_ =	swait.ge [sflag:s17], $0x80  }
0x10b: {  	[sflag:s17] =	ssyncset.done $0x0  }
0x10c: {  	[sflag:s17] =	ssyncadd.s32 $0xFFFFFF80  }
0x10d: {  	_ =	swait.ge [sflag:s25], $0x100  }
0x10e: {  	[sflag:s25] =	ssyncset.done $0x0  }
0x10f: {  	[sflag:s25] =	ssyncadd.s32 $0xFFFFFF00  }
0x110: {  	v2 =	vld [tilespmem:$0x180]  }
0x111: {  	v3 =	vld [tilespmem:$0x190]  }
0x112: {  	v60 =	vld [tilespmem:$0x1A0]  }
0x113: {  	v61 =	vld [tilespmem:$0x1B0]  }
0x114: {  	v62 =	vld [tilespmem:$0x1C0]  }
0x115: {  	v63 =	vld [tilespmem:$0x1F0];
	[tilespmem:$0x400] =	vst v2  }
0x116: {  	v2 =	vld [tilespmem:$0x1D0];
	[tilespmem:$0x410] =	vst v3  }
0x117: {  	v3 =	vld [tilespmem:$0x1E0];
	[tilespmem:$0x420] =	vst v60  }
0x118: {  	[tilespmem:$0x430] =	vst v61  }
0x119: {  	[tilespmem:$0x440] =	vst v62  }
0x11a: {  	[tilespmem:$0x470] =	vst v63  }
0x11b: {  	[tilespmem:$0x450] =	vst v2  }
0x11c: {  	[tilespmem:$0x460] =	vst v3  }
0x11d: {  	[spmem:s2] =	stream.indirect.scatter.add.f32 [tilespmem:s24], [sflag:$0x5], $0x1, s23, s22, $0xb8;
	[tilespmem:$0xA00] =	vst v63  }
0x11e: {  	_ =	swait.ge [sflag:s17], $0x80  }
0x11f: {  	[sflag:s17] =	ssyncset.done $0x0  }
0x120: {  	s0 =	simm.s32 @!p0 $0x3;
	[sflag:s17] =	ssyncadd.s32 $0xFFFFFF80  }
0x121: {  	_ =	swait.ge @!p0 [sflag:s0], $0x100  }
0x122: {  	[sflag:s0] =	ssyncset.done @!p0 $0x0  }
0x123: {  	[sflag:s0] =	ssyncadd.s32 @!p0 $0xFFFFFF00  }
0x124: {  	v2 =	vld @!p0 [tilespmem:$0x280]  }
0x125: {  	v3 =	vld @!p0 [tilespmem:$0x290]  }
0x126: {  	v4 =	vld @!p0 [tilespmem:$0x2A0]  }
0x127: {  	v5 =	vld @!p0 [tilespmem:$0x2B0]  }
0x128: {  	v6 =	vld @!p0 [tilespmem:$0x2C0]  }
0x129: {  	[tilespmem:$0x400] =	vst @!p0 v2;
	v2 =	vld @!p0 [tilespmem:$0x2D0]  }
0x12a: {  	[tilespmem:$0x410] =	vst @!p0 v3;
	v3 =	vld @!p0 [tilespmem:$0x2E0]  }
0x12b: {  	[tilespmem:$0x420] =	vst @!p0 v4;
	v4 =	vld @!p0 [tilespmem:$0x2F0]  }
0x12c: {  	[tilespmem:$0x430] =	vst @!p0 v5  }
0x12d: {  	[tilespmem:$0x440] =	vst @!p0 v6  }
0x12e: {  	[tilespmem:$0x450] =	vst @!p0 v2  }
0x12f: {  	[tilespmem:$0x460] =	vst @!p0 v3  }
0x130: {  	s1 =	simm.s32 @!p0 $0x400;
	s7 =	simm.s32 @!p0 $0x480;
	s0 =	simm.s32 @!p0 $0x80;
	[tilespmem:$0x470] =	vst @!p0 v4  }
0x131: {  	[spmem:s2] =	stream.indirect.scatter.add.f32 @!p0 [tilespmem:s7], [sflag:$0x5], $0x1, s1, s0, $0xb8;
	[tilespmem:$0xA00] =	vst v63  }
0x132: {  	s19 =	stileid.u32;
	s0 =	simm.s32 @!p0 $0x5  }
0x133: {  	s20 =	sshrl.u32 s5, $0x3;
	s29 =	simm.s32 $0x20;
	_ =	swait.ge @!p0 [sflag:s0], $0x80  }
0x134: {  	s30 =	simm.s32 $0x10;
	s31 =	sadd.s32 $0x1, s31;
	[sflag:s0] =	ssyncset.done @!p0 $0x0  }
0x135: {  	p1 =	sne.s32 s31, s11;
	[sflag:s0] =	ssyncadd.s32 @!p0 $0xFFFFFF80;
	s0 =	sshll.u32 s19, $0x6  }
.Ltmp1:
0x136: {  	[bflag:$0x0] =	sbarrier.arrive $0xFFFF;
	s0 =	sor.u32 $0x1C05, s0;
	(pc) =	sbr.rel @p1 .LBB2_1-.Ltmp1, $4  }
0x137: {  	[hbm:s10@s29], [sflag:s0] =	dma.strided [spmem:s20@s30], $0x50, s21, $0x10   }
0x138: {  	_ =	swait.ge [sflag:s17], $0x50  }
0x139: {  	[sflag:s17] =	ssyncset.done $0x0  }
0x13a: {  	[sflag:s17] =	ssyncadd.s32 $0xFFFFFFB0  }
0x13b: {  	_ =	sfence.sel $0x180000  }
0x13c: {  	[bflag:$0x0] =	sbarrier.arrive $0xFFFF  }
0x13d: {  	_ =	strace $0x90000047  }
0x13e: {  	s0 =	stileid.u32;
	[bflag:$0x2] =	sbarrier.arrive $0xFFFF  }
0x13f: {  	p0 =	sne.s32 s0, $0x0;
	s0 =	rddreg [dreg:$0x3]  }
0x140: {  	s0 =	sadd.s32 @!p0 $0x100000, s0  }
0x141: {  	[sflag:s0] =	ssyncadd.tile.s32 @!p0 $0x1;
	_ =	shalt  }
.Lfunc_end2:
_tile_overlayer_lowered:
.L_overlay_start_2:
0x142: {  	(tag) =	ssettag $0x2  }
0x143: {  	s0 =	rddreg [dreg:$0x0];
	s2 =	stileid.u32  }
0x144: {  	s1 =	rddreg [dreg:$0x1];
	p0 =	sne.s32 s2, $0x0  }
0x145: {  	s3 =	rddreg [dreg:$0x2];
	[bflag:$0x3] =	sbarrier.arrive $0xFFFF;
	s2 =	simm.s32 @!p0 $0x1C05  }
0x146: {  	[timem:s3], [sflag:s2] =	dma.local @!p0 [hbm:s0], s1  }
0x147: {  	s0 =	simm.s32 @!p0 $0x5  }
0x148: {  	_ =	swait.ge @!p0 [sflag:s0], s1  }
0x149: {  	s1 =	ssub.s32 @!p0 $0x0, s1;
	[sflag:s0] =	ssyncset.done @!p0 $0x0  }
0x14a: {  	[sflag:s0] =	ssyncadd.s32 @!p0 s1  }
0x14b: {  	[bflag:$0x3] =	sbarrier.arrive $0xFFFF  }
0x14c: {  	_ =	shalt  }

</sc_bundles>
